<compile_context>
chip_gen: v7x
topology: tpu7x:2x2x1
jax: 0.10.2.dev20260603
libtpu: 0.0.44.dev20260713+nightly
codegen_flags: <defaults>
</compile_context>

<pallas_src>
import functools

import jax
import jax.numpy as jnp
from jax import lax
from jax.experimental import pallas as pl
from jax.experimental.pallas import tpu as pltpu
from jax.experimental.pallas import tpu_sc as plsc


def _build_gather(batch, seq, d):
    assert seq == 50 and d == 1024
    ng = 7
    npb = ng * 64
    info = plsc.get_sparse_core_info()
    nc, ns = info.num_cores, info.num_subcores
    nw = nc * ns
    per_w = batch // nw
    assert per_w % 2 == 0

    mesh = plsc.VectorSubcoreMesh(core_axis_name="c", subcore_axis_name="s")

    @functools.partial(
        pl.kernel,
        mesh=mesh,
        out_type=jax.ShapeDtypeStruct((batch, seq, d), jnp.float32),
        scratch_types=[
            pltpu.VMEM((npb,), jnp.int32),
            pltpu.VMEM((npb,), jnp.int32),
            pltpu.VMEM((56, d), jnp.float32),
            pltpu.VMEM((56, d), jnp.float32),
            pltpu.SemaphoreType.DMA,
            pltpu.SemaphoreType.DMA,
            pltpu.SemaphoreType.DMA,
            pltpu.SemaphoreType.DMA,
            pltpu.SemaphoreType.DMA,
            pltpu.SemaphoreType.DMA,
        ],
        compiler_params=pltpu.CompilerParams(use_tc_tiling_on_sc=True),
    )
    def gather_kernel(idx2_hbm, table_hbm, out_hbm, idx_a, idx_b, buf_a,
                      buf_b, isem_a, isem_b, gsem_a, gsem_b, osem_a, osem_b):
        wid = lax.axis_index("s") * nc + lax.axis_index("c")
        b0 = wid * per_w

        bufs = ((idx_a, buf_a, isem_a, gsem_a, osem_a),
                (idx_b, buf_b, isem_b, gsem_b, osem_b))

        def idx_src(i):
            return idx2_hbm.at[pl.ds((b0 + i) * npb, npb)]

        def start_idx(i, idxv, isem):
            pltpu.async_copy(idx_src(i), idxv, isem)

        def wait_idx(i, idxv, isem):
            pltpu.make_async_copy(idx_src(i), idxv, isem).wait()

        def gathers(idxv, buf, gsem):
            for t in range(ng):
                for c in range(8):
                    src = table_hbm.at[idxv.at[pl.ds(t * 64 + 8 * c, 8)]]
                    dst = buf.at[pl.ds(8 * t, 8), pl.ds(128 * c, 128)]
                    pltpu.async_copy(src, dst, gsem)

        def drain_gathers(buf, gsem):
            for t in range(ng):
                pltpu.make_async_copy(out_hbm.at[b0, pl.ds(0, 8)],
                                      buf.at[pl.ds(0, 8)], gsem).wait()

        def start_writes(i, buf, osem):
            b = b0 + i
            for t in range(6):
                pltpu.async_copy(buf.at[pl.ds(8 * t, 8)],
                                 out_hbm.at[b, pl.ds(8 * t, 8)], osem)
            pltpu.async_copy(buf.at[pl.ds(48, 2)],
                             out_hbm.at[b, pl.ds(48, 2)], osem)

        def wait_writes(buf, osem):
            for t in range(6):
                pltpu.make_async_copy(buf.at[pl.ds(0, 8)],
                                      out_hbm.at[b0, pl.ds(0, 8)],
                                      osem).wait()
            pltpu.make_async_copy(buf.at[pl.ds(48, 2)],
                                  out_hbm.at[b0, pl.ds(48, 2)], osem).wait()

        for b2, (idxv, buf, isem, gsem, osem) in enumerate(bufs):
            start_idx(b2, idxv, isem)
        for b2, (idxv, buf, isem, gsem, osem) in enumerate(bufs):
            wait_idx(b2, idxv, isem)
            gathers(idxv, buf, gsem)
            drain_gathers(buf, gsem)
            start_writes(b2, buf, osem)
            start_idx(b2 + 2, idxv, isem)

        def body(p, carry):
            for b2, (idxv, buf, isem, gsem, osem) in enumerate(bufs):
                i = 2 * p + b2
                wait_writes(buf, osem)
                wait_idx(i, idxv, isem)
                gathers(idxv, buf, gsem)
                drain_gathers(buf, gsem)
                start_writes(i, buf, osem)
                start_idx(i + 2, idxv, isem)
            return carry

        lax.fori_loop(1, per_w // 2, body, 0)

        for b2, (idxv, buf, isem, gsem, osem) in enumerate(bufs):
            wait_writes(buf, osem)
            wait_idx(0, idxv, isem)

    return gather_kernel


def kernel(indices, bank_embedding_weight):
    b, s = indices.shape
    v, d = bank_embedding_weight.shape
    idx32 = indices.astype(jnp.int32)
    idx_pad = jnp.pad(idx32, ((0, 0), (0, 56 - s)))
    grouped = idx_pad.reshape(b, 7, 8)
    idx2 = grouped[:, :, None, :] * 8 + jnp.arange(8)[None, None, :, None]
    idx2_flat = jnp.pad(idx2.reshape(b * 7 * 64), (0, 2 * 7 * 64))
    table_v = bank_embedding_weight.reshape(v * 8, d // 8)
    return _build_gather(b, s, d)(idx2_flat, table_v)

# --- scband reference (transcript-rebuilt; emitter-appended) ---
"""Pipeline reference for scband-bank-embedding-10307921510873 (READ-ONLY COPY).

The authoritative reference and input builder live on the scoring server;
editing this copy changes nothing except your own understanding.
"""

import jax, jax.numpy as jnp
import numpy as np

TOTAL_BANK_TOKENS = 1000
D_MODEL = 1024
BATCH = 4096
SEQ = 50


def setup_inputs(seed: int = 0) -> dict:
    key = jax.random.key(seed)
    k_idx, k_w = jax.random.split(key)
    indices = jax.random.randint(k_idx, (BATCH, SEQ), 0, TOTAL_BANK_TOKENS, dtype=jnp.int64 if jax.config.jax_enable_x64 else jnp.int32)
    bank_embedding_weight = jax.random.normal(k_w, (TOTAL_BANK_TOKENS, D_MODEL), dtype=jnp.float32)
    return {"indices": indices, "bank_embedding_weight": bank_embedding_weight}


def reference(indices, bank_embedding_weight):
    # BankEmbedding.forward: prompt_embeddings = self.bank_embedding(indices)
    prompt_embeddings = jnp.take(bank_embedding_weight, indices, axis=0)
    return prompt_embeddings


if False:  # reference __main__ guard neutralized (emitter)
    inp = setup_inputs()
    out = reference(**inp)
    print(out.shape, out.dtype)

if __name__ == "__main__":
    import jax
    _d = setup_inputs()
    print(jax.jit(kernel)(*tuple(_d.values())))

</pallas_src>

<mosaic_0001>
#map = affine_map<(d0, d1) -> (0)>
#map1 = affine_map<(d0, d1) -> (0, 0)>
#map2 = affine_map<(d0, d1) -> (0, 0, 0)>
module attributes {stable_mosaic.version = 14 : i64} {
  func.func @gather_kernel(%arg0: i32, %arg1: i32, %arg2: memref<1835904xi32, #tpu.memory_space<hbm>>, %arg3: memref<8000x128xf32, #tpu.memory_space<hbm>>, %arg4: memref<4096x50x1024xf32, #tpu.memory_space<hbm>>, %arg5: memref<448xi32, #tpu.memory_space<vmem>>, %arg6: memref<448xi32, #tpu.memory_space<vmem>>, %arg7: memref<56x1024xf32, #tpu.memory_space<vmem>>, %arg8: memref<56x1024xf32, #tpu.memory_space<vmem>>, %arg9: memref<!tpu.dma_semaphore, #tpu.memory_space<semaphore_mem>>, %arg10: memref<!tpu.dma_semaphore, #tpu.memory_space<semaphore_mem>>, %arg11: memref<!tpu.dma_semaphore, #tpu.memory_space<semaphore_mem>>, %arg12: memref<!tpu.dma_semaphore, #tpu.memory_space<semaphore_mem>>, %arg13: memref<!tpu.dma_semaphore, #tpu.memory_space<semaphore_mem>>, %arg14: memref<!tpu.dma_semaphore, #tpu.memory_space<semaphore_mem>>) attributes {dimension_semantics = [#tpu.dimension_semantics<core_parallel>, #tpu.dimension_semantics<subcore_parallel>], iteration_bounds = array<i64: 2, 16>, scalar_prefetch = 0 : i64, scratch_operands = 10 : i64, tpu.core_type = #tpu.core_type<sc_vector_subcore>, window_params = [{transform_indices = #map}, {transform_indices = #map1}, {transform_indices = #map2}]} {
    %mul3A = arith.constant 2 : i32
    %mul3A_0 = arith.muli %arg1, %mul3A : i32
    %add3A = arith.addi %mul3A_0, %arg0 : i32
    %mul3A_1 = arith.constant 128 : i32
    %mul3A_2 = arith.muli %add3A, %mul3A_1 : i32
    %add3A_3 = arith.constant 0 : i32
    %add3A_4 = arith.addi %mul3A_2, %add3A_3 : i32
    %mul3A_5 = arith.constant 448 : i32
    %mul3A_6 = arith.muli %add3A_4, %mul3A_5 : i32
    %dma_start3A = tpu.memref_slice %arg2[%mul3A_6] : memref<1835904xi32, #tpu.memory_space<hbm>> -> memref<448xi32, #tpu.memory_space<hbm>>
    %dma_start3A_7 = tpu.memref_slice %arg2[%mul3A_6] : memref<1835904xi32, #tpu.memory_space<hbm>> -> memref<448xi32, #tpu.memory_space<hbm>>
    tpu.enqueue_dma source(%dma_start3A_7 : memref<448xi32, #tpu.memory_space<hbm>>) target(%arg5 : memref<448xi32, #tpu.memory_space<vmem>>) target_semaphore(%arg9 : memref<!tpu.dma_semaphore, #tpu.memory_space<semaphore_mem>>)
    %add3A_8 = arith.constant 1 : i32
    %add3A_9 = arith.addi %mul3A_2, %add3A_8 : i32
    %mul3A_10 = arith.constant 448 : i32
    %mul3A_11 = arith.muli %add3A_9, %mul3A_10 : i32
    %dma_start3A_12 = tpu.memref_slice %arg2[%mul3A_11] : memref<1835904xi32, #tpu.memory_space<hbm>> -> memref<448xi32, #tpu.memory_space<hbm>>
    %dma_start3A_13 = tpu.memref_slice %arg2[%mul3A_11] : memref<1835904xi32, #tpu.memory_space<hbm>> -> memref<448xi32, #tpu.memory_space<hbm>>
    tpu.enqueue_dma source(%dma_start3A_13 : memref<448xi32, #tpu.memory_space<hbm>>) target(%arg6 : memref<448xi32, #tpu.memory_space<vmem>>) target_semaphore(%arg10 : memref<!tpu.dma_semaphore, #tpu.memory_space<semaphore_mem>>)
    %add3A_14 = arith.constant 0 : i32
    %add3A_15 = arith.addi %mul3A_2, %add3A_14 : i32
    %mul3A_16 = arith.constant 448 : i32
    %mul3A_17 = arith.muli %add3A_15, %mul3A_16 : i32
    %dma_wait3A = tpu.memref_slice %arg2[%mul3A_17] : memref<1835904xi32, #tpu.memory_space<hbm>> -> memref<448xi32, #tpu.memory_space<hbm>>
    %dma_wait3A_18 = tpu.memref_slice %arg2[%mul3A_17] : memref<1835904xi32, #tpu.memory_space<hbm>> -> memref<448xi32, #tpu.memory_space<hbm>>
    tpu.wait_dma2 semaphore(%arg9 : memref<!tpu.dma_semaphore, #tpu.memory_space<semaphore_mem>>) src(%dma_wait3A_18 : memref<448xi32, #tpu.memory_space<hbm>>) dst(%arg5 : memref<448xi32, #tpu.memory_space<vmem>>)
    %dma_start3A_19 = arith.constant 0 : i32
    %dma_start3A_20 = arith.constant 0 : i32
    %dma_start3A_21 = tpu.memref_slice %arg7[%dma_start3A_19, %dma_start3A_20] : memref<56x1024xf32, #tpu.memory_space<vmem>> -> memref<8x128xf32, #tpu.memory_space<vmem>>
    %dma_start3A_22 = arith.constant 0 : i32
    %dma_start3A_23 = tpu.memref_slice %arg5[%dma_start3A_22] : memref<448xi32, #tpu.memory_space<vmem>> -> memref<8xi32, #tpu.memory_space<vmem>>
    %dma_start3A_24 = arith.constant 0 : i32
    %dma_start3A_25 = arith.constant 0 : i32
    %dma_start3A_26 = tpu.memref_slice %arg3[%dma_start3A_24, %dma_start3A_25] : memref<8000x128xf32, #tpu.memory_space<hbm>> -> memref<8000x128xf32, #tpu.memory_space<hbm>>
    tpu.enqueue_indirect_dma source(%dma_start3A_26 : memref<8000x128xf32, #tpu.memory_space<hbm>>) target(%dma_start3A_21 : memref<8x128xf32, #tpu.memory_space<vmem>>) offsets(%dma_start3A_23 : memref<8xi32, #tpu.memory_space<vmem>>) semaphore(%arg11 : memref<!tpu.dma_semaphore, #tpu.memory_space<semaphore_mem>>)
    %dma_start3A_27 = arith.constant 0 : i32
    %dma_start3A_28 = arith.constant 128 : i32
    %dma_start3A_29 = tpu.memref_slice %arg7[%dma_start3A_27, %dma_start3A_28] : memref<56x1024xf32, #tpu.memory_space<vmem>> -> memref<8x128xf32, #tpu.memory_space<vmem>>
    %dma_start3A_30 = arith.constant 8 : i32
    %dma_start3A_31 = tpu.memref_slice %arg5[%dma_start3A_30] : memref<448xi32, #tpu.memory_space<vmem>> -> memref<8xi32, #tpu.memory_space<vmem>>
    %dma_start3A_32 = arith.constant 0 : i32
    %dma_start3A_33 = arith.constant 0 : i32
    %dma_start3A_34 = tpu.memref_slice %arg3[%dma_start3A_32, %dma_start3A_33] : memref<8000x128xf32, #tpu.memory_space<hbm>> -> memref<8000x128xf32, #tpu.memory_space<hbm>>
    tpu.enqueue_indirect_dma source(%dma_start3A_34 : memref<8000x128xf32, #tpu.memory_space<hbm>>) target(%dma_start3A_29 : memref<8x128xf32, #tpu.memory_space<vmem>>) offsets(%dma_start3A_31 : memref<8xi32, #tpu.memory_space<vmem>>) semaphore(%arg11 : memref<!tpu.dma_semaphore, #tpu.memory_space<semaphore_mem>>)
    %dma_start3A_35 = arith.constant 0 : i32
    %dma_start3A_36 = arith.constant 256 : i32
    %dma_start3A_37 = tpu.memref_slice %arg7[%dma_start3A_35, %dma_start3A_36] : memref<56x1024xf32, #tpu.memory_space<vmem>> -> memref<8x128xf32, #tpu.memory_space<vmem>>
    %dma_start3A_38 = arith.constant 16 : i32
    %dma_start3A_39 = tpu.memref_slice %arg5[%dma_start3A_38] : memref<448xi32, #tpu.memory_space<vmem>> -> memref<8xi32, #tpu.memory_space<vmem>>
    %dma_start3A_40 = arith.constant 0 : i32
    %dma_start3A_41 = arith.constant 0 : i32
    %dma_start3A_42 = tpu.memref_slice %arg3[%dma_start3A_40, %dma_start3A_41] : memref<8000x128xf32, #tpu.memory_space<hbm>> -> memref<8000x128xf32, #tpu.memory_space<hbm>>
    tpu.enqueue_indirect_dma source(%dma_start3A_42 : memref<8000x128xf32, #tpu.memory_space<hbm>>) target(%dma_start3A_37 : memref<8x128xf32, #tpu.memory_space<vmem>>) offsets(%dma_start3A_39 : memref<8xi32, #tpu.memory_space<vmem>>) semaphore(%arg11 : memref<!tpu.dma_semaphore, #tpu.memory_space<semaphore_mem>>)
    %dma_start3A_43 = arith.constant 0 : i32
    %dma_start3A_44 = arith.constant 384 : i32
    %dma_start3A_45 = tpu.memref_slice %arg7[%dma_start3A_43, %dma_start3A_44] : memref<56x1024xf32, #tpu.memory_space<vmem>> -> memref<8x128xf32, #tpu.memory_space<vmem>>
    %dma_start3A_46 = arith.constant 24 : i32
    %dma_start3A_47 = tpu.memref_slice %arg5[%dma_start3A_46] : memref<448xi32, #tpu.memory_space<vmem>> -> memref<8xi32, #tpu.memory_space<vmem>>
    %dma_start3A_48 = arith.constant 0 : i32
    %dma_start3A_49 = arith.constant 0 : i32
    %dma_start3A_50 = tpu.memref_slice %arg3[%dma_start3A_48, %dma_start3A_49] : memref<8000x128xf32, #tpu.memory_space<hbm>> -> memref<8000x128xf32, #tpu.memory_space<hbm>>
    tpu.enqueue_indirect_dma source(%dma_start3A_50 : memref<8000x128xf32, #tpu.memory_space<hbm>>) target(%dma_start3A_45 : memref<8x128xf32, #tpu.memory_space<vmem>>) offsets(%dma_start3A_47 : memref<8xi32, #tpu.memory_space<vmem>>) semaphore(%arg11 : memref<!tpu.dma_semaphore, #tpu.memory_space<semaphore_mem>>)
    %dma_start3A_51 = arith.constant 0 : i32
    %dma_start3A_52 = arith.constant 512 : i32
    %dma_start3A_53 = tpu.memref_slice %arg7[%dma_start3A_51, %dma_start3A_52] : memref<56x1024xf32, #tpu.memory_space<vmem>> -> memref<8x128xf32, #tpu.memory_space<vmem>>
    %dma_start3A_54 = arith.constant 32 : i32
    %dma_start3A_55 = tpu.memref_slice %arg5[%dma_start3A_54] : memref<448xi32, #tpu.memory_space<vmem>> -> memref<8xi32, #tpu.memory_space<vmem>>
    %dma_start3A_56 = arith.constant 0 : i32
    %dma_start3A_57 = arith.constant 0 : i32
    %dma_start3A_58 = tpu.memref_slice %arg3[%dma_start3A_56, %dma_start3A_57] : memref<8000x128xf32, #tpu.memory_space<hbm>> -> memref<8000x128xf32, #tpu.memory_space<hbm>>
    tpu.enqueue_indirect_dma source(%dma_start3A_58 : memref<8000x128xf32, #tpu.memory_space<hbm>>) target(%dma_start3A_53 : memref<8x128xf32, #tpu.memory_space<vmem>>) offsets(%dma_start3A_55 : memref<8xi32, #tpu.memory_space<vmem>>) semaphore(%arg11 : memref<!tpu.dma_semaphore, #tpu.memory_space<semaphore_mem>>)
    %dma_start3A_59 = arith.constant 0 : i32
    %dma_start3A_60 = arith.constant 640 : i32
    %dma_start3A_61 = tpu.memref_slice %arg7[%dma_start3A_59, %dma_start3A_60] : memref<56x1024xf32, #tpu.memory_space<vmem>> -> memref<8x128xf32, #tpu.memory_space<vmem>>
    %dma_start3A_62 = arith.constant 40 : i32
    %dma_start3A_63 = tpu.memref_slice %arg5[%dma_start3A_62] : memref<448xi32, #tpu.memory_space<vmem>> -> memref<8xi32, #tpu.memory_space<vmem>>
    %dma_start3A_64 = arith.constant 0 : i32
    %dma_start3A_65 = arith.constant 0 : i32
    %dma_start3A_66 = tpu.memref_slice %arg3[%dma_start3A_64, %dma_start3A_65] : memref<8000x128xf32, #tpu.memory_space<hbm>> -> memref<8000x128xf32, #tpu.memory_space<hbm>>
    tpu.enqueue_indirect_dma source(%dma_start3A_66 : memref<8000x128xf32, #tpu.memory_space<hbm>>) target(%dma_start3A_61 : memref<8x128xf32, #tpu.memory_space<vmem>>) offsets(%dma_start3A_63 : memref<8xi32, #tpu.memory_space<vmem>>) semaphore(%arg11 : memref<!tpu.dma_semaphore, #tpu.memory_space<semaphore_mem>>)
    %dma_start3A_67 = arith.constant 0 : i32
    %dma_start3A_68 = arith.constant 768 : i32
    %dma_start3A_69 = tpu.memref_slice %arg7[%dma_start3A_67, %dma_start3A_68] : memref<56x1024xf32, #tpu.memory_space<vmem>> -> memref<8x128xf32, #tpu.memory_space<vmem>>
    %dma_start3A_70 = arith.constant 48 : i32
    %dma_start3A_71 = tpu.memref_slice %arg5[%dma_start3A_70] : memref<448xi32, #tpu.memory_space<vmem>> -> memref<8xi32, #tpu.memory_space<vmem>>
    %dma_start3A_72 = arith.constant 0 : i32
    %dma_start3A_73 = arith.constant 0 : i32
    %dma_start3A_74 = tpu.memref_slice %arg3[%dma_start3A_72, %dma_start3A_73] : memref<8000x128xf32, #tpu.memory_space<hbm>> -> memref<8000x128xf32, #tpu.memory_space<hbm>>
    tpu.enqueue_indirect_dma source(%dma_start3A_74 : memref<8000x128xf32, #tpu.memory_space<hbm>>) target(%dma_start3A_69 : memref<8x128xf32, #tpu.memory_space<vmem>>) offsets(%dma_start3A_71 : memref<8xi32, #tpu.memory_space<vmem>>) semaphore(%arg11 : memref<!tpu.dma_semaphore, #tpu.memory_space<semaphore_mem>>)
    %dma_start3A_75 = arith.constant 0 : i32
    %dma_start3A_76 = arith.constant 896 : i32
    %dma_start3A_77 = tpu.memref_slice %arg7[%dma_start3A_75, %dma_start3A_76] : memref<56x1024xf32, #tpu.memory_space<vmem>> -> memref<8x128xf32, #tpu.memory_space<vmem>>
    %dma_start3A_78 = arith.constant 56 : i32
    %dma_start3A_79 = tpu.memref_slice %arg5[%dma_start3A_78] : memref<448xi32, #tpu.memory_space<vmem>> -> memref<8xi32, #tpu.memory_space<vmem>>
    %dma_start3A_80 = arith.constant 0 : i32
    %dma_start3A_81 = arith.constant 0 : i32
    %dma_start3A_82 = tpu.memref_slice %arg3[%dma_start3A_80, %dma_start3A_81] : memref<8000x128xf32, #tpu.memory_space<hbm>> -> memref<8000x128xf32, #tpu.memory_space<hbm>>
    tpu.enqueue_indirect_dma source(%dma_start3A_82 : memref<8000x128xf32, #tpu.memory_space<hbm>>) target(%dma_start3A_77 : memref<8x128xf32, #tpu.memory_space<vmem>>) offsets(%dma_start3A_79 : memref<8xi32, #tpu.memory_space<vmem>>) semaphore(%arg11 : memref<!tpu.dma_semaphore, #tpu.memory_space<semaphore_mem>>)
    %dma_start3A_83 = arith.constant 8 : i32
    %dma_start3A_84 = arith.constant 0 : i32
    %dma_start3A_85 = tpu.memref_slice %arg7[%dma_start3A_83, %dma_start3A_84] : memref<56x1024xf32, #tpu.memory_space<vmem>> -> memref<8x128xf32, #tpu.memory_space<vmem>>
    %dma_start3A_86 = arith.constant 64 : i32
    %dma_start3A_87 = tpu.memref_slice %arg5[%dma_start3A_86] : memref<448xi32, #tpu.memory_space<vmem>> -> memref<8xi32, #tpu.memory_space<vmem>>
    %dma_start3A_88 = arith.constant 0 : i32
    %dma_start3A_89 = arith.constant 0 : i32
    %dma_start3A_90 = tpu.memref_slice %arg3[%dma_start3A_88, %dma_start3A_89] : memref<8000x128xf32, #tpu.memory_space<hbm>> -> memref<8000x128xf32, #tpu.memory_space<hbm>>
    tpu.enqueue_indirect_dma source(%dma_start3A_90 : memref<8000x128xf32, #tpu.memory_space<hbm>>) target(%dma_start3A_85 : memref<8x128xf32, #tpu.memory_space<vmem>>) offsets(%dma_start3A_87 : memref<8xi32, #tpu.memory_space<vmem>>) semaphore(%arg11 : memref<!tpu.dma_semaphore, #tpu.memory_space<semaphore_mem>>)
    %dma_start3A_91 = arith.constant 8 : i32
    %dma_start3A_92 = arith.constant 128 : i32
    %dma_start3A_93 = tpu.memref_slice %arg7[%dma_start3A_91, %dma_start3A_92] : memref<56x1024xf32, #tpu.memory_space<vmem>> -> memref<8x128xf32, #tpu.memory_space<vmem>>
    %dma_start3A_94 = arith.constant 72 : i32
    %dma_start3A_95 = tpu.memref_slice %arg5[%dma_start3A_94] : memref<448xi32, #tpu.memory_space<vmem>> -> memref<8xi32, #tpu.memory_space<vmem>>
    %dma_start3A_96 = arith.constant 0 : i32
    %dma_start3A_97 = arith.constant 0 : i32
    %dma_start3A_98 = tpu.memref_slice %arg3[%dma_start3A_96, %dma_start3A_97] : memref<8000x128xf32, #tpu.memory_space<hbm>> -> memref<8000x128xf32, #tpu.memory_space<hbm>>
    tpu.enqueue_indirect_dma source(%dma_start3A_98 : memref<8000x128xf32, #tpu.memory_space<hbm>>) target(%dma_start3A_93 : memref<8x128xf32, #tpu.memory_space<vmem>>) offsets(%dma_start3A_95 : memref<8xi32, #tpu.memory_space<vmem>>) semaphore(%arg11 : memref<!tpu.dma_semaphore, #tpu.memory_space<semaphore_mem>>)
    %dma_start3A_99 = arith.constant 8 : i32
    %dma_start3A_100 = arith.constant 256 : i32
    %dma_start3A_101 = tpu.memref_slice %arg7[%dma_start3A_99, %dma_start3A_100] : memref<56x1024xf32, #tpu.memory_space<vmem>> -> memref<8x128xf32, #tpu.memory_space<vmem>>
    %dma_start3A_102 = arith.constant 80 : i32
    %dma_start3A_103 = tpu.memref_slice %arg5[%dma_start3A_102] : memref<448xi32, #tpu.memory_space<vmem>> -> memref<8xi32, #tpu.memory_space<vmem>>
    %dma_start3A_104 = arith.constant 0 : i32
    %dma_start3A_105 = arith.constant 0 : i32
    %dma_start3A_106 = tpu.memref_slice %arg3[%dma_start3A_104, %dma_start3A_105] : memref<8000x128xf32, #tpu.memory_space<hbm>> -> memref<8000x128xf32, #tpu.memory_space<hbm>>
    tpu.enqueue_indirect_dma source(%dma_start3A_106 : memref<8000x128xf32, #tpu.memory_space<hbm>>) target(%dma_start3A_101 : memref<8x128xf32, #tpu.memory_space<vmem>>) offsets(%dma_start3A_103 : memref<8xi32, #tpu.memory_space<vmem>>) semaphore(%arg11 : memref<!tpu.dma_semaphore, #tpu.memory_space<semaphore_mem>>)
    %dma_start3A_107 = arith.constant 8 : i32
    %dma_start3A_108 = arith.constant 384 : i32
    %dma_start3A_109 = tpu.memref_slice %arg7[%dma_start3A_107, %dma_start3A_108] : memref<56x1024xf32, #tpu.memory_space<vmem>> -> memref<8x128xf32, #tpu.memory_space<vmem>>
    %dma_start3A_110 = arith.constant 88 : i32
    %dma_start3A_111 = tpu.memref_slice %arg5[%dma_start3A_110] : memref<448xi32, #tpu.memory_space<vmem>> -> memref<8xi32, #tpu.memory_space<vmem>>
    %dma_start3A_112 = arith.constant 0 : i32
    %dma_start3A_113 = arith.constant 0 : i32
    %dma_start3A_114 = tpu.memref_slice %arg3[%dma_start3A_112, %dma_start3A_113] : memref<8000x128xf32, #tpu.memory_space<hbm>> -> memref<8000x128xf32, #tpu.memory_space<hbm>>
    tpu.enqueue_indirect_dma source(%dma_start3A_114 : memref<8000x128xf32, #tpu.memory_space<hbm>>) target(%dma_start3A_109 : memref<8x128xf32, #tpu.memory_space<vmem>>) offsets(%dma_start3A_111 : memref<8xi32, #tpu.memory_space<vmem>>) semaphore(%arg11 : memref<!tpu.dma_semaphore, #tpu.memory_space<semaphore_mem>>)
    %dma_start3A_115 = arith.constant 8 : i32
    %dma_start3A_116 = arith.constant 512 : i32
    %dma_start3A_117 = tpu.memref_slice %arg7[%dma_start3A_115, %dma_start3A_116] : memref<56x1024xf32, #tpu.memory_space<vmem>> -> memref<8x128xf32, #tpu.memory_space<vmem>>
    %dma_start3A_118 = arith.constant 96 : i32
    %dma_start3A_119 = tpu.memref_slice %arg5[%dma_start3A_118] : memref<448xi32, #tpu.memory_space<vmem>> -> memref<8xi32, #tpu.memory_space<vmem>>
    %dma_start3A_120 = arith.constant 0 : i32
    %dma_start3A_121 = arith.constant 0 : i32
    %dma_start3A_122 = tpu.memref_slice %arg3[%dma_start3A_120, %dma_start3A_121] : memref<8000x128xf32, #tpu.memory_space<hbm>> -> memref<8000x128xf32, #tpu.memory_space<hbm>>
    tpu.enqueue_indirect_dma source(%dma_start3A_122 : memref<8000x128xf32, #tpu.memory_space<hbm>>) target(%dma_start3A_117 : memref<8x128xf32, #tpu.memory_space<vmem>>) offsets(%dma_start3A_119 : memref<8xi32, #tpu.memory_space<vmem>>) semaphore(%arg11 : memref<!tpu.dma_semaphore, #tpu.memory_space<semaphore_mem>>)
    %dma_start3A_123 = arith.constant 8 : i32
    %dma_start3A_124 = arith.constant 640 : i32
    %dma_start3A_125 = tpu.memref_slice %arg7[%dma_start3A_123, %dma_start3A_124] : memref<56x1024xf32, #tpu.memory_space<vmem>> -> memref<8x128xf32, #tpu.memory_space<vmem>>
    %dma_start3A_126 = arith.constant 104 : i32
    %dma_start3A_127 = tpu.memref_slice %arg5[%dma_start3A_126] : memref<448xi32, #tpu.memory_space<vmem>> -> memref<8xi32, #tpu.memory_space<vmem>>
    %dma_start3A_128 = arith.constant 0 : i32
    %dma_start3A_129 = arith.constant 0 : i32
    %dma_start3A_130 = tpu.memref_slice %arg3[%dma_start3A_128, %dma_start3A_129] : memref<8000x128xf32, #tpu.memory_space<hbm>> -> memref<8000x128xf32, #tpu.memory_space<hbm>>
    tpu.enqueue_indirect_dma source(%dma_start3A_130 : memref<8000x128xf32, #tpu.memory_space<hbm>>) target(%dma_start3A_125 : memref<8x128xf32, #tpu.memory_space<vmem>>) offsets(%dma_start3A_127 : memref<8xi32, #tpu.memory_space<vmem>>) semaphore(%arg11 : memref<!tpu.dma_semaphore, #tpu.memory_space<semaphore_mem>>)
    %dma_start3A_131 = arith.constant 8 : i32
    %dma_start3A_132 = arith.constant 768 : i32
    %dma_start3A_133 = tpu.memref_slice %arg7[%dma_start3A_131, %dma_start3A_132] : memref<56x1024xf32, #tpu.memory_space<vmem>> -> memref<8x128xf32, #tpu.memory_space<vmem>>
    %dma_start3A_134 = arith.constant 112 : i32
    %dma_start3A_135 = tpu.memref_slice %arg5[%dma_start3A_134] : memref<448xi32, #tpu.memory_space<vmem>> -> memref<8xi32, #tpu.memory_space<vmem>>
    %dma_start3A_136 = arith.constant 0 : i32
    %dma_start3A_137 = arith.constant 0 : i32
    %dma_start3A_138 = tpu.memref_slice %arg3[%dma_start3A_136, %dma_start3A_137] : memref<8000x128xf32, #tpu.memory_space<hbm>> -> memref<8000x128xf32, #tpu.memory_space<hbm>>
    tpu.enqueue_indirect_dma source(%dma_start3A_138 : memref<8000x128xf32, #tpu.memory_space<hbm>>) target(%dma_start3A_133 : memref<8x128xf32, #tpu.memory_space<vmem>>) offsets(%dma_start3A_135 : memref<8xi32, #tpu.memory_space<vmem>>) semaphore(%arg11 : memref<!tpu.dma_semaphore, #tpu.memory_space<semaphore_mem>>)
    %dma_start3A_139 = arith.constant 8 : i32
    %dma_start3A_140 = arith.constant 896 : i32
    %dma_start3A_141 = tpu.memref_slice %arg7[%dma_start3A_139, %dma_start3A_140] : memref<56x1024xf32, #tpu.memory_space<vmem>> -> memref<8x128xf32, #tpu.memory_space<vmem>>
    %dma_start3A_142 = arith.constant 120 : i32
    %dma_start3A_143 = tpu.memref_slice %arg5[%dma_start3A_142] : memref<448xi32, #tpu.memory_space<vmem>> -> memref<8xi32, #tpu.memory_space<vmem>>
    %dma_start3A_144 = arith.constant 0 : i32
    %dma_start3A_145 = arith.constant 0 : i32
    %dma_start3A_146 = tpu.memref_slice %arg3[%dma_start3A_144, %dma_start3A_145] : memref<8000x128xf32, #tpu.memory_space<hbm>> -> memref<8000x128xf32, #tpu.memory_space<hbm>>
    tpu.enqueue_indirect_dma source(%dma_start3A_146 : memref<8000x128xf32, #tpu.memory_space<hbm>>) target(%dma_start3A_141 : memref<8x128xf32, #tpu.memory_space<vmem>>) offsets(%dma_start3A_143 : memref<8xi32, #tpu.memory_space<vmem>>) semaphore(%arg11 : memref<!tpu.dma_semaphore, #tpu.memory_space<semaphore_mem>>)
    %dma_start3A_147 = arith.constant 16 : i32
    %dma_start3A_148 = arith.constant 0 : i32
    %dma_start3A_149 = tpu.memref_slice %arg7[%dma_start3A_147, %dma_start3A_148] : memref<56x1024xf32, #tpu.memory_space<vmem>> -> memref<8x128xf32, #tpu.memory_space<vmem>>
    %dma_start3A_150 = arith.constant 128 : i32
    %dma_start3A_151 = tpu.memref_slice %arg5[%dma_start3A_150] : memref<448xi32, #tpu.memory_space<vmem>> -> memref<8xi32, #tpu.memory_space<vmem>>
    %dma_start3A_152 = arith.constant 0 : i32
    %dma_start3A_153 = arith.constant 0 : i32
    %dma_start3A_154 = tpu.memref_slice %arg3[%dma_start3A_152, %dma_start3A_153] : memref<8000x128xf32, #tpu.memory_space<hbm>> -> memref<8000x128xf32, #tpu.memory_space<hbm>>
    tpu.enqueue_indirect_dma source(%dma_start3A_154 : memref<8000x128xf32, #tpu.memory_space<hbm>>) target(%dma_start3A_149 : memref<8x128xf32, #tpu.memory_space<vmem>>) offsets(%dma_start3A_151 : memref<8xi32, #tpu.memory_space<vmem>>) semaphore(%arg11 : memref<!tpu.dma_semaphore, #tpu.memory_space<semaphore_mem>>)
    %dma_start3A_155 = arith.constant 16 : i32
    %dma_start3A_156 = arith.constant 128 : i32
    %dma_start3A_157 = tpu.memref_slice %arg7[%dma_start3A_155, %dma_start3A_156] : memref<56x1024xf32, #tpu.memory_space<vmem>> -> memref<8x128xf32, #tpu.memory_space<vmem>>
    %dma_start3A_158 = arith.constant 136 : i32
    %dma_start3A_159 = tpu.memref_slice %arg5[%dma_start3A_158] : memref<448xi32, #tpu.memory_space<vmem>> -> memref<8xi32, #tpu.memory_space<vmem>>
    %dma_start3A_160 = arith.constant 0 : i32
    %dma_start3A_161 = arith.constant 0 : i32
    %dma_start3A_162 = tpu.memref_slice %arg3[%dma_start3A_160, %dma_start3A_161] : memref<8000x128xf32, #tpu.memory_space<hbm>> -> memref<8000x128xf32, #tpu.memory_space<hbm>>
    tpu.enqueue_indirect_dma source(%dma_start3A_162 : memref<8000x128xf32, #tpu.memory_space<hbm>>) target(%dma_start3A_157 : memref<8x128xf32, #tpu.memory_space<vmem>>) offsets(%dma_start3A_159 : memref<8xi32, #tpu.memory_space<vmem>>) semaphore(%arg11 : memref<!tpu.dma_semaphore, #tpu.memory_space<semaphore_mem>>)
    %dma_start3A_163 = arith.constant 16 : i32
    %dma_start3A_164 = arith.constant 256 : i32
    %dma_start3A_165 = tpu.memref_slice %arg7[%dma_start3A_163, %dma_start3A_164] : memref<56x1024xf32, #tpu.memory_space<vmem>> -> memref<8x128xf32, #tpu.memory_space<vmem>>
    %dma_start3A_166 = arith.constant 144 : i32
    %dma_start3A_167 = tpu.memref_slice %arg5[%dma_start3A_166] : memref<448xi32, #tpu.memory_space<vmem>> -> memref<8xi32, #tpu.memory_space<vmem>>
    %dma_start3A_168 = arith.constant 0 : i32
    %dma_start3A_169 = arith.constant 0 : i32
    %dma_start3A_170 = tpu.memref_slice %arg3[%dma_start3A_168, %dma_start3A_169] : memref<8000x128xf32, #tpu.memory_space<hbm>> -> memref<8000x128xf32, #tpu.memory_space<hbm>>
    tpu.enqueue_indirect_dma source(%dma_start3A_170 : memref<8000x128xf32, #tpu.memory_space<hbm>>) target(%dma_start3A_165 : memref<8x128xf32, #tpu.memory_space<vmem>>) offsets(%dma_start3A_167 : memref<8xi32, #tpu.memory_space<vmem>>) semaphore(%arg11 : memref<!tpu.dma_semaphore, #tpu.memory_space<semaphore_mem>>)
    %dma_start3A_171 = arith.constant 16 : i32
    %dma_start3A_172 = arith.constant 384 : i32
    %dma_start3A_173 = tpu.memref_slice %arg7[%dma_start3A_171, %dma_start3A_172] : memref<56x1024xf32, #tpu.memory_space<vmem>> -> memref<8x128xf32, #tpu.memory_space<vmem>>
    %dma_start3A_174 = arith.constant 152 : i32
    %dma_start3A_175 = tpu.memref_slice %arg5[%dma_start3A_174] : memref<448xi32, #tpu.memory_space<vmem>> -> memref<8xi32, #tpu.memory_space<vmem>>
    %dma_start3A_176 = arith.constant 0 : i32
    %dma_start3A_177 = arith.constant 0 : i32
    %dma_start3A_178 = tpu.memref_slice %arg3[%dma_start3A_176, %dma_start3A_177] : memref<8000x128xf32, #tpu.memory_space<hbm>> -> memref<8000x128xf32, #tpu.memory_space<hbm>>
    tpu.enqueue_indirect_dma source(%dma_start3A_178 : memref<8000x128xf32, #tpu.memory_space<hbm>>) target(%dma_start3A_173 : memref<8x128xf32, #tpu.memory_space<vmem>>) offsets(%dma_start3A_175 : memref<8xi32, #tpu.memory_space<vmem>>) semaphore(%arg11 : memref<!tpu.dma_semaphore, #tpu.memory_space<semaphore_mem>>)
    %dma_start3A_179 = arith.constant 16 : i32
    %dma_start3A_180 = arith.constant 512 : i32
    %dma_start3A_181 = tpu.memref_slice %arg7[%dma_start3A_179, %dma_start3A_180] : memref<56x1024xf32, #tpu.memory_space<vmem>> -> memref<8x128xf32, #tpu.memory_space<vmem>>
    %dma_start3A_182 = arith.constant 160 : i32
    %dma_start3A_183 = tpu.memref_slice %arg5[%dma_start3A_182] : memref<448xi32, #tpu.memory_space<vmem>> -> memref<8xi32, #tpu.memory_space<vmem>>
    %dma_start3A_184 = arith.constant 0 : i32
    %dma_start3A_185 = arith.constant 0 : i32
    %dma_start3A_186 = tpu.memref_slice %arg3[%dma_start3A_184, %dma_start3A_185] : memref<8000x128xf32, #tpu.memory_space<hbm>> -> memref<8000x128xf32, #tpu.memory_space<hbm>>
    tpu.enqueue_indirect_dma source(%dma_start3A_186 : memref<8000x128xf32, #tpu.memory_space<hbm>>) target(%dma_start3A_181 : memref<8x128xf32, #tpu.memory_space<vmem>>) offsets(%dma_start3A_183 : memref<8xi32, #tpu.memory_space<vmem>>) semaphore(%arg11 : memref<!tpu.dma_semaphore, #tpu.memory_space<semaphore_mem>>)
    %dma_start3A_187 = arith.constant 16 : i32
    %dma_start3A_188 = arith.constant 640 : i32
    %dma_start3A_189 = tpu.memref_slice %arg7[%dma_start3A_187, %dma_start3A_188] : memref<56x1024xf32, #tpu.memory_space<vmem>> -> memref<8x128xf32, #tpu.memory_space<vmem>>
    %dma_start3A_190 = arith.constant 168 : i32
    %dma_start3A_191 = tpu.memref_slice %arg5[%dma_start3A_190] : memref<448xi32, #tpu.memory_space<vmem>> -> memref<8xi32, #tpu.memory_space<vmem>>
    %dma_start3A_192 = arith.constant 0 : i32
    %dma_start3A_193 = arith.constant 0 : i32
    %dma_start3A_194 = tpu.memref_slice %arg3[%dma_start3A_192, %dma_start3A_193] : memref<8000x128xf32, #tpu.memory_space<hbm>> -> memref<8000x128xf32, #tpu.memory_space<hbm>>
    tpu.enqueue_indirect_dma source(%dma_start3A_194 : memref<8000x128xf32, #tpu.memory_space<hbm>>) target(%dma_start3A_189 : memref<8x128xf32, #tpu.memory_space<vmem>>) offsets(%dma_start3A_191 : memref<8xi32, #tpu.memory_space<vmem>>) semaphore(%arg11 : memref<!tpu.dma_semaphore, #tpu.memory_space<semaphore_mem>>)
    %dma_start3A_195 = arith.constant 16 : i32
    %dma_start3A_196 = arith.constant 768 : i32
    %dma_start3A_197 = tpu.memref_slice %arg7[%dma_start3A_195, %dma_start3A_196] : memref<56x1024xf32, #tpu.memory_space<vmem>> -> memref<8x128xf32, #tpu.memory_space<vmem>>
    %dma_start3A_198 = arith.constant 176 : i32
    %dma_start3A_199 = tpu.memref_slice %arg5[%dma_start3A_198] : memref<448xi32, #tpu.memory_space<vmem>> -> memref<8xi32, #tpu.memory_space<vmem>>
    %dma_start3A_200 = arith.constant 0 : i32
    %dma_start3A_201 = arith.constant 0 : i32
    %dma_start3A_202 = tpu.memref_slice %arg3[%dma_start3A_200, %dma_start3A_201] : memref<8000x128xf32, #tpu.memory_space<hbm>> -> memref<8000x128xf32, #tpu.memory_space<hbm>>
    tpu.enqueue_indirect_dma source(%dma_start3A_202 : memref<8000x128xf32, #tpu.memory_space<hbm>>) target(%dma_start3A_197 : memref<8x128xf32, #tpu.memory_space<vmem>>) offsets(%dma_start3A_199 : memref<8xi32, #tpu.memory_space<vmem>>) semaphore(%arg11 : memref<!tpu.dma_semaphore, #tpu.memory_space<semaphore_mem>>)
    %dma_start3A_203 = arith.constant 16 : i32
    %dma_start3A_204 = arith.constant 896 : i32
    %dma_start3A_205 = tpu.memref_slice %arg7[%dma_start3A_203, %dma_start3A_204] : memref<56x1024xf32, #tpu.memory_space<vmem>> -> memref<8x128xf32, #tpu.memory_space<vmem>>
    %dma_start3A_206 = arith.constant 184 : i32
    %dma_start3A_207 = tpu.memref_slice %arg5[%dma_start3A_206] : memref<448xi32, #tpu.memory_space<vmem>> -> memref<8xi32, #tpu.memory_space<vmem>>
    %dma_start3A_208 = arith.constant 0 : i32
    %dma_start3A_209 = arith.constant 0 : i32
    %dma_start3A_210 = tpu.memref_slice %arg3[%dma_start3A_208, %dma_start3A_209] : memref<8000x128xf32, #tpu.memory_space<hbm>> -> memref<8000x128xf32, #tpu.memory_space<hbm>>
    tpu.enqueue_indirect_dma source(%dma_start3A_210 : memref<8000x128xf32, #tpu.memory_space<hbm>>) target(%dma_start3A_205 : memref<8x128xf32, #tpu.memory_space<vmem>>) offsets(%dma_start3A_207 : memref<8xi32, #tpu.memory_space<vmem>>) semaphore(%arg11 : memref<!tpu.dma_semaphore, #tpu.memory_space<semaphore_mem>>)
    %dma_start3A_211 = arith.constant 24 : i32
    %dma_start3A_212 = arith.constant 0 : i32
    %dma_start3A_213 = tpu.memref_slice %arg7[%dma_start3A_211, %dma_start3A_212] : memref<56x1024xf32, #tpu.memory_space<vmem>> -> memref<8x128xf32, #tpu.memory_space<vmem>>
    %dma_start3A_214 = arith.constant 192 : i32
    %dma_start3A_215 = tpu.memref_slice %arg5[%dma_start3A_214] : memref<448xi32, #tpu.memory_space<vmem>> -> memref<8xi32, #tpu.memory_space<vmem>>
    %dma_start3A_216 = arith.constant 0 : i32
    %dma_start3A_217 = arith.constant 0 : i32
    %dma_start3A_218 = tpu.memref_slice %arg3[%dma_start3A_216, %dma_start3A_217] : memref<8000x128xf32, #tpu.memory_space<hbm>> -> memref<8000x128xf32, #tpu.memory_space<hbm>>
    tpu.enqueue_indirect_dma source(%dma_start3A_218 : memref<8000x128xf32, #tpu.memory_space<hbm>>) target(%dma_start3A_213 : memref<8x128xf32, #tpu.memory_space<vmem>>) offsets(%dma_start3A_215 : memref<8xi32, #tpu.memory_space<vmem>>) semaphore(%arg11 : memref<!tpu.dma_semaphore, #tpu.memory_space<semaphore_mem>>)
    %dma_start3A_219 = arith.constant 24 : i32
    %dma_start3A_220 = arith.constant 128 : i32
    %dma_start3A_221 = tpu.memref_slice %arg7[%dma_start3A_219, %dma_start3A_220] : memref<56x1024xf32, #tpu.memory_space<vmem>> -> memref<8x128xf32, #tpu.memory_space<vmem>>
    %dma_start3A_222 = arith.constant 200 : i32
    %dma_start3A_223 = tpu.memref_slice %arg5[%dma_start3A_222] : memref<448xi32, #tpu.memory_space<vmem>> -> memref<8xi32, #tpu.memory_space<vmem>>
    %dma_start3A_224 = arith.constant 0 : i32
    %dma_start3A_225 = arith.constant 0 : i32
    %dma_start3A_226 = tpu.memref_slice %arg3[%dma_start3A_224, %dma_start3A_225] : memref<8000x128xf32, #tpu.memory_space<hbm>> -> memref<8000x128xf32, #tpu.memory_space<hbm>>
    tpu.enqueue_indirect_dma source(%dma_start3A_226 : memref<8000x128xf32, #tpu.memory_space<hbm>>) target(%dma_start3A_221 : memref<8x128xf32, #tpu.memory_space<vmem>>) offsets(%dma_start3A_223 : memref<8xi32, #tpu.memory_space<vmem>>) semaphore(%arg11 : memref<!tpu.dma_semaphore, #tpu.memory_space<semaphore_mem>>)
    %dma_start3A_227 = arith.constant 24 : i32
    %dma_start3A_228 = arith.constant 256 : i32
    %dma_start3A_229 = tpu.memref_slice %arg7[%dma_start3A_227, %dma_start3A_228] : memref<56x1024xf32, #tpu.memory_space<vmem>> -> memref<8x128xf32, #tpu.memory_space<vmem>>
    %dma_start3A_230 = arith.constant 208 : i32
    %dma_start3A_231 = tpu.memref_slice %arg5[%dma_start3A_230] : memref<448xi32, #tpu.memory_space<vmem>> -> memref<8xi32, #tpu.memory_space<vmem>>
    %dma_start3A_232 = arith.constant 0 : i32
    %dma_start3A_233 = arith.constant 0 : i32
    %dma_start3A_234 = tpu.memref_slice %arg3[%dma_start3A_232, %dma_start3A_233] : memref<8000x128xf32, #tpu.memory_space<hbm>> -> memref<8000x128xf32, #tpu.memory_space<hbm>>
    tpu.enqueue_indirect_dma source(%dma_start3A_234 : memref<8000x128xf32, #tpu.memory_space<hbm>>) target(%dma_start3A_229 : memref<8x128xf32, #tpu.memory_space<vmem>>) offsets(%dma_start3A_231 : memref<8xi32, #tpu.memory_space<vmem>>) semaphore(%arg11 : memref<!tpu.dma_semaphore, #tpu.memory_space<semaphore_mem>>)
    %dma_start3A_235 = arith.constant 24 : i32
    %dma_start3A_236 = arith.constant 384 : i32
    %dma_start3A_237 = tpu.memref_slice %arg7[%dma_start3A_235, %dma_start3A_236] : memref<56x1024xf32, #tpu.memory_space<vmem>> -> memref<8x128xf32, #tpu.memory_space<vmem>>
    %dma_start3A_238 = arith.constant 216 : i32
    %dma_start3A_239 = tpu.memref_slice %arg5[%dma_start3A_238] : memref<448xi32, #tpu.memory_space<vmem>> -> memref<8xi32, #tpu.memory_space<vmem>>
    %dma_start3A_240 = arith.constant 0 : i32
    %dma_start3A_241 = arith.constant 0 : i32
    %dma_start3A_242 = tpu.memref_slice %arg3[%dma_start3A_240, %dma_start3A_241] : memref<8000x128xf32, #tpu.memory_space<hbm>> -> memref<8000x128xf32, #tpu.memory_space<hbm>>
    tpu.enqueue_indirect_dma source(%dma_start3A_242 : memref<8000x128xf32, #tpu.memory_space<hbm>>) target(%dma_start3A_237 : memref<8x128xf32, #tpu.memory_space<vmem>>) offsets(%dma_start3A_239 : memref<8xi32, #tpu.memory_space<vmem>>) semaphore(%arg11 : memref<!tpu.dma_semaphore, #tpu.memory_space<semaphore_mem>>)
    %dma_start3A_243 = arith.constant 24 : i32
    %dma_start3A_244 = arith.constant 512 : i32
    %dma_start3A_245 = tpu.memref_slice %arg7[%dma_start3A_243, %dma_start3A_244] : memref<56x1024xf32, #tpu.memory_space<vmem>> -> memref<8x128xf32, #tpu.memory_space<vmem>>
    %dma_start3A_246 = arith.constant 224 : i32
    %dma_start3A_247 = tpu.memref_slice %arg5[%dma_start3A_246] : memref<448xi32, #tpu.memory_space<vmem>> -> memref<8xi32, #tpu.memory_space<vmem>>
    %dma_start3A_248 = arith.constant 0 : i32
    %dma_start3A_249 = arith.constant 0 : i32
    %dma_start3A_250 = tpu.memref_slice %arg3[%dma_start3A_248, %dma_start3A_249] : memref<8000x128xf32, #tpu.memory_space<hbm>> -> memref<8000x128xf32, #tpu.memory_space<hbm>>
    tpu.enqueue_indirect_dma source(%dma_start3A_250 : memref<8000x128xf32, #tpu.memory_space<hbm>>) target(%dma_start3A_245 : memref<8x128xf32, #tpu.memory_space<vmem>>) offsets(%dma_start3A_247 : memref<8xi32, #tpu.memory_space<vmem>>) semaphore(%arg11 : memref<!tpu.dma_semaphore, #tpu.memory_space<semaphore_mem>>)
    %dma_start3A_251 = arith.constant 24 : i32
    %dma_start3A_252 = arith.constant 640 : i32
    %dma_start3A_253 = tpu.memref_slice %arg7[%dma_start3A_251, %dma_start3A_252] : memref<56x1024xf32, #tpu.memory_space<vmem>> -> memref<8x128xf32, #tpu.memory_space<vmem>>
    %dma_start3A_254 = arith.constant 232 : i32
    %dma_start3A_255 = tpu.memref_slice %arg5[%dma_start3A_254] : memref<448xi32, #tpu.memory_space<vmem>> -> memref<8xi32, #tpu.memory_space<vmem>>
    %dma_start3A_256 = arith.constant 0 : i32
    %dma_start3A_257 = arith.constant 0 : i32
    %dma_start3A_258 = tpu.memref_slice %arg3[%dma_start3A_256, %dma_start3A_257] : memref<8000x128xf32, #tpu.memory_space<hbm>> -> memref<8000x128xf32, #tpu.memory_space<hbm>>
    tpu.enqueue_indirect_dma source(%dma_start3A_258 : memref<8000x128xf32, #tpu.memory_space<hbm>>) target(%dma_start3A_253 : memref<8x128xf32, #tpu.memory_space<vmem>>) offsets(%dma_start3A_255 : memref<8xi32, #tpu.memory_space<vmem>>) semaphore(%arg11 : memref<!tpu.dma_semaphore, #tpu.memory_space<semaphore_mem>>)
    %dma_start3A_259 = arith.constant 24 : i32
    %dma_start3A_260 = arith.constant 768 : i32
    %dma_start3A_261 = tpu.memref_slice %arg7[%dma_start3A_259, %dma_start3A_260] : memref<56x1024xf32, #tpu.memory_space<vmem>> -> memref<8x128xf32, #tpu.memory_space<vmem>>
    %dma_start3A_262 = arith.constant 240 : i32
    %dma_start3A_263 = tpu.memref_slice %arg5[%dma_start3A_262] : memref<448xi32, #tpu.memory_space<vmem>> -> memref<8xi32, #tpu.memory_space<vmem>>
    %dma_start3A_264 = arith.constant 0 : i32
    %dma_start3A_265 = arith.constant 0 : i32
    %dma_start3A_266 = tpu.memref_slice %arg3[%dma_start3A_264, %dma_start3A_265] : memref<8000x128xf32, #tpu.memory_space<hbm>> -> memref<8000x128xf32, #tpu.memory_space<hbm>>
    tpu.enqueue_indirect_dma source(%dma_start3A_266 : memref<8000x128xf32, #tpu.memory_space<hbm>>) target(%dma_start3A_261 : memref<8x128xf32, #tpu.memory_space<vmem>>) offsets(%dma_start3A_263 : memref<8xi32, #tpu.memory_space<vmem>>) semaphore(%arg11 : memref<!tpu.dma_semaphore, #tpu.memory_space<semaphore_mem>>)
    %dma_start3A_267 = arith.constant 24 : i32
    %dma_start3A_268 = arith.constant 896 : i32
    %dma_start3A_269 = tpu.memref_slice %arg7[%dma_start3A_267, %dma_start3A_268] : memref<56x1024xf32, #tpu.memory_space<vmem>> -> memref<8x128xf32, #tpu.memory_space<vmem>>
    %dma_start3A_270 = arith.constant 248 : i32
    %dma_start3A_271 = tpu.memref_slice %arg5[%dma_start3A_270] : memref<448xi32, #tpu.memory_space<vmem>> -> memref<8xi32, #tpu.memory_space<vmem>>
    %dma_start3A_272 = arith.constant 0 : i32
    %dma_start3A_273 = arith.constant 0 : i32
    %dma_start3A_274 = tpu.memref_slice %arg3[%dma_start3A_272, %dma_start3A_273] : memref<8000x128xf32, #tpu.memory_space<hbm>> -> memref<8000x128xf32, #tpu.memory_space<hbm>>
    tpu.enqueue_indirect_dma source(%dma_start3A_274 : memref<8000x128xf32, #tpu.memory_space<hbm>>) target(%dma_start3A_269 : memref<8x128xf32, #tpu.memory_space<vmem>>) offsets(%dma_start3A_271 : memref<8xi32, #tpu.memory_space<vmem>>) semaphore(%arg11 : memref<!tpu.dma_semaphore, #tpu.memory_space<semaphore_mem>>)
    %dma_start3A_275 = arith.constant 32 : i32
    %dma_start3A_276 = arith.constant 0 : i32
    %dma_start3A_277 = tpu.memref_slice %arg7[%dma_start3A_275, %dma_start3A_276] : memref<56x1024xf32, #tpu.memory_space<vmem>> -> memref<8x128xf32, #tpu.memory_space<vmem>>
    %dma_start3A_278 = arith.constant 256 : i32
    %dma_start3A_279 = tpu.memref_slice %arg5[%dma_start3A_278] : memref<448xi32, #tpu.memory_space<vmem>> -> memref<8xi32, #tpu.memory_space<vmem>>
    %dma_start3A_280 = arith.constant 0 : i32
    %dma_start3A_281 = arith.constant 0 : i32
    %dma_start3A_282 = tpu.memref_slice %arg3[%dma_start3A_280, %dma_start3A_281] : memref<8000x128xf32, #tpu.memory_space<hbm>> -> memref<8000x128xf32, #tpu.memory_space<hbm>>
    tpu.enqueue_indirect_dma source(%dma_start3A_282 : memref<8000x128xf32, #tpu.memory_space<hbm>>) target(%dma_start3A_277 : memref<8x128xf32, #tpu.memory_space<vmem>>) offsets(%dma_start3A_279 : memref<8xi32, #tpu.memory_space<vmem>>) semaphore(%arg11 : memref<!tpu.dma_semaphore, #tpu.memory_space<semaphore_mem>>)
    %dma_start3A_283 = arith.constant 32 : i32
    %dma_start3A_284 = arith.constant 128 : i32
    %dma_start3A_285 = tpu.memref_slice %arg7[%dma_start3A_283, %dma_start3A_284] : memref<56x1024xf32, #tpu.memory_space<vmem>> -> memref<8x128xf32, #tpu.memory_space<vmem>>
    %dma_start3A_286 = arith.constant 264 : i32
    %dma_start3A_287 = tpu.memref_slice %arg5[%dma_start3A_286] : memref<448xi32, #tpu.memory_space<vmem>> -> memref<8xi32, #tpu.memory_space<vmem>>
    %dma_start3A_288 = arith.constant 0 : i32
    %dma_start3A_289 = arith.constant 0 : i32
    %dma_start3A_290 = tpu.memref_slice %arg3[%dma_start3A_288, %dma_start3A_289] : memref<8000x128xf32, #tpu.memory_space<hbm>> -> memref<8000x128xf32, #tpu.memory_space<hbm>>
    tpu.enqueue_indirect_dma source(%dma_start3A_290 : memref<8000x128xf32, #tpu.memory_space<hbm>>) target(%dma_start3A_285 : memref<8x128xf32, #tpu.memory_space<vmem>>) offsets(%dma_start3A_287 : memref<8xi32, #tpu.memory_space<vmem>>) semaphore(%arg11 : memref<!tpu.dma_semaphore, #tpu.memory_space<semaphore_mem>>)
    %dma_start3A_291 = arith.constant 32 : i32
    %dma_start3A_292 = arith.constant 256 : i32
    %dma_start3A_293 = tpu.memref_slice %arg7[%dma_start3A_291, %dma_start3A_292] : memref<56x1024xf32, #tpu.memory_space<vmem>> -> memref<8x128xf32, #tpu.memory_space<vmem>>
    %dma_start3A_294 = arith.constant 272 : i32
    %dma_start3A_295 = tpu.memref_slice %arg5[%dma_start3A_294] : memref<448xi32, #tpu.memory_space<vmem>> -> memref<8xi32, #tpu.memory_space<vmem>>
    %dma_start3A_296 = arith.constant 0 : i32
    %dma_start3A_297 = arith.constant 0 : i32
    %dma_start3A_298 = tpu.memref_slice %arg3[%dma_start3A_296, %dma_start3A_297] : memref<8000x128xf32, #tpu.memory_space<hbm>> -> memref<8000x128xf32, #tpu.memory_space<hbm>>
    tpu.enqueue_indirect_dma source(%dma_start3A_298 : memref<8000x128xf32, #tpu.memory_space<hbm>>) target(%dma_start3A_293 : memref<8x128xf32, #tpu.memory_space<vmem>>) offsets(%dma_start3A_295 : memref<8xi32, #tpu.memory_space<vmem>>) semaphore(%arg11 : memref<!tpu.dma_semaphore, #tpu.memory_space<semaphore_mem>>)
    %dma_start3A_299 = arith.constant 32 : i32
    %dma_start3A_300 = arith.constant 384 : i32
    %dma_start3A_301 = tpu.memref_slice %arg7[%dma_start3A_299, %dma_start3A_300] : memref<56x1024xf32, #tpu.memory_space<vmem>> -> memref<8x128xf32, #tpu.memory_space<vmem>>
    %dma_start3A_302 = arith.constant 280 : i32
    %dma_start3A_303 = tpu.memref_slice %arg5[%dma_start3A_302] : memref<448xi32, #tpu.memory_space<vmem>> -> memref<8xi32, #tpu.memory_space<vmem>>
    %dma_start3A_304 = arith.constant 0 : i32
    %dma_start3A_305 = arith.constant 0 : i32
    %dma_start3A_306 = tpu.memref_slice %arg3[%dma_start3A_304, %dma_start3A_305] : memref<8000x128xf32, #tpu.memory_space<hbm>> -> memref<8000x128xf32, #tpu.memory_space<hbm>>
    tpu.enqueue_indirect_dma source(%dma_start3A_306 : memref<8000x128xf32, #tpu.memory_space<hbm>>) target(%dma_start3A_301 : memref<8x128xf32, #tpu.memory_space<vmem>>) offsets(%dma_start3A_303 : memref<8xi32, #tpu.memory_space<vmem>>) semaphore(%arg11 : memref<!tpu.dma_semaphore, #tpu.memory_space<semaphore_mem>>)
    %dma_start3A_307 = arith.constant 32 : i32
    %dma_start3A_308 = arith.constant 512 : i32
    %dma_start3A_309 = tpu.memref_slice %arg7[%dma_start3A_307, %dma_start3A_308] : memref<56x1024xf32, #tpu.memory_space<vmem>> -> memref<8x128xf32, #tpu.memory_space<vmem>>
    %dma_start3A_310 = arith.constant 288 : i32
    %dma_start3A_311 = tpu.memref_slice %arg5[%dma_start3A_310] : memref<448xi32, #tpu.memory_space<vmem>> -> memref<8xi32, #tpu.memory_space<vmem>>
    %dma_start3A_312 = arith.constant 0 : i32
    %dma_start3A_313 = arith.constant 0 : i32
    %dma_start3A_314 = tpu.memref_slice %arg3[%dma_start3A_312, %dma_start3A_313] : memref<8000x128xf32, #tpu.memory_space<hbm>> -> memref<8000x128xf32, #tpu.memory_space<hbm>>
    tpu.enqueue_indirect_dma source(%dma_start3A_314 : memref<8000x128xf32, #tpu.memory_space<hbm>>) target(%dma_start3A_309 : memref<8x128xf32, #tpu.memory_space<vmem>>) offsets(%dma_start3A_311 : memref<8xi32, #tpu.memory_space<vmem>>) semaphore(%arg11 : memref<!tpu.dma_semaphore, #tpu.memory_space<semaphore_mem>>)
    %dma_start3A_315 = arith.constant 32 : i32
    %dma_start3A_316 = arith.constant 640 : i32
    %dma_start3A_317 = tpu.memref_slice %arg7[%dma_start3A_315, %dma_start3A_316] : memref<56x1024xf32, #tpu.memory_space<vmem>> -> memref<8x128xf32, #tpu.memory_space<vmem>>
    %dma_start3A_318 = arith.constant 296 : i32
    %dma_start3A_319 = tpu.memref_slice %arg5[%dma_start3A_318] : memref<448xi32, #tpu.memory_space<vmem>> -> memref<8xi32, #tpu.memory_space<vmem>>
    %dma_start3A_320 = arith.constant 0 : i32
    %dma_start3A_321 = arith.constant 0 : i32
    %dma_start3A_322 = tpu.memref_slice %arg3[%dma_start3A_320, %dma_start3A_321] : memref<8000x128xf32, #tpu.memory_space<hbm>> -> memref<8000x128xf32, #tpu.memory_space<hbm>>
    tpu.enqueue_indirect_dma source(%dma_start3A_322 : memref<8000x128xf32, #tpu.memory_space<hbm>>) target(%dma_start3A_317 : memref<8x128xf32, #tpu.memory_space<vmem>>) offsets(%dma_start3A_319 : memref<8xi32, #tpu.memory_space<vmem>>) semaphore(%arg11 : memref<!tpu.dma_semaphore, #tpu.memory_space<semaphore_mem>>)
    %dma_start3A_323 = arith.constant 32 : i32
    %dma_start3A_324 = arith.constant 768 : i32
    %dma_start3A_325 = tpu.memref_slice %arg7[%dma_start3A_323, %dma_start3A_324] : memref<56x1024xf32, #tpu.memory_space<vmem>> -> memref<8x128xf32, #tpu.memory_space<vmem>>
    %dma_start3A_326 = arith.constant 304 : i32
    %dma_start3A_327 = tpu.memref_slice %arg5[%dma_start3A_326] : memref<448xi32, #tpu.memory_space<vmem>> -> memref<8xi32, #tpu.memory_space<vmem>>
    %dma_start3A_328 = arith.constant 0 : i32
    %dma_start3A_329 = arith.constant 0 : i32
    %dma_start3A_330 = tpu.memref_slice %arg3[%dma_start3A_328, %dma_start3A_329] : memref<8000x128xf32, #tpu.memory_space<hbm>> -> memref<8000x128xf32, #tpu.memory_space<hbm>>
    tpu.enqueue_indirect_dma source(%dma_start3A_330 : memref<8000x128xf32, #tpu.memory_space<hbm>>) target(%dma_start3A_325 : memref<8x128xf32, #tpu.memory_space<vmem>>) offsets(%dma_start3A_327 : memref<8xi32, #tpu.memory_space<vmem>>) semaphore(%arg11 : memref<!tpu.dma_semaphore, #tpu.memory_space<semaphore_mem>>)
    %dma_start3A_331 = arith.constant 32 : i32
    %dma_start3A_332 = arith.constant 896 : i32
    %dma_start3A_333 = tpu.memref_slice %arg7[%dma_start3A_331, %dma_start3A_332] : memref<56x1024xf32, #tpu.memory_space<vmem>> -> memref<8x128xf32, #tpu.memory_space<vmem>>
    %dma_start3A_334 = arith.constant 312 : i32
    %dma_start3A_335 = tpu.memref_slice %arg5[%dma_start3A_334] : memref<448xi32, #tpu.memory_space<vmem>> -> memref<8xi32, #tpu.memory_space<vmem>>
    %dma_start3A_336 = arith.constant 0 : i32
    %dma_start3A_337 = arith.constant 0 : i32
    %dma_start3A_338 = tpu.memref_slice %arg3[%dma_start3A_336, %dma_start3A_337] : memref<8000x128xf32, #tpu.memory_space<hbm>> -> memref<8000x128xf32, #tpu.memory_space<hbm>>
    tpu.enqueue_indirect_dma source(%dma_start3A_338 : memref<8000x128xf32, #tpu.memory_space<hbm>>) target(%dma_start3A_333 : memref<8x128xf32, #tpu.memory_space<vmem>>) offsets(%dma_start3A_335 : memref<8xi32, #tpu.memory_space<vmem>>) semaphore(%arg11 : memref<!tpu.dma_semaphore, #tpu.memory_space<semaphore_mem>>)
    %dma_start3A_339 = arith.constant 40 : i32
    %dma_start3A_340 = arith.constant 0 : i32
    %dma_start3A_341 = tpu.memref_slice %arg7[%dma_start3A_339, %dma_start3A_340] : memref<56x1024xf32, #tpu.memory_space<vmem>> -> memref<8x128xf32, #tpu.memory_space<vmem>>
    %dma_start3A_342 = arith.constant 320 : i32
    %dma_start3A_343 = tpu.memref_slice %arg5[%dma_start3A_342] : memref<448xi32, #tpu.memory_space<vmem>> -> memref<8xi32, #tpu.memory_space<vmem>>
    %dma_start3A_344 = arith.constant 0 : i32
    %dma_start3A_345 = arith.constant 0 : i32
    %dma_start3A_346 = tpu.memref_slice %arg3[%dma_start3A_344, %dma_start3A_345] : memref<8000x128xf32, #tpu.memory_space<hbm>> -> memref<8000x128xf32, #tpu.memory_space<hbm>>
    tpu.enqueue_indirect_dma source(%dma_start3A_346 : memref<8000x128xf32, #tpu.memory_space<hbm>>) target(%dma_start3A_341 : memref<8x128xf32, #tpu.memory_space<vmem>>) offsets(%dma_start3A_343 : memref<8xi32, #tpu.memory_space<vmem>>) semaphore(%arg11 : memref<!tpu.dma_semaphore, #tpu.memory_space<semaphore_mem>>)
    %dma_start3A_347 = arith.constant 40 : i32
    %dma_start3A_348 = arith.constant 128 : i32
    %dma_start3A_349 = tpu.memref_slice %arg7[%dma_start3A_347, %dma_start3A_348] : memref<56x1024xf32, #tpu.memory_space<vmem>> -> memref<8x128xf32, #tpu.memory_space<vmem>>
    %dma_start3A_350 = arith.constant 328 : i32
    %dma_start3A_351 = tpu.memref_slice %arg5[%dma_start3A_350] : memref<448xi32, #tpu.memory_space<vmem>> -> memref<8xi32, #tpu.memory_space<vmem>>
    %dma_start3A_352 = arith.constant 0 : i32
    %dma_start3A_353 = arith.constant 0 : i32
    %dma_start3A_354 = tpu.memref_slice %arg3[%dma_start3A_352, %dma_start3A_353] : memref<8000x128xf32, #tpu.memory_space<hbm>> -> memref<8000x128xf32, #tpu.memory_space<hbm>>
    tpu.enqueue_indirect_dma source(%dma_start3A_354 : memref<8000x128xf32, #tpu.memory_space<hbm>>) target(%dma_start3A_349 : memref<8x128xf32, #tpu.memory_space<vmem>>) offsets(%dma_start3A_351 : memref<8xi32, #tpu.memory_space<vmem>>) semaphore(%arg11 : memref<!tpu.dma_semaphore, #tpu.memory_space<semaphore_mem>>)
    %dma_start3A_355 = arith.constant 40 : i32
    %dma_start3A_356 = arith.constant 256 : i32
    %dma_start3A_357 = tpu.memref_slice %arg7[%dma_start3A_355, %dma_start3A_356] : memref<56x1024xf32, #tpu.memory_space<vmem>> -> memref<8x128xf32, #tpu.memory_space<vmem>>
    %dma_start3A_358 = arith.constant 336 : i32
    %dma_start3A_359 = tpu.memref_slice %arg5[%dma_start3A_358] : memref<448xi32, #tpu.memory_space<vmem>> -> memref<8xi32, #tpu.memory_space<vmem>>
    %dma_start3A_360 = arith.constant 0 : i32
    %dma_start3A_361 = arith.constant 0 : i32
    %dma_start3A_362 = tpu.memref_slice %arg3[%dma_start3A_360, %dma_start3A_361] : memref<8000x128xf32, #tpu.memory_space<hbm>> -> memref<8000x128xf32, #tpu.memory_space<hbm>>
    tpu.enqueue_indirect_dma source(%dma_start3A_362 : memref<8000x128xf32, #tpu.memory_space<hbm>>) target(%dma_start3A_357 : memref<8x128xf32, #tpu.memory_space<vmem>>) offsets(%dma_start3A_359 : memref<8xi32, #tpu.memory_space<vmem>>) semaphore(%arg11 : memref<!tpu.dma_semaphore, #tpu.memory_space<semaphore_mem>>)
    %dma_start3A_363 = arith.constant 40 : i32
    %dma_start3A_364 = arith.constant 384 : i32
    %dma_start3A_365 = tpu.memref_slice %arg7[%dma_start3A_363, %dma_start3A_364] : memref<56x1024xf32, #tpu.memory_space<vmem>> -> memref<8x128xf32, #tpu.memory_space<vmem>>
    %dma_start3A_366 = arith.constant 344 : i32
    %dma_start3A_367 = tpu.memref_slice %arg5[%dma_start3A_366] : memref<448xi32, #tpu.memory_space<vmem>> -> memref<8xi32, #tpu.memory_space<vmem>>
    %dma_start3A_368 = arith.constant 0 : i32
    %dma_start3A_369 = arith.constant 0 : i32
    %dma_start3A_370 = tpu.memref_slice %arg3[%dma_start3A_368, %dma_start3A_369] : memref<8000x128xf32, #tpu.memory_space<hbm>> -> memref<8000x128xf32, #tpu.memory_space<hbm>>
    tpu.enqueue_indirect_dma source(%dma_start3A_370 : memref<8000x128xf32, #tpu.memory_space<hbm>>) target(%dma_start3A_365 : memref<8x128xf32, #tpu.memory_space<vmem>>) offsets(%dma_start3A_367 : memref<8xi32, #tpu.memory_space<vmem>>) semaphore(%arg11 : memref<!tpu.dma_semaphore, #tpu.memory_space<semaphore_mem>>)
    %dma_start3A_371 = arith.constant 40 : i32
    %dma_start3A_372 = arith.constant 512 : i32
    %dma_start3A_373 = tpu.memref_slice %arg7[%dma_start3A_371, %dma_start3A_372] : memref<56x1024xf32, #tpu.memory_space<vmem>> -> memref<8x128xf32, #tpu.memory_space<vmem>>
    %dma_start3A_374 = arith.constant 352 : i32
    %dma_start3A_375 = tpu.memref_slice %arg5[%dma_start3A_374] : memref<448xi32, #tpu.memory_space<vmem>> -> memref<8xi32, #tpu.memory_space<vmem>>
    %dma_start3A_376 = arith.constant 0 : i32
    %dma_start3A_377 = arith.constant 0 : i32
    %dma_start3A_378 = tpu.memref_slice %arg3[%dma_start3A_376, %dma_start3A_377] : memref<8000x128xf32, #tpu.memory_space<hbm>> -> memref<8000x128xf32, #tpu.memory_space<hbm>>
    tpu.enqueue_indirect_dma source(%dma_start3A_378 : memref<8000x128xf32, #tpu.memory_space<hbm>>) target(%dma_start3A_373 : memref<8x128xf32, #tpu.memory_space<vmem>>) offsets(%dma_start3A_375 : memref<8xi32, #tpu.memory_space<vmem>>) semaphore(%arg11 : memref<!tpu.dma_semaphore, #tpu.memory_space<semaphore_mem>>)
    %dma_start3A_379 = arith.constant 40 : i32
    %dma_start3A_380 = arith.constant 640 : i32
    %dma_start3A_381 = tpu.memref_slice %arg7[%dma_start3A_379, %dma_start3A_380] : memref<56x1024xf32, #tpu.memory_space<vmem>> -> memref<8x128xf32, #tpu.memory_space<vmem>>
    %dma_start3A_382 = arith.constant 360 : i32
    %dma_start3A_383 = tpu.memref_slice %arg5[%dma_start3A_382] : memref<448xi32, #tpu.memory_space<vmem>> -> memref<8xi32, #tpu.memory_space<vmem>>
    %dma_start3A_384 = arith.constant 0 : i32
    %dma_start3A_385 = arith.constant 0 : i32
    %dma_start3A_386 = tpu.memref_slice %arg3[%dma_start3A_384, %dma_start3A_385] : memref<8000x128xf32, #tpu.memory_space<hbm>> -> memref<8000x128xf32, #tpu.memory_space<hbm>>
    tpu.enqueue_indirect_dma source(%dma_start3A_386 : memref<8000x128xf32, #tpu.memory_space<hbm>>) target(%dma_start3A_381 : memref<8x128xf32, #tpu.memory_space<vmem>>) offsets(%dma_start3A_383 : memref<8xi32, #tpu.memory_space<vmem>>) semaphore(%arg11 : memref<!tpu.dma_semaphore, #tpu.memory_space<semaphore_mem>>)
    %dma_start3A_387 = arith.constant 40 : i32
    %dma_start3A_388 = arith.constant 768 : i32
    %dma_start3A_389 = tpu.memref_slice %arg7[%dma_start3A_387, %dma_start3A_388] : memref<56x1024xf32, #tpu.memory_space<vmem>> -> memref<8x128xf32, #tpu.memory_space<vmem>>
    %dma_start3A_390 = arith.constant 368 : i32
    %dma_start3A_391 = tpu.memref_slice %arg5[%dma_start3A_390] : memref<448xi32, #tpu.memory_space<vmem>> -> memref<8xi32, #tpu.memory_space<vmem>>
    %dma_start3A_392 = arith.constant 0 : i32
    %dma_start3A_393 = arith.constant 0 : i32
    %dma_start3A_394 = tpu.memref_slice %arg3[%dma_start3A_392, %dma_start3A_393] : memref<8000x128xf32, #tpu.memory_space<hbm>> -> memref<8000x128xf32, #tpu.memory_space<hbm>>
    tpu.enqueue_indirect_dma source(%dma_start3A_394 : memref<8000x128xf32, #tpu.memory_space<hbm>>) target(%dma_start3A_389 : memref<8x128xf32, #tpu.memory_space<vmem>>) offsets(%dma_start3A_391 : memref<8xi32, #tpu.memory_space<vmem>>) semaphore(%arg11 : memref<!tpu.dma_semaphore, #tpu.memory_space<semaphore_mem>>)
    %dma_start3A_395 = arith.constant 40 : i32
    %dma_start3A_396 = arith.constant 896 : i32
    %dma_start3A_397 = tpu.memref_slice %arg7[%dma_start3A_395, %dma_start3A_396] : memref<56x1024xf32, #tpu.memory_space<vmem>> -> memref<8x128xf32, #tpu.memory_space<vmem>>
    %dma_start3A_398 = arith.constant 376 : i32
    %dma_start3A_399 = tpu.memref_slice %arg5[%dma_start3A_398] : memref<448xi32, #tpu.memory_space<vmem>> -> memref<8xi32, #tpu.memory_space<vmem>>
    %dma_start3A_400 = arith.constant 0 : i32
    %dma_start3A_401 = arith.constant 0 : i32
    %dma_start3A_402 = tpu.memref_slice %arg3[%dma_start3A_400, %dma_start3A_401] : memref<8000x128xf32, #tpu.memory_space<hbm>> -> memref<8000x128xf32, #tpu.memory_space<hbm>>
    tpu.enqueue_indirect_dma source(%dma_start3A_402 : memref<8000x128xf32, #tpu.memory_space<hbm>>) target(%dma_start3A_397 : memref<8x128xf32, #tpu.memory_space<vmem>>) offsets(%dma_start3A_399 : memref<8xi32, #tpu.memory_space<vmem>>) semaphore(%arg11 : memref<!tpu.dma_semaphore, #tpu.memory_space<semaphore_mem>>)
    %dma_start3A_403 = arith.constant 48 : i32
    %dma_start3A_404 = arith.constant 0 : i32
    %dma_start3A_405 = tpu.memref_slice %arg7[%dma_start3A_403, %dma_start3A_404] : memref<56x1024xf32, #tpu.memory_space<vmem>> -> memref<8x128xf32, #tpu.memory_space<vmem>>
    %dma_start3A_406 = arith.constant 384 : i32
    %dma_start3A_407 = tpu.memref_slice %arg5[%dma_start3A_406] : memref<448xi32, #tpu.memory_space<vmem>> -> memref<8xi32, #tpu.memory_space<vmem>>
    %dma_start3A_408 = arith.constant 0 : i32
    %dma_start3A_409 = arith.constant 0 : i32
    %dma_start3A_410 = tpu.memref_slice %arg3[%dma_start3A_408, %dma_start3A_409] : memref<8000x128xf32, #tpu.memory_space<hbm>> -> memref<8000x128xf32, #tpu.memory_space<hbm>>
    tpu.enqueue_indirect_dma source(%dma_start3A_410 : memref<8000x128xf32, #tpu.memory_space<hbm>>) target(%dma_start3A_405 : memref<8x128xf32, #tpu.memory_space<vmem>>) offsets(%dma_start3A_407 : memref<8xi32, #tpu.memory_space<vmem>>) semaphore(%arg11 : memref<!tpu.dma_semaphore, #tpu.memory_space<semaphore_mem>>)
    %dma_start3A_411 = arith.constant 48 : i32
    %dma_start3A_412 = arith.constant 128 : i32
    %dma_start3A_413 = tpu.memref_slice %arg7[%dma_start3A_411, %dma_start3A_412] : memref<56x1024xf32, #tpu.memory_space<vmem>> -> memref<8x128xf32, #tpu.memory_space<vmem>>
    %dma_start3A_414 = arith.constant 392 : i32
    %dma_start3A_415 = tpu.memref_slice %arg5[%dma_start3A_414] : memref<448xi32, #tpu.memory_space<vmem>> -> memref<8xi32, #tpu.memory_space<vmem>>
    %dma_start3A_416 = arith.constant 0 : i32
    %dma_start3A_417 = arith.constant 0 : i32
    %dma_start3A_418 = tpu.memref_slice %arg3[%dma_start3A_416, %dma_start3A_417] : memref<8000x128xf32, #tpu.memory_space<hbm>> -> memref<8000x128xf32, #tpu.memory_space<hbm>>
    tpu.enqueue_indirect_dma source(%dma_start3A_418 : memref<8000x128xf32, #tpu.memory_space<hbm>>) target(%dma_start3A_413 : memref<8x128xf32, #tpu.memory_space<vmem>>) offsets(%dma_start3A_415 : memref<8xi32, #tpu.memory_space<vmem>>) semaphore(%arg11 : memref<!tpu.dma_semaphore, #tpu.memory_space<semaphore_mem>>)
    %dma_start3A_419 = arith.constant 48 : i32
    %dma_start3A_420 = arith.constant 256 : i32
    %dma_start3A_421 = tpu.memref_slice %arg7[%dma_start3A_419, %dma_start3A_420] : memref<56x1024xf32, #tpu.memory_space<vmem>> -> memref<8x128xf32, #tpu.memory_space<vmem>>
    %dma_start3A_422 = arith.constant 400 : i32
    %dma_start3A_423 = tpu.memref_slice %arg5[%dma_start3A_422] : memref<448xi32, #tpu.memory_space<vmem>> -> memref<8xi32, #tpu.memory_space<vmem>>
    %dma_start3A_424 = arith.constant 0 : i32
    %dma_start3A_425 = arith.constant 0 : i32
    %dma_start3A_426 = tpu.memref_slice %arg3[%dma_start3A_424, %dma_start3A_425] : memref<8000x128xf32, #tpu.memory_space<hbm>> -> memref<8000x128xf32, #tpu.memory_space<hbm>>
    tpu.enqueue_indirect_dma source(%dma_start3A_426 : memref<8000x128xf32, #tpu.memory_space<hbm>>) target(%dma_start3A_421 : memref<8x128xf32, #tpu.memory_space<vmem>>) offsets(%dma_start3A_423 : memref<8xi32, #tpu.memory_space<vmem>>) semaphore(%arg11 : memref<!tpu.dma_semaphore, #tpu.memory_space<semaphore_mem>>)
    %dma_start3A_427 = arith.constant 48 : i32
    %dma_start3A_428 = arith.constant 384 : i32
    %dma_start3A_429 = tpu.memref_slice %arg7[%dma_start3A_427, %dma_start3A_428] : memref<56x1024xf32, #tpu.memory_space<vmem>> -> memref<8x128xf32, #tpu.memory_space<vmem>>
    %dma_start3A_430 = arith.constant 408 : i32
    %dma_start3A_431 = tpu.memref_slice %arg5[%dma_start3A_430] : memref<448xi32, #tpu.memory_space<vmem>> -> memref<8xi32, #tpu.memory_space<vmem>>
    %dma_start3A_432 = arith.constant 0 : i32
    %dma_start3A_433 = arith.constant 0 : i32
    %dma_start3A_434 = tpu.memref_slice %arg3[%dma_start3A_432, %dma_start3A_433] : memref<8000x128xf32, #tpu.memory_space<hbm>> -> memref<8000x128xf32, #tpu.memory_space<hbm>>
    tpu.enqueue_indirect_dma source(%dma_start3A_434 : memref<8000x128xf32, #tpu.memory_space<hbm>>) target(%dma_start3A_429 : memref<8x128xf32, #tpu.memory_space<vmem>>) offsets(%dma_start3A_431 : memref<8xi32, #tpu.memory_space<vmem>>) semaphore(%arg11 : memref<!tpu.dma_semaphore, #tpu.memory_space<semaphore_mem>>)
    %dma_start3A_435 = arith.constant 48 : i32
    %dma_start3A_436 = arith.constant 512 : i32
    %dma_start3A_437 = tpu.memref_slice %arg7[%dma_start3A_435, %dma_start3A_436] : memref<56x1024xf32, #tpu.memory_space<vmem>> -> memref<8x128xf32, #tpu.memory_space<vmem>>
    %dma_start3A_438 = arith.constant 416 : i32
    %dma_start3A_439 = tpu.memref_slice %arg5[%dma_start3A_438] : memref<448xi32, #tpu.memory_space<vmem>> -> memref<8xi32, #tpu.memory_space<vmem>>
    %dma_start3A_440 = arith.constant 0 : i32
    %dma_start3A_441 = arith.constant 0 : i32
    %dma_start3A_442 = tpu.memref_slice %arg3[%dma_start3A_440, %dma_start3A_441] : memref<8000x128xf32, #tpu.memory_space<hbm>> -> memref<8000x128xf32, #tpu.memory_space<hbm>>
    tpu.enqueue_indirect_dma source(%dma_start3A_442 : memref<8000x128xf32, #tpu.memory_space<hbm>>) target(%dma_start3A_437 : memref<8x128xf32, #tpu.memory_space<vmem>>) offsets(%dma_start3A_439 : memref<8xi32, #tpu.memory_space<vmem>>) semaphore(%arg11 : memref<!tpu.dma_semaphore, #tpu.memory_space<semaphore_mem>>)
    %dma_start3A_443 = arith.constant 48 : i32
    %dma_start3A_444 = arith.constant 640 : i32
    %dma_start3A_445 = tpu.memref_slice %arg7[%dma_start3A_443, %dma_start3A_444] : memref<56x1024xf32, #tpu.memory_space<vmem>> -> memref<8x128xf32, #tpu.memory_space<vmem>>
    %dma_start3A_446 = arith.constant 424 : i32
    %dma_start3A_447 = tpu.memref_slice %arg5[%dma_start3A_446] : memref<448xi32, #tpu.memory_space<vmem>> -> memref<8xi32, #tpu.memory_space<vmem>>
    %dma_start3A_448 = arith.constant 0 : i32
    %dma_start3A_449 = arith.constant 0 : i32
    %dma_start3A_450 = tpu.memref_slice %arg3[%dma_start3A_448, %dma_start3A_449] : memref<8000x128xf32, #tpu.memory_space<hbm>> -> memref<8000x128xf32, #tpu.memory_space<hbm>>
    tpu.enqueue_indirect_dma source(%dma_start3A_450 : memref<8000x128xf32, #tpu.memory_space<hbm>>) target(%dma_start3A_445 : memref<8x128xf32, #tpu.memory_space<vmem>>) offsets(%dma_start3A_447 : memref<8xi32, #tpu.memory_space<vmem>>) semaphore(%arg11 : memref<!tpu.dma_semaphore, #tpu.memory_space<semaphore_mem>>)
    %dma_start3A_451 = arith.constant 48 : i32
    %dma_start3A_452 = arith.constant 768 : i32
    %dma_start3A_453 = tpu.memref_slice %arg7[%dma_start3A_451, %dma_start3A_452] : memref<56x1024xf32, #tpu.memory_space<vmem>> -> memref<8x128xf32, #tpu.memory_space<vmem>>
    %dma_start3A_454 = arith.constant 432 : i32
    %dma_start3A_455 = tpu.memref_slice %arg5[%dma_start3A_454] : memref<448xi32, #tpu.memory_space<vmem>> -> memref<8xi32, #tpu.memory_space<vmem>>
    %dma_start3A_456 = arith.constant 0 : i32
    %dma_start3A_457 = arith.constant 0 : i32
    %dma_start3A_458 = tpu.memref_slice %arg3[%dma_start3A_456, %dma_start3A_457] : memref<8000x128xf32, #tpu.memory_space<hbm>> -> memref<8000x128xf32, #tpu.memory_space<hbm>>
    tpu.enqueue_indirect_dma source(%dma_start3A_458 : memref<8000x128xf32, #tpu.memory_space<hbm>>) target(%dma_start3A_453 : memref<8x128xf32, #tpu.memory_space<vmem>>) offsets(%dma_start3A_455 : memref<8xi32, #tpu.memory_space<vmem>>) semaphore(%arg11 : memref<!tpu.dma_semaphore, #tpu.memory_space<semaphore_mem>>)
    %dma_start3A_459 = arith.constant 48 : i32
    %dma_start3A_460 = arith.constant 896 : i32
    %dma_start3A_461 = tpu.memref_slice %arg7[%dma_start3A_459, %dma_start3A_460] : memref<56x1024xf32, #tpu.memory_space<vmem>> -> memref<8x128xf32, #tpu.memory_space<vmem>>
    %dma_start3A_462 = arith.constant 440 : i32
    %dma_start3A_463 = tpu.memref_slice %arg5[%dma_start3A_462] : memref<448xi32, #tpu.memory_space<vmem>> -> memref<8xi32, #tpu.memory_space<vmem>>
    %dma_start3A_464 = arith.constant 0 : i32
    %dma_start3A_465 = arith.constant 0 : i32
    %dma_start3A_466 = tpu.memref_slice %arg3[%dma_start3A_464, %dma_start3A_465] : memref<8000x128xf32, #tpu.memory_space<hbm>> -> memref<8000x128xf32, #tpu.memory_space<hbm>>
    tpu.enqueue_indirect_dma source(%dma_start3A_466 : memref<8000x128xf32, #tpu.memory_space<hbm>>) target(%dma_start3A_461 : memref<8x128xf32, #tpu.memory_space<vmem>>) offsets(%dma_start3A_463 : memref<8xi32, #tpu.memory_space<vmem>>) semaphore(%arg11 : memref<!tpu.dma_semaphore, #tpu.memory_space<semaphore_mem>>)
    %dma_wait3A_467 = arith.constant 0 : i32
    %dma_wait3A_468 = arith.constant 0 : i32
    %dma_wait3A_469 = tpu.memref_slice %arg7[%dma_wait3A_467, %dma_wait3A_468] : memref<56x1024xf32, #tpu.memory_space<vmem>> -> memref<8x1024xf32, #tpu.memory_space<vmem>>
    %dma_wait3A_470 = arith.constant 0 : i32
    %dma_wait3A_471 = arith.constant 0 : i32
    %dma_wait3A_472 = tpu.memref_slice %arg4[%mul3A_2, %dma_wait3A_470, %dma_wait3A_471] : memref<4096x50x1024xf32, #tpu.memory_space<hbm>> -> memref<1x8x1024xf32, #tpu.memory_space<hbm>>
    %dma_wait3A_473 = tpu.memref_squeeze %dma_wait3A_472 : memref<1x8x1024xf32, #tpu.memory_space<hbm>> -> memref<8x1024xf32, #tpu.memory_space<hbm>>
    %dma_wait3A_474 = arith.constant 0 : i32
    %dma_wait3A_475 = arith.constant 0 : i32
    %dma_wait3A_476 = tpu.memref_slice %arg7[%dma_wait3A_474, %dma_wait3A_475] : memref<56x1024xf32, #tpu.memory_space<vmem>> -> memref<8x1024xf32, #tpu.memory_space<vmem>>
    %dma_wait3A_477 = arith.constant 0 : i32
    %dma_wait3A_478 = arith.constant 0 : i32
    %dma_wait3A_479 = tpu.memref_slice %arg4[%mul3A_2, %dma_wait3A_477, %dma_wait3A_478] : memref<4096x50x1024xf32, #tpu.memory_space<hbm>> -> memref<1x8x1024xf32, #tpu.memory_space<hbm>>
    %dma_wait3A_480 = tpu.memref_squeeze %dma_wait3A_479 : memref<1x8x1024xf32, #tpu.memory_space<hbm>> -> memref<8x1024xf32, #tpu.memory_space<hbm>>
    tpu.wait_dma2 semaphore(%arg11 : memref<!tpu.dma_semaphore, #tpu.memory_space<semaphore_mem>>) src(%dma_wait3A_480 : memref<8x1024xf32, #tpu.memory_space<hbm>>) dst(%dma_wait3A_476 : memref<8x1024xf32, #tpu.memory_space<vmem>>)
    %dma_wait3A_481 = arith.constant 0 : i32
    %dma_wait3A_482 = arith.constant 0 : i32
    %dma_wait3A_483 = tpu.memref_slice %arg7[%dma_wait3A_481, %dma_wait3A_482] : memref<56x1024xf32, #tpu.memory_space<vmem>> -> memref<8x1024xf32, #tpu.memory_space<vmem>>
    %dma_wait3A_484 = arith.constant 0 : i32
    %dma_wait3A_485 = arith.constant 0 : i32
    %dma_wait3A_486 = tpu.memref_slice %arg4[%mul3A_2, %dma_wait3A_484, %dma_wait3A_485] : memref<4096x50x1024xf32, #tpu.memory_space<hbm>> -> memref<1x8x1024xf32, #tpu.memory_space<hbm>>
    %dma_wait3A_487 = tpu.memref_squeeze %dma_wait3A_486 : memref<1x8x1024xf32, #tpu.memory_space<hbm>> -> memref<8x1024xf32, #tpu.memory_space<hbm>>
    %dma_wait3A_488 = arith.constant 0 : i32
    %dma_wait3A_489 = arith.constant 0 : i32
    %dma_wait3A_490 = tpu.memref_slice %arg7[%dma_wait3A_488, %dma_wait3A_489] : memref<56x1024xf32, #tpu.memory_space<vmem>> -> memref<8x1024xf32, #tpu.memory_space<vmem>>
    %dma_wait3A_491 = arith.constant 0 : i32
    %dma_wait3A_492 = arith.constant 0 : i32
    %dma_wait3A_493 = tpu.memref_slice %arg4[%mul3A_2, %dma_wait3A_491, %dma_wait3A_492] : memref<4096x50x1024xf32, #tpu.memory_space<hbm>> -> memref<1x8x1024xf32, #tpu.memory_space<hbm>>
    %dma_wait3A_494 = tpu.memref_squeeze %dma_wait3A_493 : memref<1x8x1024xf32, #tpu.memory_space<hbm>> -> memref<8x1024xf32, #tpu.memory_space<hbm>>
    tpu.wait_dma2 semaphore(%arg11 : memref<!tpu.dma_semaphore, #tpu.memory_space<semaphore_mem>>) src(%dma_wait3A_494 : memref<8x1024xf32, #tpu.memory_space<hbm>>) dst(%dma_wait3A_490 : memref<8x1024xf32, #tpu.memory_space<vmem>>)
    %dma_wait3A_495 = arith.constant 0 : i32
    %dma_wait3A_496 = arith.constant 0 : i32
    %dma_wait3A_497 = tpu.memref_slice %arg7[%dma_wait3A_495, %dma_wait3A_496] : memref<56x1024xf32, #tpu.memory_space<vmem>> -> memref<8x1024xf32, #tpu.memory_space<vmem>>
    %dma_wait3A_498 = arith.constant 0 : i32
    %dma_wait3A_499 = arith.constant 0 : i32
    %dma_wait3A_500 = tpu.memref_slice %arg4[%mul3A_2, %dma_wait3A_498, %dma_wait3A_499] : memref<4096x50x1024xf32, #tpu.memory_space<hbm>> -> memref<1x8x1024xf32, #tpu.memory_space<hbm>>
    %dma_wait3A_501 = tpu.memref_squeeze %dma_wait3A_500 : memref<1x8x1024xf32, #tpu.memory_space<hbm>> -> memref<8x1024xf32, #tpu.memory_space<hbm>>
    %dma_wait3A_502 = arith.constant 0 : i32
    %dma_wait3A_503 = arith.constant 0 : i32
    %dma_wait3A_504 = tpu.memref_slice %arg7[%dma_wait3A_502, %dma_wait3A_503] : memref<56x1024xf32, #tpu.memory_space<vmem>> -> memref<8x1024xf32, #tpu.memory_space<vmem>>
    %dma_wait3A_505 = arith.constant 0 : i32
    %dma_wait3A_506 = arith.constant 0 : i32
    %dma_wait3A_507 = tpu.memref_slice %arg4[%mul3A_2, %dma_wait3A_505, %dma_wait3A_506] : memref<4096x50x1024xf32, #tpu.memory_space<hbm>> -> memref<1x8x1024xf32, #tpu.memory_space<hbm>>
    %dma_wait3A_508 = tpu.memref_squeeze %dma_wait3A_507 : memref<1x8x1024xf32, #tpu.memory_space<hbm>> -> memref<8x1024xf32, #tpu.memory_space<hbm>>
    tpu.wait_dma2 semaphore(%arg11 : memref<!tpu.dma_semaphore, #tpu.memory_space<semaphore_mem>>) src(%dma_wait3A_508 : memref<8x1024xf32, #tpu.memory_space<hbm>>) dst(%dma_wait3A_504 : memref<8x1024xf32, #tpu.memory_space<vmem>>)
    %dma_wait3A_509 = arith.constant 0 : i32
    %dma_wait3A_510 = arith.constant 0 : i32
    %dma_wait3A_511 = tpu.memref_slice %arg7[%dma_wait3A_509, %dma_wait3A_510] : memref<56x1024xf32, #tpu.memory_space<vmem>> -> memref<8x1024xf32, #tpu.memory_space<vmem>>
    %dma_wait3A_512 = arith.constant 0 : i32
    %dma_wait3A_513 = arith.constant 0 : i32
    %dma_wait3A_514 = tpu.memref_slice %arg4[%mul3A_2, %dma_wait3A_512, %dma_wait3A_513] : memref<4096x50x1024xf32, #tpu.memory_space<hbm>> -> memref<1x8x1024xf32, #tpu.memory_space<hbm>>
    %dma_wait3A_515 = tpu.memref_squeeze %dma_wait3A_514 : memref<1x8x1024xf32, #tpu.memory_space<hbm>> -> memref<8x1024xf32, #tpu.memory_space<hbm>>
    %dma_wait3A_516 = arith.constant 0 : i32
    %dma_wait3A_517 = arith.constant 0 : i32
    %dma_wait3A_518 = tpu.memref_slice %arg7[%dma_wait3A_516, %dma_wait3A_517] : memref<56x1024xf32, #tpu.memory_space<vmem>> -> memref<8x1024xf32, #tpu.memory_space<vmem>>
    %dma_wait3A_519 = arith.constant 0 : i32
    %dma_wait3A_520 = arith.constant 0 : i32
    %dma_wait3A_521 = tpu.memref_slice %arg4[%mul3A_2, %dma_wait3A_519, %dma_wait3A_520] : memref<4096x50x1024xf32, #tpu.memory_space<hbm>> -> memref<1x8x1024xf32, #tpu.memory_space<hbm>>
    %dma_wait3A_522 = tpu.memref_squeeze %dma_wait3A_521 : memref<1x8x1024xf32, #tpu.memory_space<hbm>> -> memref<8x1024xf32, #tpu.memory_space<hbm>>
    tpu.wait_dma2 semaphore(%arg11 : memref<!tpu.dma_semaphore, #tpu.memory_space<semaphore_mem>>) src(%dma_wait3A_522 : memref<8x1024xf32, #tpu.memory_space<hbm>>) dst(%dma_wait3A_518 : memref<8x1024xf32, #tpu.memory_space<vmem>>)
    %dma_wait3A_523 = arith.constant 0 : i32
    %dma_wait3A_524 = arith.constant 0 : i32
    %dma_wait3A_525 = tpu.memref_slice %arg7[%dma_wait3A_523, %dma_wait3A_524] : memref<56x1024xf32, #tpu.memory_space<vmem>> -> memref<8x1024xf32, #tpu.memory_space<vmem>>
    %dma_wait3A_526 = arith.constant 0 : i32
    %dma_wait3A_527 = arith.constant 0 : i32
    %dma_wait3A_528 = tpu.memref_slice %arg4[%mul3A_2, %dma_wait3A_526, %dma_wait3A_527] : memref<4096x50x1024xf32, #tpu.memory_space<hbm>> -> memref<1x8x1024xf32, #tpu.memory_space<hbm>>
    %dma_wait3A_529 = tpu.memref_squeeze %dma_wait3A_528 : memref<1x8x1024xf32, #tpu.memory_space<hbm>> -> memref<8x1024xf32, #tpu.memory_space<hbm>>
    %dma_wait3A_530 = arith.constant 0 : i32
    %dma_wait3A_531 = arith.constant 0 : i32
    %dma_wait3A_532 = tpu.memref_slice %arg7[%dma_wait3A_530, %dma_wait3A_531] : memref<56x1024xf32, #tpu.memory_space<vmem>> -> memref<8x1024xf32, #tpu.memory_space<vmem>>
    %dma_wait3A_533 = arith.constant 0 : i32
    %dma_wait3A_534 = arith.constant 0 : i32
    %dma_wait3A_535 = tpu.memref_slice %arg4[%mul3A_2, %dma_wait3A_533, %dma_wait3A_534] : memref<4096x50x1024xf32, #tpu.memory_space<hbm>> -> memref<1x8x1024xf32, #tpu.memory_space<hbm>>
    %dma_wait3A_536 = tpu.memref_squeeze %dma_wait3A_535 : memref<1x8x1024xf32, #tpu.memory_space<hbm>> -> memref<8x1024xf32, #tpu.memory_space<hbm>>
    tpu.wait_dma2 semaphore(%arg11 : memref<!tpu.dma_semaphore, #tpu.memory_space<semaphore_mem>>) src(%dma_wait3A_536 : memref<8x1024xf32, #tpu.memory_space<hbm>>) dst(%dma_wait3A_532 : memref<8x1024xf32, #tpu.memory_space<vmem>>)
    %dma_wait3A_537 = arith.constant 0 : i32
    %dma_wait3A_538 = arith.constant 0 : i32
    %dma_wait3A_539 = tpu.memref_slice %arg7[%dma_wait3A_537, %dma_wait3A_538] : memref<56x1024xf32, #tpu.memory_space<vmem>> -> memref<8x1024xf32, #tpu.memory_space<vmem>>
    %dma_wait3A_540 = arith.constant 0 : i32
    %dma_wait3A_541 = arith.constant 0 : i32
    %dma_wait3A_542 = tpu.memref_slice %arg4[%mul3A_2, %dma_wait3A_540, %dma_wait3A_541] : memref<4096x50x1024xf32, #tpu.memory_space<hbm>> -> memref<1x8x1024xf32, #tpu.memory_space<hbm>>
    %dma_wait3A_543 = tpu.memref_squeeze %dma_wait3A_542 : memref<1x8x1024xf32, #tpu.memory_space<hbm>> -> memref<8x1024xf32, #tpu.memory_space<hbm>>
    %dma_wait3A_544 = arith.constant 0 : i32
    %dma_wait3A_545 = arith.constant 0 : i32
    %dma_wait3A_546 = tpu.memref_slice %arg7[%dma_wait3A_544, %dma_wait3A_545] : memref<56x1024xf32, #tpu.memory_space<vmem>> -> memref<8x1024xf32, #tpu.memory_space<vmem>>
    %dma_wait3A_547 = arith.constant 0 : i32
    %dma_wait3A_548 = arith.constant 0 : i32
    %dma_wait3A_549 = tpu.memref_slice %arg4[%mul3A_2, %dma_wait3A_547, %dma_wait3A_548] : memref<4096x50x1024xf32, #tpu.memory_space<hbm>> -> memref<1x8x1024xf32, #tpu.memory_space<hbm>>
    %dma_wait3A_550 = tpu.memref_squeeze %dma_wait3A_549 : memref<1x8x1024xf32, #tpu.memory_space<hbm>> -> memref<8x1024xf32, #tpu.memory_space<hbm>>
    tpu.wait_dma2 semaphore(%arg11 : memref<!tpu.dma_semaphore, #tpu.memory_space<semaphore_mem>>) src(%dma_wait3A_550 : memref<8x1024xf32, #tpu.memory_space<hbm>>) dst(%dma_wait3A_546 : memref<8x1024xf32, #tpu.memory_space<vmem>>)
    %dma_wait3A_551 = arith.constant 0 : i32
    %dma_wait3A_552 = arith.constant 0 : i32
    %dma_wait3A_553 = tpu.memref_slice %arg7[%dma_wait3A_551, %dma_wait3A_552] : memref<56x1024xf32, #tpu.memory_space<vmem>> -> memref<8x1024xf32, #tpu.memory_space<vmem>>
    %dma_wait3A_554 = arith.constant 0 : i32
    %dma_wait3A_555 = arith.constant 0 : i32
    %dma_wait3A_556 = tpu.memref_slice %arg4[%mul3A_2, %dma_wait3A_554, %dma_wait3A_555] : memref<4096x50x1024xf32, #tpu.memory_space<hbm>> -> memref<1x8x1024xf32, #tpu.memory_space<hbm>>
    %dma_wait3A_557 = tpu.memref_squeeze %dma_wait3A_556 : memref<1x8x1024xf32, #tpu.memory_space<hbm>> -> memref<8x1024xf32, #tpu.memory_space<hbm>>
    %dma_wait3A_558 = arith.constant 0 : i32
    %dma_wait3A_559 = arith.constant 0 : i32
    %dma_wait3A_560 = tpu.memref_slice %arg7[%dma_wait3A_558, %dma_wait3A_559] : memref<56x1024xf32, #tpu.memory_space<vmem>> -> memref<8x1024xf32, #tpu.memory_space<vmem>>
    %dma_wait3A_561 = arith.constant 0 : i32
    %dma_wait3A_562 = arith.constant 0 : i32
    %dma_wait3A_563 = tpu.memref_slice %arg4[%mul3A_2, %dma_wait3A_561, %dma_wait3A_562] : memref<4096x50x1024xf32, #tpu.memory_space<hbm>> -> memref<1x8x1024xf32, #tpu.memory_space<hbm>>
    %dma_wait3A_564 = tpu.memref_squeeze %dma_wait3A_563 : memref<1x8x1024xf32, #tpu.memory_space<hbm>> -> memref<8x1024xf32, #tpu.memory_space<hbm>>
    tpu.wait_dma2 semaphore(%arg11 : memref<!tpu.dma_semaphore, #tpu.memory_space<semaphore_mem>>) src(%dma_wait3A_564 : memref<8x1024xf32, #tpu.memory_space<hbm>>) dst(%dma_wait3A_560 : memref<8x1024xf32, #tpu.memory_space<vmem>>)
    %add3A_565 = arith.constant 0 : i32
    %add3A_566 = arith.addi %mul3A_2, %add3A_565 : i32
    %dma_start3A_567 = arith.constant 0 : i32
    %dma_start3A_568 = arith.constant 0 : i32
    %dma_start3A_569 = tpu.memref_slice %arg7[%dma_start3A_567, %dma_start3A_568] : memref<56x1024xf32, #tpu.memory_space<vmem>> -> memref<8x1024xf32, #tpu.memory_space<vmem>>
    %dma_start3A_570 = arith.constant 0 : i32
    %dma_start3A_571 = arith.constant 0 : i32
    %dma_start3A_572 = tpu.memref_slice %arg4[%add3A_566, %dma_start3A_570, %dma_start3A_571] : memref<4096x50x1024xf32, #tpu.memory_space<hbm>> -> memref<1x8x1024xf32, #tpu.memory_space<hbm>>
    %dma_start3A_573 = tpu.memref_squeeze %dma_start3A_572 : memref<1x8x1024xf32, #tpu.memory_space<hbm>> -> memref<8x1024xf32, #tpu.memory_space<hbm>>
    %dma_start3A_574 = arith.constant 0 : i32
    %dma_start3A_575 = arith.constant 0 : i32
    %dma_start3A_576 = tpu.memref_slice %arg4[%add3A_566, %dma_start3A_574, %dma_start3A_575] : memref<4096x50x1024xf32, #tpu.memory_space<hbm>> -> memref<1x8x1024xf32, #tpu.memory_space<hbm>>
    %dma_start3A_577 = tpu.memref_squeeze %dma_start3A_576 : memref<1x8x1024xf32, #tpu.memory_space<hbm>> -> memref<8x1024xf32, #tpu.memory_space<hbm>>
    %dma_start3A_578 = arith.constant 0 : i32
    %dma_start3A_579 = arith.constant 0 : i32
    %dma_start3A_580 = tpu.memref_slice %arg7[%dma_start3A_578, %dma_start3A_579] : memref<56x1024xf32, #tpu.memory_space<vmem>> -> memref<8x1024xf32, #tpu.memory_space<vmem>>
    tpu.enqueue_dma source(%dma_start3A_580 : memref<8x1024xf32, #tpu.memory_space<vmem>>) target(%dma_start3A_577 : memref<8x1024xf32, #tpu.memory_space<hbm>>) target_semaphore(%arg13 : memref<!tpu.dma_semaphore, #tpu.memory_space<semaphore_mem>>)
    %dma_start3A_581 = arith.constant 8 : i32
    %dma_start3A_582 = arith.constant 0 : i32
    %dma_start3A_583 = tpu.memref_slice %arg7[%dma_start3A_581, %dma_start3A_582] : memref<56x1024xf32, #tpu.memory_space<vmem>> -> memref<8x1024xf32, #tpu.memory_space<vmem>>
    %dma_start3A_584 = arith.constant 8 : i32
    %dma_start3A_585 = arith.constant 0 : i32
    %dma_start3A_586 = tpu.memref_slice %arg4[%add3A_566, %dma_start3A_584, %dma_start3A_585] : memref<4096x50x1024xf32, #tpu.memory_space<hbm>> -> memref<1x8x1024xf32, #tpu.memory_space<hbm>>
    %dma_start3A_587 = tpu.memref_squeeze %dma_start3A_586 : memref<1x8x1024xf32, #tpu.memory_space<hbm>> -> memref<8x1024xf32, #tpu.memory_space<hbm>>
    %dma_start3A_588 = arith.constant 8 : i32
    %dma_start3A_589 = arith.constant 0 : i32
    %dma_start3A_590 = tpu.memref_slice %arg4[%add3A_566, %dma_start3A_588, %dma_start3A_589] : memref<4096x50x1024xf32, #tpu.memory_space<hbm>> -> memref<1x8x1024xf32, #tpu.memory_space<hbm>>
    %dma_start3A_591 = tpu.memref_squeeze %dma_start3A_590 : memref<1x8x1024xf32, #tpu.memory_space<hbm>> -> memref<8x1024xf32, #tpu.memory_space<hbm>>
    %dma_start3A_592 = arith.constant 8 : i32
    %dma_start3A_593 = arith.constant 0 : i32
    %dma_start3A_594 = tpu.memref_slice %arg7[%dma_start3A_592, %dma_start3A_593] : memref<56x1024xf32, #tpu.memory_space<vmem>> -> memref<8x1024xf32, #tpu.memory_space<vmem>>
    tpu.enqueue_dma source(%dma_start3A_594 : memref<8x1024xf32, #tpu.memory_space<vmem>>) target(%dma_start3A_591 : memref<8x1024xf32, #tpu.memory_space<hbm>>) target_semaphore(%arg13 : memref<!tpu.dma_semaphore, #tpu.memory_space<semaphore_mem>>)
    %dma_start3A_595 = arith.constant 16 : i32
    %dma_start3A_596 = arith.constant 0 : i32
    %dma_start3A_597 = tpu.memref_slice %arg7[%dma_start3A_595, %dma_start3A_596] : memref<56x1024xf32, #tpu.memory_space<vmem>> -> memref<8x1024xf32, #tpu.memory_space<vmem>>
    %dma_start3A_598 = arith.constant 16 : i32
    %dma_start3A_599 = arith.constant 0 : i32
    %dma_start3A_600 = tpu.memref_slice %arg4[%add3A_566, %dma_start3A_598, %dma_start3A_599] : memref<4096x50x1024xf32, #tpu.memory_space<hbm>> -> memref<1x8x1024xf32, #tpu.memory_space<hbm>>
    %dma_start3A_601 = tpu.memref_squeeze %dma_start3A_600 : memref<1x8x1024xf32, #tpu.memory_space<hbm>> -> memref<8x1024xf32, #tpu.memory_space<hbm>>
    %dma_start3A_602 = arith.constant 16 : i32
    %dma_start3A_603 = arith.constant 0 : i32
    %dma_start3A_604 = tpu.memref_slice %arg4[%add3A_566, %dma_start3A_602, %dma_start3A_603] : memref<4096x50x1024xf32, #tpu.memory_space<hbm>> -> memref<1x8x1024xf32, #tpu.memory_space<hbm>>
    %dma_start3A_605 = tpu.memref_squeeze %dma_start3A_604 : memref<1x8x1024xf32, #tpu.memory_space<hbm>> -> memref<8x1024xf32, #tpu.memory_space<hbm>>
    %dma_start3A_606 = arith.constant 16 : i32
    %dma_start3A_607 = arith.constant 0 : i32
    %dma_start3A_608 = tpu.memref_slice %arg7[%dma_start3A_606, %dma_start3A_607] : memref<56x1024xf32, #tpu.memory_space<vmem>> -> memref<8x1024xf32, #tpu.memory_space<vmem>>
    tpu.enqueue_dma source(%dma_start3A_608 : memref<8x1024xf32, #tpu.memory_space<vmem>>) target(%dma_start3A_605 : memref<8x1024xf32, #tpu.memory_space<hbm>>) target_semaphore(%arg13 : memref<!tpu.dma_semaphore, #tpu.memory_space<semaphore_mem>>)
    %dma_start3A_609 = arith.constant 24 : i32
    %dma_start3A_610 = arith.constant 0 : i32
    %dma_start3A_611 = tpu.memref_slice %arg7[%dma_start3A_609, %dma_start3A_610] : memref<56x1024xf32, #tpu.memory_space<vmem>> -> memref<8x1024xf32, #tpu.memory_space<vmem>>
    %dma_start3A_612 = arith.constant 24 : i32
    %dma_start3A_613 = arith.constant 0 : i32
    %dma_start3A_614 = tpu.memref_slice %arg4[%add3A_566, %dma_start3A_612, %dma_start3A_613] : memref<4096x50x1024xf32, #tpu.memory_space<hbm>> -> memref<1x8x1024xf32, #tpu.memory_space<hbm>>
    %dma_start3A_615 = tpu.memref_squeeze %dma_start3A_614 : memref<1x8x1024xf32, #tpu.memory_space<hbm>> -> memref<8x1024xf32, #tpu.memory_space<hbm>>
    %dma_start3A_616 = arith.constant 24 : i32
    %dma_start3A_617 = arith.constant 0 : i32
    %dma_start3A_618 = tpu.memref_slice %arg4[%add3A_566, %dma_start3A_616, %dma_start3A_617] : memref<4096x50x1024xf32, #tpu.memory_space<hbm>> -> memref<1x8x1024xf32, #tpu.memory_space<hbm>>
    %dma_start3A_619 = tpu.memref_squeeze %dma_start3A_618 : memref<1x8x1024xf32, #tpu.memory_space<hbm>> -> memref<8x1024xf32, #tpu.memory_space<hbm>>
    %dma_start3A_620 = arith.constant 24 : i32
    %dma_start3A_621 = arith.constant 0 : i32
    %dma_start3A_622 = tpu.memref_slice %arg7[%dma_start3A_620, %dma_start3A_621] : memref<56x1024xf32, #tpu.memory_space<vmem>> -> memref<8x1024xf32, #tpu.memory_space<vmem>>
    tpu.enqueue_dma source(%dma_start3A_622 : memref<8x1024xf32, #tpu.memory_space<vmem>>) target(%dma_start3A_619 : memref<8x1024xf32, #tpu.memory_space<hbm>>) target_semaphore(%arg13 : memref<!tpu.dma_semaphore, #tpu.memory_space<semaphore_mem>>)
    %dma_start3A_623 = arith.constant 32 : i32
    %dma_start3A_624 = arith.constant 0 : i32
    %dma_start3A_625 = tpu.memref_slice %arg7[%dma_start3A_623, %dma_start3A_624] : memref<56x1024xf32, #tpu.memory_space<vmem>> -> memref<8x1024xf32, #tpu.memory_space<vmem>>
    %dma_start3A_626 = arith.constant 32 : i32
    %dma_start3A_627 = arith.constant 0 : i32
    %dma_start3A_628 = tpu.memref_slice %arg4[%add3A_566, %dma_start3A_626, %dma_start3A_627] : memref<4096x50x1024xf32, #tpu.memory_space<hbm>> -> memref<1x8x1024xf32, #tpu.memory_space<hbm>>
    %dma_start3A_629 = tpu.memref_squeeze %dma_start3A_628 : memref<1x8x1024xf32, #tpu.memory_space<hbm>> -> memref<8x1024xf32, #tpu.memory_space<hbm>>
    %dma_start3A_630 = arith.constant 32 : i32
    %dma_start3A_631 = arith.constant 0 : i32
    %dma_start3A_632 = tpu.memref_slice %arg4[%add3A_566, %dma_start3A_630, %dma_start3A_631] : memref<4096x50x1024xf32, #tpu.memory_space<hbm>> -> memref<1x8x1024xf32, #tpu.memory_space<hbm>>
    %dma_start3A_633 = tpu.memref_squeeze %dma_start3A_632 : memref<1x8x1024xf32, #tpu.memory_space<hbm>> -> memref<8x1024xf32, #tpu.memory_space<hbm>>
    %dma_start3A_634 = arith.constant 32 : i32
    %dma_start3A_635 = arith.constant 0 : i32
    %dma_start3A_636 = tpu.memref_slice %arg7[%dma_start3A_634, %dma_start3A_635] : memref<56x1024xf32, #tpu.memory_space<vmem>> -> memref<8x1024xf32, #tpu.memory_space<vmem>>
    tpu.enqueue_dma source(%dma_start3A_636 : memref<8x1024xf32, #tpu.memory_space<vmem>>) target(%dma_start3A_633 : memref<8x1024xf32, #tpu.memory_space<hbm>>) target_semaphore(%arg13 : memref<!tpu.dma_semaphore, #tpu.memory_space<semaphore_mem>>)
    %dma_start3A_637 = arith.constant 40 : i32
    %dma_start3A_638 = arith.constant 0 : i32
    %dma_start3A_639 = tpu.memref_slice %arg7[%dma_start3A_637, %dma_start3A_638] : memref<56x1024xf32, #tpu.memory_space<vmem>> -> memref<8x1024xf32, #tpu.memory_space<vmem>>
    %dma_start3A_640 = arith.constant 40 : i32
    %dma_start3A_641 = arith.constant 0 : i32
    %dma_start3A_642 = tpu.memref_slice %arg4[%add3A_566, %dma_start3A_640, %dma_start3A_641] : memref<4096x50x1024xf32, #tpu.memory_space<hbm>> -> memref<1x8x1024xf32, #tpu.memory_space<hbm>>
    %dma_start3A_643 = tpu.memref_squeeze %dma_start3A_642 : memref<1x8x1024xf32, #tpu.memory_space<hbm>> -> memref<8x1024xf32, #tpu.memory_space<hbm>>
    %dma_start3A_644 = arith.constant 40 : i32
    %dma_start3A_645 = arith.constant 0 : i32
    %dma_start3A_646 = tpu.memref_slice %arg4[%add3A_566, %dma_start3A_644, %dma_start3A_645] : memref<4096x50x1024xf32, #tpu.memory_space<hbm>> -> memref<1x8x1024xf32, #tpu.memory_space<hbm>>
    %dma_start3A_647 = tpu.memref_squeeze %dma_start3A_646 : memref<1x8x1024xf32, #tpu.memory_space<hbm>> -> memref<8x1024xf32, #tpu.memory_space<hbm>>
    %dma_start3A_648 = arith.constant 40 : i32
    %dma_start3A_649 = arith.constant 0 : i32
    %dma_start3A_650 = tpu.memref_slice %arg7[%dma_start3A_648, %dma_start3A_649] : memref<56x1024xf32, #tpu.memory_space<vmem>> -> memref<8x1024xf32, #tpu.memory_space<vmem>>
    tpu.enqueue_dma source(%dma_start3A_650 : memref<8x1024xf32, #tpu.memory_space<vmem>>) target(%dma_start3A_647 : memref<8x1024xf32, #tpu.memory_space<hbm>>) target_semaphore(%arg13 : memref<!tpu.dma_semaphore, #tpu.memory_space<semaphore_mem>>)
    %dma_start3A_651 = arith.constant 48 : i32
    %dma_start3A_652 = arith.constant 0 : i32
    %dma_start3A_653 = tpu.memref_slice %arg7[%dma_start3A_651, %dma_start3A_652] : memref<56x1024xf32, #tpu.memory_space<vmem>> -> memref<2x1024xf32, #tpu.memory_space<vmem>>
    %dma_start3A_654 = arith.constant 48 : i32
    %dma_start3A_655 = arith.constant 0 : i32
    %dma_start3A_656 = tpu.memref_slice %arg4[%add3A_566, %dma_start3A_654, %dma_start3A_655] : memref<4096x50x1024xf32, #tpu.memory_space<hbm>> -> memref<1x2x1024xf32, #tpu.memory_space<hbm>>
    %dma_start3A_657 = tpu.memref_squeeze %dma_start3A_656 : memref<1x2x1024xf32, #tpu.memory_space<hbm>> -> memref<2x1024xf32, #tpu.memory_space<hbm>>
    %dma_start3A_658 = arith.constant 48 : i32
    %dma_start3A_659 = arith.constant 0 : i32
    %dma_start3A_660 = tpu.memref_slice %arg4[%add3A_566, %dma_start3A_658, %dma_start3A_659] : memref<4096x50x1024xf32, #tpu.memory_space<hbm>> -> memref<1x2x1024xf32, #tpu.memory_space<hbm>>
    %dma_start3A_661 = tpu.memref_squeeze %dma_start3A_660 : memref<1x2x1024xf32, #tpu.memory_space<hbm>> -> memref<2x1024xf32, #tpu.memory_space<hbm>>
    %dma_start3A_662 = arith.constant 48 : i32
    %dma_start3A_663 = arith.constant 0 : i32
    %dma_start3A_664 = tpu.memref_slice %arg7[%dma_start3A_662, %dma_start3A_663] : memref<56x1024xf32, #tpu.memory_space<vmem>> -> memref<2x1024xf32, #tpu.memory_space<vmem>>
    tpu.enqueue_dma source(%dma_start3A_664 : memref<2x1024xf32, #tpu.memory_space<vmem>>) target(%dma_start3A_661 : memref<2x1024xf32, #tpu.memory_space<hbm>>) target_semaphore(%arg13 : memref<!tpu.dma_semaphore, #tpu.memory_space<semaphore_mem>>)
    %add3A_665 = arith.constant 2 : i32
    %add3A_666 = arith.addi %mul3A_2, %add3A_665 : i32
    %mul3A_667 = arith.constant 448 : i32
    %mul3A_668 = arith.muli %add3A_666, %mul3A_667 : i32
    %dma_start3A_669 = tpu.memref_slice %arg2[%mul3A_668] : memref<1835904xi32, #tpu.memory_space<hbm>> -> memref<448xi32, #tpu.memory_space<hbm>>
    %dma_start3A_670 = tpu.memref_slice %arg2[%mul3A_668] : memref<1835904xi32, #tpu.memory_space<hbm>> -> memref<448xi32, #tpu.memory_space<hbm>>
    tpu.enqueue_dma source(%dma_start3A_670 : memref<448xi32, #tpu.memory_space<hbm>>) target(%arg5 : memref<448xi32, #tpu.memory_space<vmem>>) target_semaphore(%arg9 : memref<!tpu.dma_semaphore, #tpu.memory_space<semaphore_mem>>)
    %add3A_671 = arith.constant 1 : i32
    %add3A_672 = arith.addi %mul3A_2, %add3A_671 : i32
    %mul3A_673 = arith.constant 448 : i32
    %mul3A_674 = arith.muli %add3A_672, %mul3A_673 : i32
    %dma_wait3A_675 = tpu.memref_slice %arg2[%mul3A_674] : memref<1835904xi32, #tpu.memory_space<hbm>> -> memref<448xi32, #tpu.memory_space<hbm>>
    %dma_wait3A_676 = tpu.memref_slice %arg2[%mul3A_674] : memref<1835904xi32, #tpu.memory_space<hbm>> -> memref<448xi32, #tpu.memory_space<hbm>>
    tpu.wait_dma2 semaphore(%arg10 : memref<!tpu.dma_semaphore, #tpu.memory_space<semaphore_mem>>) src(%dma_wait3A_676 : memref<448xi32, #tpu.memory_space<hbm>>) dst(%arg6 : memref<448xi32, #tpu.memory_space<vmem>>)
    %dma_start3A_677 = arith.constant 0 : i32
    %dma_start3A_678 = arith.constant 0 : i32
    %dma_start3A_679 = tpu.memref_slice %arg8[%dma_start3A_677, %dma_start3A_678] : memref<56x1024xf32, #tpu.memory_space<vmem>> -> memref<8x128xf32, #tpu.memory_space<vmem>>
    %dma_start3A_680 = arith.constant 0 : i32
    %dma_start3A_681 = tpu.memref_slice %arg6[%dma_start3A_680] : memref<448xi32, #tpu.memory_space<vmem>> -> memref<8xi32, #tpu.memory_space<vmem>>
    %dma_start3A_682 = arith.constant 0 : i32
    %dma_start3A_683 = arith.constant 0 : i32
    %dma_start3A_684 = tpu.memref_slice %arg3[%dma_start3A_682, %dma_start3A_683] : memref<8000x128xf32, #tpu.memory_space<hbm>> -> memref<8000x128xf32, #tpu.memory_space<hbm>>
    tpu.enqueue_indirect_dma source(%dma_start3A_684 : memref<8000x128xf32, #tpu.memory_space<hbm>>) target(%dma_start3A_679 : memref<8x128xf32, #tpu.memory_space<vmem>>) offsets(%dma_start3A_681 : memref<8xi32, #tpu.memory_space<vmem>>) semaphore(%arg12 : memref<!tpu.dma_semaphore, #tpu.memory_space<semaphore_mem>>)
    %dma_start3A_685 = arith.constant 0 : i32
    %dma_start3A_686 = arith.constant 128 : i32
    %dma_start3A_687 = tpu.memref_slice %arg8[%dma_start3A_685, %dma_start3A_686] : memref<56x1024xf32, #tpu.memory_space<vmem>> -> memref<8x128xf32, #tpu.memory_space<vmem>>
    %dma_start3A_688 = arith.constant 8 : i32
    %dma_start3A_689 = tpu.memref_slice %arg6[%dma_start3A_688] : memref<448xi32, #tpu.memory_space<vmem>> -> memref<8xi32, #tpu.memory_space<vmem>>
    %dma_start3A_690 = arith.constant 0 : i32
    %dma_start3A_691 = arith.constant 0 : i32
    %dma_start3A_692 = tpu.memref_slice %arg3[%dma_start3A_690, %dma_start3A_691] : memref<8000x128xf32, #tpu.memory_space<hbm>> -> memref<8000x128xf32, #tpu.memory_space<hbm>>
    tpu.enqueue_indirect_dma source(%dma_start3A_692 : memref<8000x128xf32, #tpu.memory_space<hbm>>) target(%dma_start3A_687 : memref<8x128xf32, #tpu.memory_space<vmem>>) offsets(%dma_start3A_689 : memref<8xi32, #tpu.memory_space<vmem>>) semaphore(%arg12 : memref<!tpu.dma_semaphore, #tpu.memory_space<semaphore_mem>>)
    %dma_start3A_693 = arith.constant 0 : i32
    %dma_start3A_694 = arith.constant 256 : i32
    %dma_start3A_695 = tpu.memref_slice %arg8[%dma_start3A_693, %dma_start3A_694] : memref<56x1024xf32, #tpu.memory_space<vmem>> -> memref<8x128xf32, #tpu.memory_space<vmem>>
    %dma_start3A_696 = arith.constant 16 : i32
    %dma_start3A_697 = tpu.memref_slice %arg6[%dma_start3A_696] : memref<448xi32, #tpu.memory_space<vmem>> -> memref<8xi32, #tpu.memory_space<vmem>>
    %dma_start3A_698 = arith.constant 0 : i32
    %dma_start3A_699 = arith.constant 0 : i32
    %dma_start3A_700 = tpu.memref_slice %arg3[%dma_start3A_698, %dma_start3A_699] : memref<8000x128xf32, #tpu.memory_space<hbm>> -> memref<8000x128xf32, #tpu.memory_space<hbm>>
    tpu.enqueue_indirect_dma source(%dma_start3A_700 : memref<8000x128xf32, #tpu.memory_space<hbm>>) target(%dma_start3A_695 : memref<8x128xf32, #tpu.memory_space<vmem>>) offsets(%dma_start3A_697 : memref<8xi32, #tpu.memory_space<vmem>>) semaphore(%arg12 : memref<!tpu.dma_semaphore, #tpu.memory_space<semaphore_mem>>)
    %dma_start3A_701 = arith.constant 0 : i32
    %dma_start3A_702 = arith.constant 384 : i32
    %dma_start3A_703 = tpu.memref_slice %arg8[%dma_start3A_701, %dma_start3A_702] : memref<56x1024xf32, #tpu.memory_space<vmem>> -> memref<8x128xf32, #tpu.memory_space<vmem>>
    %dma_start3A_704 = arith.constant 24 : i32
    %dma_start3A_705 = tpu.memref_slice %arg6[%dma_start3A_704] : memref<448xi32, #tpu.memory_space<vmem>> -> memref<8xi32, #tpu.memory_space<vmem>>
    %dma_start3A_706 = arith.constant 0 : i32
    %dma_start3A_707 = arith.constant 0 : i32
    %dma_start3A_708 = tpu.memref_slice %arg3[%dma_start3A_706, %dma_start3A_707] : memref<8000x128xf32, #tpu.memory_space<hbm>> -> memref<8000x128xf32, #tpu.memory_space<hbm>>
    tpu.enqueue_indirect_dma source(%dma_start3A_708 : memref<8000x128xf32, #tpu.memory_space<hbm>>) target(%dma_start3A_703 : memref<8x128xf32, #tpu.memory_space<vmem>>) offsets(%dma_start3A_705 : memref<8xi32, #tpu.memory_space<vmem>>) semaphore(%arg12 : memref<!tpu.dma_semaphore, #tpu.memory_space<semaphore_mem>>)
    %dma_start3A_709 = arith.constant 0 : i32
    %dma_start3A_710 = arith.constant 512 : i32
    %dma_start3A_711 = tpu.memref_slice %arg8[%dma_start3A_709, %dma_start3A_710] : memref<56x1024xf32, #tpu.memory_space<vmem>> -> memref<8x128xf32, #tpu.memory_space<vmem>>
    %dma_start3A_712 = arith.constant 32 : i32
    %dma_start3A_713 = tpu.memref_slice %arg6[%dma_start3A_712] : memref<448xi32, #tpu.memory_space<vmem>> -> memref<8xi32, #tpu.memory_space<vmem>>
    %dma_start3A_714 = arith.constant 0 : i32
    %dma_start3A_715 = arith.constant 0 : i32
    %dma_start3A_716 = tpu.memref_slice %arg3[%dma_start3A_714, %dma_start3A_715] : memref<8000x128xf32, #tpu.memory_space<hbm>> -> memref<8000x128xf32, #tpu.memory_space<hbm>>
    tpu.enqueue_indirect_dma source(%dma_start3A_716 : memref<8000x128xf32, #tpu.memory_space<hbm>>) target(%dma_start3A_711 : memref<8x128xf32, #tpu.memory_space<vmem>>) offsets(%dma_start3A_713 : memref<8xi32, #tpu.memory_space<vmem>>) semaphore(%arg12 : memref<!tpu.dma_semaphore, #tpu.memory_space<semaphore_mem>>)
    %dma_start3A_717 = arith.constant 0 : i32
    %dma_start3A_718 = arith.constant 640 : i32
    %dma_start3A_719 = tpu.memref_slice %arg8[%dma_start3A_717, %dma_start3A_718] : memref<56x1024xf32, #tpu.memory_space<vmem>> -> memref<8x128xf32, #tpu.memory_space<vmem>>
    %dma_start3A_720 = arith.constant 40 : i32
    %dma_start3A_721 = tpu.memref_slice %arg6[%dma_start3A_720] : memref<448xi32, #tpu.memory_space<vmem>> -> memref<8xi32, #tpu.memory_space<vmem>>
    %dma_start3A_722 = arith.constant 0 : i32
    %dma_start3A_723 = arith.constant 0 : i32
    %dma_start3A_724 = tpu.memref_slice %arg3[%dma_start3A_722, %dma_start3A_723] : memref<8000x128xf32, #tpu.memory_space<hbm>> -> memref<8000x128xf32, #tpu.memory_space<hbm>>
    tpu.enqueue_indirect_dma source(%dma_start3A_724 : memref<8000x128xf32, #tpu.memory_space<hbm>>) target(%dma_start3A_719 : memref<8x128xf32, #tpu.memory_space<vmem>>) offsets(%dma_start3A_721 : memref<8xi32, #tpu.memory_space<vmem>>) semaphore(%arg12 : memref<!tpu.dma_semaphore, #tpu.memory_space<semaphore_mem>>)
    %dma_start3A_725 = arith.constant 0 : i32
    %dma_start3A_726 = arith.constant 768 : i32
    %dma_start3A_727 = tpu.memref_slice %arg8[%dma_start3A_725, %dma_start3A_726] : memref<56x1024xf32, #tpu.memory_space<vmem>> -> memref<8x128xf32, #tpu.memory_space<vmem>>
    %dma_start3A_728 = arith.constant 48 : i32
    %dma_start3A_729 = tpu.memref_slice %arg6[%dma_start3A_728] : memref<448xi32, #tpu.memory_space<vmem>> -> memref<8xi32, #tpu.memory_space<vmem>>
    %dma_start3A_730 = arith.constant 0 : i32
    %dma_start3A_731 = arith.constant 0 : i32
    %dma_start3A_732 = tpu.memref_slice %arg3[%dma_start3A_730, %dma_start3A_731] : memref<8000x128xf32, #tpu.memory_space<hbm>> -> memref<8000x128xf32, #tpu.memory_space<hbm>>
    tpu.enqueue_indirect_dma source(%dma_start3A_732 : memref<8000x128xf32, #tpu.memory_space<hbm>>) target(%dma_start3A_727 : memref<8x128xf32, #tpu.memory_space<vmem>>) offsets(%dma_start3A_729 : memref<8xi32, #tpu.memory_space<vmem>>) semaphore(%arg12 : memref<!tpu.dma_semaphore, #tpu.memory_space<semaphore_mem>>)
    %dma_start3A_733 = arith.constant 0 : i32
    %dma_start3A_734 = arith.constant 896 : i32
    %dma_start3A_735 = tpu.memref_slice %arg8[%dma_start3A_733, %dma_start3A_734] : memref<56x1024xf32, #tpu.memory_space<vmem>> -> memref<8x128xf32, #tpu.memory_space<vmem>>
    %dma_start3A_736 = arith.constant 56 : i32
    %dma_start3A_737 = tpu.memref_slice %arg6[%dma_start3A_736] : memref<448xi32, #tpu.memory_space<vmem>> -> memref<8xi32, #tpu.memory_space<vmem>>
    %dma_start3A_738 = arith.constant 0 : i32
    %dma_start3A_739 = arith.constant 0 : i32
    %dma_start3A_740 = tpu.memref_slice %arg3[%dma_start3A_738, %dma_start3A_739] : memref<8000x128xf32, #tpu.memory_space<hbm>> -> memref<8000x128xf32, #tpu.memory_space<hbm>>
    tpu.enqueue_indirect_dma source(%dma_start3A_740 : memref<8000x128xf32, #tpu.memory_space<hbm>>) target(%dma_start3A_735 : memref<8x128xf32, #tpu.memory_space<vmem>>) offsets(%dma_start3A_737 : memref<8xi32, #tpu.memory_space<vmem>>) semaphore(%arg12 : memref<!tpu.dma_semaphore, #tpu.memory_space<semaphore_mem>>)
    %dma_start3A_741 = arith.constant 8 : i32
    %dma_start3A_742 = arith.constant 0 : i32
    %dma_start3A_743 = tpu.memref_slice %arg8[%dma_start3A_741, %dma_start3A_742] : memref<56x1024xf32, #tpu.memory_space<vmem>> -> memref<8x128xf32, #tpu.memory_space<vmem>>
    %dma_start3A_744 = arith.constant 64 : i32
    %dma_start3A_745 = tpu.memref_slice %arg6[%dma_start3A_744] : memref<448xi32, #tpu.memory_space<vmem>> -> memref<8xi32, #tpu.memory_space<vmem>>
    %dma_start3A_746 = arith.constant 0 : i32
    %dma_start3A_747 = arith.constant 0 : i32
    %dma_start3A_748 = tpu.memref_slice %arg3[%dma_start3A_746, %dma_start3A_747] : memref<8000x128xf32, #tpu.memory_space<hbm>> -> memref<8000x128xf32, #tpu.memory_space<hbm>>
    tpu.enqueue_indirect_dma source(%dma_start3A_748 : memref<8000x128xf32, #tpu.memory_space<hbm>>) target(%dma_start3A_743 : memref<8x128xf32, #tpu.memory_space<vmem>>) offsets(%dma_start3A_745 : memref<8xi32, #tpu.memory_space<vmem>>) semaphore(%arg12 : memref<!tpu.dma_semaphore, #tpu.memory_space<semaphore_mem>>)
    %dma_start3A_749 = arith.constant 8 : i32
    %dma_start3A_750 = arith.constant 128 : i32
    %dma_start3A_751 = tpu.memref_slice %arg8[%dma_start3A_749, %dma_start3A_750] : memref<56x1024xf32, #tpu.memory_space<vmem>> -> memref<8x128xf32, #tpu.memory_space<vmem>>
    %dma_start3A_752 = arith.constant 72 : i32
    %dma_start3A_753 = tpu.memref_slice %arg6[%dma_start3A_752] : memref<448xi32, #tpu.memory_space<vmem>> -> memref<8xi32, #tpu.memory_space<vmem>>
    %dma_start3A_754 = arith.constant 0 : i32
    %dma_start3A_755 = arith.constant 0 : i32
    %dma_start3A_756 = tpu.memref_slice %arg3[%dma_start3A_754, %dma_start3A_755] : memref<8000x128xf32, #tpu.memory_space<hbm>> -> memref<8000x128xf32, #tpu.memory_space<hbm>>
    tpu.enqueue_indirect_dma source(%dma_start3A_756 : memref<8000x128xf32, #tpu.memory_space<hbm>>) target(%dma_start3A_751 : memref<8x128xf32, #tpu.memory_space<vmem>>) offsets(%dma_start3A_753 : memref<8xi32, #tpu.memory_space<vmem>>) semaphore(%arg12 : memref<!tpu.dma_semaphore, #tpu.memory_space<semaphore_mem>>)
    %dma_start3A_757 = arith.constant 8 : i32
    %dma_start3A_758 = arith.constant 256 : i32
    %dma_start3A_759 = tpu.memref_slice %arg8[%dma_start3A_757, %dma_start3A_758] : memref<56x1024xf32, #tpu.memory_space<vmem>> -> memref<8x128xf32, #tpu.memory_space<vmem>>
    %dma_start3A_760 = arith.constant 80 : i32
    %dma_start3A_761 = tpu.memref_slice %arg6[%dma_start3A_760] : memref<448xi32, #tpu.memory_space<vmem>> -> memref<8xi32, #tpu.memory_space<vmem>>
    %dma_start3A_762 = arith.constant 0 : i32
    %dma_start3A_763 = arith.constant 0 : i32
    %dma_start3A_764 = tpu.memref_slice %arg3[%dma_start3A_762, %dma_start3A_763] : memref<8000x128xf32, #tpu.memory_space<hbm>> -> memref<8000x128xf32, #tpu.memory_space<hbm>>
    tpu.enqueue_indirect_dma source(%dma_start3A_764 : memref<8000x128xf32, #tpu.memory_space<hbm>>) target(%dma_start3A_759 : memref<8x128xf32, #tpu.memory_space<vmem>>) offsets(%dma_start3A_761 : memref<8xi32, #tpu.memory_space<vmem>>) semaphore(%arg12 : memref<!tpu.dma_semaphore, #tpu.memory_space<semaphore_mem>>)
    %dma_start3A_765 = arith.constant 8 : i32
    %dma_start3A_766 = arith.constant 384 : i32
    %dma_start3A_767 = tpu.memref_slice %arg8[%dma_start3A_765, %dma_start3A_766] : memref<56x1024xf32, #tpu.memory_space<vmem>> -> memref<8x128xf32, #tpu.memory_space<vmem>>
    %dma_start3A_768 = arith.constant 88 : i32
    %dma_start3A_769 = tpu.memref_slice %arg6[%dma_start3A_768] : memref<448xi32, #tpu.memory_space<vmem>> -> memref<8xi32, #tpu.memory_space<vmem>>
    %dma_start3A_770 = arith.constant 0 : i32
    %dma_start3A_771 = arith.constant 0 : i32
    %dma_start3A_772 = tpu.memref_slice %arg3[%dma_start3A_770, %dma_start3A_771] : memref<8000x128xf32, #tpu.memory_space<hbm>> -> memref<8000x128xf32, #tpu.memory_space<hbm>>
    tpu.enqueue_indirect_dma source(%dma_start3A_772 : memref<8000x128xf32, #tpu.memory_space<hbm>>) target(%dma_start3A_767 : memref<8x128xf32, #tpu.memory_space<vmem>>) offsets(%dma_start3A_769 : memref<8xi32, #tpu.memory_space<vmem>>) semaphore(%arg12 : memref<!tpu.dma_semaphore, #tpu.memory_space<semaphore_mem>>)
    %dma_start3A_773 = arith.constant 8 : i32
    %dma_start3A_774 = arith.constant 512 : i32
    %dma_start3A_775 = tpu.memref_slice %arg8[%dma_start3A_773, %dma_start3A_774] : memref<56x1024xf32, #tpu.memory_space<vmem>> -> memref<8x128xf32, #tpu.memory_space<vmem>>
    %dma_start3A_776 = arith.constant 96 : i32
    %dma_start3A_777 = tpu.memref_slice %arg6[%dma_start3A_776] : memref<448xi32, #tpu.memory_space<vmem>> -> memref<8xi32, #tpu.memory_space<vmem>>
    %dma_start3A_778 = arith.constant 0 : i32
    %dma_start3A_779 = arith.constant 0 : i32
    %dma_start3A_780 = tpu.memref_slice %arg3[%dma_start3A_778, %dma_start3A_779] : memref<8000x128xf32, #tpu.memory_space<hbm>> -> memref<8000x128xf32, #tpu.memory_space<hbm>>
    tpu.enqueue_indirect_dma source(%dma_start3A_780 : memref<8000x128xf32, #tpu.memory_space<hbm>>) target(%dma_start3A_775 : memref<8x128xf32, #tpu.memory_space<vmem>>) offsets(%dma_start3A_777 : memref<8xi32, #tpu.memory_space<vmem>>) semaphore(%arg12 : memref<!tpu.dma_semaphore, #tpu.memory_space<semaphore_mem>>)
    %dma_start3A_781 = arith.constant 8 : i32
    %dma_start3A_782 = arith.constant 640 : i32
    %dma_start3A_783 = tpu.memref_slice %arg8[%dma_start3A_781, %dma_start3A_782] : memref<56x1024xf32, #tpu.memory_space<vmem>> -> memref<8x128xf32, #tpu.memory_space<vmem>>
    %dma_start3A_784 = arith.constant 104 : i32
    %dma_start3A_785 = tpu.memref_slice %arg6[%dma_start3A_784] : memref<448xi32, #tpu.memory_space<vmem>> -> memref<8xi32, #tpu.memory_space<vmem>>
    %dma_start3A_786 = arith.constant 0 : i32
    %dma_start3A_787 = arith.constant 0 : i32
    %dma_start3A_788 = tpu.memref_slice %arg3[%dma_start3A_786, %dma_start3A_787] : memref<8000x128xf32, #tpu.memory_space<hbm>> -> memref<8000x128xf32, #tpu.memory_space<hbm>>
    tpu.enqueue_indirect_dma source(%dma_start3A_788 : memref<8000x128xf32, #tpu.memory_space<hbm>>) target(%dma_start3A_783 : memref<8x128xf32, #tpu.memory_space<vmem>>) offsets(%dma_start3A_785 : memref<8xi32, #tpu.memory_space<vmem>>) semaphore(%arg12 : memref<!tpu.dma_semaphore, #tpu.memory_space<semaphore_mem>>)
    %dma_start3A_789 = arith.constant 8 : i32
    %dma_start3A_790 = arith.constant 768 : i32
    %dma_start3A_791 = tpu.memref_slice %arg8[%dma_start3A_789, %dma_start3A_790] : memref<56x1024xf32, #tpu.memory_space<vmem>> -> memref<8x128xf32, #tpu.memory_space<vmem>>
    %dma_start3A_792 = arith.constant 112 : i32
    %dma_start3A_793 = tpu.memref_slice %arg6[%dma_start3A_792] : memref<448xi32, #tpu.memory_space<vmem>> -> memref<8xi32, #tpu.memory_space<vmem>>
    %dma_start3A_794 = arith.constant 0 : i32
    %dma_start3A_795 = arith.constant 0 : i32
    %dma_start3A_796 = tpu.memref_slice %arg3[%dma_start3A_794, %dma_start3A_795] : memref<8000x128xf32, #tpu.memory_space<hbm>> -> memref<8000x128xf32, #tpu.memory_space<hbm>>
    tpu.enqueue_indirect_dma source(%dma_start3A_796 : memref<8000x128xf32, #tpu.memory_space<hbm>>) target(%dma_start3A_791 : memref<8x128xf32, #tpu.memory_space<vmem>>) offsets(%dma_start3A_793 : memref<8xi32, #tpu.memory_space<vmem>>) semaphore(%arg12 : memref<!tpu.dma_semaphore, #tpu.memory_space<semaphore_mem>>)
    %dma_start3A_797 = arith.constant 8 : i32
    %dma_start3A_798 = arith.constant 896 : i32
    %dma_start3A_799 = tpu.memref_slice %arg8[%dma_start3A_797, %dma_start3A_798] : memref<56x1024xf32, #tpu.memory_space<vmem>> -> memref<8x128xf32, #tpu.memory_space<vmem>>
    %dma_start3A_800 = arith.constant 120 : i32
    %dma_start3A_801 = tpu.memref_slice %arg6[%dma_start3A_800] : memref<448xi32, #tpu.memory_space<vmem>> -> memref<8xi32, #tpu.memory_space<vmem>>
    %dma_start3A_802 = arith.constant 0 : i32
    %dma_start3A_803 = arith.constant 0 : i32
    %dma_start3A_804 = tpu.memref_slice %arg3[%dma_start3A_802, %dma_start3A_803] : memref<8000x128xf32, #tpu.memory_space<hbm>> -> memref<8000x128xf32, #tpu.memory_space<hbm>>
    tpu.enqueue_indirect_dma source(%dma_start3A_804 : memref<8000x128xf32, #tpu.memory_space<hbm>>) target(%dma_start3A_799 : memref<8x128xf32, #tpu.memory_space<vmem>>) offsets(%dma_start3A_801 : memref<8xi32, #tpu.memory_space<vmem>>) semaphore(%arg12 : memref<!tpu.dma_semaphore, #tpu.memory_space<semaphore_mem>>)
    %dma_start3A_805 = arith.constant 16 : i32
    %dma_start3A_806 = arith.constant 0 : i32
    %dma_start3A_807 = tpu.memref_slice %arg8[%dma_start3A_805, %dma_start3A_806] : memref<56x1024xf32, #tpu.memory_space<vmem>> -> memref<8x128xf32, #tpu.memory_space<vmem>>
    %dma_start3A_808 = arith.constant 128 : i32
    %dma_start3A_809 = tpu.memref_slice %arg6[%dma_start3A_808] : memref<448xi32, #tpu.memory_space<vmem>> -> memref<8xi32, #tpu.memory_space<vmem>>
    %dma_start3A_810 = arith.constant 0 : i32
    %dma_start3A_811 = arith.constant 0 : i32
    %dma_start3A_812 = tpu.memref_slice %arg3[%dma_start3A_810, %dma_start3A_811] : memref<8000x128xf32, #tpu.memory_space<hbm>> -> memref<8000x128xf32, #tpu.memory_space<hbm>>
    tpu.enqueue_indirect_dma source(%dma_start3A_812 : memref<8000x128xf32, #tpu.memory_space<hbm>>) target(%dma_start3A_807 : memref<8x128xf32, #tpu.memory_space<vmem>>) offsets(%dma_start3A_809 : memref<8xi32, #tpu.memory_space<vmem>>) semaphore(%arg12 : memref<!tpu.dma_semaphore, #tpu.memory_space<semaphore_mem>>)
    %dma_start3A_813 = arith.constant 16 : i32
    %dma_start3A_814 = arith.constant 128 : i32
    %dma_start3A_815 = tpu.memref_slice %arg8[%dma_start3A_813, %dma_start3A_814] : memref<56x1024xf32, #tpu.memory_space<vmem>> -> memref<8x128xf32, #tpu.memory_space<vmem>>
    %dma_start3A_816 = arith.constant 136 : i32
    %dma_start3A_817 = tpu.memref_slice %arg6[%dma_start3A_816] : memref<448xi32, #tpu.memory_space<vmem>> -> memref<8xi32, #tpu.memory_space<vmem>>
    %dma_start3A_818 = arith.constant 0 : i32
    %dma_start3A_819 = arith.constant 0 : i32
    %dma_start3A_820 = tpu.memref_slice %arg3[%dma_start3A_818, %dma_start3A_819] : memref<8000x128xf32, #tpu.memory_space<hbm>> -> memref<8000x128xf32, #tpu.memory_space<hbm>>
    tpu.enqueue_indirect_dma source(%dma_start3A_820 : memref<8000x128xf32, #tpu.memory_space<hbm>>) target(%dma_start3A_815 : memref<8x128xf32, #tpu.memory_space<vmem>>) offsets(%dma_start3A_817 : memref<8xi32, #tpu.memory_space<vmem>>) semaphore(%arg12 : memref<!tpu.dma_semaphore, #tpu.memory_space<semaphore_mem>>)
    %dma_start3A_821 = arith.constant 16 : i32
    %dma_start3A_822 = arith.constant 256 : i32
    %dma_start3A_823 = tpu.memref_slice %arg8[%dma_start3A_821, %dma_start3A_822] : memref<56x1024xf32, #tpu.memory_space<vmem>> -> memref<8x128xf32, #tpu.memory_space<vmem>>
    %dma_start3A_824 = arith.constant 144 : i32
    %dma_start3A_825 = tpu.memref_slice %arg6[%dma_start3A_824] : memref<448xi32, #tpu.memory_space<vmem>> -> memref<8xi32, #tpu.memory_space<vmem>>
    %dma_start3A_826 = arith.constant 0 : i32
    %dma_start3A_827 = arith.constant 0 : i32
    %dma_start3A_828 = tpu.memref_slice %arg3[%dma_start3A_826, %dma_start3A_827] : memref<8000x128xf32, #tpu.memory_space<hbm>> -> memref<8000x128xf32, #tpu.memory_space<hbm>>
    tpu.enqueue_indirect_dma source(%dma_start3A_828 : memref<8000x128xf32, #tpu.memory_space<hbm>>) target(%dma_start3A_823 : memref<8x128xf32, #tpu.memory_space<vmem>>) offsets(%dma_start3A_825 : memref<8xi32, #tpu.memory_space<vmem>>) semaphore(%arg12 : memref<!tpu.dma_semaphore, #tpu.memory_space<semaphore_mem>>)
    %dma_start3A_829 = arith.constant 16 : i32
    %dma_start3A_830 = arith.constant 384 : i32
    %dma_start3A_831 = tpu.memref_slice %arg8[%dma_start3A_829, %dma_start3A_830] : memref<56x1024xf32, #tpu.memory_space<vmem>> -> memref<8x128xf32, #tpu.memory_space<vmem>>
    %dma_start3A_832 = arith.constant 152 : i32
    %dma_start3A_833 = tpu.memref_slice %arg6[%dma_start3A_832] : memref<448xi32, #tpu.memory_space<vmem>> -> memref<8xi32, #tpu.memory_space<vmem>>
    %dma_start3A_834 = arith.constant 0 : i32
    %dma_start3A_835 = arith.constant 0 : i32
    %dma_start3A_836 = tpu.memref_slice %arg3[%dma_start3A_834, %dma_start3A_835] : memref<8000x128xf32, #tpu.memory_space<hbm>> -> memref<8000x128xf32, #tpu.memory_space<hbm>>
    tpu.enqueue_indirect_dma source(%dma_start3A_836 : memref<8000x128xf32, #tpu.memory_space<hbm>>) target(%dma_start3A_831 : memref<8x128xf32, #tpu.memory_space<vmem>>) offsets(%dma_start3A_833 : memref<8xi32, #tpu.memory_space<vmem>>) semaphore(%arg12 : memref<!tpu.dma_semaphore, #tpu.memory_space<semaphore_mem>>)
    %dma_start3A_837 = arith.constant 16 : i32
    %dma_start3A_838 = arith.constant 512 : i32
    %dma_start3A_839 = tpu.memref_slice %arg8[%dma_start3A_837, %dma_start3A_838] : memref<56x1024xf32, #tpu.memory_space<vmem>> -> memref<8x128xf32, #tpu.memory_space<vmem>>
    %dma_start3A_840 = arith.constant 160 : i32
    %dma_start3A_841 = tpu.memref_slice %arg6[%dma_start3A_840] : memref<448xi32, #tpu.memory_space<vmem>> -> memref<8xi32, #tpu.memory_space<vmem>>
    %dma_start3A_842 = arith.constant 0 : i32
    %dma_start3A_843 = arith.constant 0 : i32
    %dma_start3A_844 = tpu.memref_slice %arg3[%dma_start3A_842, %dma_start3A_843] : memref<8000x128xf32, #tpu.memory_space<hbm>> -> memref<8000x128xf32, #tpu.memory_space<hbm>>
    tpu.enqueue_indirect_dma source(%dma_start3A_844 : memref<8000x128xf32, #tpu.memory_space<hbm>>) target(%dma_start3A_839 : memref<8x128xf32, #tpu.memory_space<vmem>>) offsets(%dma_start3A_841 : memref<8xi32, #tpu.memory_space<vmem>>) semaphore(%arg12 : memref<!tpu.dma_semaphore, #tpu.memory_space<semaphore_mem>>)
    %dma_start3A_845 = arith.constant 16 : i32
    %dma_start3A_846 = arith.constant 640 : i32
    %dma_start3A_847 = tpu.memref_slice %arg8[%dma_start3A_845, %dma_start3A_846] : memref<56x1024xf32, #tpu.memory_space<vmem>> -> memref<8x128xf32, #tpu.memory_space<vmem>>
    %dma_start3A_848 = arith.constant 168 : i32
    %dma_start3A_849 = tpu.memref_slice %arg6[%dma_start3A_848] : memref<448xi32, #tpu.memory_space<vmem>> -> memref<8xi32, #tpu.memory_space<vmem>>
    %dma_start3A_850 = arith.constant 0 : i32
    %dma_start3A_851 = arith.constant 0 : i32
    %dma_start3A_852 = tpu.memref_slice %arg3[%dma_start3A_850, %dma_start3A_851] : memref<8000x128xf32, #tpu.memory_space<hbm>> -> memref<8000x128xf32, #tpu.memory_space<hbm>>
    tpu.enqueue_indirect_dma source(%dma_start3A_852 : memref<8000x128xf32, #tpu.memory_space<hbm>>) target(%dma_start3A_847 : memref<8x128xf32, #tpu.memory_space<vmem>>) offsets(%dma_start3A_849 : memref<8xi32, #tpu.memory_space<vmem>>) semaphore(%arg12 : memref<!tpu.dma_semaphore, #tpu.memory_space<semaphore_mem>>)
    %dma_start3A_853 = arith.constant 16 : i32
    %dma_start3A_854 = arith.constant 768 : i32
    %dma_start3A_855 = tpu.memref_slice %arg8[%dma_start3A_853, %dma_start3A_854] : memref<56x1024xf32, #tpu.memory_space<vmem>> -> memref<8x128xf32, #tpu.memory_space<vmem>>
    %dma_start3A_856 = arith.constant 176 : i32
    %dma_start3A_857 = tpu.memref_slice %arg6[%dma_start3A_856] : memref<448xi32, #tpu.memory_space<vmem>> -> memref<8xi32, #tpu.memory_space<vmem>>
    %dma_start3A_858 = arith.constant 0 : i32
    %dma_start3A_859 = arith.constant 0 : i32
    %dma_start3A_860 = tpu.memref_slice %arg3[%dma_start3A_858, %dma_start3A_859] : memref<8000x128xf32, #tpu.memory_space<hbm>> -> memref<8000x128xf32, #tpu.memory_space<hbm>>
    tpu.enqueue_indirect_dma source(%dma_start3A_860 : memref<8000x128xf32, #tpu.memory_space<hbm>>) target(%dma_start3A_855 : memref<8x128xf32, #tpu.memory_space<vmem>>) offsets(%dma_start3A_857 : memref<8xi32, #tpu.memory_space<vmem>>) semaphore(%arg12 : memref<!tpu.dma_semaphore, #tpu.memory_space<semaphore_mem>>)
    %dma_start3A_861 = arith.constant 16 : i32
    %dma_start3A_862 = arith.constant 896 : i32
    %dma_start3A_863 = tpu.memref_slice %arg8[%dma_start3A_861, %dma_start3A_862] : memref<56x1024xf32, #tpu.memory_space<vmem>> -> memref<8x128xf32, #tpu.memory_space<vmem>>
    %dma_start3A_864 = arith.constant 184 : i32
    %dma_start3A_865 = tpu.memref_slice %arg6[%dma_start3A_864] : memref<448xi32, #tpu.memory_space<vmem>> -> memref<8xi32, #tpu.memory_space<vmem>>
    %dma_start3A_866 = arith.constant 0 : i32
    %dma_start3A_867 = arith.constant 0 : i32
    %dma_start3A_868 = tpu.memref_slice %arg3[%dma_start3A_866, %dma_start3A_867] : memref<8000x128xf32, #tpu.memory_space<hbm>> -> memref<8000x128xf32, #tpu.memory_space<hbm>>
    tpu.enqueue_indirect_dma source(%dma_start3A_868 : memref<8000x128xf32, #tpu.memory_space<hbm>>) target(%dma_start3A_863 : memref<8x128xf32, #tpu.memory_space<vmem>>) offsets(%dma_start3A_865 : memref<8xi32, #tpu.memory_space<vmem>>) semaphore(%arg12 : memref<!tpu.dma_semaphore, #tpu.memory_space<semaphore_mem>>)
    %dma_start3A_869 = arith.constant 24 : i32
    %dma_start3A_870 = arith.constant 0 : i32
    %dma_start3A_871 = tpu.memref_slice %arg8[%dma_start3A_869, %dma_start3A_870] : memref<56x1024xf32, #tpu.memory_space<vmem>> -> memref<8x128xf32, #tpu.memory_space<vmem>>
    %dma_start3A_872 = arith.constant 192 : i32
    %dma_start3A_873 = tpu.memref_slice %arg6[%dma_start3A_872] : memref<448xi32, #tpu.memory_space<vmem>> -> memref<8xi32, #tpu.memory_space<vmem>>
    %dma_start3A_874 = arith.constant 0 : i32
    %dma_start3A_875 = arith.constant 0 : i32
    %dma_start3A_876 = tpu.memref_slice %arg3[%dma_start3A_874, %dma_start3A_875] : memref<8000x128xf32, #tpu.memory_space<hbm>> -> memref<8000x128xf32, #tpu.memory_space<hbm>>
    tpu.enqueue_indirect_dma source(%dma_start3A_876 : memref<8000x128xf32, #tpu.memory_space<hbm>>) target(%dma_start3A_871 : memref<8x128xf32, #tpu.memory_space<vmem>>) offsets(%dma_start3A_873 : memref<8xi32, #tpu.memory_space<vmem>>) semaphore(%arg12 : memref<!tpu.dma_semaphore, #tpu.memory_space<semaphore_mem>>)
    %dma_start3A_877 = arith.constant 24 : i32
    %dma_start3A_878 = arith.constant 128 : i32
    %dma_start3A_879 = tpu.memref_slice %arg8[%dma_start3A_877, %dma_start3A_878] : memref<56x1024xf32, #tpu.memory_space<vmem>> -> memref<8x128xf32, #tpu.memory_space<vmem>>
    %dma_start3A_880 = arith.constant 200 : i32
    %dma_start3A_881 = tpu.memref_slice %arg6[%dma_start3A_880] : memref<448xi32, #tpu.memory_space<vmem>> -> memref<8xi32, #tpu.memory_space<vmem>>
    %dma_start3A_882 = arith.constant 0 : i32
    %dma_start3A_883 = arith.constant 0 : i32
    %dma_start3A_884 = tpu.memref_slice %arg3[%dma_start3A_882, %dma_start3A_883] : memref<8000x128xf32, #tpu.memory_space<hbm>> -> memref<8000x128xf32, #tpu.memory_space<hbm>>
    tpu.enqueue_indirect_dma source(%dma_start3A_884 : memref<8000x128xf32, #tpu.memory_space<hbm>>) target(%dma_start3A_879 : memref<8x128xf32, #tpu.memory_space<vmem>>) offsets(%dma_start3A_881 : memref<8xi32, #tpu.memory_space<vmem>>) semaphore(%arg12 : memref<!tpu.dma_semaphore, #tpu.memory_space<semaphore_mem>>)
    %dma_start3A_885 = arith.constant 24 : i32
    %dma_start3A_886 = arith.constant 256 : i32
    %dma_start3A_887 = tpu.memref_slice %arg8[%dma_start3A_885, %dma_start3A_886] : memref<56x1024xf32, #tpu.memory_space<vmem>> -> memref<8x128xf32, #tpu.memory_space<vmem>>
    %dma_start3A_888 = arith.constant 208 : i32
    %dma_start3A_889 = tpu.memref_slice %arg6[%dma_start3A_888] : memref<448xi32, #tpu.memory_space<vmem>> -> memref<8xi32, #tpu.memory_space<vmem>>
    %dma_start3A_890 = arith.constant 0 : i32
    %dma_start3A_891 = arith.constant 0 : i32
    %dma_start3A_892 = tpu.memref_slice %arg3[%dma_start3A_890, %dma_start3A_891] : memref<8000x128xf32, #tpu.memory_space<hbm>> -> memref<8000x128xf32, #tpu.memory_space<hbm>>
    tpu.enqueue_indirect_dma source(%dma_start3A_892 : memref<8000x128xf32, #tpu.memory_space<hbm>>) target(%dma_start3A_887 : memref<8x128xf32, #tpu.memory_space<vmem>>) offsets(%dma_start3A_889 : memref<8xi32, #tpu.memory_space<vmem>>) semaphore(%arg12 : memref<!tpu.dma_semaphore, #tpu.memory_space<semaphore_mem>>)
    %dma_start3A_893 = arith.constant 24 : i32
    %dma_start3A_894 = arith.constant 384 : i32
    %dma_start3A_895 = tpu.memref_slice %arg8[%dma_start3A_893, %dma_start3A_894] : memref<56x1024xf32, #tpu.memory_space<vmem>> -> memref<8x128xf32, #tpu.memory_space<vmem>>
    %dma_start3A_896 = arith.constant 216 : i32
    %dma_start3A_897 = tpu.memref_slice %arg6[%dma_start3A_896] : memref<448xi32, #tpu.memory_space<vmem>> -> memref<8xi32, #tpu.memory_space<vmem>>
    %dma_start3A_898 = arith.constant 0 : i32
    %dma_start3A_899 = arith.constant 0 : i32
    %dma_start3A_900 = tpu.memref_slice %arg3[%dma_start3A_898, %dma_start3A_899] : memref<8000x128xf32, #tpu.memory_space<hbm>> -> memref<8000x128xf32, #tpu.memory_space<hbm>>
    tpu.enqueue_indirect_dma source(%dma_start3A_900 : memref<8000x128xf32, #tpu.memory_space<hbm>>) target(%dma_start3A_895 : memref<8x128xf32, #tpu.memory_space<vmem>>) offsets(%dma_start3A_897 : memref<8xi32, #tpu.memory_space<vmem>>) semaphore(%arg12 : memref<!tpu.dma_semaphore, #tpu.memory_space<semaphore_mem>>)
    %dma_start3A_901 = arith.constant 24 : i32
    %dma_start3A_902 = arith.constant 512 : i32
    %dma_start3A_903 = tpu.memref_slice %arg8[%dma_start3A_901, %dma_start3A_902] : memref<56x1024xf32, #tpu.memory_space<vmem>> -> memref<8x128xf32, #tpu.memory_space<vmem>>
    %dma_start3A_904 = arith.constant 224 : i32
    %dma_start3A_905 = tpu.memref_slice %arg6[%dma_start3A_904] : memref<448xi32, #tpu.memory_space<vmem>> -> memref<8xi32, #tpu.memory_space<vmem>>
    %dma_start3A_906 = arith.constant 0 : i32
    %dma_start3A_907 = arith.constant 0 : i32
    %dma_start3A_908 = tpu.memref_slice %arg3[%dma_start3A_906, %dma_start3A_907] : memref<8000x128xf32, #tpu.memory_space<hbm>> -> memref<8000x128xf32, #tpu.memory_space<hbm>>
    tpu.enqueue_indirect_dma source(%dma_start3A_908 : memref<8000x128xf32, #tpu.memory_space<hbm>>) target(%dma_start3A_903 : memref<8x128xf32, #tpu.memory_space<vmem>>) offsets(%dma_start3A_905 : memref<8xi32, #tpu.memory_space<vmem>>) semaphore(%arg12 : memref<!tpu.dma_semaphore, #tpu.memory_space<semaphore_mem>>)
    %dma_start3A_909 = arith.constant 24 : i32
    %dma_start3A_910 = arith.constant 640 : i32
    %dma_start3A_911 = tpu.memref_slice %arg8[%dma_start3A_909, %dma_start3A_910] : memref<56x1024xf32, #tpu.memory_space<vmem>> -> memref<8x128xf32, #tpu.memory_space<vmem>>
    %dma_start3A_912 = arith.constant 232 : i32
    %dma_start3A_913 = tpu.memref_slice %arg6[%dma_start3A_912] : memref<448xi32, #tpu.memory_space<vmem>> -> memref<8xi32, #tpu.memory_space<vmem>>
    %dma_start3A_914 = arith.constant 0 : i32
    %dma_start3A_915 = arith.constant 0 : i32
    %dma_start3A_916 = tpu.memref_slice %arg3[%dma_start3A_914, %dma_start3A_915] : memref<8000x128xf32, #tpu.memory_space<hbm>> -> memref<8000x128xf32, #tpu.memory_space<hbm>>
    tpu.enqueue_indirect_dma source(%dma_start3A_916 : memref<8000x128xf32, #tpu.memory_space<hbm>>) target(%dma_start3A_911 : memref<8x128xf32, #tpu.memory_space<vmem>>) offsets(%dma_start3A_913 : memref<8xi32, #tpu.memory_space<vmem>>) semaphore(%arg12 : memref<!tpu.dma_semaphore, #tpu.memory_space<semaphore_mem>>)
    %dma_start3A_917 = arith.constant 24 : i32
    %dma_start3A_918 = arith.constant 768 : i32
    %dma_start3A_919 = tpu.memref_slice %arg8[%dma_start3A_917, %dma_start3A_918] : memref<56x1024xf32, #tpu.memory_space<vmem>> -> memref<8x128xf32, #tpu.memory_space<vmem>>
    %dma_start3A_920 = arith.constant 240 : i32
    %dma_start3A_921 = tpu.memref_slice %arg6[%dma_start3A_920] : memref<448xi32, #tpu.memory_space<vmem>> -> memref<8xi32, #tpu.memory_space<vmem>>
    %dma_start3A_922 = arith.constant 0 : i32
    %dma_start3A_923 = arith.constant 0 : i32
    %dma_start3A_924 = tpu.memref_slice %arg3[%dma_start3A_922, %dma_start3A_923] : memref<8000x128xf32, #tpu.memory_space<hbm>> -> memref<8000x128xf32, #tpu.memory_space<hbm>>
    tpu.enqueue_indirect_dma source(%dma_start3A_924 : memref<8000x128xf32, #tpu.memory_space<hbm>>) target(%dma_start3A_919 : memref<8x128xf32, #tpu.memory_space<vmem>>) offsets(%dma_start3A_921 : memref<8xi32, #tpu.memory_space<vmem>>) semaphore(%arg12 : memref<!tpu.dma_semaphore, #tpu.memory_space<semaphore_mem>>)
    %dma_start3A_925 = arith.constant 24 : i32
    %dma_start3A_926 = arith.constant 896 : i32
    %dma_start3A_927 = tpu.memref_slice %arg8[%dma_start3A_925, %dma_start3A_926] : memref<56x1024xf32, #tpu.memory_space<vmem>> -> memref<8x128xf32, #tpu.memory_space<vmem>>
    %dma_start3A_928 = arith.constant 248 : i32
    %dma_start3A_929 = tpu.memref_slice %arg6[%dma_start3A_928] : memref<448xi32, #tpu.memory_space<vmem>> -> memref<8xi32, #tpu.memory_space<vmem>>
    %dma_start3A_930 = arith.constant 0 : i32
    %dma_start3A_931 = arith.constant 0 : i32
    %dma_start3A_932 = tpu.memref_slice %arg3[%dma_start3A_930, %dma_start3A_931] : memref<8000x128xf32, #tpu.memory_space<hbm>> -> memref<8000x128xf32, #tpu.memory_space<hbm>>
    tpu.enqueue_indirect_dma source(%dma_start3A_932 : memref<8000x128xf32, #tpu.memory_space<hbm>>) target(%dma_start3A_927 : memref<8x128xf32, #tpu.memory_space<vmem>>) offsets(%dma_start3A_929 : memref<8xi32, #tpu.memory_space<vmem>>) semaphore(%arg12 : memref<!tpu.dma_semaphore, #tpu.memory_space<semaphore_mem>>)
    %dma_start3A_933 = arith.constant 32 : i32
    %dma_start3A_934 = arith.constant 0 : i32
    %dma_start3A_935 = tpu.memref_slice %arg8[%dma_start3A_933, %dma_start3A_934] : memref<56x1024xf32, #tpu.memory_space<vmem>> -> memref<8x128xf32, #tpu.memory_space<vmem>>
    %dma_start3A_936 = arith.constant 256 : i32
    %dma_start3A_937 = tpu.memref_slice %arg6[%dma_start3A_936] : memref<448xi32, #tpu.memory_space<vmem>> -> memref<8xi32, #tpu.memory_space<vmem>>
    %dma_start3A_938 = arith.constant 0 : i32
    %dma_start3A_939 = arith.constant 0 : i32
    %dma_start3A_940 = tpu.memref_slice %arg3[%dma_start3A_938, %dma_start3A_939] : memref<8000x128xf32, #tpu.memory_space<hbm>> -> memref<8000x128xf32, #tpu.memory_space<hbm>>
    tpu.enqueue_indirect_dma source(%dma_start3A_940 : memref<8000x128xf32, #tpu.memory_space<hbm>>) target(%dma_start3A_935 : memref<8x128xf32, #tpu.memory_space<vmem>>) offsets(%dma_start3A_937 : memref<8xi32, #tpu.memory_space<vmem>>) semaphore(%arg12 : memref<!tpu.dma_semaphore, #tpu.memory_space<semaphore_mem>>)
    %dma_start3A_941 = arith.constant 32 : i32
    %dma_start3A_942 = arith.constant 128 : i32
    %dma_start3A_943 = tpu.memref_slice %arg8[%dma_start3A_941, %dma_start3A_942] : memref<56x1024xf32, #tpu.memory_space<vmem>> -> memref<8x128xf32, #tpu.memory_space<vmem>>
    %dma_start3A_944 = arith.constant 264 : i32
    %dma_start3A_945 = tpu.memref_slice %arg6[%dma_start3A_944] : memref<448xi32, #tpu.memory_space<vmem>> -> memref<8xi32, #tpu.memory_space<vmem>>
    %dma_start3A_946 = arith.constant 0 : i32
    %dma_start3A_947 = arith.constant 0 : i32
    %dma_start3A_948 = tpu.memref_slice %arg3[%dma_start3A_946, %dma_start3A_947] : memref<8000x128xf32, #tpu.memory_space<hbm>> -> memref<8000x128xf32, #tpu.memory_space<hbm>>
    tpu.enqueue_indirect_dma source(%dma_start3A_948 : memref<8000x128xf32, #tpu.memory_space<hbm>>) target(%dma_start3A_943 : memref<8x128xf32, #tpu.memory_space<vmem>>) offsets(%dma_start3A_945 : memref<8xi32, #tpu.memory_space<vmem>>) semaphore(%arg12 : memref<!tpu.dma_semaphore, #tpu.memory_space<semaphore_mem>>)
    %dma_start3A_949 = arith.constant 32 : i32
    %dma_start3A_950 = arith.constant 256 : i32
    %dma_start3A_951 = tpu.memref_slice %arg8[%dma_start3A_949, %dma_start3A_950] : memref<56x1024xf32, #tpu.memory_space<vmem>> -> memref<8x128xf32, #tpu.memory_space<vmem>>
    %dma_start3A_952 = arith.constant 272 : i32
    %dma_start3A_953 = tpu.memref_slice %arg6[%dma_start3A_952] : memref<448xi32, #tpu.memory_space<vmem>> -> memref<8xi32, #tpu.memory_space<vmem>>
    %dma_start3A_954 = arith.constant 0 : i32
    %dma_start3A_955 = arith.constant 0 : i32
    %dma_start3A_956 = tpu.memref_slice %arg3[%dma_start3A_954, %dma_start3A_955] : memref<8000x128xf32, #tpu.memory_space<hbm>> -> memref<8000x128xf32, #tpu.memory_space<hbm>>
    tpu.enqueue_indirect_dma source(%dma_start3A_956 : memref<8000x128xf32, #tpu.memory_space<hbm>>) target(%dma_start3A_951 : memref<8x128xf32, #tpu.memory_space<vmem>>) offsets(%dma_start3A_953 : memref<8xi32, #tpu.memory_space<vmem>>) semaphore(%arg12 : memref<!tpu.dma_semaphore, #tpu.memory_space<semaphore_mem>>)
    %dma_start3A_957 = arith.constant 32 : i32
    %dma_start3A_958 = arith.constant 384 : i32
    %dma_start3A_959 = tpu.memref_slice %arg8[%dma_start3A_957, %dma_start3A_958] : memref<56x1024xf32, #tpu.memory_space<vmem>> -> memref<8x128xf32, #tpu.memory_space<vmem>>
    %dma_start3A_960 = arith.constant 280 : i32
    %dma_start3A_961 = tpu.memref_slice %arg6[%dma_start3A_960] : memref<448xi32, #tpu.memory_space<vmem>> -> memref<8xi32, #tpu.memory_space<vmem>>
    %dma_start3A_962 = arith.constant 0 : i32
    %dma_start3A_963 = arith.constant 0 : i32
    %dma_start3A_964 = tpu.memref_slice %arg3[%dma_start3A_962, %dma_start3A_963] : memref<8000x128xf32, #tpu.memory_space<hbm>> -> memref<8000x128xf32, #tpu.memory_space<hbm>>
    tpu.enqueue_indirect_dma source(%dma_start3A_964 : memref<8000x128xf32, #tpu.memory_space<hbm>>) target(%dma_start3A_959 : memref<8x128xf32, #tpu.memory_space<vmem>>) offsets(%dma_start3A_961 : memref<8xi32, #tpu.memory_space<vmem>>) semaphore(%arg12 : memref<!tpu.dma_semaphore, #tpu.memory_space<semaphore_mem>>)
    %dma_start3A_965 = arith.constant 32 : i32
    %dma_start3A_966 = arith.constant 512 : i32
    %dma_start3A_967 = tpu.memref_slice %arg8[%dma_start3A_965, %dma_start3A_966] : memref<56x1024xf32, #tpu.memory_space<vmem>> -> memref<8x128xf32, #tpu.memory_space<vmem>>
    %dma_start3A_968 = arith.constant 288 : i32
    %dma_start3A_969 = tpu.memref_slice %arg6[%dma_start3A_968] : memref<448xi32, #tpu.memory_space<vmem>> -> memref<8xi32, #tpu.memory_space<vmem>>
    %dma_start3A_970 = arith.constant 0 : i32
    %dma_start3A_971 = arith.constant 0 : i32
    %dma_start3A_972 = tpu.memref_slice %arg3[%dma_start3A_970, %dma_start3A_971] : memref<8000x128xf32, #tpu.memory_space<hbm>> -> memref<8000x128xf32, #tpu.memory_space<hbm>>
    tpu.enqueue_indirect_dma source(%dma_start3A_972 : memref<8000x128xf32, #tpu.memory_space<hbm>>) target(%dma_start3A_967 : memref<8x128xf32, #tpu.memory_space<vmem>>) offsets(%dma_start3A_969 : memref<8xi32, #tpu.memory_space<vmem>>) semaphore(%arg12 : memref<!tpu.dma_semaphore, #tpu.memory_space<semaphore_mem>>)
    %dma_start3A_973 = arith.constant 32 : i32
    %dma_start3A_974 = arith.constant 640 : i32
    %dma_start3A_975 = tpu.memref_slice %arg8[%dma_start3A_973, %dma_start3A_974] : memref<56x1024xf32, #tpu.memory_space<vmem>> -> memref<8x128xf32, #tpu.memory_space<vmem>>
    %dma_start3A_976 = arith.constant 296 : i32
    %dma_start3A_977 = tpu.memref_slice %arg6[%dma_start3A_976] : memref<448xi32, #tpu.memory_space<vmem>> -> memref<8xi32, #tpu.memory_space<vmem>>
    %dma_start3A_978 = arith.constant 0 : i32
    %dma_start3A_979 = arith.constant 0 : i32
    %dma_start3A_980 = tpu.memref_slice %arg3[%dma_start3A_978, %dma_start3A_979] : memref<8000x128xf32, #tpu.memory_space<hbm>> -> memref<8000x128xf32, #tpu.memory_space<hbm>>
    tpu.enqueue_indirect_dma source(%dma_start3A_980 : memref<8000x128xf32, #tpu.memory_space<hbm>>) target(%dma_start3A_975 : memref<8x128xf32, #tpu.memory_space<vmem>>) offsets(%dma_start3A_977 : memref<8xi32, #tpu.memory_space<vmem>>) semaphore(%arg12 : memref<!tpu.dma_semaphore, #tpu.memory_space<semaphore_mem>>)
    %dma_start3A_981 = arith.constant 32 : i32
    %dma_start3A_982 = arith.constant 768 : i32
    %dma_start3A_983 = tpu.memref_slice %arg8[%dma_start3A_981, %dma_start3A_982] : memref<56x1024xf32, #tpu.memory_space<vmem>> -> memref<8x128xf32, #tpu.memory_space<vmem>>
    %dma_start3A_984 = arith.constant 304 : i32
    %dma_start3A_985 = tpu.memref_slice %arg6[%dma_start3A_984] : memref<448xi32, #tpu.memory_space<vmem>> -> memref<8xi32, #tpu.memory_space<vmem>>
    %dma_start3A_986 = arith.constant 0 : i32
    %dma_start3A_987 = arith.constant 0 : i32
    %dma_start3A_988 = tpu.memref_slice %arg3[%dma_start3A_986, %dma_start3A_987] : memref<8000x128xf32, #tpu.memory_space<hbm>> -> memref<8000x128xf32, #tpu.memory_space<hbm>>
    tpu.enqueue_indirect_dma source(%dma_start3A_988 : memref<8000x128xf32, #tpu.memory_space<hbm>>) target(%dma_start3A_983 : memref<8x128xf32, #tpu.memory_space<vmem>>) offsets(%dma_start3A_985 : memref<8xi32, #tpu.memory_space<vmem>>) semaphore(%arg12 : memref<!tpu.dma_semaphore, #tpu.memory_space<semaphore_mem>>)
    %dma_start3A_989 = arith.constant 32 : i32
    %dma_start3A_990 = arith.constant 896 : i32
    %dma_start3A_991 = tpu.memref_slice %arg8[%dma_start3A_989, %dma_start3A_990] : memref<56x1024xf32, #tpu.memory_space<vmem>> -> memref<8x128xf32, #tpu.memory_space<vmem>>
    %dma_start3A_992 = arith.constant 312 : i32
    %dma_start3A_993 = tpu.memref_slice %arg6[%dma_start3A_992] : memref<448xi32, #tpu.memory_space<vmem>> -> memref<8xi32, #tpu.memory_space<vmem>>
    %dma_start3A_994 = arith.constant 0 : i32
    %dma_start3A_995 = arith.constant 0 : i32
    %dma_start3A_996 = tpu.memref_slice %arg3[%dma_start3A_994, %dma_start3A_995] : memref<8000x128xf32, #tpu.memory_space<hbm>> -> memref<8000x128xf32, #tpu.memory_space<hbm>>
    tpu.enqueue_indirect_dma source(%dma_start3A_996 : memref<8000x128xf32, #tpu.memory_space<hbm>>) target(%dma_start3A_991 : memref<8x128xf32, #tpu.memory_space<vmem>>) offsets(%dma_start3A_993 : memref<8xi32, #tpu.memory_space<vmem>>) semaphore(%arg12 : memref<!tpu.dma_semaphore, #tpu.memory_space<semaphore_mem>>)
    %dma_start3A_997 = arith.constant 40 : i32
    %dma_start3A_998 = arith.constant 0 : i32
    %dma_start3A_999 = tpu.memref_slice %arg8[%dma_start3A_997, %dma_start3A_998] : memref<56x1024xf32, #tpu.memory_space<vmem>> -> memref<8x128xf32, #tpu.memory_space<vmem>>
    %dma_start3A_1000 = arith.constant 320 : i32
    %dma_start3A_1001 = tpu.memref_slice %arg6[%dma_start3A_1000] : memref<448xi32, #tpu.memory_space<vmem>> -> memref<8xi32, #tpu.memory_space<vmem>>
    %dma_start3A_1002 = arith.constant 0 : i32
    %dma_start3A_1003 = arith.constant 0 : i32
    %dma_start3A_1004 = tpu.memref_slice %arg3[%dma_start3A_1002, %dma_start3A_1003] : memref<8000x128xf32, #tpu.memory_space<hbm>> -> memref<8000x128xf32, #tpu.memory_space<hbm>>
    tpu.enqueue_indirect_dma source(%dma_start3A_1004 : memref<8000x128xf32, #tpu.memory_space<hbm>>) target(%dma_start3A_999 : memref<8x128xf32, #tpu.memory_space<vmem>>) offsets(%dma_start3A_1001 : memref<8xi32, #tpu.memory_space<vmem>>) semaphore(%arg12 : memref<!tpu.dma_semaphore, #tpu.memory_space<semaphore_mem>>)
    %dma_start3A_1005 = arith.constant 40 : i32
    %dma_start3A_1006 = arith.constant 128 : i32
    %dma_start3A_1007 = tpu.memref_slice %arg8[%dma_start3A_1005, %dma_start3A_1006] : memref<56x1024xf32, #tpu.memory_space<vmem>> -> memref<8x128xf32, #tpu.memory_space<vmem>>
    %dma_start3A_1008 = arith.constant 328 : i32
    %dma_start3A_1009 = tpu.memref_slice %arg6[%dma_start3A_1008] : memref<448xi32, #tpu.memory_space<vmem>> -> memref<8xi32, #tpu.memory_space<vmem>>
    %dma_start3A_1010 = arith.constant 0 : i32
    %dma_start3A_1011 = arith.constant 0 : i32
    %dma_start3A_1012 = tpu.memref_slice %arg3[%dma_start3A_1010, %dma_start3A_1011] : memref<8000x128xf32, #tpu.memory_space<hbm>> -> memref<8000x128xf32, #tpu.memory_space<hbm>>
    tpu.enqueue_indirect_dma source(%dma_start3A_1012 : memref<8000x128xf32, #tpu.memory_space<hbm>>) target(%dma_start3A_1007 : memref<8x128xf32, #tpu.memory_space<vmem>>) offsets(%dma_start3A_1009 : memref<8xi32, #tpu.memory_space<vmem>>) semaphore(%arg12 : memref<!tpu.dma_semaphore, #tpu.memory_space<semaphore_mem>>)
    %dma_start3A_1013 = arith.constant 40 : i32
    %dma_start3A_1014 = arith.constant 256 : i32
    %dma_start3A_1015 = tpu.memref_slice %arg8[%dma_start3A_1013, %dma_start3A_1014] : memref<56x1024xf32, #tpu.memory_space<vmem>> -> memref<8x128xf32, #tpu.memory_space<vmem>>
    %dma_start3A_1016 = arith.constant 336 : i32
    %dma_start3A_1017 = tpu.memref_slice %arg6[%dma_start3A_1016] : memref<448xi32, #tpu.memory_space<vmem>> -> memref<8xi32, #tpu.memory_space<vmem>>
    %dma_start3A_1018 = arith.constant 0 : i32
    %dma_start3A_1019 = arith.constant 0 : i32
    %dma_start3A_1020 = tpu.memref_slice %arg3[%dma_start3A_1018, %dma_start3A_1019] : memref<8000x128xf32, #tpu.memory_space<hbm>> -> memref<8000x128xf32, #tpu.memory_space<hbm>>
    tpu.enqueue_indirect_dma source(%dma_start3A_1020 : memref<8000x128xf32, #tpu.memory_space<hbm>>) target(%dma_start3A_1015 : memref<8x128xf32, #tpu.memory_space<vmem>>) offsets(%dma_start3A_1017 : memref<8xi32, #tpu.memory_space<vmem>>) semaphore(%arg12 : memref<!tpu.dma_semaphore, #tpu.memory_space<semaphore_mem>>)
    %dma_start3A_1021 = arith.constant 40 : i32
    %dma_start3A_1022 = arith.constant 384 : i32
    %dma_start3A_1023 = tpu.memref_slice %arg8[%dma_start3A_1021, %dma_start3A_1022] : memref<56x1024xf32, #tpu.memory_space<vmem>> -> memref<8x128xf32, #tpu.memory_space<vmem>>
    %dma_start3A_1024 = arith.constant 344 : i32
    %dma_start3A_1025 = tpu.memref_slice %arg6[%dma_start3A_1024] : memref<448xi32, #tpu.memory_space<vmem>> -> memref<8xi32, #tpu.memory_space<vmem>>
    %dma_start3A_1026 = arith.constant 0 : i32
    %dma_start3A_1027 = arith.constant 0 : i32
    %dma_start3A_1028 = tpu.memref_slice %arg3[%dma_start3A_1026, %dma_start3A_1027] : memref<8000x128xf32, #tpu.memory_space<hbm>> -> memref<8000x128xf32, #tpu.memory_space<hbm>>
    tpu.enqueue_indirect_dma source(%dma_start3A_1028 : memref<8000x128xf32, #tpu.memory_space<hbm>>) target(%dma_start3A_1023 : memref<8x128xf32, #tpu.memory_space<vmem>>) offsets(%dma_start3A_1025 : memref<8xi32, #tpu.memory_space<vmem>>) semaphore(%arg12 : memref<!tpu.dma_semaphore, #tpu.memory_space<semaphore_mem>>)
    %dma_start3A_1029 = arith.constant 40 : i32
    %dma_start3A_1030 = arith.constant 512 : i32
    %dma_start3A_1031 = tpu.memref_slice %arg8[%dma_start3A_1029, %dma_start3A_1030] : memref<56x1024xf32, #tpu.memory_space<vmem>> -> memref<8x128xf32, #tpu.memory_space<vmem>>
    %dma_start3A_1032 = arith.constant 352 : i32
    %dma_start3A_1033 = tpu.memref_slice %arg6[%dma_start3A_1032] : memref<448xi32, #tpu.memory_space<vmem>> -> memref<8xi32, #tpu.memory_space<vmem>>
    %dma_start3A_1034 = arith.constant 0 : i32
    %dma_start3A_1035 = arith.constant 0 : i32
    %dma_start3A_1036 = tpu.memref_slice %arg3[%dma_start3A_1034, %dma_start3A_1035] : memref<8000x128xf32, #tpu.memory_space<hbm>> -> memref<8000x128xf32, #tpu.memory_space<hbm>>
    tpu.enqueue_indirect_dma source(%dma_start3A_1036 : memref<8000x128xf32, #tpu.memory_space<hbm>>) target(%dma_start3A_1031 : memref<8x128xf32, #tpu.memory_space<vmem>>) offsets(%dma_start3A_1033 : memref<8xi32, #tpu.memory_space<vmem>>) semaphore(%arg12 : memref<!tpu.dma_semaphore, #tpu.memory_space<semaphore_mem>>)
    %dma_start3A_1037 = arith.constant 40 : i32
    %dma_start3A_1038 = arith.constant 640 : i32
    %dma_start3A_1039 = tpu.memref_slice %arg8[%dma_start3A_1037, %dma_start3A_1038] : memref<56x1024xf32, #tpu.memory_space<vmem>> -> memref<8x128xf32, #tpu.memory_space<vmem>>
    %dma_start3A_1040 = arith.constant 360 : i32
    %dma_start3A_1041 = tpu.memref_slice %arg6[%dma_start3A_1040] : memref<448xi32, #tpu.memory_space<vmem>> -> memref<8xi32, #tpu.memory_space<vmem>>
    %dma_start3A_1042 = arith.constant 0 : i32
    %dma_start3A_1043 = arith.constant 0 : i32
    %dma_start3A_1044 = tpu.memref_slice %arg3[%dma_start3A_1042, %dma_start3A_1043] : memref<8000x128xf32, #tpu.memory_space<hbm>> -> memref<8000x128xf32, #tpu.memory_space<hbm>>
    tpu.enqueue_indirect_dma source(%dma_start3A_1044 : memref<8000x128xf32, #tpu.memory_space<hbm>>) target(%dma_start3A_1039 : memref<8x128xf32, #tpu.memory_space<vmem>>) offsets(%dma_start3A_1041 : memref<8xi32, #tpu.memory_space<vmem>>) semaphore(%arg12 : memref<!tpu.dma_semaphore, #tpu.memory_space<semaphore_mem>>)
    %dma_start3A_1045 = arith.constant 40 : i32
    %dma_start3A_1046 = arith.constant 768 : i32
    %dma_start3A_1047 = tpu.memref_slice %arg8[%dma_start3A_1045, %dma_start3A_1046] : memref<56x1024xf32, #tpu.memory_space<vmem>> -> memref<8x128xf32, #tpu.memory_space<vmem>>
    %dma_start3A_1048 = arith.constant 368 : i32
    %dma_start3A_1049 = tpu.memref_slice %arg6[%dma_start3A_1048] : memref<448xi32, #tpu.memory_space<vmem>> -> memref<8xi32, #tpu.memory_space<vmem>>
    %dma_start3A_1050 = arith.constant 0 : i32
    %dma_start3A_1051 = arith.constant 0 : i32
    %dma_start3A_1052 = tpu.memref_slice %arg3[%dma_start3A_1050, %dma_start3A_1051] : memref<8000x128xf32, #tpu.memory_space<hbm>> -> memref<8000x128xf32, #tpu.memory_space<hbm>>
    tpu.enqueue_indirect_dma source(%dma_start3A_1052 : memref<8000x128xf32, #tpu.memory_space<hbm>>) target(%dma_start3A_1047 : memref<8x128xf32, #tpu.memory_space<vmem>>) offsets(%dma_start3A_1049 : memref<8xi32, #tpu.memory_space<vmem>>) semaphore(%arg12 : memref<!tpu.dma_semaphore, #tpu.memory_space<semaphore_mem>>)
    %dma_start3A_1053 = arith.constant 40 : i32
    %dma_start3A_1054 = arith.constant 896 : i32
    %dma_start3A_1055 = tpu.memref_slice %arg8[%dma_start3A_1053, %dma_start3A_1054] : memref<56x1024xf32, #tpu.memory_space<vmem>> -> memref<8x128xf32, #tpu.memory_space<vmem>>
    %dma_start3A_1056 = arith.constant 376 : i32
    %dma_start3A_1057 = tpu.memref_slice %arg6[%dma_start3A_1056] : memref<448xi32, #tpu.memory_space<vmem>> -> memref<8xi32, #tpu.memory_space<vmem>>
    %dma_start3A_1058 = arith.constant 0 : i32
    %dma_start3A_1059 = arith.constant 0 : i32
    %dma_start3A_1060 = tpu.memref_slice %arg3[%dma_start3A_1058, %dma_start3A_1059] : memref<8000x128xf32, #tpu.memory_space<hbm>> -> memref<8000x128xf32, #tpu.memory_space<hbm>>
    tpu.enqueue_indirect_dma source(%dma_start3A_1060 : memref<8000x128xf32, #tpu.memory_space<hbm>>) target(%dma_start3A_1055 : memref<8x128xf32, #tpu.memory_space<vmem>>) offsets(%dma_start3A_1057 : memref<8xi32, #tpu.memory_space<vmem>>) semaphore(%arg12 : memref<!tpu.dma_semaphore, #tpu.memory_space<semaphore_mem>>)
    %dma_start3A_1061 = arith.constant 48 : i32
    %dma_start3A_1062 = arith.constant 0 : i32
    %dma_start3A_1063 = tpu.memref_slice %arg8[%dma_start3A_1061, %dma_start3A_1062] : memref<56x1024xf32, #tpu.memory_space<vmem>> -> memref<8x128xf32, #tpu.memory_space<vmem>>
    %dma_start3A_1064 = arith.constant 384 : i32
    %dma_start3A_1065 = tpu.memref_slice %arg6[%dma_start3A_1064] : memref<448xi32, #tpu.memory_space<vmem>> -> memref<8xi32, #tpu.memory_space<vmem>>
    %dma_start3A_1066 = arith.constant 0 : i32
    %dma_start3A_1067 = arith.constant 0 : i32
    %dma_start3A_1068 = tpu.memref_slice %arg3[%dma_start3A_1066, %dma_start3A_1067] : memref<8000x128xf32, #tpu.memory_space<hbm>> -> memref<8000x128xf32, #tpu.memory_space<hbm>>
    tpu.enqueue_indirect_dma source(%dma_start3A_1068 : memref<8000x128xf32, #tpu.memory_space<hbm>>) target(%dma_start3A_1063 : memref<8x128xf32, #tpu.memory_space<vmem>>) offsets(%dma_start3A_1065 : memref<8xi32, #tpu.memory_space<vmem>>) semaphore(%arg12 : memref<!tpu.dma_semaphore, #tpu.memory_space<semaphore_mem>>)
    %dma_start3A_1069 = arith.constant 48 : i32
    %dma_start3A_1070 = arith.constant 128 : i32
    %dma_start3A_1071 = tpu.memref_slice %arg8[%dma_start3A_1069, %dma_start3A_1070] : memref<56x1024xf32, #tpu.memory_space<vmem>> -> memref<8x128xf32, #tpu.memory_space<vmem>>
    %dma_start3A_1072 = arith.constant 392 : i32
    %dma_start3A_1073 = tpu.memref_slice %arg6[%dma_start3A_1072] : memref<448xi32, #tpu.memory_space<vmem>> -> memref<8xi32, #tpu.memory_space<vmem>>
    %dma_start3A_1074 = arith.constant 0 : i32
    %dma_start3A_1075 = arith.constant 0 : i32
    %dma_start3A_1076 = tpu.memref_slice %arg3[%dma_start3A_1074, %dma_start3A_1075] : memref<8000x128xf32, #tpu.memory_space<hbm>> -> memref<8000x128xf32, #tpu.memory_space<hbm>>
    tpu.enqueue_indirect_dma source(%dma_start3A_1076 : memref<8000x128xf32, #tpu.memory_space<hbm>>) target(%dma_start3A_1071 : memref<8x128xf32, #tpu.memory_space<vmem>>) offsets(%dma_start3A_1073 : memref<8xi32, #tpu.memory_space<vmem>>) semaphore(%arg12 : memref<!tpu.dma_semaphore, #tpu.memory_space<semaphore_mem>>)
    %dma_start3A_1077 = arith.constant 48 : i32
    %dma_start3A_1078 = arith.constant 256 : i32
    %dma_start3A_1079 = tpu.memref_slice %arg8[%dma_start3A_1077, %dma_start3A_1078] : memref<56x1024xf32, #tpu.memory_space<vmem>> -> memref<8x128xf32, #tpu.memory_space<vmem>>
    %dma_start3A_1080 = arith.constant 400 : i32
    %dma_start3A_1081 = tpu.memref_slice %arg6[%dma_start3A_1080] : memref<448xi32, #tpu.memory_space<vmem>> -> memref<8xi32, #tpu.memory_space<vmem>>
    %dma_start3A_1082 = arith.constant 0 : i32
    %dma_start3A_1083 = arith.constant 0 : i32
    %dma_start3A_1084 = tpu.memref_slice %arg3[%dma_start3A_1082, %dma_start3A_1083] : memref<8000x128xf32, #tpu.memory_space<hbm>> -> memref<8000x128xf32, #tpu.memory_space<hbm>>
    tpu.enqueue_indirect_dma source(%dma_start3A_1084 : memref<8000x128xf32, #tpu.memory_space<hbm>>) target(%dma_start3A_1079 : memref<8x128xf32, #tpu.memory_space<vmem>>) offsets(%dma_start3A_1081 : memref<8xi32, #tpu.memory_space<vmem>>) semaphore(%arg12 : memref<!tpu.dma_semaphore, #tpu.memory_space<semaphore_mem>>)
    %dma_start3A_1085 = arith.constant 48 : i32
    %dma_start3A_1086 = arith.constant 384 : i32
    %dma_start3A_1087 = tpu.memref_slice %arg8[%dma_start3A_1085, %dma_start3A_1086] : memref<56x1024xf32, #tpu.memory_space<vmem>> -> memref<8x128xf32, #tpu.memory_space<vmem>>
    %dma_start3A_1088 = arith.constant 408 : i32
    %dma_start3A_1089 = tpu.memref_slice %arg6[%dma_start3A_1088] : memref<448xi32, #tpu.memory_space<vmem>> -> memref<8xi32, #tpu.memory_space<vmem>>
    %dma_start3A_1090 = arith.constant 0 : i32
    %dma_start3A_1091 = arith.constant 0 : i32
    %dma_start3A_1092 = tpu.memref_slice %arg3[%dma_start3A_1090, %dma_start3A_1091] : memref<8000x128xf32, #tpu.memory_space<hbm>> -> memref<8000x128xf32, #tpu.memory_space<hbm>>
    tpu.enqueue_indirect_dma source(%dma_start3A_1092 : memref<8000x128xf32, #tpu.memory_space<hbm>>) target(%dma_start3A_1087 : memref<8x128xf32, #tpu.memory_space<vmem>>) offsets(%dma_start3A_1089 : memref<8xi32, #tpu.memory_space<vmem>>) semaphore(%arg12 : memref<!tpu.dma_semaphore, #tpu.memory_space<semaphore_mem>>)
    %dma_start3A_1093 = arith.constant 48 : i32
    %dma_start3A_1094 = arith.constant 512 : i32
    %dma_start3A_1095 = tpu.memref_slice %arg8[%dma_start3A_1093, %dma_start3A_1094] : memref<56x1024xf32, #tpu.memory_space<vmem>> -> memref<8x128xf32, #tpu.memory_space<vmem>>
    %dma_start3A_1096 = arith.constant 416 : i32
    %dma_start3A_1097 = tpu.memref_slice %arg6[%dma_start3A_1096] : memref<448xi32, #tpu.memory_space<vmem>> -> memref<8xi32, #tpu.memory_space<vmem>>
    %dma_start3A_1098 = arith.constant 0 : i32
    %dma_start3A_1099 = arith.constant 0 : i32
    %dma_start3A_1100 = tpu.memref_slice %arg3[%dma_start3A_1098, %dma_start3A_1099] : memref<8000x128xf32, #tpu.memory_space<hbm>> -> memref<8000x128xf32, #tpu.memory_space<hbm>>
    tpu.enqueue_indirect_dma source(%dma_start3A_1100 : memref<8000x128xf32, #tpu.memory_space<hbm>>) target(%dma_start3A_1095 : memref<8x128xf32, #tpu.memory_space<vmem>>) offsets(%dma_start3A_1097 : memref<8xi32, #tpu.memory_space<vmem>>) semaphore(%arg12 : memref<!tpu.dma_semaphore, #tpu.memory_space<semaphore_mem>>)
    %dma_start3A_1101 = arith.constant 48 : i32
    %dma_start3A_1102 = arith.constant 640 : i32
    %dma_start3A_1103 = tpu.memref_slice %arg8[%dma_start3A_1101, %dma_start3A_1102] : memref<56x1024xf32, #tpu.memory_space<vmem>> -> memref<8x128xf32, #tpu.memory_space<vmem>>
    %dma_start3A_1104 = arith.constant 424 : i32
    %dma_start3A_1105 = tpu.memref_slice %arg6[%dma_start3A_1104] : memref<448xi32, #tpu.memory_space<vmem>> -> memref<8xi32, #tpu.memory_space<vmem>>
    %dma_start3A_1106 = arith.constant 0 : i32
    %dma_start3A_1107 = arith.constant 0 : i32
    %dma_start3A_1108 = tpu.memref_slice %arg3[%dma_start3A_1106, %dma_start3A_1107] : memref<8000x128xf32, #tpu.memory_space<hbm>> -> memref<8000x128xf32, #tpu.memory_space<hbm>>
    tpu.enqueue_indirect_dma source(%dma_start3A_1108 : memref<8000x128xf32, #tpu.memory_space<hbm>>) target(%dma_start3A_1103 : memref<8x128xf32, #tpu.memory_space<vmem>>) offsets(%dma_start3A_1105 : memref<8xi32, #tpu.memory_space<vmem>>) semaphore(%arg12 : memref<!tpu.dma_semaphore, #tpu.memory_space<semaphore_mem>>)
    %dma_start3A_1109 = arith.constant 48 : i32
    %dma_start3A_1110 = arith.constant 768 : i32
    %dma_start3A_1111 = tpu.memref_slice %arg8[%dma_start3A_1109, %dma_start3A_1110] : memref<56x1024xf32, #tpu.memory_space<vmem>> -> memref<8x128xf32, #tpu.memory_space<vmem>>
    %dma_start3A_1112 = arith.constant 432 : i32
    %dma_start3A_1113 = tpu.memref_slice %arg6[%dma_start3A_1112] : memref<448xi32, #tpu.memory_space<vmem>> -> memref<8xi32, #tpu.memory_space<vmem>>
    %dma_start3A_1114 = arith.constant 0 : i32
    %dma_start3A_1115 = arith.constant 0 : i32
    %dma_start3A_1116 = tpu.memref_slice %arg3[%dma_start3A_1114, %dma_start3A_1115] : memref<8000x128xf32, #tpu.memory_space<hbm>> -> memref<8000x128xf32, #tpu.memory_space<hbm>>
    tpu.enqueue_indirect_dma source(%dma_start3A_1116 : memref<8000x128xf32, #tpu.memory_space<hbm>>) target(%dma_start3A_1111 : memref<8x128xf32, #tpu.memory_space<vmem>>) offsets(%dma_start3A_1113 : memref<8xi32, #tpu.memory_space<vmem>>) semaphore(%arg12 : memref<!tpu.dma_semaphore, #tpu.memory_space<semaphore_mem>>)
    %dma_start3A_1117 = arith.constant 48 : i32
    %dma_start3A_1118 = arith.constant 896 : i32
    %dma_start3A_1119 = tpu.memref_slice %arg8[%dma_start3A_1117, %dma_start3A_1118] : memref<56x1024xf32, #tpu.memory_space<vmem>> -> memref<8x128xf32, #tpu.memory_space<vmem>>
    %dma_start3A_1120 = arith.constant 440 : i32
    %dma_start3A_1121 = tpu.memref_slice %arg6[%dma_start3A_1120] : memref<448xi32, #tpu.memory_space<vmem>> -> memref<8xi32, #tpu.memory_space<vmem>>
    %dma_start3A_1122 = arith.constant 0 : i32
    %dma_start3A_1123 = arith.constant 0 : i32
    %dma_start3A_1124 = tpu.memref_slice %arg3[%dma_start3A_1122, %dma_start3A_1123] : memref<8000x128xf32, #tpu.memory_space<hbm>> -> memref<8000x128xf32, #tpu.memory_space<hbm>>
    tpu.enqueue_indirect_dma source(%dma_start3A_1124 : memref<8000x128xf32, #tpu.memory_space<hbm>>) target(%dma_start3A_1119 : memref<8x128xf32, #tpu.memory_space<vmem>>) offsets(%dma_start3A_1121 : memref<8xi32, #tpu.memory_space<vmem>>) semaphore(%arg12 : memref<!tpu.dma_semaphore, #tpu.memory_space<semaphore_mem>>)
    %dma_wait3A_1125 = arith.constant 0 : i32
    %dma_wait3A_1126 = arith.constant 0 : i32
    %dma_wait3A_1127 = tpu.memref_slice %arg8[%dma_wait3A_1125, %dma_wait3A_1126] : memref<56x1024xf32, #tpu.memory_space<vmem>> -> memref<8x1024xf32, #tpu.memory_space<vmem>>
    %dma_wait3A_1128 = arith.constant 0 : i32
    %dma_wait3A_1129 = arith.constant 0 : i32
    %dma_wait3A_1130 = tpu.memref_slice %arg4[%mul3A_2, %dma_wait3A_1128, %dma_wait3A_1129] : memref<4096x50x1024xf32, #tpu.memory_space<hbm>> -> memref<1x8x1024xf32, #tpu.memory_space<hbm>>
    %dma_wait3A_1131 = tpu.memref_squeeze %dma_wait3A_1130 : memref<1x8x1024xf32, #tpu.memory_space<hbm>> -> memref<8x1024xf32, #tpu.memory_space<hbm>>
    %dma_wait3A_1132 = arith.constant 0 : i32
    %dma_wait3A_1133 = arith.constant 0 : i32
    %dma_wait3A_1134 = tpu.memref_slice %arg8[%dma_wait3A_1132, %dma_wait3A_1133] : memref<56x1024xf32, #tpu.memory_space<vmem>> -> memref<8x1024xf32, #tpu.memory_space<vmem>>
    %dma_wait3A_1135 = arith.constant 0 : i32
    %dma_wait3A_1136 = arith.constant 0 : i32
    %dma_wait3A_1137 = tpu.memref_slice %arg4[%mul3A_2, %dma_wait3A_1135, %dma_wait3A_1136] : memref<4096x50x1024xf32, #tpu.memory_space<hbm>> -> memref<1x8x1024xf32, #tpu.memory_space<hbm>>
    %dma_wait3A_1138 = tpu.memref_squeeze %dma_wait3A_1137 : memref<1x8x1024xf32, #tpu.memory_space<hbm>> -> memref<8x1024xf32, #tpu.memory_space<hbm>>
    tpu.wait_dma2 semaphore(%arg12 : memref<!tpu.dma_semaphore, #tpu.memory_space<semaphore_mem>>) src(%dma_wait3A_1138 : memref<8x1024xf32, #tpu.memory_space<hbm>>) dst(%dma_wait3A_1134 : memref<8x1024xf32, #tpu.memory_space<vmem>>)
    %dma_wait3A_1139 = arith.constant 0 : i32
    %dma_wait3A_1140 = arith.constant 0 : i32
    %dma_wait3A_1141 = tpu.memref_slice %arg8[%dma_wait3A_1139, %dma_wait3A_1140] : memref<56x1024xf32, #tpu.memory_space<vmem>> -> memref<8x1024xf32, #tpu.memory_space<vmem>>
    %dma_wait3A_1142 = arith.constant 0 : i32
    %dma_wait3A_1143 = arith.constant 0 : i32
    %dma_wait3A_1144 = tpu.memref_slice %arg4[%mul3A_2, %dma_wait3A_1142, %dma_wait3A_1143] : memref<4096x50x1024xf32, #tpu.memory_space<hbm>> -> memref<1x8x1024xf32, #tpu.memory_space<hbm>>
    %dma_wait3A_1145 = tpu.memref_squeeze %dma_wait3A_1144 : memref<1x8x1024xf32, #tpu.memory_space<hbm>> -> memref<8x1024xf32, #tpu.memory_space<hbm>>
    %dma_wait3A_1146 = arith.constant 0 : i32
    %dma_wait3A_1147 = arith.constant 0 : i32
    %dma_wait3A_1148 = tpu.memref_slice %arg8[%dma_wait3A_1146, %dma_wait3A_1147] : memref<56x1024xf32, #tpu.memory_space<vmem>> -> memref<8x1024xf32, #tpu.memory_space<vmem>>
    %dma_wait3A_1149 = arith.constant 0 : i32
    %dma_wait3A_1150 = arith.constant 0 : i32
    %dma_wait3A_1151 = tpu.memref_slice %arg4[%mul3A_2, %dma_wait3A_1149, %dma_wait3A_1150] : memref<4096x50x1024xf32, #tpu.memory_space<hbm>> -> memref<1x8x1024xf32, #tpu.memory_space<hbm>>
    %dma_wait3A_1152 = tpu.memref_squeeze %dma_wait3A_1151 : memref<1x8x1024xf32, #tpu.memory_space<hbm>> -> memref<8x1024xf32, #tpu.memory_space<hbm>>
    tpu.wait_dma2 semaphore(%arg12 : memref<!tpu.dma_semaphore, #tpu.memory_space<semaphore_mem>>) src(%dma_wait3A_1152 : memref<8x1024xf32, #tpu.memory_space<hbm>>) dst(%dma_wait3A_1148 : memref<8x1024xf32, #tpu.memory_space<vmem>>)
    %dma_wait3A_1153 = arith.constant 0 : i32
    %dma_wait3A_1154 = arith.constant 0 : i32
    %dma_wait3A_1155 = tpu.memref_slice %arg8[%dma_wait3A_1153, %dma_wait3A_1154] : memref<56x1024xf32, #tpu.memory_space<vmem>> -> memref<8x1024xf32, #tpu.memory_space<vmem>>
    %dma_wait3A_1156 = arith.constant 0 : i32
    %dma_wait3A_1157 = arith.constant 0 : i32
    %dma_wait3A_1158 = tpu.memref_slice %arg4[%mul3A_2, %dma_wait3A_1156, %dma_wait3A_1157] : memref<4096x50x1024xf32, #tpu.memory_space<hbm>> -> memref<1x8x1024xf32, #tpu.memory_space<hbm>>
    %dma_wait3A_1159 = tpu.memref_squeeze %dma_wait3A_1158 : memref<1x8x1024xf32, #tpu.memory_space<hbm>> -> memref<8x1024xf32, #tpu.memory_space<hbm>>
    %dma_wait3A_1160 = arith.constant 0 : i32
    %dma_wait3A_1161 = arith.constant 0 : i32
    %dma_wait3A_1162 = tpu.memref_slice %arg8[%dma_wait3A_1160, %dma_wait3A_1161] : memref<56x1024xf32, #tpu.memory_space<vmem>> -> memref<8x1024xf32, #tpu.memory_space<vmem>>
    %dma_wait3A_1163 = arith.constant 0 : i32
    %dma_wait3A_1164 = arith.constant 0 : i32
    %dma_wait3A_1165 = tpu.memref_slice %arg4[%mul3A_2, %dma_wait3A_1163, %dma_wait3A_1164] : memref<4096x50x1024xf32, #tpu.memory_space<hbm>> -> memref<1x8x1024xf32, #tpu.memory_space<hbm>>
    %dma_wait3A_1166 = tpu.memref_squeeze %dma_wait3A_1165 : memref<1x8x1024xf32, #tpu.memory_space<hbm>> -> memref<8x1024xf32, #tpu.memory_space<hbm>>
    tpu.wait_dma2 semaphore(%arg12 : memref<!tpu.dma_semaphore, #tpu.memory_space<semaphore_mem>>) src(%dma_wait3A_1166 : memref<8x1024xf32, #tpu.memory_space<hbm>>) dst(%dma_wait3A_1162 : memref<8x1024xf32, #tpu.memory_space<vmem>>)
    %dma_wait3A_1167 = arith.constant 0 : i32
    %dma_wait3A_1168 = arith.constant 0 : i32
    %dma_wait3A_1169 = tpu.memref_slice %arg8[%dma_wait3A_1167, %dma_wait3A_1168] : memref<56x1024xf32, #tpu.memory_space<vmem>> -> memref<8x1024xf32, #tpu.memory_space<vmem>>
    %dma_wait3A_1170 = arith.constant 0 : i32
    %dma_wait3A_1171 = arith.constant 0 : i32
    %dma_wait3A_1172 = tpu.memref_slice %arg4[%mul3A_2, %dma_wait3A_1170, %dma_wait3A_1171] : memref<4096x50x1024xf32, #tpu.memory_space<hbm>> -> memref<1x8x1024xf32, #tpu.memory_space<hbm>>
    %dma_wait3A_1173 = tpu.memref_squeeze %dma_wait3A_1172 : memref<1x8x1024xf32, #tpu.memory_space<hbm>> -> memref<8x1024xf32, #tpu.memory_space<hbm>>
    %dma_wait3A_1174 = arith.constant 0 : i32
    %dma_wait3A_1175 = arith.constant 0 : i32
    %dma_wait3A_1176 = tpu.memref_slice %arg8[%dma_wait3A_1174, %dma_wait3A_1175] : memref<56x1024xf32, #tpu.memory_space<vmem>> -> memref<8x1024xf32, #tpu.memory_space<vmem>>
    %dma_wait3A_1177 = arith.constant 0 : i32
    %dma_wait3A_1178 = arith.constant 0 : i32
    %dma_wait3A_1179 = tpu.memref_slice %arg4[%mul3A_2, %dma_wait3A_1177, %dma_wait3A_1178] : memref<4096x50x1024xf32, #tpu.memory_space<hbm>> -> memref<1x8x1024xf32, #tpu.memory_space<hbm>>
    %dma_wait3A_1180 = tpu.memref_squeeze %dma_wait3A_1179 : memref<1x8x1024xf32, #tpu.memory_space<hbm>> -> memref<8x1024xf32, #tpu.memory_space<hbm>>
    tpu.wait_dma2 semaphore(%arg12 : memref<!tpu.dma_semaphore, #tpu.memory_space<semaphore_mem>>) src(%dma_wait3A_1180 : memref<8x1024xf32, #tpu.memory_space<hbm>>) dst(%dma_wait3A_1176 : memref<8x1024xf32, #tpu.memory_space<vmem>>)
    %dma_wait3A_1181 = arith.constant 0 : i32
    %dma_wait3A_1182 = arith.constant 0 : i32
    %dma_wait3A_1183 = tpu.memref_slice %arg8[%dma_wait3A_1181, %dma_wait3A_1182] : memref<56x1024xf32, #tpu.memory_space<vmem>> -> memref<8x1024xf32, #tpu.memory_space<vmem>>
    %dma_wait3A_1184 = arith.constant 0 : i32
    %dma_wait3A_1185 = arith.constant 0 : i32
    %dma_wait3A_1186 = tpu.memref_slice %arg4[%mul3A_2, %dma_wait3A_1184, %dma_wait3A_1185] : memref<4096x50x1024xf32, #tpu.memory_space<hbm>> -> memref<1x8x1024xf32, #tpu.memory_space<hbm>>
    %dma_wait3A_1187 = tpu.memref_squeeze %dma_wait3A_1186 : memref<1x8x1024xf32, #tpu.memory_space<hbm>> -> memref<8x1024xf32, #tpu.memory_space<hbm>>
    %dma_wait3A_1188 = arith.constant 0 : i32
    %dma_wait3A_1189 = arith.constant 0 : i32
    %dma_wait3A_1190 = tpu.memref_slice %arg8[%dma_wait3A_1188, %dma_wait3A_1189] : memref<56x1024xf32, #tpu.memory_space<vmem>> -> memref<8x1024xf32, #tpu.memory_space<vmem>>
    %dma_wait3A_1191 = arith.constant 0 : i32
    %dma_wait3A_1192 = arith.constant 0 : i32
    %dma_wait3A_1193 = tpu.memref_slice %arg4[%mul3A_2, %dma_wait3A_1191, %dma_wait3A_1192] : memref<4096x50x1024xf32, #tpu.memory_space<hbm>> -> memref<1x8x1024xf32, #tpu.memory_space<hbm>>
    %dma_wait3A_1194 = tpu.memref_squeeze %dma_wait3A_1193 : memref<1x8x1024xf32, #tpu.memory_space<hbm>> -> memref<8x1024xf32, #tpu.memory_space<hbm>>
    tpu.wait_dma2 semaphore(%arg12 : memref<!tpu.dma_semaphore, #tpu.memory_space<semaphore_mem>>) src(%dma_wait3A_1194 : memref<8x1024xf32, #tpu.memory_space<hbm>>) dst(%dma_wait3A_1190 : memref<8x1024xf32, #tpu.memory_space<vmem>>)
    %dma_wait3A_1195 = arith.constant 0 : i32
    %dma_wait3A_1196 = arith.constant 0 : i32
    %dma_wait3A_1197 = tpu.memref_slice %arg8[%dma_wait3A_1195, %dma_wait3A_1196] : memref<56x1024xf32, #tpu.memory_space<vmem>> -> memref<8x1024xf32, #tpu.memory_space<vmem>>
    %dma_wait3A_1198 = arith.constant 0 : i32
    %dma_wait3A_1199 = arith.constant 0 : i32
    %dma_wait3A_1200 = tpu.memref_slice %arg4[%mul3A_2, %dma_wait3A_1198, %dma_wait3A_1199] : memref<4096x50x1024xf32, #tpu.memory_space<hbm>> -> memref<1x8x1024xf32, #tpu.memory_space<hbm>>
    %dma_wait3A_1201 = tpu.memref_squeeze %dma_wait3A_1200 : memref<1x8x1024xf32, #tpu.memory_space<hbm>> -> memref<8x1024xf32, #tpu.memory_space<hbm>>
    %dma_wait3A_1202 = arith.constant 0 : i32
    %dma_wait3A_1203 = arith.constant 0 : i32
    %dma_wait3A_1204 = tpu.memref_slice %arg8[%dma_wait3A_1202, %dma_wait3A_1203] : memref<56x1024xf32, #tpu.memory_space<vmem>> -> memref<8x1024xf32, #tpu.memory_space<vmem>>
    %dma_wait3A_1205 = arith.constant 0 : i32
    %dma_wait3A_1206 = arith.constant 0 : i32
    %dma_wait3A_1207 = tpu.memref_slice %arg4[%mul3A_2, %dma_wait3A_1205, %dma_wait3A_1206] : memref<4096x50x1024xf32, #tpu.memory_space<hbm>> -> memref<1x8x1024xf32, #tpu.memory_space<hbm>>
    %dma_wait3A_1208 = tpu.memref_squeeze %dma_wait3A_1207 : memref<1x8x1024xf32, #tpu.memory_space<hbm>> -> memref<8x1024xf32, #tpu.memory_space<hbm>>
    tpu.wait_dma2 semaphore(%arg12 : memref<!tpu.dma_semaphore, #tpu.memory_space<semaphore_mem>>) src(%dma_wait3A_1208 : memref<8x1024xf32, #tpu.memory_space<hbm>>) dst(%dma_wait3A_1204 : memref<8x1024xf32, #tpu.memory_space<vmem>>)
    %dma_wait3A_1209 = arith.constant 0 : i32
    %dma_wait3A_1210 = arith.constant 0 : i32
    %dma_wait3A_1211 = tpu.memref_slice %arg8[%dma_wait3A_1209, %dma_wait3A_1210] : memref<56x1024xf32, #tpu.memory_space<vmem>> -> memref<8x1024xf32, #tpu.memory_space<vmem>>
    %dma_wait3A_1212 = arith.constant 0 : i32
    %dma_wait3A_1213 = arith.constant 0 : i32
    %dma_wait3A_1214 = tpu.memref_slice %arg4[%mul3A_2, %dma_wait3A_1212, %dma_wait3A_1213] : memref<4096x50x1024xf32, #tpu.memory_space<hbm>> -> memref<1x8x1024xf32, #tpu.memory_space<hbm>>
    %dma_wait3A_1215 = tpu.memref_squeeze %dma_wait3A_1214 : memref<1x8x1024xf32, #tpu.memory_space<hbm>> -> memref<8x1024xf32, #tpu.memory_space<hbm>>
    %dma_wait3A_1216 = arith.constant 0 : i32
    %dma_wait3A_1217 = arith.constant 0 : i32
    %dma_wait3A_1218 = tpu.memref_slice %arg8[%dma_wait3A_1216, %dma_wait3A_1217] : memref<56x1024xf32, #tpu.memory_space<vmem>> -> memref<8x1024xf32, #tpu.memory_space<vmem>>
    %dma_wait3A_1219 = arith.constant 0 : i32
    %dma_wait3A_1220 = arith.constant 0 : i32
    %dma_wait3A_1221 = tpu.memref_slice %arg4[%mul3A_2, %dma_wait3A_1219, %dma_wait3A_1220] : memref<4096x50x1024xf32, #tpu.memory_space<hbm>> -> memref<1x8x1024xf32, #tpu.memory_space<hbm>>
    %dma_wait3A_1222 = tpu.memref_squeeze %dma_wait3A_1221 : memref<1x8x1024xf32, #tpu.memory_space<hbm>> -> memref<8x1024xf32, #tpu.memory_space<hbm>>
    tpu.wait_dma2 semaphore(%arg12 : memref<!tpu.dma_semaphore, #tpu.memory_space<semaphore_mem>>) src(%dma_wait3A_1222 : memref<8x1024xf32, #tpu.memory_space<hbm>>) dst(%dma_wait3A_1218 : memref<8x1024xf32, #tpu.memory_space<vmem>>)
    %add3A_1223 = arith.constant 1 : i32
    %add3A_1224 = arith.addi %mul3A_2, %add3A_1223 : i32
    %dma_start3A_1225 = arith.constant 0 : i32
    %dma_start3A_1226 = arith.constant 0 : i32
    %dma_start3A_1227 = tpu.memref_slice %arg8[%dma_start3A_1225, %dma_start3A_1226] : memref<56x1024xf32, #tpu.memory_space<vmem>> -> memref<8x1024xf32, #tpu.memory_space<vmem>>
    %dma_start3A_1228 = arith.constant 0 : i32
    %dma_start3A_1229 = arith.constant 0 : i32
    %dma_start3A_1230 = tpu.memref_slice %arg4[%add3A_1224, %dma_start3A_1228, %dma_start3A_1229] : memref<4096x50x1024xf32, #tpu.memory_space<hbm>> -> memref<1x8x1024xf32, #tpu.memory_space<hbm>>
    %dma_start3A_1231 = tpu.memref_squeeze %dma_start3A_1230 : memref<1x8x1024xf32, #tpu.memory_space<hbm>> -> memref<8x1024xf32, #tpu.memory_space<hbm>>
    %dma_start3A_1232 = arith.constant 0 : i32
    %dma_start3A_1233 = arith.constant 0 : i32
    %dma_start3A_1234 = tpu.memref_slice %arg4[%add3A_1224, %dma_start3A_1232, %dma_start3A_1233] : memref<4096x50x1024xf32, #tpu.memory_space<hbm>> -> memref<1x8x1024xf32, #tpu.memory_space<hbm>>
    %dma_start3A_1235 = tpu.memref_squeeze %dma_start3A_1234 : memref<1x8x1024xf32, #tpu.memory_space<hbm>> -> memref<8x1024xf32, #tpu.memory_space<hbm>>
    %dma_start3A_1236 = arith.constant 0 : i32
    %dma_start3A_1237 = arith.constant 0 : i32
    %dma_start3A_1238 = tpu.memref_slice %arg8[%dma_start3A_1236, %dma_start3A_1237] : memref<56x1024xf32, #tpu.memory_space<vmem>> -> memref<8x1024xf32, #tpu.memory_space<vmem>>
    tpu.enqueue_dma source(%dma_start3A_1238 : memref<8x1024xf32, #tpu.memory_space<vmem>>) target(%dma_start3A_1235 : memref<8x1024xf32, #tpu.memory_space<hbm>>) target_semaphore(%arg14 : memref<!tpu.dma_semaphore, #tpu.memory_space<semaphore_mem>>)
    %dma_start3A_1239 = arith.constant 8 : i32
    %dma_start3A_1240 = arith.constant 0 : i32
    %dma_start3A_1241 = tpu.memref_slice %arg8[%dma_start3A_1239, %dma_start3A_1240] : memref<56x1024xf32, #tpu.memory_space<vmem>> -> memref<8x1024xf32, #tpu.memory_space<vmem>>
    %dma_start3A_1242 = arith.constant 8 : i32
    %dma_start3A_1243 = arith.constant 0 : i32
    %dma_start3A_1244 = tpu.memref_slice %arg4[%add3A_1224, %dma_start3A_1242, %dma_start3A_1243] : memref<4096x50x1024xf32, #tpu.memory_space<hbm>> -> memref<1x8x1024xf32, #tpu.memory_space<hbm>>
    %dma_start3A_1245 = tpu.memref_squeeze %dma_start3A_1244 : memref<1x8x1024xf32, #tpu.memory_space<hbm>> -> memref<8x1024xf32, #tpu.memory_space<hbm>>
    %dma_start3A_1246 = arith.constant 8 : i32
    %dma_start3A_1247 = arith.constant 0 : i32
    %dma_start3A_1248 = tpu.memref_slice %arg4[%add3A_1224, %dma_start3A_1246, %dma_start3A_1247] : memref<4096x50x1024xf32, #tpu.memory_space<hbm>> -> memref<1x8x1024xf32, #tpu.memory_space<hbm>>
    %dma_start3A_1249 = tpu.memref_squeeze %dma_start3A_1248 : memref<1x8x1024xf32, #tpu.memory_space<hbm>> -> memref<8x1024xf32, #tpu.memory_space<hbm>>
    %dma_start3A_1250 = arith.constant 8 : i32
    %dma_start3A_1251 = arith.constant 0 : i32
    %dma_start3A_1252 = tpu.memref_slice %arg8[%dma_start3A_1250, %dma_start3A_1251] : memref<56x1024xf32, #tpu.memory_space<vmem>> -> memref<8x1024xf32, #tpu.memory_space<vmem>>
    tpu.enqueue_dma source(%dma_start3A_1252 : memref<8x1024xf32, #tpu.memory_space<vmem>>) target(%dma_start3A_1249 : memref<8x1024xf32, #tpu.memory_space<hbm>>) target_semaphore(%arg14 : memref<!tpu.dma_semaphore, #tpu.memory_space<semaphore_mem>>)
    %dma_start3A_1253 = arith.constant 16 : i32
    %dma_start3A_1254 = arith.constant 0 : i32
    %dma_start3A_1255 = tpu.memref_slice %arg8[%dma_start3A_1253, %dma_start3A_1254] : memref<56x1024xf32, #tpu.memory_space<vmem>> -> memref<8x1024xf32, #tpu.memory_space<vmem>>
    %dma_start3A_1256 = arith.constant 16 : i32
    %dma_start3A_1257 = arith.constant 0 : i32
    %dma_start3A_1258 = tpu.memref_slice %arg4[%add3A_1224, %dma_start3A_1256, %dma_start3A_1257] : memref<4096x50x1024xf32, #tpu.memory_space<hbm>> -> memref<1x8x1024xf32, #tpu.memory_space<hbm>>
    %dma_start3A_1259 = tpu.memref_squeeze %dma_start3A_1258 : memref<1x8x1024xf32, #tpu.memory_space<hbm>> -> memref<8x1024xf32, #tpu.memory_space<hbm>>
    %dma_start3A_1260 = arith.constant 16 : i32
    %dma_start3A_1261 = arith.constant 0 : i32
    %dma_start3A_1262 = tpu.memref_slice %arg4[%add3A_1224, %dma_start3A_1260, %dma_start3A_1261] : memref<4096x50x1024xf32, #tpu.memory_space<hbm>> -> memref<1x8x1024xf32, #tpu.memory_space<hbm>>
    %dma_start3A_1263 = tpu.memref_squeeze %dma_start3A_1262 : memref<1x8x1024xf32, #tpu.memory_space<hbm>> -> memref<8x1024xf32, #tpu.memory_space<hbm>>
    %dma_start3A_1264 = arith.constant 16 : i32
    %dma_start3A_1265 = arith.constant 0 : i32
    %dma_start3A_1266 = tpu.memref_slice %arg8[%dma_start3A_1264, %dma_start3A_1265] : memref<56x1024xf32, #tpu.memory_space<vmem>> -> memref<8x1024xf32, #tpu.memory_space<vmem>>
    tpu.enqueue_dma source(%dma_start3A_1266 : memref<8x1024xf32, #tpu.memory_space<vmem>>) target(%dma_start3A_1263 : memref<8x1024xf32, #tpu.memory_space<hbm>>) target_semaphore(%arg14 : memref<!tpu.dma_semaphore, #tpu.memory_space<semaphore_mem>>)
    %dma_start3A_1267 = arith.constant 24 : i32
    %dma_start3A_1268 = arith.constant 0 : i32
    %dma_start3A_1269 = tpu.memref_slice %arg8[%dma_start3A_1267, %dma_start3A_1268] : memref<56x1024xf32, #tpu.memory_space<vmem>> -> memref<8x1024xf32, #tpu.memory_space<vmem>>
    %dma_start3A_1270 = arith.constant 24 : i32
    %dma_start3A_1271 = arith.constant 0 : i32
    %dma_start3A_1272 = tpu.memref_slice %arg4[%add3A_1224, %dma_start3A_1270, %dma_start3A_1271] : memref<4096x50x1024xf32, #tpu.memory_space<hbm>> -> memref<1x8x1024xf32, #tpu.memory_space<hbm>>
    %dma_start3A_1273 = tpu.memref_squeeze %dma_start3A_1272 : memref<1x8x1024xf32, #tpu.memory_space<hbm>> -> memref<8x1024xf32, #tpu.memory_space<hbm>>
    %dma_start3A_1274 = arith.constant 24 : i32
    %dma_start3A_1275 = arith.constant 0 : i32
    %dma_start3A_1276 = tpu.memref_slice %arg4[%add3A_1224, %dma_start3A_1274, %dma_start3A_1275] : memref<4096x50x1024xf32, #tpu.memory_space<hbm>> -> memref<1x8x1024xf32, #tpu.memory_space<hbm>>
    %dma_start3A_1277 = tpu.memref_squeeze %dma_start3A_1276 : memref<1x8x1024xf32, #tpu.memory_space<hbm>> -> memref<8x1024xf32, #tpu.memory_space<hbm>>
    %dma_start3A_1278 = arith.constant 24 : i32
    %dma_start3A_1279 = arith.constant 0 : i32
    %dma_start3A_1280 = tpu.memref_slice %arg8[%dma_start3A_1278, %dma_start3A_1279] : memref<56x1024xf32, #tpu.memory_space<vmem>> -> memref<8x1024xf32, #tpu.memory_space<vmem>>
    tpu.enqueue_dma source(%dma_start3A_1280 : memref<8x1024xf32, #tpu.memory_space<vmem>>) target(%dma_start3A_1277 : memref<8x1024xf32, #tpu.memory_space<hbm>>) target_semaphore(%arg14 : memref<!tpu.dma_semaphore, #tpu.memory_space<semaphore_mem>>)
    %dma_start3A_1281 = arith.constant 32 : i32
    %dma_start3A_1282 = arith.constant 0 : i32
    %dma_start3A_1283 = tpu.memref_slice %arg8[%dma_start3A_1281, %dma_start3A_1282] : memref<56x1024xf32, #tpu.memory_space<vmem>> -> memref<8x1024xf32, #tpu.memory_space<vmem>>
    %dma_start3A_1284 = arith.constant 32 : i32
    %dma_start3A_1285 = arith.constant 0 : i32
    %dma_start3A_1286 = tpu.memref_slice %arg4[%add3A_1224, %dma_start3A_1284, %dma_start3A_1285] : memref<4096x50x1024xf32, #tpu.memory_space<hbm>> -> memref<1x8x1024xf32, #tpu.memory_space<hbm>>
    %dma_start3A_1287 = tpu.memref_squeeze %dma_start3A_1286 : memref<1x8x1024xf32, #tpu.memory_space<hbm>> -> memref<8x1024xf32, #tpu.memory_space<hbm>>
    %dma_start3A_1288 = arith.constant 32 : i32
    %dma_start3A_1289 = arith.constant 0 : i32
    %dma_start3A_1290 = tpu.memref_slice %arg4[%add3A_1224, %dma_start3A_1288, %dma_start3A_1289] : memref<4096x50x1024xf32, #tpu.memory_space<hbm>> -> memref<1x8x1024xf32, #tpu.memory_space<hbm>>
    %dma_start3A_1291 = tpu.memref_squeeze %dma_start3A_1290 : memref<1x8x1024xf32, #tpu.memory_space<hbm>> -> memref<8x1024xf32, #tpu.memory_space<hbm>>
    %dma_start3A_1292 = arith.constant 32 : i32
    %dma_start3A_1293 = arith.constant 0 : i32
    %dma_start3A_1294 = tpu.memref_slice %arg8[%dma_start3A_1292, %dma_start3A_1293] : memref<56x1024xf32, #tpu.memory_space<vmem>> -> memref<8x1024xf32, #tpu.memory_space<vmem>>
    tpu.enqueue_dma source(%dma_start3A_1294 : memref<8x1024xf32, #tpu.memory_space<vmem>>) target(%dma_start3A_1291 : memref<8x1024xf32, #tpu.memory_space<hbm>>) target_semaphore(%arg14 : memref<!tpu.dma_semaphore, #tpu.memory_space<semaphore_mem>>)
    %dma_start3A_1295 = arith.constant 40 : i32
    %dma_start3A_1296 = arith.constant 0 : i32
    %dma_start3A_1297 = tpu.memref_slice %arg8[%dma_start3A_1295, %dma_start3A_1296] : memref<56x1024xf32, #tpu.memory_space<vmem>> -> memref<8x1024xf32, #tpu.memory_space<vmem>>
    %dma_start3A_1298 = arith.constant 40 : i32
    %dma_start3A_1299 = arith.constant 0 : i32
    %dma_start3A_1300 = tpu.memref_slice %arg4[%add3A_1224, %dma_start3A_1298, %dma_start3A_1299] : memref<4096x50x1024xf32, #tpu.memory_space<hbm>> -> memref<1x8x1024xf32, #tpu.memory_space<hbm>>
    %dma_start3A_1301 = tpu.memref_squeeze %dma_start3A_1300 : memref<1x8x1024xf32, #tpu.memory_space<hbm>> -> memref<8x1024xf32, #tpu.memory_space<hbm>>
    %dma_start3A_1302 = arith.constant 40 : i32
    %dma_start3A_1303 = arith.constant 0 : i32
    %dma_start3A_1304 = tpu.memref_slice %arg4[%add3A_1224, %dma_start3A_1302, %dma_start3A_1303] : memref<4096x50x1024xf32, #tpu.memory_space<hbm>> -> memref<1x8x1024xf32, #tpu.memory_space<hbm>>
    %dma_start3A_1305 = tpu.memref_squeeze %dma_start3A_1304 : memref<1x8x1024xf32, #tpu.memory_space<hbm>> -> memref<8x1024xf32, #tpu.memory_space<hbm>>
    %dma_start3A_1306 = arith.constant 40 : i32
    %dma_start3A_1307 = arith.constant 0 : i32
    %dma_start3A_1308 = tpu.memref_slice %arg8[%dma_start3A_1306, %dma_start3A_1307] : memref<56x1024xf32, #tpu.memory_space<vmem>> -> memref<8x1024xf32, #tpu.memory_space<vmem>>
    tpu.enqueue_dma source(%dma_start3A_1308 : memref<8x1024xf32, #tpu.memory_space<vmem>>) target(%dma_start3A_1305 : memref<8x1024xf32, #tpu.memory_space<hbm>>) target_semaphore(%arg14 : memref<!tpu.dma_semaphore, #tpu.memory_space<semaphore_mem>>)
    %dma_start3A_1309 = arith.constant 48 : i32
    %dma_start3A_1310 = arith.constant 0 : i32
    %dma_start3A_1311 = tpu.memref_slice %arg8[%dma_start3A_1309, %dma_start3A_1310] : memref<56x1024xf32, #tpu.memory_space<vmem>> -> memref<2x1024xf32, #tpu.memory_space<vmem>>
    %dma_start3A_1312 = arith.constant 48 : i32
    %dma_start3A_1313 = arith.constant 0 : i32
    %dma_start3A_1314 = tpu.memref_slice %arg4[%add3A_1224, %dma_start3A_1312, %dma_start3A_1313] : memref<4096x50x1024xf32, #tpu.memory_space<hbm>> -> memref<1x2x1024xf32, #tpu.memory_space<hbm>>
    %dma_start3A_1315 = tpu.memref_squeeze %dma_start3A_1314 : memref<1x2x1024xf32, #tpu.memory_space<hbm>> -> memref<2x1024xf32, #tpu.memory_space<hbm>>
    %dma_start3A_1316 = arith.constant 48 : i32
    %dma_start3A_1317 = arith.constant 0 : i32
    %dma_start3A_1318 = tpu.memref_slice %arg4[%add3A_1224, %dma_start3A_1316, %dma_start3A_1317] : memref<4096x50x1024xf32, #tpu.memory_space<hbm>> -> memref<1x2x1024xf32, #tpu.memory_space<hbm>>
    %dma_start3A_1319 = tpu.memref_squeeze %dma_start3A_1318 : memref<1x2x1024xf32, #tpu.memory_space<hbm>> -> memref<2x1024xf32, #tpu.memory_space<hbm>>
    %dma_start3A_1320 = arith.constant 48 : i32
    %dma_start3A_1321 = arith.constant 0 : i32
    %dma_start3A_1322 = tpu.memref_slice %arg8[%dma_start3A_1320, %dma_start3A_1321] : memref<56x1024xf32, #tpu.memory_space<vmem>> -> memref<2x1024xf32, #tpu.memory_space<vmem>>
    tpu.enqueue_dma source(%dma_start3A_1322 : memref<2x1024xf32, #tpu.memory_space<vmem>>) target(%dma_start3A_1319 : memref<2x1024xf32, #tpu.memory_space<hbm>>) target_semaphore(%arg14 : memref<!tpu.dma_semaphore, #tpu.memory_space<semaphore_mem>>)
    %add3A_1323 = arith.constant 3 : i32
    %add3A_1324 = arith.addi %mul3A_2, %add3A_1323 : i32
    %mul3A_1325 = arith.constant 448 : i32
    %mul3A_1326 = arith.muli %add3A_1324, %mul3A_1325 : i32
    %dma_start3A_1327 = tpu.memref_slice %arg2[%mul3A_1326] : memref<1835904xi32, #tpu.memory_space<hbm>> -> memref<448xi32, #tpu.memory_space<hbm>>
    %dma_start3A_1328 = tpu.memref_slice %arg2[%mul3A_1326] : memref<1835904xi32, #tpu.memory_space<hbm>> -> memref<448xi32, #tpu.memory_space<hbm>>
    tpu.enqueue_dma source(%dma_start3A_1328 : memref<448xi32, #tpu.memory_space<hbm>>) target(%arg6 : memref<448xi32, #tpu.memory_space<vmem>>) target_semaphore(%arg10 : memref<!tpu.dma_semaphore, #tpu.memory_space<semaphore_mem>>)
    %scan3A = arith.constant 0 : i32
    %scan3A_1329 = arith.constant 1 : i32
    %scan3A_1330 = arith.constant 63 : i32
    %scan3A_1331 = arith.addi %scan3A_1329, %scan3A_1330 : i32
    %scan3A_1332 = arith.constant 1 : i32
    scf.for %scan3A_1542 = %scan3A_1329 to %scan3A_1331 step %scan3A_1332  : i32 {
      %mul3A_1543 = arith.constant 2 : i32
      %mul3A_1544 = arith.muli %mul3A_1543, %scan3A_1542 : i32
      %add3A_1545 = arith.constant 0 : i32
      %add3A_1546 = arith.addi %mul3A_1544, %add3A_1545 : i32
      %dma_wait3A_1547 = arith.constant 0 : i32
      %dma_wait3A_1548 = arith.constant 0 : i32
      %dma_wait3A_1549 = tpu.memref_slice %arg7[%dma_wait3A_1547, %dma_wait3A_1548] : memref<56x1024xf32, #tpu.memory_space<vmem>> -> memref<8x1024xf32, #tpu.memory_space<vmem>>
      %dma_wait3A_1550 = arith.constant 0 : i32
      %dma_wait3A_1551 = arith.constant 0 : i32
      %dma_wait3A_1552 = tpu.memref_slice %arg4[%mul3A_2, %dma_wait3A_1550, %dma_wait3A_1551] : memref<4096x50x1024xf32, #tpu.memory_space<hbm>> -> memref<1x8x1024xf32, #tpu.memory_space<hbm>>
      %dma_wait3A_1553 = tpu.memref_squeeze %dma_wait3A_1552 : memref<1x8x1024xf32, #tpu.memory_space<hbm>> -> memref<8x1024xf32, #tpu.memory_space<hbm>>
      %dma_wait3A_1554 = arith.constant 0 : i32
      %dma_wait3A_1555 = arith.constant 0 : i32
      %dma_wait3A_1556 = tpu.memref_slice %arg4[%mul3A_2, %dma_wait3A_1554, %dma_wait3A_1555] : memref<4096x50x1024xf32, #tpu.memory_space<hbm>> -> memref<1x8x1024xf32, #tpu.memory_space<hbm>>
      %dma_wait3A_1557 = tpu.memref_squeeze %dma_wait3A_1556 : memref<1x8x1024xf32, #tpu.memory_space<hbm>> -> memref<8x1024xf32, #tpu.memory_space<hbm>>
      %dma_wait3A_1558 = arith.constant 0 : i32
      %dma_wait3A_1559 = arith.constant 0 : i32
      %dma_wait3A_1560 = tpu.memref_slice %arg7[%dma_wait3A_1558, %dma_wait3A_1559] : memref<56x1024xf32, #tpu.memory_space<vmem>> -> memref<8x1024xf32, #tpu.memory_space<vmem>>
      tpu.wait_dma2 semaphore(%arg13 : memref<!tpu.dma_semaphore, #tpu.memory_space<semaphore_mem>>) src(%dma_wait3A_1560 : memref<8x1024xf32, #tpu.memory_space<vmem>>) dst(%dma_wait3A_1557 : memref<8x1024xf32, #tpu.memory_space<hbm>>)
      %dma_wait3A_1561 = arith.constant 0 : i32
      %dma_wait3A_1562 = arith.constant 0 : i32
      %dma_wait3A_1563 = tpu.memref_slice %arg7[%dma_wait3A_1561, %dma_wait3A_1562] : memref<56x1024xf32, #tpu.memory_space<vmem>> -> memref<8x1024xf32, #tpu.memory_space<vmem>>
      %dma_wait3A_1564 = arith.constant 0 : i32
      %dma_wait3A_1565 = arith.constant 0 : i32
      %dma_wait3A_1566 = tpu.memref_slice %arg4[%mul3A_2, %dma_wait3A_1564, %dma_wait3A_1565] : memref<4096x50x1024xf32, #tpu.memory_space<hbm>> -> memref<1x8x1024xf32, #tpu.memory_space<hbm>>
      %dma_wait3A_1567 = tpu.memref_squeeze %dma_wait3A_1566 : memref<1x8x1024xf32, #tpu.memory_space<hbm>> -> memref<8x1024xf32, #tpu.memory_space<hbm>>
      %dma_wait3A_1568 = arith.constant 0 : i32
      %dma_wait3A_1569 = arith.constant 0 : i32
      %dma_wait3A_1570 = tpu.memref_slice %arg4[%mul3A_2, %dma_wait3A_1568, %dma_wait3A_1569] : memref<4096x50x1024xf32, #tpu.memory_space<hbm>> -> memref<1x8x1024xf32, #tpu.memory_space<hbm>>
      %dma_wait3A_1571 = tpu.memref_squeeze %dma_wait3A_1570 : memref<1x8x1024xf32, #tpu.memory_space<hbm>> -> memref<8x1024xf32, #tpu.memory_space<hbm>>
      %dma_wait3A_1572 = arith.constant 0 : i32
      %dma_wait3A_1573 = arith.constant 0 : i32
      %dma_wait3A_1574 = tpu.memref_slice %arg7[%dma_wait3A_1572, %dma_wait3A_1573] : memref<56x1024xf32, #tpu.memory_space<vmem>> -> memref<8x1024xf32, #tpu.memory_space<vmem>>
      tpu.wait_dma2 semaphore(%arg13 : memref<!tpu.dma_semaphore, #tpu.memory_space<semaphore_mem>>) src(%dma_wait3A_1574 : memref<8x1024xf32, #tpu.memory_space<vmem>>) dst(%dma_wait3A_1571 : memref<8x1024xf32, #tpu.memory_space<hbm>>)
      %dma_wait3A_1575 = arith.constant 0 : i32
      %dma_wait3A_1576 = arith.constant 0 : i32
      %dma_wait3A_1577 = tpu.memref_slice %arg7[%dma_wait3A_1575, %dma_wait3A_1576] : memref<56x1024xf32, #tpu.memory_space<vmem>> -> memref<8x1024xf32, #tpu.memory_space<vmem>>
      %dma_wait3A_1578 = arith.constant 0 : i32
      %dma_wait3A_1579 = arith.constant 0 : i32
      %dma_wait3A_1580 = tpu.memref_slice %arg4[%mul3A_2, %dma_wait3A_1578, %dma_wait3A_1579] : memref<4096x50x1024xf32, #tpu.memory_space<hbm>> -> memref<1x8x1024xf32, #tpu.memory_space<hbm>>
      %dma_wait3A_1581 = tpu.memref_squeeze %dma_wait3A_1580 : memref<1x8x1024xf32, #tpu.memory_space<hbm>> -> memref<8x1024xf32, #tpu.memory_space<hbm>>
      %dma_wait3A_1582 = arith.constant 0 : i32
      %dma_wait3A_1583 = arith.constant 0 : i32
      %dma_wait3A_1584 = tpu.memref_slice %arg4[%mul3A_2, %dma_wait3A_1582, %dma_wait3A_1583] : memref<4096x50x1024xf32, #tpu.memory_space<hbm>> -> memref<1x8x1024xf32, #tpu.memory_space<hbm>>
      %dma_wait3A_1585 = tpu.memref_squeeze %dma_wait3A_1584 : memref<1x8x1024xf32, #tpu.memory_space<hbm>> -> memref<8x1024xf32, #tpu.memory_space<hbm>>
      %dma_wait3A_1586 = arith.constant 0 : i32
      %dma_wait3A_1587 = arith.constant 0 : i32
      %dma_wait3A_1588 = tpu.memref_slice %arg7[%dma_wait3A_1586, %dma_wait3A_1587] : memref<56x1024xf32, #tpu.memory_space<vmem>> -> memref<8x1024xf32, #tpu.memory_space<vmem>>
      tpu.wait_dma2 semaphore(%arg13 : memref<!tpu.dma_semaphore, #tpu.memory_space<semaphore_mem>>) src(%dma_wait3A_1588 : memref<8x1024xf32, #tpu.memory_space<vmem>>) dst(%dma_wait3A_1585 : memref<8x1024xf32, #tpu.memory_space<hbm>>)
      %dma_wait3A_1589 = arith.constant 0 : i32
      %dma_wait3A_1590 = arith.constant 0 : i32
      %dma_wait3A_1591 = tpu.memref_slice %arg7[%dma_wait3A_1589, %dma_wait3A_1590] : memref<56x1024xf32, #tpu.memory_space<vmem>> -> memref<8x1024xf32, #tpu.memory_space<vmem>>
      %dma_wait3A_1592 = arith.constant 0 : i32
      %dma_wait3A_1593 = arith.constant 0 : i32
      %dma_wait3A_1594 = tpu.memref_slice %arg4[%mul3A_2, %dma_wait3A_1592, %dma_wait3A_1593] : memref<4096x50x1024xf32, #tpu.memory_space<hbm>> -> memref<1x8x1024xf32, #tpu.memory_space<hbm>>
      %dma_wait3A_1595 = tpu.memref_squeeze %dma_wait3A_1594 : memref<1x8x1024xf32, #tpu.memory_space<hbm>> -> memref<8x1024xf32, #tpu.memory_space<hbm>>
      %dma_wait3A_1596 = arith.constant 0 : i32
      %dma_wait3A_1597 = arith.constant 0 : i32
      %dma_wait3A_1598 = tpu.memref_slice %arg4[%mul3A_2, %dma_wait3A_1596, %dma_wait3A_1597] : memref<4096x50x1024xf32, #tpu.memory_space<hbm>> -> memref<1x8x1024xf32, #tpu.memory_space<hbm>>
      %dma_wait3A_1599 = tpu.memref_squeeze %dma_wait3A_1598 : memref<1x8x1024xf32, #tpu.memory_space<hbm>> -> memref<8x1024xf32, #tpu.memory_space<hbm>>
      %dma_wait3A_1600 = arith.constant 0 : i32
      %dma_wait3A_1601 = arith.constant 0 : i32
      %dma_wait3A_1602 = tpu.memref_slice %arg7[%dma_wait3A_1600, %dma_wait3A_1601] : memref<56x1024xf32, #tpu.memory_space<vmem>> -> memref<8x1024xf32, #tpu.memory_space<vmem>>
      tpu.wait_dma2 semaphore(%arg13 : memref<!tpu.dma_semaphore, #tpu.memory_space<semaphore_mem>>) src(%dma_wait3A_1602 : memref<8x1024xf32, #tpu.memory_space<vmem>>) dst(%dma_wait3A_1599 : memref<8x1024xf32, #tpu.memory_space<hbm>>)
      %dma_wait3A_1603 = arith.constant 0 : i32
      %dma_wait3A_1604 = arith.constant 0 : i32
      %dma_wait3A_1605 = tpu.memref_slice %arg7[%dma_wait3A_1603, %dma_wait3A_1604] : memref<56x1024xf32, #tpu.memory_space<vmem>> -> memref<8x1024xf32, #tpu.memory_space<vmem>>
      %dma_wait3A_1606 = arith.constant 0 : i32
      %dma_wait3A_1607 = arith.constant 0 : i32
      %dma_wait3A_1608 = tpu.memref_slice %arg4[%mul3A_2, %dma_wait3A_1606, %dma_wait3A_1607] : memref<4096x50x1024xf32, #tpu.memory_space<hbm>> -> memref<1x8x1024xf32, #tpu.memory_space<hbm>>
      %dma_wait3A_1609 = tpu.memref_squeeze %dma_wait3A_1608 : memref<1x8x1024xf32, #tpu.memory_space<hbm>> -> memref<8x1024xf32, #tpu.memory_space<hbm>>
      %dma_wait3A_1610 = arith.constant 0 : i32
      %dma_wait3A_1611 = arith.constant 0 : i32
      %dma_wait3A_1612 = tpu.memref_slice %arg4[%mul3A_2, %dma_wait3A_1610, %dma_wait3A_1611] : memref<4096x50x1024xf32, #tpu.memory_space<hbm>> -> memref<1x8x1024xf32, #tpu.memory_space<hbm>>
      %dma_wait3A_1613 = tpu.memref_squeeze %dma_wait3A_1612 : memref<1x8x1024xf32, #tpu.memory_space<hbm>> -> memref<8x1024xf32, #tpu.memory_space<hbm>>
      %dma_wait3A_1614 = arith.constant 0 : i32
      %dma_wait3A_1615 = arith.constant 0 : i32
      %dma_wait3A_1616 = tpu.memref_slice %arg7[%dma_wait3A_1614, %dma_wait3A_1615] : memref<56x1024xf32, #tpu.memory_space<vmem>> -> memref<8x1024xf32, #tpu.memory_space<vmem>>
      tpu.wait_dma2 semaphore(%arg13 : memref<!tpu.dma_semaphore, #tpu.memory_space<semaphore_mem>>) src(%dma_wait3A_1616 : memref<8x1024xf32, #tpu.memory_space<vmem>>) dst(%dma_wait3A_1613 : memref<8x1024xf32, #tpu.memory_space<hbm>>)
      %dma_wait3A_1617 = arith.constant 0 : i32
      %dma_wait3A_1618 = arith.constant 0 : i32
      %dma_wait3A_1619 = tpu.memref_slice %arg7[%dma_wait3A_1617, %dma_wait3A_1618] : memref<56x1024xf32, #tpu.memory_space<vmem>> -> memref<8x1024xf32, #tpu.memory_space<vmem>>
      %dma_wait3A_1620 = arith.constant 0 : i32
      %dma_wait3A_1621 = arith.constant 0 : i32
      %dma_wait3A_1622 = tpu.memref_slice %arg4[%mul3A_2, %dma_wait3A_1620, %dma_wait3A_1621] : memref<4096x50x1024xf32, #tpu.memory_space<hbm>> -> memref<1x8x1024xf32, #tpu.memory_space<hbm>>
      %dma_wait3A_1623 = tpu.memref_squeeze %dma_wait3A_1622 : memref<1x8x1024xf32, #tpu.memory_space<hbm>> -> memref<8x1024xf32, #tpu.memory_space<hbm>>
      %dma_wait3A_1624 = arith.constant 0 : i32
      %dma_wait3A_1625 = arith.constant 0 : i32
      %dma_wait3A_1626 = tpu.memref_slice %arg4[%mul3A_2, %dma_wait3A_1624, %dma_wait3A_1625] : memref<4096x50x1024xf32, #tpu.memory_space<hbm>> -> memref<1x8x1024xf32, #tpu.memory_space<hbm>>
      %dma_wait3A_1627 = tpu.memref_squeeze %dma_wait3A_1626 : memref<1x8x1024xf32, #tpu.memory_space<hbm>> -> memref<8x1024xf32, #tpu.memory_space<hbm>>
      %dma_wait3A_1628 = arith.constant 0 : i32
      %dma_wait3A_1629 = arith.constant 0 : i32
      %dma_wait3A_1630 = tpu.memref_slice %arg7[%dma_wait3A_1628, %dma_wait3A_1629] : memref<56x1024xf32, #tpu.memory_space<vmem>> -> memref<8x1024xf32, #tpu.memory_space<vmem>>
      tpu.wait_dma2 semaphore(%arg13 : memref<!tpu.dma_semaphore, #tpu.memory_space<semaphore_mem>>) src(%dma_wait3A_1630 : memref<8x1024xf32, #tpu.memory_space<vmem>>) dst(%dma_wait3A_1627 : memref<8x1024xf32, #tpu.memory_space<hbm>>)
      %dma_wait3A_1631 = arith.constant 48 : i32
      %dma_wait3A_1632 = arith.constant 0 : i32
      %dma_wait3A_1633 = tpu.memref_slice %arg7[%dma_wait3A_1631, %dma_wait3A_1632] : memref<56x1024xf32, #tpu.memory_space<vmem>> -> memref<2x1024xf32, #tpu.memory_space<vmem>>
      %dma_wait3A_1634 = arith.constant 48 : i32
      %dma_wait3A_1635 = arith.constant 0 : i32
      %dma_wait3A_1636 = tpu.memref_slice %arg4[%mul3A_2, %dma_wait3A_1634, %dma_wait3A_1635] : memref<4096x50x1024xf32, #tpu.memory_space<hbm>> -> memref<1x2x1024xf32, #tpu.memory_space<hbm>>
      %dma_wait3A_1637 = tpu.memref_squeeze %dma_wait3A_1636 : memref<1x2x1024xf32, #tpu.memory_space<hbm>> -> memref<2x1024xf32, #tpu.memory_space<hbm>>
      %dma_wait3A_1638 = arith.constant 48 : i32
      %dma_wait3A_1639 = arith.constant 0 : i32
      %dma_wait3A_1640 = tpu.memref_slice %arg4[%mul3A_2, %dma_wait3A_1638, %dma_wait3A_1639] : memref<4096x50x1024xf32, #tpu.memory_space<hbm>> -> memref<1x2x1024xf32, #tpu.memory_space<hbm>>
      %dma_wait3A_1641 = tpu.memref_squeeze %dma_wait3A_1640 : memref<1x2x1024xf32, #tpu.memory_space<hbm>> -> memref<2x1024xf32, #tpu.memory_space<hbm>>
      %dma_wait3A_1642 = arith.constant 48 : i32
      %dma_wait3A_1643 = arith.constant 0 : i32
      %dma_wait3A_1644 = tpu.memref_slice %arg7[%dma_wait3A_1642, %dma_wait3A_1643] : memref<56x1024xf32, #tpu.memory_space<vmem>> -> memref<2x1024xf32, #tpu.memory_space<vmem>>
      tpu.wait_dma2 semaphore(%arg13 : memref<!tpu.dma_semaphore, #tpu.memory_space<semaphore_mem>>) src(%dma_wait3A_1644 : memref<2x1024xf32, #tpu.memory_space<vmem>>) dst(%dma_wait3A_1641 : memref<2x1024xf32, #tpu.memory_space<hbm>>)
      %add3A_1645 = arith.addi %mul3A_2, %add3A_1546 : i32
      %mul3A_1646 = arith.constant 448 : i32
      %mul3A_1647 = arith.muli %add3A_1645, %mul3A_1646 : i32
      %dma_wait3A_1648 = tpu.memref_slice %arg2[%mul3A_1647] : memref<1835904xi32, #tpu.memory_space<hbm>> -> memref<448xi32, #tpu.memory_space<hbm>>
      %dma_wait3A_1649 = tpu.memref_slice %arg2[%mul3A_1647] : memref<1835904xi32, #tpu.memory_space<hbm>> -> memref<448xi32, #tpu.memory_space<hbm>>
      tpu.wait_dma2 semaphore(%arg9 : memref<!tpu.dma_semaphore, #tpu.memory_space<semaphore_mem>>) src(%dma_wait3A_1649 : memref<448xi32, #tpu.memory_space<hbm>>) dst(%arg5 : memref<448xi32, #tpu.memory_space<vmem>>)
      %dma_start3A_1650 = arith.constant 0 : i32
      %dma_start3A_1651 = arith.constant 0 : i32
      %dma_start3A_1652 = tpu.memref_slice %arg7[%dma_start3A_1650, %dma_start3A_1651] : memref<56x1024xf32, #tpu.memory_space<vmem>> -> memref<8x128xf32, #tpu.memory_space<vmem>>
      %dma_start3A_1653 = arith.constant 0 : i32
      %dma_start3A_1654 = tpu.memref_slice %arg5[%dma_start3A_1653] : memref<448xi32, #tpu.memory_space<vmem>> -> memref<8xi32, #tpu.memory_space<vmem>>
      %dma_start3A_1655 = arith.constant 0 : i32
      %dma_start3A_1656 = arith.constant 0 : i32
      %dma_start3A_1657 = tpu.memref_slice %arg3[%dma_start3A_1655, %dma_start3A_1656] : memref<8000x128xf32, #tpu.memory_space<hbm>> -> memref<8000x128xf32, #tpu.memory_space<hbm>>
      tpu.enqueue_indirect_dma source(%dma_start3A_1657 : memref<8000x128xf32, #tpu.memory_space<hbm>>) target(%dma_start3A_1652 : memref<8x128xf32, #tpu.memory_space<vmem>>) offsets(%dma_start3A_1654 : memref<8xi32, #tpu.memory_space<vmem>>) semaphore(%arg11 : memref<!tpu.dma_semaphore, #tpu.memory_space<semaphore_mem>>)
      %dma_start3A_1658 = arith.constant 0 : i32
      %dma_start3A_1659 = arith.constant 128 : i32
      %dma_start3A_1660 = tpu.memref_slice %arg7[%dma_start3A_1658, %dma_start3A_1659] : memref<56x1024xf32, #tpu.memory_space<vmem>> -> memref<8x128xf32, #tpu.memory_space<vmem>>
      %dma_start3A_1661 = arith.constant 8 : i32
      %dma_start3A_1662 = tpu.memref_slice %arg5[%dma_start3A_1661] : memref<448xi32, #tpu.memory_space<vmem>> -> memref<8xi32, #tpu.memory_space<vmem>>
      %dma_start3A_1663 = arith.constant 0 : i32
      %dma_start3A_1664 = arith.constant 0 : i32
      %dma_start3A_1665 = tpu.memref_slice %arg3[%dma_start3A_1663, %dma_start3A_1664] : memref<8000x128xf32, #tpu.memory_space<hbm>> -> memref<8000x128xf32, #tpu.memory_space<hbm>>
      tpu.enqueue_indirect_dma source(%dma_start3A_1665 : memref<8000x128xf32, #tpu.memory_space<hbm>>) target(%dma_start3A_1660 : memref<8x128xf32, #tpu.memory_space<vmem>>) offsets(%dma_start3A_1662 : memref<8xi32, #tpu.memory_space<vmem>>) semaphore(%arg11 : memref<!tpu.dma_semaphore, #tpu.memory_space<semaphore_mem>>)
      %dma_start3A_1666 = arith.constant 0 : i32
      %dma_start3A_1667 = arith.constant 256 : i32
      %dma_start3A_1668 = tpu.memref_slice %arg7[%dma_start3A_1666, %dma_start3A_1667] : memref<56x1024xf32, #tpu.memory_space<vmem>> -> memref<8x128xf32, #tpu.memory_space<vmem>>
      %dma_start3A_1669 = arith.constant 16 : i32
      %dma_start3A_1670 = tpu.memref_slice %arg5[%dma_start3A_1669] : memref<448xi32, #tpu.memory_space<vmem>> -> memref<8xi32, #tpu.memory_space<vmem>>
      %dma_start3A_1671 = arith.constant 0 : i32
      %dma_start3A_1672 = arith.constant 0 : i32
      %dma_start3A_1673 = tpu.memref_slice %arg3[%dma_start3A_1671, %dma_start3A_1672] : memref<8000x128xf32, #tpu.memory_space<hbm>> -> memref<8000x128xf32, #tpu.memory_space<hbm>>
      tpu.enqueue_indirect_dma source(%dma_start3A_1673 : memref<8000x128xf32, #tpu.memory_space<hbm>>) target(%dma_start3A_1668 : memref<8x128xf32, #tpu.memory_space<vmem>>) offsets(%dma_start3A_1670 : memref<8xi32, #tpu.memory_space<vmem>>) semaphore(%arg11 : memref<!tpu.dma_semaphore, #tpu.memory_space<semaphore_mem>>)
      %dma_start3A_1674 = arith.constant 0 : i32
      %dma_start3A_1675 = arith.constant 384 : i32
      %dma_start3A_1676 = tpu.memref_slice %arg7[%dma_start3A_1674, %dma_start3A_1675] : memref<56x1024xf32, #tpu.memory_space<vmem>> -> memref<8x128xf32, #tpu.memory_space<vmem>>
      %dma_start3A_1677 = arith.constant 24 : i32
      %dma_start3A_1678 = tpu.memref_slice %arg5[%dma_start3A_1677] : memref<448xi32, #tpu.memory_space<vmem>> -> memref<8xi32, #tpu.memory_space<vmem>>
      %dma_start3A_1679 = arith.constant 0 : i32
      %dma_start3A_1680 = arith.constant 0 : i32
      %dma_start3A_1681 = tpu.memref_slice %arg3[%dma_start3A_1679, %dma_start3A_1680] : memref<8000x128xf32, #tpu.memory_space<hbm>> -> memref<8000x128xf32, #tpu.memory_space<hbm>>
      tpu.enqueue_indirect_dma source(%dma_start3A_1681 : memref<8000x128xf32, #tpu.memory_space<hbm>>) target(%dma_start3A_1676 : memref<8x128xf32, #tpu.memory_space<vmem>>) offsets(%dma_start3A_1678 : memref<8xi32, #tpu.memory_space<vmem>>) semaphore(%arg11 : memref<!tpu.dma_semaphore, #tpu.memory_space<semaphore_mem>>)
      %dma_start3A_1682 = arith.constant 0 : i32
      %dma_start3A_1683 = arith.constant 512 : i32
      %dma_start3A_1684 = tpu.memref_slice %arg7[%dma_start3A_1682, %dma_start3A_1683] : memref<56x1024xf32, #tpu.memory_space<vmem>> -> memref<8x128xf32, #tpu.memory_space<vmem>>
      %dma_start3A_1685 = arith.constant 32 : i32
      %dma_start3A_1686 = tpu.memref_slice %arg5[%dma_start3A_1685] : memref<448xi32, #tpu.memory_space<vmem>> -> memref<8xi32, #tpu.memory_space<vmem>>
      %dma_start3A_1687 = arith.constant 0 : i32
      %dma_start3A_1688 = arith.constant 0 : i32
      %dma_start3A_1689 = tpu.memref_slice %arg3[%dma_start3A_1687, %dma_start3A_1688] : memref<8000x128xf32, #tpu.memory_space<hbm>> -> memref<8000x128xf32, #tpu.memory_space<hbm>>
      tpu.enqueue_indirect_dma source(%dma_start3A_1689 : memref<8000x128xf32, #tpu.memory_space<hbm>>) target(%dma_start3A_1684 : memref<8x128xf32, #tpu.memory_space<vmem>>) offsets(%dma_start3A_1686 : memref<8xi32, #tpu.memory_space<vmem>>) semaphore(%arg11 : memref<!tpu.dma_semaphore, #tpu.memory_space<semaphore_mem>>)
      %dma_start3A_1690 = arith.constant 0 : i32
      %dma_start3A_1691 = arith.constant 640 : i32
      %dma_start3A_1692 = tpu.memref_slice %arg7[%dma_start3A_1690, %dma_start3A_1691] : memref<56x1024xf32, #tpu.memory_space<vmem>> -> memref<8x128xf32, #tpu.memory_space<vmem>>
      %dma_start3A_1693 = arith.constant 40 : i32
      %dma_start3A_1694 = tpu.memref_slice %arg5[%dma_start3A_1693] : memref<448xi32, #tpu.memory_space<vmem>> -> memref<8xi32, #tpu.memory_space<vmem>>
      %dma_start3A_1695 = arith.constant 0 : i32
      %dma_start3A_1696 = arith.constant 0 : i32
      %dma_start3A_1697 = tpu.memref_slice %arg3[%dma_start3A_1695, %dma_start3A_1696] : memref<8000x128xf32, #tpu.memory_space<hbm>> -> memref<8000x128xf32, #tpu.memory_space<hbm>>
      tpu.enqueue_indirect_dma source(%dma_start3A_1697 : memref<8000x128xf32, #tpu.memory_space<hbm>>) target(%dma_start3A_1692 : memref<8x128xf32, #tpu.memory_space<vmem>>) offsets(%dma_start3A_1694 : memref<8xi32, #tpu.memory_space<vmem>>) semaphore(%arg11 : memref<!tpu.dma_semaphore, #tpu.memory_space<semaphore_mem>>)
      %dma_start3A_1698 = arith.constant 0 : i32
      %dma_start3A_1699 = arith.constant 768 : i32
      %dma_start3A_1700 = tpu.memref_slice %arg7[%dma_start3A_1698, %dma_start3A_1699] : memref<56x1024xf32, #tpu.memory_space<vmem>> -> memref<8x128xf32, #tpu.memory_space<vmem>>
      %dma_start3A_1701 = arith.constant 48 : i32
      %dma_start3A_1702 = tpu.memref_slice %arg5[%dma_start3A_1701] : memref<448xi32, #tpu.memory_space<vmem>> -> memref<8xi32, #tpu.memory_space<vmem>>
      %dma_start3A_1703 = arith.constant 0 : i32
      %dma_start3A_1704 = arith.constant 0 : i32
      %dma_start3A_1705 = tpu.memref_slice %arg3[%dma_start3A_1703, %dma_start3A_1704] : memref<8000x128xf32, #tpu.memory_space<hbm>> -> memref<8000x128xf32, #tpu.memory_space<hbm>>
      tpu.enqueue_indirect_dma source(%dma_start3A_1705 : memref<8000x128xf32, #tpu.memory_space<hbm>>) target(%dma_start3A_1700 : memref<8x128xf32, #tpu.memory_space<vmem>>) offsets(%dma_start3A_1702 : memref<8xi32, #tpu.memory_space<vmem>>) semaphore(%arg11 : memref<!tpu.dma_semaphore, #tpu.memory_space<semaphore_mem>>)
      %dma_start3A_1706 = arith.constant 0 : i32
      %dma_start3A_1707 = arith.constant 896 : i32
      %dma_start3A_1708 = tpu.memref_slice %arg7[%dma_start3A_1706, %dma_start3A_1707] : memref<56x1024xf32, #tpu.memory_space<vmem>> -> memref<8x128xf32, #tpu.memory_space<vmem>>
      %dma_start3A_1709 = arith.constant 56 : i32
      %dma_start3A_1710 = tpu.memref_slice %arg5[%dma_start3A_1709] : memref<448xi32, #tpu.memory_space<vmem>> -> memref<8xi32, #tpu.memory_space<vmem>>
      %dma_start3A_1711 = arith.constant 0 : i32
      %dma_start3A_1712 = arith.constant 0 : i32
      %dma_start3A_1713 = tpu.memref_slice %arg3[%dma_start3A_1711, %dma_start3A_1712] : memref<8000x128xf32, #tpu.memory_space<hbm>> -> memref<8000x128xf32, #tpu.memory_space<hbm>>
      tpu.enqueue_indirect_dma source(%dma_start3A_1713 : memref<8000x128xf32, #tpu.memory_space<hbm>>) target(%dma_start3A_1708 : memref<8x128xf32, #tpu.memory_space<vmem>>) offsets(%dma_start3A_1710 : memref<8xi32, #tpu.memory_space<vmem>>) semaphore(%arg11 : memref<!tpu.dma_semaphore, #tpu.memory_space<semaphore_mem>>)
      %dma_start3A_1714 = arith.constant 8 : i32
      %dma_start3A_1715 = arith.constant 0 : i32
      %dma_start3A_1716 = tpu.memref_slice %arg7[%dma_start3A_1714, %dma_start3A_1715] : memref<56x1024xf32, #tpu.memory_space<vmem>> -> memref<8x128xf32, #tpu.memory_space<vmem>>
      %dma_start3A_1717 = arith.constant 64 : i32
      %dma_start3A_1718 = tpu.memref_slice %arg5[%dma_start3A_1717] : memref<448xi32, #tpu.memory_space<vmem>> -> memref<8xi32, #tpu.memory_space<vmem>>
      %dma_start3A_1719 = arith.constant 0 : i32
      %dma_start3A_1720 = arith.constant 0 : i32
      %dma_start3A_1721 = tpu.memref_slice %arg3[%dma_start3A_1719, %dma_start3A_1720] : memref<8000x128xf32, #tpu.memory_space<hbm>> -> memref<8000x128xf32, #tpu.memory_space<hbm>>
      tpu.enqueue_indirect_dma source(%dma_start3A_1721 : memref<8000x128xf32, #tpu.memory_space<hbm>>) target(%dma_start3A_1716 : memref<8x128xf32, #tpu.memory_space<vmem>>) offsets(%dma_start3A_1718 : memref<8xi32, #tpu.memory_space<vmem>>) semaphore(%arg11 : memref<!tpu.dma_semaphore, #tpu.memory_space<semaphore_mem>>)
      %dma_start3A_1722 = arith.constant 8 : i32
      %dma_start3A_1723 = arith.constant 128 : i32
      %dma_start3A_1724 = tpu.memref_slice %arg7[%dma_start3A_1722, %dma_start3A_1723] : memref<56x1024xf32, #tpu.memory_space<vmem>> -> memref<8x128xf32, #tpu.memory_space<vmem>>
      %dma_start3A_1725 = arith.constant 72 : i32
      %dma_start3A_1726 = tpu.memref_slice %arg5[%dma_start3A_1725] : memref<448xi32, #tpu.memory_space<vmem>> -> memref<8xi32, #tpu.memory_space<vmem>>
      %dma_start3A_1727 = arith.constant 0 : i32
      %dma_start3A_1728 = arith.constant 0 : i32
      %dma_start3A_1729 = tpu.memref_slice %arg3[%dma_start3A_1727, %dma_start3A_1728] : memref<8000x128xf32, #tpu.memory_space<hbm>> -> memref<8000x128xf32, #tpu.memory_space<hbm>>
      tpu.enqueue_indirect_dma source(%dma_start3A_1729 : memref<8000x128xf32, #tpu.memory_space<hbm>>) target(%dma_start3A_1724 : memref<8x128xf32, #tpu.memory_space<vmem>>) offsets(%dma_start3A_1726 : memref<8xi32, #tpu.memory_space<vmem>>) semaphore(%arg11 : memref<!tpu.dma_semaphore, #tpu.memory_space<semaphore_mem>>)
      %dma_start3A_1730 = arith.constant 8 : i32
      %dma_start3A_1731 = arith.constant 256 : i32
      %dma_start3A_1732 = tpu.memref_slice %arg7[%dma_start3A_1730, %dma_start3A_1731] : memref<56x1024xf32, #tpu.memory_space<vmem>> -> memref<8x128xf32, #tpu.memory_space<vmem>>
      %dma_start3A_1733 = arith.constant 80 : i32
      %dma_start3A_1734 = tpu.memref_slice %arg5[%dma_start3A_1733] : memref<448xi32, #tpu.memory_space<vmem>> -> memref<8xi32, #tpu.memory_space<vmem>>
      %dma_start3A_1735 = arith.constant 0 : i32
      %dma_start3A_1736 = arith.constant 0 : i32
      %dma_start3A_1737 = tpu.memref_slice %arg3[%dma_start3A_1735, %dma_start3A_1736] : memref<8000x128xf32, #tpu.memory_space<hbm>> -> memref<8000x128xf32, #tpu.memory_space<hbm>>
      tpu.enqueue_indirect_dma source(%dma_start3A_1737 : memref<8000x128xf32, #tpu.memory_space<hbm>>) target(%dma_start3A_1732 : memref<8x128xf32, #tpu.memory_space<vmem>>) offsets(%dma_start3A_1734 : memref<8xi32, #tpu.memory_space<vmem>>) semaphore(%arg11 : memref<!tpu.dma_semaphore, #tpu.memory_space<semaphore_mem>>)
      %dma_start3A_1738 = arith.constant 8 : i32
      %dma_start3A_1739 = arith.constant 384 : i32
      %dma_start3A_1740 = tpu.memref_slice %arg7[%dma_start3A_1738, %dma_start3A_1739] : memref<56x1024xf32, #tpu.memory_space<vmem>> -> memref<8x128xf32, #tpu.memory_space<vmem>>
      %dma_start3A_1741 = arith.constant 88 : i32
      %dma_start3A_1742 = tpu.memref_slice %arg5[%dma_start3A_1741] : memref<448xi32, #tpu.memory_space<vmem>> -> memref<8xi32, #tpu.memory_space<vmem>>
      %dma_start3A_1743 = arith.constant 0 : i32
      %dma_start3A_1744 = arith.constant 0 : i32
      %dma_start3A_1745 = tpu.memref_slice %arg3[%dma_start3A_1743, %dma_start3A_1744] : memref<8000x128xf32, #tpu.memory_space<hbm>> -> memref<8000x128xf32, #tpu.memory_space<hbm>>
      tpu.enqueue_indirect_dma source(%dma_start3A_1745 : memref<8000x128xf32, #tpu.memory_space<hbm>>) target(%dma_start3A_1740 : memref<8x128xf32, #tpu.memory_space<vmem>>) offsets(%dma_start3A_1742 : memref<8xi32, #tpu.memory_space<vmem>>) semaphore(%arg11 : memref<!tpu.dma_semaphore, #tpu.memory_space<semaphore_mem>>)
      %dma_start3A_1746 = arith.constant 8 : i32
      %dma_start3A_1747 = arith.constant 512 : i32
      %dma_start3A_1748 = tpu.memref_slice %arg7[%dma_start3A_1746, %dma_start3A_1747] : memref<56x1024xf32, #tpu.memory_space<vmem>> -> memref<8x128xf32, #tpu.memory_space<vmem>>
      %dma_start3A_1749 = arith.constant 96 : i32
      %dma_start3A_1750 = tpu.memref_slice %arg5[%dma_start3A_1749] : memref<448xi32, #tpu.memory_space<vmem>> -> memref<8xi32, #tpu.memory_space<vmem>>
      %dma_start3A_1751 = arith.constant 0 : i32
      %dma_start3A_1752 = arith.constant 0 : i32
      %dma_start3A_1753 = tpu.memref_slice %arg3[%dma_start3A_1751, %dma_start3A_1752] : memref<8000x128xf32, #tpu.memory_space<hbm>> -> memref<8000x128xf32, #tpu.memory_space<hbm>>
      tpu.enqueue_indirect_dma source(%dma_start3A_1753 : memref<8000x128xf32, #tpu.memory_space<hbm>>) target(%dma_start3A_1748 : memref<8x128xf32, #tpu.memory_space<vmem>>) offsets(%dma_start3A_1750 : memref<8xi32, #tpu.memory_space<vmem>>) semaphore(%arg11 : memref<!tpu.dma_semaphore, #tpu.memory_space<semaphore_mem>>)
      %dma_start3A_1754 = arith.constant 8 : i32
      %dma_start3A_1755 = arith.constant 640 : i32
      %dma_start3A_1756 = tpu.memref_slice %arg7[%dma_start3A_1754, %dma_start3A_1755] : memref<56x1024xf32, #tpu.memory_space<vmem>> -> memref<8x128xf32, #tpu.memory_space<vmem>>
      %dma_start3A_1757 = arith.constant 104 : i32
      %dma_start3A_1758 = tpu.memref_slice %arg5[%dma_start3A_1757] : memref<448xi32, #tpu.memory_space<vmem>> -> memref<8xi32, #tpu.memory_space<vmem>>
      %dma_start3A_1759 = arith.constant 0 : i32
      %dma_start3A_1760 = arith.constant 0 : i32
      %dma_start3A_1761 = tpu.memref_slice %arg3[%dma_start3A_1759, %dma_start3A_1760] : memref<8000x128xf32, #tpu.memory_space<hbm>> -> memref<8000x128xf32, #tpu.memory_space<hbm>>
      tpu.enqueue_indirect_dma source(%dma_start3A_1761 : memref<8000x128xf32, #tpu.memory_space<hbm>>) target(%dma_start3A_1756 : memref<8x128xf32, #tpu.memory_space<vmem>>) offsets(%dma_start3A_1758 : memref<8xi32, #tpu.memory_space<vmem>>) semaphore(%arg11 : memref<!tpu.dma_semaphore, #tpu.memory_space<semaphore_mem>>)
      %dma_start3A_1762 = arith.constant 8 : i32
      %dma_start3A_1763 = arith.constant 768 : i32
      %dma_start3A_1764 = tpu.memref_slice %arg7[%dma_start3A_1762, %dma_start3A_1763] : memref<56x1024xf32, #tpu.memory_space<vmem>> -> memref<8x128xf32, #tpu.memory_space<vmem>>
      %dma_start3A_1765 = arith.constant 112 : i32
      %dma_start3A_1766 = tpu.memref_slice %arg5[%dma_start3A_1765] : memref<448xi32, #tpu.memory_space<vmem>> -> memref<8xi32, #tpu.memory_space<vmem>>
      %dma_start3A_1767 = arith.constant 0 : i32
      %dma_start3A_1768 = arith.constant 0 : i32
      %dma_start3A_1769 = tpu.memref_slice %arg3[%dma_start3A_1767, %dma_start3A_1768] : memref<8000x128xf32, #tpu.memory_space<hbm>> -> memref<8000x128xf32, #tpu.memory_space<hbm>>
      tpu.enqueue_indirect_dma source(%dma_start3A_1769 : memref<8000x128xf32, #tpu.memory_space<hbm>>) target(%dma_start3A_1764 : memref<8x128xf32, #tpu.memory_space<vmem>>) offsets(%dma_start3A_1766 : memref<8xi32, #tpu.memory_space<vmem>>) semaphore(%arg11 : memref<!tpu.dma_semaphore, #tpu.memory_space<semaphore_mem>>)
      %dma_start3A_1770 = arith.constant 8 : i32
      %dma_start3A_1771 = arith.constant 896 : i32
      %dma_start3A_1772 = tpu.memref_slice %arg7[%dma_start3A_1770, %dma_start3A_1771] : memref<56x1024xf32, #tpu.memory_space<vmem>> -> memref<8x128xf32, #tpu.memory_space<vmem>>
      %dma_start3A_1773 = arith.constant 120 : i32
      %dma_start3A_1774 = tpu.memref_slice %arg5[%dma_start3A_1773] : memref<448xi32, #tpu.memory_space<vmem>> -> memref<8xi32, #tpu.memory_space<vmem>>
      %dma_start3A_1775 = arith.constant 0 : i32
      %dma_start3A_1776 = arith.constant 0 : i32
      %dma_start3A_1777 = tpu.memref_slice %arg3[%dma_start3A_1775, %dma_start3A_1776] : memref<8000x128xf32, #tpu.memory_space<hbm>> -> memref<8000x128xf32, #tpu.memory_space<hbm>>
      tpu.enqueue_indirect_dma source(%dma_start3A_1777 : memref<8000x128xf32, #tpu.memory_space<hbm>>) target(%dma_start3A_1772 : memref<8x128xf32, #tpu.memory_space<vmem>>) offsets(%dma_start3A_1774 : memref<8xi32, #tpu.memory_space<vmem>>) semaphore(%arg11 : memref<!tpu.dma_semaphore, #tpu.memory_space<semaphore_mem>>)
      %dma_start3A_1778 = arith.constant 16 : i32
      %dma_start3A_1779 = arith.constant 0 : i32
      %dma_start3A_1780 = tpu.memref_slice %arg7[%dma_start3A_1778, %dma_start3A_1779] : memref<56x1024xf32, #tpu.memory_space<vmem>> -> memref<8x128xf32, #tpu.memory_space<vmem>>
      %dma_start3A_1781 = arith.constant 128 : i32
      %dma_start3A_1782 = tpu.memref_slice %arg5[%dma_start3A_1781] : memref<448xi32, #tpu.memory_space<vmem>> -> memref<8xi32, #tpu.memory_space<vmem>>
      %dma_start3A_1783 = arith.constant 0 : i32
      %dma_start3A_1784 = arith.constant 0 : i32
      %dma_start3A_1785 = tpu.memref_slice %arg3[%dma_start3A_1783, %dma_start3A_1784] : memref<8000x128xf32, #tpu.memory_space<hbm>> -> memref<8000x128xf32, #tpu.memory_space<hbm>>
      tpu.enqueue_indirect_dma source(%dma_start3A_1785 : memref<8000x128xf32, #tpu.memory_space<hbm>>) target(%dma_start3A_1780 : memref<8x128xf32, #tpu.memory_space<vmem>>) offsets(%dma_start3A_1782 : memref<8xi32, #tpu.memory_space<vmem>>) semaphore(%arg11 : memref<!tpu.dma_semaphore, #tpu.memory_space<semaphore_mem>>)
      %dma_start3A_1786 = arith.constant 16 : i32
      %dma_start3A_1787 = arith.constant 128 : i32
      %dma_start3A_1788 = tpu.memref_slice %arg7[%dma_start3A_1786, %dma_start3A_1787] : memref<56x1024xf32, #tpu.memory_space<vmem>> -> memref<8x128xf32, #tpu.memory_space<vmem>>
      %dma_start3A_1789 = arith.constant 136 : i32
      %dma_start3A_1790 = tpu.memref_slice %arg5[%dma_start3A_1789] : memref<448xi32, #tpu.memory_space<vmem>> -> memref<8xi32, #tpu.memory_space<vmem>>
      %dma_start3A_1791 = arith.constant 0 : i32
      %dma_start3A_1792 = arith.constant 0 : i32
      %dma_start3A_1793 = tpu.memref_slice %arg3[%dma_start3A_1791, %dma_start3A_1792] : memref<8000x128xf32, #tpu.memory_space<hbm>> -> memref<8000x128xf32, #tpu.memory_space<hbm>>
      tpu.enqueue_indirect_dma source(%dma_start3A_1793 : memref<8000x128xf32, #tpu.memory_space<hbm>>) target(%dma_start3A_1788 : memref<8x128xf32, #tpu.memory_space<vmem>>) offsets(%dma_start3A_1790 : memref<8xi32, #tpu.memory_space<vmem>>) semaphore(%arg11 : memref<!tpu.dma_semaphore, #tpu.memory_space<semaphore_mem>>)
      %dma_start3A_1794 = arith.constant 16 : i32
      %dma_start3A_1795 = arith.constant 256 : i32
      %dma_start3A_1796 = tpu.memref_slice %arg7[%dma_start3A_1794, %dma_start3A_1795] : memref<56x1024xf32, #tpu.memory_space<vmem>> -> memref<8x128xf32, #tpu.memory_space<vmem>>
      %dma_start3A_1797 = arith.constant 144 : i32
      %dma_start3A_1798 = tpu.memref_slice %arg5[%dma_start3A_1797] : memref<448xi32, #tpu.memory_space<vmem>> -> memref<8xi32, #tpu.memory_space<vmem>>
      %dma_start3A_1799 = arith.constant 0 : i32
      %dma_start3A_1800 = arith.constant 0 : i32
      %dma_start3A_1801 = tpu.memref_slice %arg3[%dma_start3A_1799, %dma_start3A_1800] : memref<8000x128xf32, #tpu.memory_space<hbm>> -> memref<8000x128xf32, #tpu.memory_space<hbm>>
      tpu.enqueue_indirect_dma source(%dma_start3A_1801 : memref<8000x128xf32, #tpu.memory_space<hbm>>) target(%dma_start3A_1796 : memref<8x128xf32, #tpu.memory_space<vmem>>) offsets(%dma_start3A_1798 : memref<8xi32, #tpu.memory_space<vmem>>) semaphore(%arg11 : memref<!tpu.dma_semaphore, #tpu.memory_space<semaphore_mem>>)
      %dma_start3A_1802 = arith.constant 16 : i32
      %dma_start3A_1803 = arith.constant 384 : i32
      %dma_start3A_1804 = tpu.memref_slice %arg7[%dma_start3A_1802, %dma_start3A_1803] : memref<56x1024xf32, #tpu.memory_space<vmem>> -> memref<8x128xf32, #tpu.memory_space<vmem>>
      %dma_start3A_1805 = arith.constant 152 : i32
      %dma_start3A_1806 = tpu.memref_slice %arg5[%dma_start3A_1805] : memref<448xi32, #tpu.memory_space<vmem>> -> memref<8xi32, #tpu.memory_space<vmem>>
      %dma_start3A_1807 = arith.constant 0 : i32
      %dma_start3A_1808 = arith.constant 0 : i32
      %dma_start3A_1809 = tpu.memref_slice %arg3[%dma_start3A_1807, %dma_start3A_1808] : memref<8000x128xf32, #tpu.memory_space<hbm>> -> memref<8000x128xf32, #tpu.memory_space<hbm>>
      tpu.enqueue_indirect_dma source(%dma_start3A_1809 : memref<8000x128xf32, #tpu.memory_space<hbm>>) target(%dma_start3A_1804 : memref<8x128xf32, #tpu.memory_space<vmem>>) offsets(%dma_start3A_1806 : memref<8xi32, #tpu.memory_space<vmem>>) semaphore(%arg11 : memref<!tpu.dma_semaphore, #tpu.memory_space<semaphore_mem>>)
      %dma_start3A_1810 = arith.constant 16 : i32
      %dma_start3A_1811 = arith.constant 512 : i32
      %dma_start3A_1812 = tpu.memref_slice %arg7[%dma_start3A_1810, %dma_start3A_1811] : memref<56x1024xf32, #tpu.memory_space<vmem>> -> memref<8x128xf32, #tpu.memory_space<vmem>>
      %dma_start3A_1813 = arith.constant 160 : i32
      %dma_start3A_1814 = tpu.memref_slice %arg5[%dma_start3A_1813] : memref<448xi32, #tpu.memory_space<vmem>> -> memref<8xi32, #tpu.memory_space<vmem>>
      %dma_start3A_1815 = arith.constant 0 : i32
      %dma_start3A_1816 = arith.constant 0 : i32
      %dma_start3A_1817 = tpu.memref_slice %arg3[%dma_start3A_1815, %dma_start3A_1816] : memref<8000x128xf32, #tpu.memory_space<hbm>> -> memref<8000x128xf32, #tpu.memory_space<hbm>>
      tpu.enqueue_indirect_dma source(%dma_start3A_1817 : memref<8000x128xf32, #tpu.memory_space<hbm>>) target(%dma_start3A_1812 : memref<8x128xf32, #tpu.memory_space<vmem>>) offsets(%dma_start3A_1814 : memref<8xi32, #tpu.memory_space<vmem>>) semaphore(%arg11 : memref<!tpu.dma_semaphore, #tpu.memory_space<semaphore_mem>>)
      %dma_start3A_1818 = arith.constant 16 : i32
      %dma_start3A_1819 = arith.constant 640 : i32
      %dma_start3A_1820 = tpu.memref_slice %arg7[%dma_start3A_1818, %dma_start3A_1819] : memref<56x1024xf32, #tpu.memory_space<vmem>> -> memref<8x128xf32, #tpu.memory_space<vmem>>
      %dma_start3A_1821 = arith.constant 168 : i32
      %dma_start3A_1822 = tpu.memref_slice %arg5[%dma_start3A_1821] : memref<448xi32, #tpu.memory_space<vmem>> -> memref<8xi32, #tpu.memory_space<vmem>>
      %dma_start3A_1823 = arith.constant 0 : i32
      %dma_start3A_1824 = arith.constant 0 : i32
      %dma_start3A_1825 = tpu.memref_slice %arg3[%dma_start3A_1823, %dma_start3A_1824] : memref<8000x128xf32, #tpu.memory_space<hbm>> -> memref<8000x128xf32, #tpu.memory_space<hbm>>
      tpu.enqueue_indirect_dma source(%dma_start3A_1825 : memref<8000x128xf32, #tpu.memory_space<hbm>>) target(%dma_start3A_1820 : memref<8x128xf32, #tpu.memory_space<vmem>>) offsets(%dma_start3A_1822 : memref<8xi32, #tpu.memory_space<vmem>>) semaphore(%arg11 : memref<!tpu.dma_semaphore, #tpu.memory_space<semaphore_mem>>)
      %dma_start3A_1826 = arith.constant 16 : i32
      %dma_start3A_1827 = arith.constant 768 : i32
      %dma_start3A_1828 = tpu.memref_slice %arg7[%dma_start3A_1826, %dma_start3A_1827] : memref<56x1024xf32, #tpu.memory_space<vmem>> -> memref<8x128xf32, #tpu.memory_space<vmem>>
      %dma_start3A_1829 = arith.constant 176 : i32
      %dma_start3A_1830 = tpu.memref_slice %arg5[%dma_start3A_1829] : memref<448xi32, #tpu.memory_space<vmem>> -> memref<8xi32, #tpu.memory_space<vmem>>
      %dma_start3A_1831 = arith.constant 0 : i32
      %dma_start3A_1832 = arith.constant 0 : i32
      %dma_start3A_1833 = tpu.memref_slice %arg3[%dma_start3A_1831, %dma_start3A_1832] : memref<8000x128xf32, #tpu.memory_space<hbm>> -> memref<8000x128xf32, #tpu.memory_space<hbm>>
      tpu.enqueue_indirect_dma source(%dma_start3A_1833 : memref<8000x128xf32, #tpu.memory_space<hbm>>) target(%dma_start3A_1828 : memref<8x128xf32, #tpu.memory_space<vmem>>) offsets(%dma_start3A_1830 : memref<8xi32, #tpu.memory_space<vmem>>) semaphore(%arg11 : memref<!tpu.dma_semaphore, #tpu.memory_space<semaphore_mem>>)
      %dma_start3A_1834 = arith.constant 16 : i32
      %dma_start3A_1835 = arith.constant 896 : i32
      %dma_start3A_1836 = tpu.memref_slice %arg7[%dma_start3A_1834, %dma_start3A_1835] : memref<56x1024xf32, #tpu.memory_space<vmem>> -> memref<8x128xf32, #tpu.memory_space<vmem>>
      %dma_start3A_1837 = arith.constant 184 : i32
      %dma_start3A_1838 = tpu.memref_slice %arg5[%dma_start3A_1837] : memref<448xi32, #tpu.memory_space<vmem>> -> memref<8xi32, #tpu.memory_space<vmem>>
      %dma_start3A_1839 = arith.constant 0 : i32
      %dma_start3A_1840 = arith.constant 0 : i32
      %dma_start3A_1841 = tpu.memref_slice %arg3[%dma_start3A_1839, %dma_start3A_1840] : memref<8000x128xf32, #tpu.memory_space<hbm>> -> memref<8000x128xf32, #tpu.memory_space<hbm>>
      tpu.enqueue_indirect_dma source(%dma_start3A_1841 : memref<8000x128xf32, #tpu.memory_space<hbm>>) target(%dma_start3A_1836 : memref<8x128xf32, #tpu.memory_space<vmem>>) offsets(%dma_start3A_1838 : memref<8xi32, #tpu.memory_space<vmem>>) semaphore(%arg11 : memref<!tpu.dma_semaphore, #tpu.memory_space<semaphore_mem>>)
      %dma_start3A_1842 = arith.constant 24 : i32
      %dma_start3A_1843 = arith.constant 0 : i32
      %dma_start3A_1844 = tpu.memref_slice %arg7[%dma_start3A_1842, %dma_start3A_1843] : memref<56x1024xf32, #tpu.memory_space<vmem>> -> memref<8x128xf32, #tpu.memory_space<vmem>>
      %dma_start3A_1845 = arith.constant 192 : i32
      %dma_start3A_1846 = tpu.memref_slice %arg5[%dma_start3A_1845] : memref<448xi32, #tpu.memory_space<vmem>> -> memref<8xi32, #tpu.memory_space<vmem>>
      %dma_start3A_1847 = arith.constant 0 : i32
      %dma_start3A_1848 = arith.constant 0 : i32
      %dma_start3A_1849 = tpu.memref_slice %arg3[%dma_start3A_1847, %dma_start3A_1848] : memref<8000x128xf32, #tpu.memory_space<hbm>> -> memref<8000x128xf32, #tpu.memory_space<hbm>>
      tpu.enqueue_indirect_dma source(%dma_start3A_1849 : memref<8000x128xf32, #tpu.memory_space<hbm>>) target(%dma_start3A_1844 : memref<8x128xf32, #tpu.memory_space<vmem>>) offsets(%dma_start3A_1846 : memref<8xi32, #tpu.memory_space<vmem>>) semaphore(%arg11 : memref<!tpu.dma_semaphore, #tpu.memory_space<semaphore_mem>>)
      %dma_start3A_1850 = arith.constant 24 : i32
      %dma_start3A_1851 = arith.constant 128 : i32
      %dma_start3A_1852 = tpu.memref_slice %arg7[%dma_start3A_1850, %dma_start3A_1851] : memref<56x1024xf32, #tpu.memory_space<vmem>> -> memref<8x128xf32, #tpu.memory_space<vmem>>
      %dma_start3A_1853 = arith.constant 200 : i32
      %dma_start3A_1854 = tpu.memref_slice %arg5[%dma_start3A_1853] : memref<448xi32, #tpu.memory_space<vmem>> -> memref<8xi32, #tpu.memory_space<vmem>>
      %dma_start3A_1855 = arith.constant 0 : i32
      %dma_start3A_1856 = arith.constant 0 : i32
      %dma_start3A_1857 = tpu.memref_slice %arg3[%dma_start3A_1855, %dma_start3A_1856] : memref<8000x128xf32, #tpu.memory_space<hbm>> -> memref<8000x128xf32, #tpu.memory_space<hbm>>
      tpu.enqueue_indirect_dma source(%dma_start3A_1857 : memref<8000x128xf32, #tpu.memory_space<hbm>>) target(%dma_start3A_1852 : memref<8x128xf32, #tpu.memory_space<vmem>>) offsets(%dma_start3A_1854 : memref<8xi32, #tpu.memory_space<vmem>>) semaphore(%arg11 : memref<!tpu.dma_semaphore, #tpu.memory_space<semaphore_mem>>)
      %dma_start3A_1858 = arith.constant 24 : i32
      %dma_start3A_1859 = arith.constant 256 : i32
      %dma_start3A_1860 = tpu.memref_slice %arg7[%dma_start3A_1858, %dma_start3A_1859] : memref<56x1024xf32, #tpu.memory_space<vmem>> -> memref<8x128xf32, #tpu.memory_space<vmem>>
      %dma_start3A_1861 = arith.constant 208 : i32
      %dma_start3A_1862 = tpu.memref_slice %arg5[%dma_start3A_1861] : memref<448xi32, #tpu.memory_space<vmem>> -> memref<8xi32, #tpu.memory_space<vmem>>
      %dma_start3A_1863 = arith.constant 0 : i32
      %dma_start3A_1864 = arith.constant 0 : i32
      %dma_start3A_1865 = tpu.memref_slice %arg3[%dma_start3A_1863, %dma_start3A_1864] : memref<8000x128xf32, #tpu.memory_space<hbm>> -> memref<8000x128xf32, #tpu.memory_space<hbm>>
      tpu.enqueue_indirect_dma source(%dma_start3A_1865 : memref<8000x128xf32, #tpu.memory_space<hbm>>) target(%dma_start3A_1860 : memref<8x128xf32, #tpu.memory_space<vmem>>) offsets(%dma_start3A_1862 : memref<8xi32, #tpu.memory_space<vmem>>) semaphore(%arg11 : memref<!tpu.dma_semaphore, #tpu.memory_space<semaphore_mem>>)
      %dma_start3A_1866 = arith.constant 24 : i32
      %dma_start3A_1867 = arith.constant 384 : i32
      %dma_start3A_1868 = tpu.memref_slice %arg7[%dma_start3A_1866, %dma_start3A_1867] : memref<56x1024xf32, #tpu.memory_space<vmem>> -> memref<8x128xf32, #tpu.memory_space<vmem>>
      %dma_start3A_1869 = arith.constant 216 : i32
      %dma_start3A_1870 = tpu.memref_slice %arg5[%dma_start3A_1869] : memref<448xi32, #tpu.memory_space<vmem>> -> memref<8xi32, #tpu.memory_space<vmem>>
      %dma_start3A_1871 = arith.constant 0 : i32
      %dma_start3A_1872 = arith.constant 0 : i32
      %dma_start3A_1873 = tpu.memref_slice %arg3[%dma_start3A_1871, %dma_start3A_1872] : memref<8000x128xf32, #tpu.memory_space<hbm>> -> memref<8000x128xf32, #tpu.memory_space<hbm>>
      tpu.enqueue_indirect_dma source(%dma_start3A_1873 : memref<8000x128xf32, #tpu.memory_space<hbm>>) target(%dma_start3A_1868 : memref<8x128xf32, #tpu.memory_space<vmem>>) offsets(%dma_start3A_1870 : memref<8xi32, #tpu.memory_space<vmem>>) semaphore(%arg11 : memref<!tpu.dma_semaphore, #tpu.memory_space<semaphore_mem>>)
      %dma_start3A_1874 = arith.constant 24 : i32
      %dma_start3A_1875 = arith.constant 512 : i32
      %dma_start3A_1876 = tpu.memref_slice %arg7[%dma_start3A_1874, %dma_start3A_1875] : memref<56x1024xf32, #tpu.memory_space<vmem>> -> memref<8x128xf32, #tpu.memory_space<vmem>>
      %dma_start3A_1877 = arith.constant 224 : i32
      %dma_start3A_1878 = tpu.memref_slice %arg5[%dma_start3A_1877] : memref<448xi32, #tpu.memory_space<vmem>> -> memref<8xi32, #tpu.memory_space<vmem>>
      %dma_start3A_1879 = arith.constant 0 : i32
      %dma_start3A_1880 = arith.constant 0 : i32
      %dma_start3A_1881 = tpu.memref_slice %arg3[%dma_start3A_1879, %dma_start3A_1880] : memref<8000x128xf32, #tpu.memory_space<hbm>> -> memref<8000x128xf32, #tpu.memory_space<hbm>>
      tpu.enqueue_indirect_dma source(%dma_start3A_1881 : memref<8000x128xf32, #tpu.memory_space<hbm>>) target(%dma_start3A_1876 : memref<8x128xf32, #tpu.memory_space<vmem>>) offsets(%dma_start3A_1878 : memref<8xi32, #tpu.memory_space<vmem>>) semaphore(%arg11 : memref<!tpu.dma_semaphore, #tpu.memory_space<semaphore_mem>>)
      %dma_start3A_1882 = arith.constant 24 : i32
      %dma_start3A_1883 = arith.constant 640 : i32
      %dma_start3A_1884 = tpu.memref_slice %arg7[%dma_start3A_1882, %dma_start3A_1883] : memref<56x1024xf32, #tpu.memory_space<vmem>> -> memref<8x128xf32, #tpu.memory_space<vmem>>
      %dma_start3A_1885 = arith.constant 232 : i32
      %dma_start3A_1886 = tpu.memref_slice %arg5[%dma_start3A_1885] : memref<448xi32, #tpu.memory_space<vmem>> -> memref<8xi32, #tpu.memory_space<vmem>>
      %dma_start3A_1887 = arith.constant 0 : i32
      %dma_start3A_1888 = arith.constant 0 : i32
      %dma_start3A_1889 = tpu.memref_slice %arg3[%dma_start3A_1887, %dma_start3A_1888] : memref<8000x128xf32, #tpu.memory_space<hbm>> -> memref<8000x128xf32, #tpu.memory_space<hbm>>
      tpu.enqueue_indirect_dma source(%dma_start3A_1889 : memref<8000x128xf32, #tpu.memory_space<hbm>>) target(%dma_start3A_1884 : memref<8x128xf32, #tpu.memory_space<vmem>>) offsets(%dma_start3A_1886 : memref<8xi32, #tpu.memory_space<vmem>>) semaphore(%arg11 : memref<!tpu.dma_semaphore, #tpu.memory_space<semaphore_mem>>)
      %dma_start3A_1890 = arith.constant 24 : i32
      %dma_start3A_1891 = arith.constant 768 : i32
      %dma_start3A_1892 = tpu.memref_slice %arg7[%dma_start3A_1890, %dma_start3A_1891] : memref<56x1024xf32, #tpu.memory_space<vmem>> -> memref<8x128xf32, #tpu.memory_space<vmem>>
      %dma_start3A_1893 = arith.constant 240 : i32
      %dma_start3A_1894 = tpu.memref_slice %arg5[%dma_start3A_1893] : memref<448xi32, #tpu.memory_space<vmem>> -> memref<8xi32, #tpu.memory_space<vmem>>
      %dma_start3A_1895 = arith.constant 0 : i32
      %dma_start3A_1896 = arith.constant 0 : i32
      %dma_start3A_1897 = tpu.memref_slice %arg3[%dma_start3A_1895, %dma_start3A_1896] : memref<8000x128xf32, #tpu.memory_space<hbm>> -> memref<8000x128xf32, #tpu.memory_space<hbm>>
      tpu.enqueue_indirect_dma source(%dma_start3A_1897 : memref<8000x128xf32, #tpu.memory_space<hbm>>) target(%dma_start3A_1892 : memref<8x128xf32, #tpu.memory_space<vmem>>) offsets(%dma_start3A_1894 : memref<8xi32, #tpu.memory_space<vmem>>) semaphore(%arg11 : memref<!tpu.dma_semaphore, #tpu.memory_space<semaphore_mem>>)
      %dma_start3A_1898 = arith.constant 24 : i32
      %dma_start3A_1899 = arith.constant 896 : i32
      %dma_start3A_1900 = tpu.memref_slice %arg7[%dma_start3A_1898, %dma_start3A_1899] : memref<56x1024xf32, #tpu.memory_space<vmem>> -> memref<8x128xf32, #tpu.memory_space<vmem>>
      %dma_start3A_1901 = arith.constant 248 : i32
      %dma_start3A_1902 = tpu.memref_slice %arg5[%dma_start3A_1901] : memref<448xi32, #tpu.memory_space<vmem>> -> memref<8xi32, #tpu.memory_space<vmem>>
      %dma_start3A_1903 = arith.constant 0 : i32
      %dma_start3A_1904 = arith.constant 0 : i32
      %dma_start3A_1905 = tpu.memref_slice %arg3[%dma_start3A_1903, %dma_start3A_1904] : memref<8000x128xf32, #tpu.memory_space<hbm>> -> memref<8000x128xf32, #tpu.memory_space<hbm>>
      tpu.enqueue_indirect_dma source(%dma_start3A_1905 : memref<8000x128xf32, #tpu.memory_space<hbm>>) target(%dma_start3A_1900 : memref<8x128xf32, #tpu.memory_space<vmem>>) offsets(%dma_start3A_1902 : memref<8xi32, #tpu.memory_space<vmem>>) semaphore(%arg11 : memref<!tpu.dma_semaphore, #tpu.memory_space<semaphore_mem>>)
      %dma_start3A_1906 = arith.constant 32 : i32
      %dma_start3A_1907 = arith.constant 0 : i32
      %dma_start3A_1908 = tpu.memref_slice %arg7[%dma_start3A_1906, %dma_start3A_1907] : memref<56x1024xf32, #tpu.memory_space<vmem>> -> memref<8x128xf32, #tpu.memory_space<vmem>>
      %dma_start3A_1909 = arith.constant 256 : i32
      %dma_start3A_1910 = tpu.memref_slice %arg5[%dma_start3A_1909] : memref<448xi32, #tpu.memory_space<vmem>> -> memref<8xi32, #tpu.memory_space<vmem>>
      %dma_start3A_1911 = arith.constant 0 : i32
      %dma_start3A_1912 = arith.constant 0 : i32
      %dma_start3A_1913 = tpu.memref_slice %arg3[%dma_start3A_1911, %dma_start3A_1912] : memref<8000x128xf32, #tpu.memory_space<hbm>> -> memref<8000x128xf32, #tpu.memory_space<hbm>>
      tpu.enqueue_indirect_dma source(%dma_start3A_1913 : memref<8000x128xf32, #tpu.memory_space<hbm>>) target(%dma_start3A_1908 : memref<8x128xf32, #tpu.memory_space<vmem>>) offsets(%dma_start3A_1910 : memref<8xi32, #tpu.memory_space<vmem>>) semaphore(%arg11 : memref<!tpu.dma_semaphore, #tpu.memory_space<semaphore_mem>>)
      %dma_start3A_1914 = arith.constant 32 : i32
      %dma_start3A_1915 = arith.constant 128 : i32
      %dma_start3A_1916 = tpu.memref_slice %arg7[%dma_start3A_1914, %dma_start3A_1915] : memref<56x1024xf32, #tpu.memory_space<vmem>> -> memref<8x128xf32, #tpu.memory_space<vmem>>
      %dma_start3A_1917 = arith.constant 264 : i32
      %dma_start3A_1918 = tpu.memref_slice %arg5[%dma_start3A_1917] : memref<448xi32, #tpu.memory_space<vmem>> -> memref<8xi32, #tpu.memory_space<vmem>>
      %dma_start3A_1919 = arith.constant 0 : i32
      %dma_start3A_1920 = arith.constant 0 : i32
      %dma_start3A_1921 = tpu.memref_slice %arg3[%dma_start3A_1919, %dma_start3A_1920] : memref<8000x128xf32, #tpu.memory_space<hbm>> -> memref<8000x128xf32, #tpu.memory_space<hbm>>
      tpu.enqueue_indirect_dma source(%dma_start3A_1921 : memref<8000x128xf32, #tpu.memory_space<hbm>>) target(%dma_start3A_1916 : memref<8x128xf32, #tpu.memory_space<vmem>>) offsets(%dma_start3A_1918 : memref<8xi32, #tpu.memory_space<vmem>>) semaphore(%arg11 : memref<!tpu.dma_semaphore, #tpu.memory_space<semaphore_mem>>)
      %dma_start3A_1922 = arith.constant 32 : i32
      %dma_start3A_1923 = arith.constant 256 : i32
      %dma_start3A_1924 = tpu.memref_slice %arg7[%dma_start3A_1922, %dma_start3A_1923] : memref<56x1024xf32, #tpu.memory_space<vmem>> -> memref<8x128xf32, #tpu.memory_space<vmem>>
      %dma_start3A_1925 = arith.constant 272 : i32
      %dma_start3A_1926 = tpu.memref_slice %arg5[%dma_start3A_1925] : memref<448xi32, #tpu.memory_space<vmem>> -> memref<8xi32, #tpu.memory_space<vmem>>
      %dma_start3A_1927 = arith.constant 0 : i32
      %dma_start3A_1928 = arith.constant 0 : i32
      %dma_start3A_1929 = tpu.memref_slice %arg3[%dma_start3A_1927, %dma_start3A_1928] : memref<8000x128xf32, #tpu.memory_space<hbm>> -> memref<8000x128xf32, #tpu.memory_space<hbm>>
      tpu.enqueue_indirect_dma source(%dma_start3A_1929 : memref<8000x128xf32, #tpu.memory_space<hbm>>) target(%dma_start3A_1924 : memref<8x128xf32, #tpu.memory_space<vmem>>) offsets(%dma_start3A_1926 : memref<8xi32, #tpu.memory_space<vmem>>) semaphore(%arg11 : memref<!tpu.dma_semaphore, #tpu.memory_space<semaphore_mem>>)
      %dma_start3A_1930 = arith.constant 32 : i32
      %dma_start3A_1931 = arith.constant 384 : i32
      %dma_start3A_1932 = tpu.memref_slice %arg7[%dma_start3A_1930, %dma_start3A_1931] : memref<56x1024xf32, #tpu.memory_space<vmem>> -> memref<8x128xf32, #tpu.memory_space<vmem>>
      %dma_start3A_1933 = arith.constant 280 : i32
      %dma_start3A_1934 = tpu.memref_slice %arg5[%dma_start3A_1933] : memref<448xi32, #tpu.memory_space<vmem>> -> memref<8xi32, #tpu.memory_space<vmem>>
      %dma_start3A_1935 = arith.constant 0 : i32
      %dma_start3A_1936 = arith.constant 0 : i32
      %dma_start3A_1937 = tpu.memref_slice %arg3[%dma_start3A_1935, %dma_start3A_1936] : memref<8000x128xf32, #tpu.memory_space<hbm>> -> memref<8000x128xf32, #tpu.memory_space<hbm>>
      tpu.enqueue_indirect_dma source(%dma_start3A_1937 : memref<8000x128xf32, #tpu.memory_space<hbm>>) target(%dma_start3A_1932 : memref<8x128xf32, #tpu.memory_space<vmem>>) offsets(%dma_start3A_1934 : memref<8xi32, #tpu.memory_space<vmem>>) semaphore(%arg11 : memref<!tpu.dma_semaphore, #tpu.memory_space<semaphore_mem>>)
      %dma_start3A_1938 = arith.constant 32 : i32
      %dma_start3A_1939 = arith.constant 512 : i32
      %dma_start3A_1940 = tpu.memref_slice %arg7[%dma_start3A_1938, %dma_start3A_1939] : memref<56x1024xf32, #tpu.memory_space<vmem>> -> memref<8x128xf32, #tpu.memory_space<vmem>>
      %dma_start3A_1941 = arith.constant 288 : i32
      %dma_start3A_1942 = tpu.memref_slice %arg5[%dma_start3A_1941] : memref<448xi32, #tpu.memory_space<vmem>> -> memref<8xi32, #tpu.memory_space<vmem>>
      %dma_start3A_1943 = arith.constant 0 : i32
      %dma_start3A_1944 = arith.constant 0 : i32
      %dma_start3A_1945 = tpu.memref_slice %arg3[%dma_start3A_1943, %dma_start3A_1944] : memref<8000x128xf32, #tpu.memory_space<hbm>> -> memref<8000x128xf32, #tpu.memory_space<hbm>>
      tpu.enqueue_indirect_dma source(%dma_start3A_1945 : memref<8000x128xf32, #tpu.memory_space<hbm>>) target(%dma_start3A_1940 : memref<8x128xf32, #tpu.memory_space<vmem>>) offsets(%dma_start3A_1942 : memref<8xi32, #tpu.memory_space<vmem>>) semaphore(%arg11 : memref<!tpu.dma_semaphore, #tpu.memory_space<semaphore_mem>>)
      %dma_start3A_1946 = arith.constant 32 : i32
      %dma_start3A_1947 = arith.constant 640 : i32
      %dma_start3A_1948 = tpu.memref_slice %arg7[%dma_start3A_1946, %dma_start3A_1947] : memref<56x1024xf32, #tpu.memory_space<vmem>> -> memref<8x128xf32, #tpu.memory_space<vmem>>
      %dma_start3A_1949 = arith.constant 296 : i32
      %dma_start3A_1950 = tpu.memref_slice %arg5[%dma_start3A_1949] : memref<448xi32, #tpu.memory_space<vmem>> -> memref<8xi32, #tpu.memory_space<vmem>>
      %dma_start3A_1951 = arith.constant 0 : i32
      %dma_start3A_1952 = arith.constant 0 : i32
      %dma_start3A_1953 = tpu.memref_slice %arg3[%dma_start3A_1951, %dma_start3A_1952] : memref<8000x128xf32, #tpu.memory_space<hbm>> -> memref<8000x128xf32, #tpu.memory_space<hbm>>
      tpu.enqueue_indirect_dma source(%dma_start3A_1953 : memref<8000x128xf32, #tpu.memory_space<hbm>>) target(%dma_start3A_1948 : memref<8x128xf32, #tpu.memory_space<vmem>>) offsets(%dma_start3A_1950 : memref<8xi32, #tpu.memory_space<vmem>>) semaphore(%arg11 : memref<!tpu.dma_semaphore, #tpu.memory_space<semaphore_mem>>)
      %dma_start3A_1954 = arith.constant 32 : i32
      %dma_start3A_1955 = arith.constant 768 : i32
      %dma_start3A_1956 = tpu.memref_slice %arg7[%dma_start3A_1954, %dma_start3A_1955] : memref<56x1024xf32, #tpu.memory_space<vmem>> -> memref<8x128xf32, #tpu.memory_space<vmem>>
      %dma_start3A_1957 = arith.constant 304 : i32
      %dma_start3A_1958 = tpu.memref_slice %arg5[%dma_start3A_1957] : memref<448xi32, #tpu.memory_space<vmem>> -> memref<8xi32, #tpu.memory_space<vmem>>
      %dma_start3A_1959 = arith.constant 0 : i32
      %dma_start3A_1960 = arith.constant 0 : i32
      %dma_start3A_1961 = tpu.memref_slice %arg3[%dma_start3A_1959, %dma_start3A_1960] : memref<8000x128xf32, #tpu.memory_space<hbm>> -> memref<8000x128xf32, #tpu.memory_space<hbm>>
      tpu.enqueue_indirect_dma source(%dma_start3A_1961 : memref<8000x128xf32, #tpu.memory_space<hbm>>) target(%dma_start3A_1956 : memref<8x128xf32, #tpu.memory_space<vmem>>) offsets(%dma_start3A_1958 : memref<8xi32, #tpu.memory_space<vmem>>) semaphore(%arg11 : memref<!tpu.dma_semaphore, #tpu.memory_space<semaphore_mem>>)
      %dma_start3A_1962 = arith.constant 32 : i32
      %dma_start3A_1963 = arith.constant 896 : i32
      %dma_start3A_1964 = tpu.memref_slice %arg7[%dma_start3A_1962, %dma_start3A_1963] : memref<56x1024xf32, #tpu.memory_space<vmem>> -> memref<8x128xf32, #tpu.memory_space<vmem>>
      %dma_start3A_1965 = arith.constant 312 : i32
      %dma_start3A_1966 = tpu.memref_slice %arg5[%dma_start3A_1965] : memref<448xi32, #tpu.memory_space<vmem>> -> memref<8xi32, #tpu.memory_space<vmem>>
      %dma_start3A_1967 = arith.constant 0 : i32
      %dma_start3A_1968 = arith.constant 0 : i32
      %dma_start3A_1969 = tpu.memref_slice %arg3[%dma_start3A_1967, %dma_start3A_1968] : memref<8000x128xf32, #tpu.memory_space<hbm>> -> memref<8000x128xf32, #tpu.memory_space<hbm>>
      tpu.enqueue_indirect_dma source(%dma_start3A_1969 : memref<8000x128xf32, #tpu.memory_space<hbm>>) target(%dma_start3A_1964 : memref<8x128xf32, #tpu.memory_space<vmem>>) offsets(%dma_start3A_1966 : memref<8xi32, #tpu.memory_space<vmem>>) semaphore(%arg11 : memref<!tpu.dma_semaphore, #tpu.memory_space<semaphore_mem>>)
      %dma_start3A_1970 = arith.constant 40 : i32
      %dma_start3A_1971 = arith.constant 0 : i32
      %dma_start3A_1972 = tpu.memref_slice %arg7[%dma_start3A_1970, %dma_start3A_1971] : memref<56x1024xf32, #tpu.memory_space<vmem>> -> memref<8x128xf32, #tpu.memory_space<vmem>>
      %dma_start3A_1973 = arith.constant 320 : i32
      %dma_start3A_1974 = tpu.memref_slice %arg5[%dma_start3A_1973] : memref<448xi32, #tpu.memory_space<vmem>> -> memref<8xi32, #tpu.memory_space<vmem>>
      %dma_start3A_1975 = arith.constant 0 : i32
      %dma_start3A_1976 = arith.constant 0 : i32
      %dma_start3A_1977 = tpu.memref_slice %arg3[%dma_start3A_1975, %dma_start3A_1976] : memref<8000x128xf32, #tpu.memory_space<hbm>> -> memref<8000x128xf32, #tpu.memory_space<hbm>>
      tpu.enqueue_indirect_dma source(%dma_start3A_1977 : memref<8000x128xf32, #tpu.memory_space<hbm>>) target(%dma_start3A_1972 : memref<8x128xf32, #tpu.memory_space<vmem>>) offsets(%dma_start3A_1974 : memref<8xi32, #tpu.memory_space<vmem>>) semaphore(%arg11 : memref<!tpu.dma_semaphore, #tpu.memory_space<semaphore_mem>>)
      %dma_start3A_1978 = arith.constant 40 : i32
      %dma_start3A_1979 = arith.constant 128 : i32
      %dma_start3A_1980 = tpu.memref_slice %arg7[%dma_start3A_1978, %dma_start3A_1979] : memref<56x1024xf32, #tpu.memory_space<vmem>> -> memref<8x128xf32, #tpu.memory_space<vmem>>
      %dma_start3A_1981 = arith.constant 328 : i32
      %dma_start3A_1982 = tpu.memref_slice %arg5[%dma_start3A_1981] : memref<448xi32, #tpu.memory_space<vmem>> -> memref<8xi32, #tpu.memory_space<vmem>>
      %dma_start3A_1983 = arith.constant 0 : i32
      %dma_start3A_1984 = arith.constant 0 : i32
      %dma_start3A_1985 = tpu.memref_slice %arg3[%dma_start3A_1983, %dma_start3A_1984] : memref<8000x128xf32, #tpu.memory_space<hbm>> -> memref<8000x128xf32, #tpu.memory_space<hbm>>
      tpu.enqueue_indirect_dma source(%dma_start3A_1985 : memref<8000x128xf32, #tpu.memory_space<hbm>>) target(%dma_start3A_1980 : memref<8x128xf32, #tpu.memory_space<vmem>>) offsets(%dma_start3A_1982 : memref<8xi32, #tpu.memory_space<vmem>>) semaphore(%arg11 : memref<!tpu.dma_semaphore, #tpu.memory_space<semaphore_mem>>)
      %dma_start3A_1986 = arith.constant 40 : i32
      %dma_start3A_1987 = arith.constant 256 : i32
      %dma_start3A_1988 = tpu.memref_slice %arg7[%dma_start3A_1986, %dma_start3A_1987] : memref<56x1024xf32, #tpu.memory_space<vmem>> -> memref<8x128xf32, #tpu.memory_space<vmem>>
      %dma_start3A_1989 = arith.constant 336 : i32
      %dma_start3A_1990 = tpu.memref_slice %arg5[%dma_start3A_1989] : memref<448xi32, #tpu.memory_space<vmem>> -> memref<8xi32, #tpu.memory_space<vmem>>
      %dma_start3A_1991 = arith.constant 0 : i32
      %dma_start3A_1992 = arith.constant 0 : i32
      %dma_start3A_1993 = tpu.memref_slice %arg3[%dma_start3A_1991, %dma_start3A_1992] : memref<8000x128xf32, #tpu.memory_space<hbm>> -> memref<8000x128xf32, #tpu.memory_space<hbm>>
      tpu.enqueue_indirect_dma source(%dma_start3A_1993 : memref<8000x128xf32, #tpu.memory_space<hbm>>) target(%dma_start3A_1988 : memref<8x128xf32, #tpu.memory_space<vmem>>) offsets(%dma_start3A_1990 : memref<8xi32, #tpu.memory_space<vmem>>) semaphore(%arg11 : memref<!tpu.dma_semaphore, #tpu.memory_space<semaphore_mem>>)
      %dma_start3A_1994 = arith.constant 40 : i32
      %dma_start3A_1995 = arith.constant 384 : i32
      %dma_start3A_1996 = tpu.memref_slice %arg7[%dma_start3A_1994, %dma_start3A_1995] : memref<56x1024xf32, #tpu.memory_space<vmem>> -> memref<8x128xf32, #tpu.memory_space<vmem>>
      %dma_start3A_1997 = arith.constant 344 : i32
      %dma_start3A_1998 = tpu.memref_slice %arg5[%dma_start3A_1997] : memref<448xi32, #tpu.memory_space<vmem>> -> memref<8xi32, #tpu.memory_space<vmem>>
      %dma_start3A_1999 = arith.constant 0 : i32
      %dma_start3A_2000 = arith.constant 0 : i32
      %dma_start3A_2001 = tpu.memref_slice %arg3[%dma_start3A_1999, %dma_start3A_2000] : memref<8000x128xf32, #tpu.memory_space<hbm>> -> memref<8000x128xf32, #tpu.memory_space<hbm>>
      tpu.enqueue_indirect_dma source(%dma_start3A_2001 : memref<8000x128xf32, #tpu.memory_space<hbm>>) target(%dma_start3A_1996 : memref<8x128xf32, #tpu.memory_space<vmem>>) offsets(%dma_start3A_1998 : memref<8xi32, #tpu.memory_space<vmem>>) semaphore(%arg11 : memref<!tpu.dma_semaphore, #tpu.memory_space<semaphore_mem>>)
      %dma_start3A_2002 = arith.constant 40 : i32
      %dma_start3A_2003 = arith.constant 512 : i32
      %dma_start3A_2004 = tpu.memref_slice %arg7[%dma_start3A_2002, %dma_start3A_2003] : memref<56x1024xf32, #tpu.memory_space<vmem>> -> memref<8x128xf32, #tpu.memory_space<vmem>>
      %dma_start3A_2005 = arith.constant 352 : i32
      %dma_start3A_2006 = tpu.memref_slice %arg5[%dma_start3A_2005] : memref<448xi32, #tpu.memory_space<vmem>> -> memref<8xi32, #tpu.memory_space<vmem>>
      %dma_start3A_2007 = arith.constant 0 : i32
      %dma_start3A_2008 = arith.constant 0 : i32
      %dma_start3A_2009 = tpu.memref_slice %arg3[%dma_start3A_2007, %dma_start3A_2008] : memref<8000x128xf32, #tpu.memory_space<hbm>> -> memref<8000x128xf32, #tpu.memory_space<hbm>>
      tpu.enqueue_indirect_dma source(%dma_start3A_2009 : memref<8000x128xf32, #tpu.memory_space<hbm>>) target(%dma_start3A_2004 : memref<8x128xf32, #tpu.memory_space<vmem>>) offsets(%dma_start3A_2006 : memref<8xi32, #tpu.memory_space<vmem>>) semaphore(%arg11 : memref<!tpu.dma_semaphore, #tpu.memory_space<semaphore_mem>>)
      %dma_start3A_2010 = arith.constant 40 : i32
      %dma_start3A_2011 = arith.constant 640 : i32
      %dma_start3A_2012 = tpu.memref_slice %arg7[%dma_start3A_2010, %dma_start3A_2011] : memref<56x1024xf32, #tpu.memory_space<vmem>> -> memref<8x128xf32, #tpu.memory_space<vmem>>
      %dma_start3A_2013 = arith.constant 360 : i32
      %dma_start3A_2014 = tpu.memref_slice %arg5[%dma_start3A_2013] : memref<448xi32, #tpu.memory_space<vmem>> -> memref<8xi32, #tpu.memory_space<vmem>>
      %dma_start3A_2015 = arith.constant 0 : i32
      %dma_start3A_2016 = arith.constant 0 : i32
      %dma_start3A_2017 = tpu.memref_slice %arg3[%dma_start3A_2015, %dma_start3A_2016] : memref<8000x128xf32, #tpu.memory_space<hbm>> -> memref<8000x128xf32, #tpu.memory_space<hbm>>
      tpu.enqueue_indirect_dma source(%dma_start3A_2017 : memref<8000x128xf32, #tpu.memory_space<hbm>>) target(%dma_start3A_2012 : memref<8x128xf32, #tpu.memory_space<vmem>>) offsets(%dma_start3A_2014 : memref<8xi32, #tpu.memory_space<vmem>>) semaphore(%arg11 : memref<!tpu.dma_semaphore, #tpu.memory_space<semaphore_mem>>)
      %dma_start3A_2018 = arith.constant 40 : i32
      %dma_start3A_2019 = arith.constant 768 : i32
      %dma_start3A_2020 = tpu.memref_slice %arg7[%dma_start3A_2018, %dma_start3A_2019] : memref<56x1024xf32, #tpu.memory_space<vmem>> -> memref<8x128xf32, #tpu.memory_space<vmem>>
      %dma_start3A_2021 = arith.constant 368 : i32
      %dma_start3A_2022 = tpu.memref_slice %arg5[%dma_start3A_2021] : memref<448xi32, #tpu.memory_space<vmem>> -> memref<8xi32, #tpu.memory_space<vmem>>
      %dma_start3A_2023 = arith.constant 0 : i32
      %dma_start3A_2024 = arith.constant 0 : i32
      %dma_start3A_2025 = tpu.memref_slice %arg3[%dma_start3A_2023, %dma_start3A_2024] : memref<8000x128xf32, #tpu.memory_space<hbm>> -> memref<8000x128xf32, #tpu.memory_space<hbm>>
      tpu.enqueue_indirect_dma source(%dma_start3A_2025 : memref<8000x128xf32, #tpu.memory_space<hbm>>) target(%dma_start3A_2020 : memref<8x128xf32, #tpu.memory_space<vmem>>) offsets(%dma_start3A_2022 : memref<8xi32, #tpu.memory_space<vmem>>) semaphore(%arg11 : memref<!tpu.dma_semaphore, #tpu.memory_space<semaphore_mem>>)
      %dma_start3A_2026 = arith.constant 40 : i32
      %dma_start3A_2027 = arith.constant 896 : i32
      %dma_start3A_2028 = tpu.memref_slice %arg7[%dma_start3A_2026, %dma_start3A_2027] : memref<56x1024xf32, #tpu.memory_space<vmem>> -> memref<8x128xf32, #tpu.memory_space<vmem>>
      %dma_start3A_2029 = arith.constant 376 : i32
      %dma_start3A_2030 = tpu.memref_slice %arg5[%dma_start3A_2029] : memref<448xi32, #tpu.memory_space<vmem>> -> memref<8xi32, #tpu.memory_space<vmem>>
      %dma_start3A_2031 = arith.constant 0 : i32
      %dma_start3A_2032 = arith.constant 0 : i32
      %dma_start3A_2033 = tpu.memref_slice %arg3[%dma_start3A_2031, %dma_start3A_2032] : memref<8000x128xf32, #tpu.memory_space<hbm>> -> memref<8000x128xf32, #tpu.memory_space<hbm>>
      tpu.enqueue_indirect_dma source(%dma_start3A_2033 : memref<8000x128xf32, #tpu.memory_space<hbm>>) target(%dma_start3A_2028 : memref<8x128xf32, #tpu.memory_space<vmem>>) offsets(%dma_start3A_2030 : memref<8xi32, #tpu.memory_space<vmem>>) semaphore(%arg11 : memref<!tpu.dma_semaphore, #tpu.memory_space<semaphore_mem>>)
      %dma_start3A_2034 = arith.constant 48 : i32
      %dma_start3A_2035 = arith.constant 0 : i32
      %dma_start3A_2036 = tpu.memref_slice %arg7[%dma_start3A_2034, %dma_start3A_2035] : memref<56x1024xf32, #tpu.memory_space<vmem>> -> memref<8x128xf32, #tpu.memory_space<vmem>>
      %dma_start3A_2037 = arith.constant 384 : i32
      %dma_start3A_2038 = tpu.memref_slice %arg5[%dma_start3A_2037] : memref<448xi32, #tpu.memory_space<vmem>> -> memref<8xi32, #tpu.memory_space<vmem>>
      %dma_start3A_2039 = arith.constant 0 : i32
      %dma_start3A_2040 = arith.constant 0 : i32
      %dma_start3A_2041 = tpu.memref_slice %arg3[%dma_start3A_2039, %dma_start3A_2040] : memref<8000x128xf32, #tpu.memory_space<hbm>> -> memref<8000x128xf32, #tpu.memory_space<hbm>>
      tpu.enqueue_indirect_dma source(%dma_start3A_2041 : memref<8000x128xf32, #tpu.memory_space<hbm>>) target(%dma_start3A_2036 : memref<8x128xf32, #tpu.memory_space<vmem>>) offsets(%dma_start3A_2038 : memref<8xi32, #tpu.memory_space<vmem>>) semaphore(%arg11 : memref<!tpu.dma_semaphore, #tpu.memory_space<semaphore_mem>>)
      %dma_start3A_2042 = arith.constant 48 : i32
      %dma_start3A_2043 = arith.constant 128 : i32
      %dma_start3A_2044 = tpu.memref_slice %arg7[%dma_start3A_2042, %dma_start3A_2043] : memref<56x1024xf32, #tpu.memory_space<vmem>> -> memref<8x128xf32, #tpu.memory_space<vmem>>
      %dma_start3A_2045 = arith.constant 392 : i32
      %dma_start3A_2046 = tpu.memref_slice %arg5[%dma_start3A_2045] : memref<448xi32, #tpu.memory_space<vmem>> -> memref<8xi32, #tpu.memory_space<vmem>>
      %dma_start3A_2047 = arith.constant 0 : i32
      %dma_start3A_2048 = arith.constant 0 : i32
      %dma_start3A_2049 = tpu.memref_slice %arg3[%dma_start3A_2047, %dma_start3A_2048] : memref<8000x128xf32, #tpu.memory_space<hbm>> -> memref<8000x128xf32, #tpu.memory_space<hbm>>
      tpu.enqueue_indirect_dma source(%dma_start3A_2049 : memref<8000x128xf32, #tpu.memory_space<hbm>>) target(%dma_start3A_2044 : memref<8x128xf32, #tpu.memory_space<vmem>>) offsets(%dma_start3A_2046 : memref<8xi32, #tpu.memory_space<vmem>>) semaphore(%arg11 : memref<!tpu.dma_semaphore, #tpu.memory_space<semaphore_mem>>)
      %dma_start3A_2050 = arith.constant 48 : i32
      %dma_start3A_2051 = arith.constant 256 : i32
      %dma_start3A_2052 = tpu.memref_slice %arg7[%dma_start3A_2050, %dma_start3A_2051] : memref<56x1024xf32, #tpu.memory_space<vmem>> -> memref<8x128xf32, #tpu.memory_space<vmem>>
      %dma_start3A_2053 = arith.constant 400 : i32
      %dma_start3A_2054 = tpu.memref_slice %arg5[%dma_start3A_2053] : memref<448xi32, #tpu.memory_space<vmem>> -> memref<8xi32, #tpu.memory_space<vmem>>
      %dma_start3A_2055 = arith.constant 0 : i32
      %dma_start3A_2056 = arith.constant 0 : i32
      %dma_start3A_2057 = tpu.memref_slice %arg3[%dma_start3A_2055, %dma_start3A_2056] : memref<8000x128xf32, #tpu.memory_space<hbm>> -> memref<8000x128xf32, #tpu.memory_space<hbm>>
      tpu.enqueue_indirect_dma source(%dma_start3A_2057 : memref<8000x128xf32, #tpu.memory_space<hbm>>) target(%dma_start3A_2052 : memref<8x128xf32, #tpu.memory_space<vmem>>) offsets(%dma_start3A_2054 : memref<8xi32, #tpu.memory_space<vmem>>) semaphore(%arg11 : memref<!tpu.dma_semaphore, #tpu.memory_space<semaphore_mem>>)
      %dma_start3A_2058 = arith.constant 48 : i32
      %dma_start3A_2059 = arith.constant 384 : i32
      %dma_start3A_2060 = tpu.memref_slice %arg7[%dma_start3A_2058, %dma_start3A_2059] : memref<56x1024xf32, #tpu.memory_space<vmem>> -> memref<8x128xf32, #tpu.memory_space<vmem>>
      %dma_start3A_2061 = arith.constant 408 : i32
      %dma_start3A_2062 = tpu.memref_slice %arg5[%dma_start3A_2061] : memref<448xi32, #tpu.memory_space<vmem>> -> memref<8xi32, #tpu.memory_space<vmem>>
      %dma_start3A_2063 = arith.constant 0 : i32
      %dma_start3A_2064 = arith.constant 0 : i32
      %dma_start3A_2065 = tpu.memref_slice %arg3[%dma_start3A_2063, %dma_start3A_2064] : memref<8000x128xf32, #tpu.memory_space<hbm>> -> memref<8000x128xf32, #tpu.memory_space<hbm>>
      tpu.enqueue_indirect_dma source(%dma_start3A_2065 : memref<8000x128xf32, #tpu.memory_space<hbm>>) target(%dma_start3A_2060 : memref<8x128xf32, #tpu.memory_space<vmem>>) offsets(%dma_start3A_2062 : memref<8xi32, #tpu.memory_space<vmem>>) semaphore(%arg11 : memref<!tpu.dma_semaphore, #tpu.memory_space<semaphore_mem>>)
      %dma_start3A_2066 = arith.constant 48 : i32
      %dma_start3A_2067 = arith.constant 512 : i32
      %dma_start3A_2068 = tpu.memref_slice %arg7[%dma_start3A_2066, %dma_start3A_2067] : memref<56x1024xf32, #tpu.memory_space<vmem>> -> memref<8x128xf32, #tpu.memory_space<vmem>>
      %dma_start3A_2069 = arith.constant 416 : i32
      %dma_start3A_2070 = tpu.memref_slice %arg5[%dma_start3A_2069] : memref<448xi32, #tpu.memory_space<vmem>> -> memref<8xi32, #tpu.memory_space<vmem>>
      %dma_start3A_2071 = arith.constant 0 : i32
      %dma_start3A_2072 = arith.constant 0 : i32
      %dma_start3A_2073 = tpu.memref_slice %arg3[%dma_start3A_2071, %dma_start3A_2072] : memref<8000x128xf32, #tpu.memory_space<hbm>> -> memref<8000x128xf32, #tpu.memory_space<hbm>>
      tpu.enqueue_indirect_dma source(%dma_start3A_2073 : memref<8000x128xf32, #tpu.memory_space<hbm>>) target(%dma_start3A_2068 : memref<8x128xf32, #tpu.memory_space<vmem>>) offsets(%dma_start3A_2070 : memref<8xi32, #tpu.memory_space<vmem>>) semaphore(%arg11 : memref<!tpu.dma_semaphore, #tpu.memory_space<semaphore_mem>>)
      %dma_start3A_2074 = arith.constant 48 : i32
      %dma_start3A_2075 = arith.constant 640 : i32
      %dma_start3A_2076 = tpu.memref_slice %arg7[%dma_start3A_2074, %dma_start3A_2075] : memref<56x1024xf32, #tpu.memory_space<vmem>> -> memref<8x128xf32, #tpu.memory_space<vmem>>
      %dma_start3A_2077 = arith.constant 424 : i32
      %dma_start3A_2078 = tpu.memref_slice %arg5[%dma_start3A_2077] : memref<448xi32, #tpu.memory_space<vmem>> -> memref<8xi32, #tpu.memory_space<vmem>>
      %dma_start3A_2079 = arith.constant 0 : i32
      %dma_start3A_2080 = arith.constant 0 : i32
      %dma_start3A_2081 = tpu.memref_slice %arg3[%dma_start3A_2079, %dma_start3A_2080] : memref<8000x128xf32, #tpu.memory_space<hbm>> -> memref<8000x128xf32, #tpu.memory_space<hbm>>
      tpu.enqueue_indirect_dma source(%dma_start3A_2081 : memref<8000x128xf32, #tpu.memory_space<hbm>>) target(%dma_start3A_2076 : memref<8x128xf32, #tpu.memory_space<vmem>>) offsets(%dma_start3A_2078 : memref<8xi32, #tpu.memory_space<vmem>>) semaphore(%arg11 : memref<!tpu.dma_semaphore, #tpu.memory_space<semaphore_mem>>)
      %dma_start3A_2082 = arith.constant 48 : i32
      %dma_start3A_2083 = arith.constant 768 : i32
      %dma_start3A_2084 = tpu.memref_slice %arg7[%dma_start3A_2082, %dma_start3A_2083] : memref<56x1024xf32, #tpu.memory_space<vmem>> -> memref<8x128xf32, #tpu.memory_space<vmem>>
      %dma_start3A_2085 = arith.constant 432 : i32
      %dma_start3A_2086 = tpu.memref_slice %arg5[%dma_start3A_2085] : memref<448xi32, #tpu.memory_space<vmem>> -> memref<8xi32, #tpu.memory_space<vmem>>
      %dma_start3A_2087 = arith.constant 0 : i32
      %dma_start3A_2088 = arith.constant 0 : i32
      %dma_start3A_2089 = tpu.memref_slice %arg3[%dma_start3A_2087, %dma_start3A_2088] : memref<8000x128xf32, #tpu.memory_space<hbm>> -> memref<8000x128xf32, #tpu.memory_space<hbm>>
      tpu.enqueue_indirect_dma source(%dma_start3A_2089 : memref<8000x128xf32, #tpu.memory_space<hbm>>) target(%dma_start3A_2084 : memref<8x128xf32, #tpu.memory_space<vmem>>) offsets(%dma_start3A_2086 : memref<8xi32, #tpu.memory_space<vmem>>) semaphore(%arg11 : memref<!tpu.dma_semaphore, #tpu.memory_space<semaphore_mem>>)
      %dma_start3A_2090 = arith.constant 48 : i32
      %dma_start3A_2091 = arith.constant 896 : i32
      %dma_start3A_2092 = tpu.memref_slice %arg7[%dma_start3A_2090, %dma_start3A_2091] : memref<56x1024xf32, #tpu.memory_space<vmem>> -> memref<8x128xf32, #tpu.memory_space<vmem>>
      %dma_start3A_2093 = arith.constant 440 : i32
      %dma_start3A_2094 = tpu.memref_slice %arg5[%dma_start3A_2093] : memref<448xi32, #tpu.memory_space<vmem>> -> memref<8xi32, #tpu.memory_space<vmem>>
      %dma_start3A_2095 = arith.constant 0 : i32
      %dma_start3A_2096 = arith.constant 0 : i32
      %dma_start3A_2097 = tpu.memref_slice %arg3[%dma_start3A_2095, %dma_start3A_2096] : memref<8000x128xf32, #tpu.memory_space<hbm>> -> memref<8000x128xf32, #tpu.memory_space<hbm>>
      tpu.enqueue_indirect_dma source(%dma_start3A_2097 : memref<8000x128xf32, #tpu.memory_space<hbm>>) target(%dma_start3A_2092 : memref<8x128xf32, #tpu.memory_space<vmem>>) offsets(%dma_start3A_2094 : memref<8xi32, #tpu.memory_space<vmem>>) semaphore(%arg11 : memref<!tpu.dma_semaphore, #tpu.memory_space<semaphore_mem>>)
      %dma_wait3A_2098 = arith.constant 0 : i32
      %dma_wait3A_2099 = arith.constant 0 : i32
      %dma_wait3A_2100 = tpu.memref_slice %arg7[%dma_wait3A_2098, %dma_wait3A_2099] : memref<56x1024xf32, #tpu.memory_space<vmem>> -> memref<8x1024xf32, #tpu.memory_space<vmem>>
      %dma_wait3A_2101 = arith.constant 0 : i32
      %dma_wait3A_2102 = arith.constant 0 : i32
      %dma_wait3A_2103 = tpu.memref_slice %arg4[%mul3A_2, %dma_wait3A_2101, %dma_wait3A_2102] : memref<4096x50x1024xf32, #tpu.memory_space<hbm>> -> memref<1x8x1024xf32, #tpu.memory_space<hbm>>
      %dma_wait3A_2104 = tpu.memref_squeeze %dma_wait3A_2103 : memref<1x8x1024xf32, #tpu.memory_space<hbm>> -> memref<8x1024xf32, #tpu.memory_space<hbm>>
      %dma_wait3A_2105 = arith.constant 0 : i32
      %dma_wait3A_2106 = arith.constant 0 : i32
      %dma_wait3A_2107 = tpu.memref_slice %arg7[%dma_wait3A_2105, %dma_wait3A_2106] : memref<56x1024xf32, #tpu.memory_space<vmem>> -> memref<8x1024xf32, #tpu.memory_space<vmem>>
      %dma_wait3A_2108 = arith.constant 0 : i32
      %dma_wait3A_2109 = arith.constant 0 : i32
      %dma_wait3A_2110 = tpu.memref_slice %arg4[%mul3A_2, %dma_wait3A_2108, %dma_wait3A_2109] : memref<4096x50x1024xf32, #tpu.memory_space<hbm>> -> memref<1x8x1024xf32, #tpu.memory_space<hbm>>
      %dma_wait3A_2111 = tpu.memref_squeeze %dma_wait3A_2110 : memref<1x8x1024xf32, #tpu.memory_space<hbm>> -> memref<8x1024xf32, #tpu.memory_space<hbm>>
      tpu.wait_dma2 semaphore(%arg11 : memref<!tpu.dma_semaphore, #tpu.memory_space<semaphore_mem>>) src(%dma_wait3A_2111 : memref<8x1024xf32, #tpu.memory_space<hbm>>) dst(%dma_wait3A_2107 : memref<8x1024xf32, #tpu.memory_space<vmem>>)
      %dma_wait3A_2112 = arith.constant 0 : i32
      %dma_wait3A_2113 = arith.constant 0 : i32
      %dma_wait3A_2114 = tpu.memref_slice %arg7[%dma_wait3A_2112, %dma_wait3A_2113] : memref<56x1024xf32, #tpu.memory_space<vmem>> -> memref<8x1024xf32, #tpu.memory_space<vmem>>
      %dma_wait3A_2115 = arith.constant 0 : i32
      %dma_wait3A_2116 = arith.constant 0 : i32
      %dma_wait3A_2117 = tpu.memref_slice %arg4[%mul3A_2, %dma_wait3A_2115, %dma_wait3A_2116] : memref<4096x50x1024xf32, #tpu.memory_space<hbm>> -> memref<1x8x1024xf32, #tpu.memory_space<hbm>>
      %dma_wait3A_2118 = tpu.memref_squeeze %dma_wait3A_2117 : memref<1x8x1024xf32, #tpu.memory_space<hbm>> -> memref<8x1024xf32, #tpu.memory_space<hbm>>
      %dma_wait3A_2119 = arith.constant 0 : i32
      %dma_wait3A_2120 = arith.constant 0 : i32
      %dma_wait3A_2121 = tpu.memref_slice %arg7[%dma_wait3A_2119, %dma_wait3A_2120] : memref<56x1024xf32, #tpu.memory_space<vmem>> -> memref<8x1024xf32, #tpu.memory_space<vmem>>
      %dma_wait3A_2122 = arith.constant 0 : i32
      %dma_wait3A_2123 = arith.constant 0 : i32
      %dma_wait3A_2124 = tpu.memref_slice %arg4[%mul3A_2, %dma_wait3A_2122, %dma_wait3A_2123] : memref<4096x50x1024xf32, #tpu.memory_space<hbm>> -> memref<1x8x1024xf32, #tpu.memory_space<hbm>>
      %dma_wait3A_2125 = tpu.memref_squeeze %dma_wait3A_2124 : memref<1x8x1024xf32, #tpu.memory_space<hbm>> -> memref<8x1024xf32, #tpu.memory_space<hbm>>
      tpu.wait_dma2 semaphore(%arg11 : memref<!tpu.dma_semaphore, #tpu.memory_space<semaphore_mem>>) src(%dma_wait3A_2125 : memref<8x1024xf32, #tpu.memory_space<hbm>>) dst(%dma_wait3A_2121 : memref<8x1024xf32, #tpu.memory_space<vmem>>)
      %dma_wait3A_2126 = arith.constant 0 : i32
      %dma_wait3A_2127 = arith.constant 0 : i32
      %dma_wait3A_2128 = tpu.memref_slice %arg7[%dma_wait3A_2126, %dma_wait3A_2127] : memref<56x1024xf32, #tpu.memory_space<vmem>> -> memref<8x1024xf32, #tpu.memory_space<vmem>>
      %dma_wait3A_2129 = arith.constant 0 : i32
      %dma_wait3A_2130 = arith.constant 0 : i32
      %dma_wait3A_2131 = tpu.memref_slice %arg4[%mul3A_2, %dma_wait3A_2129, %dma_wait3A_2130] : memref<4096x50x1024xf32, #tpu.memory_space<hbm>> -> memref<1x8x1024xf32, #tpu.memory_space<hbm>>
      %dma_wait3A_2132 = tpu.memref_squeeze %dma_wait3A_2131 : memref<1x8x1024xf32, #tpu.memory_space<hbm>> -> memref<8x1024xf32, #tpu.memory_space<hbm>>
      %dma_wait3A_2133 = arith.constant 0 : i32
      %dma_wait3A_2134 = arith.constant 0 : i32
      %dma_wait3A_2135 = tpu.memref_slice %arg7[%dma_wait3A_2133, %dma_wait3A_2134] : memref<56x1024xf32, #tpu.memory_space<vmem>> -> memref<8x1024xf32, #tpu.memory_space<vmem>>
      %dma_wait3A_2136 = arith.constant 0 : i32
      %dma_wait3A_2137 = arith.constant 0 : i32
      %dma_wait3A_2138 = tpu.memref_slice %arg4[%mul3A_2, %dma_wait3A_2136, %dma_wait3A_2137] : memref<4096x50x1024xf32, #tpu.memory_space<hbm>> -> memref<1x8x1024xf32, #tpu.memory_space<hbm>>
      %dma_wait3A_2139 = tpu.memref_squeeze %dma_wait3A_2138 : memref<1x8x1024xf32, #tpu.memory_space<hbm>> -> memref<8x1024xf32, #tpu.memory_space<hbm>>
      tpu.wait_dma2 semaphore(%arg11 : memref<!tpu.dma_semaphore, #tpu.memory_space<semaphore_mem>>) src(%dma_wait3A_2139 : memref<8x1024xf32, #tpu.memory_space<hbm>>) dst(%dma_wait3A_2135 : memref<8x1024xf32, #tpu.memory_space<vmem>>)
      %dma_wait3A_2140 = arith.constant 0 : i32
      %dma_wait3A_2141 = arith.constant 0 : i32
      %dma_wait3A_2142 = tpu.memref_slice %arg7[%dma_wait3A_2140, %dma_wait3A_2141] : memref<56x1024xf32, #tpu.memory_space<vmem>> -> memref<8x1024xf32, #tpu.memory_space<vmem>>
      %dma_wait3A_2143 = arith.constant 0 : i32
      %dma_wait3A_2144 = arith.constant 0 : i32
      %dma_wait3A_2145 = tpu.memref_slice %arg4[%mul3A_2, %dma_wait3A_2143, %dma_wait3A_2144] : memref<4096x50x1024xf32, #tpu.memory_space<hbm>> -> memref<1x8x1024xf32, #tpu.memory_space<hbm>>
      %dma_wait3A_2146 = tpu.memref_squeeze %dma_wait3A_2145 : memref<1x8x1024xf32, #tpu.memory_space<hbm>> -> memref<8x1024xf32, #tpu.memory_space<hbm>>
      %dma_wait3A_2147 = arith.constant 0 : i32
      %dma_wait3A_2148 = arith.constant 0 : i32
      %dma_wait3A_2149 = tpu.memref_slice %arg7[%dma_wait3A_2147, %dma_wait3A_2148] : memref<56x1024xf32, #tpu.memory_space<vmem>> -> memref<8x1024xf32, #tpu.memory_space<vmem>>
      %dma_wait3A_2150 = arith.constant 0 : i32
      %dma_wait3A_2151 = arith.constant 0 : i32
      %dma_wait3A_2152 = tpu.memref_slice %arg4[%mul3A_2, %dma_wait3A_2150, %dma_wait3A_2151] : memref<4096x50x1024xf32, #tpu.memory_space<hbm>> -> memref<1x8x1024xf32, #tpu.memory_space<hbm>>
      %dma_wait3A_2153 = tpu.memref_squeeze %dma_wait3A_2152 : memref<1x8x1024xf32, #tpu.memory_space<hbm>> -> memref<8x1024xf32, #tpu.memory_space<hbm>>
      tpu.wait_dma2 semaphore(%arg11 : memref<!tpu.dma_semaphore, #tpu.memory_space<semaphore_mem>>) src(%dma_wait3A_2153 : memref<8x1024xf32, #tpu.memory_space<hbm>>) dst(%dma_wait3A_2149 : memref<8x1024xf32, #tpu.memory_space<vmem>>)
      %dma_wait3A_2154 = arith.constant 0 : i32
      %dma_wait3A_2155 = arith.constant 0 : i32
      %dma_wait3A_2156 = tpu.memref_slice %arg7[%dma_wait3A_2154, %dma_wait3A_2155] : memref<56x1024xf32, #tpu.memory_space<vmem>> -> memref<8x1024xf32, #tpu.memory_space<vmem>>
      %dma_wait3A_2157 = arith.constant 0 : i32
      %dma_wait3A_2158 = arith.constant 0 : i32
      %dma_wait3A_2159 = tpu.memref_slice %arg4[%mul3A_2, %dma_wait3A_2157, %dma_wait3A_2158] : memref<4096x50x1024xf32, #tpu.memory_space<hbm>> -> memref<1x8x1024xf32, #tpu.memory_space<hbm>>
      %dma_wait3A_2160 = tpu.memref_squeeze %dma_wait3A_2159 : memref<1x8x1024xf32, #tpu.memory_space<hbm>> -> memref<8x1024xf32, #tpu.memory_space<hbm>>
      %dma_wait3A_2161 = arith.constant 0 : i32
      %dma_wait3A_2162 = arith.constant 0 : i32
      %dma_wait3A_2163 = tpu.memref_slice %arg7[%dma_wait3A_2161, %dma_wait3A_2162] : memref<56x1024xf32, #tpu.memory_space<vmem>> -> memref<8x1024xf32, #tpu.memory_space<vmem>>
      %dma_wait3A_2164 = arith.constant 0 : i32
      %dma_wait3A_2165 = arith.constant 0 : i32
      %dma_wait3A_2166 = tpu.memref_slice %arg4[%mul3A_2, %dma_wait3A_2164, %dma_wait3A_2165] : memref<4096x50x1024xf32, #tpu.memory_space<hbm>> -> memref<1x8x1024xf32, #tpu.memory_space<hbm>>
      %dma_wait3A_2167 = tpu.memref_squeeze %dma_wait3A_2166 : memref<1x8x1024xf32, #tpu.memory_space<hbm>> -> memref<8x1024xf32, #tpu.memory_space<hbm>>
      tpu.wait_dma2 semaphore(%arg11 : memref<!tpu.dma_semaphore, #tpu.memory_space<semaphore_mem>>) src(%dma_wait3A_2167 : memref<8x1024xf32, #tpu.memory_space<hbm>>) dst(%dma_wait3A_2163 : memref<8x1024xf32, #tpu.memory_space<vmem>>)
      %dma_wait3A_2168 = arith.constant 0 : i32
      %dma_wait3A_2169 = arith.constant 0 : i32
      %dma_wait3A_2170 = tpu.memref_slice %arg7[%dma_wait3A_2168, %dma_wait3A_2169] : memref<56x1024xf32, #tpu.memory_space<vmem>> -> memref<8x1024xf32, #tpu.memory_space<vmem>>
      %dma_wait3A_2171 = arith.constant 0 : i32
      %dma_wait3A_2172 = arith.constant 0 : i32
      %dma_wait3A_2173 = tpu.memref_slice %arg4[%mul3A_2, %dma_wait3A_2171, %dma_wait3A_2172] : memref<4096x50x1024xf32, #tpu.memory_space<hbm>> -> memref<1x8x1024xf32, #tpu.memory_space<hbm>>
      %dma_wait3A_2174 = tpu.memref_squeeze %dma_wait3A_2173 : memref<1x8x1024xf32, #tpu.memory_space<hbm>> -> memref<8x1024xf32, #tpu.memory_space<hbm>>
      %dma_wait3A_2175 = arith.constant 0 : i32
      %dma_wait3A_2176 = arith.constant 0 : i32
      %dma_wait3A_2177 = tpu.memref_slice %arg7[%dma_wait3A_2175, %dma_wait3A_2176] : memref<56x1024xf32, #tpu.memory_space<vmem>> -> memref<8x1024xf32, #tpu.memory_space<vmem>>
      %dma_wait3A_2178 = arith.constant 0 : i32
      %dma_wait3A_2179 = arith.constant 0 : i32
      %dma_wait3A_2180 = tpu.memref_slice %arg4[%mul3A_2, %dma_wait3A_2178, %dma_wait3A_2179] : memref<4096x50x1024xf32, #tpu.memory_space<hbm>> -> memref<1x8x1024xf32, #tpu.memory_space<hbm>>
      %dma_wait3A_2181 = tpu.memref_squeeze %dma_wait3A_2180 : memref<1x8x1024xf32, #tpu.memory_space<hbm>> -> memref<8x1024xf32, #tpu.memory_space<hbm>>
      tpu.wait_dma2 semaphore(%arg11 : memref<!tpu.dma_semaphore, #tpu.memory_space<semaphore_mem>>) src(%dma_wait3A_2181 : memref<8x1024xf32, #tpu.memory_space<hbm>>) dst(%dma_wait3A_2177 : memref<8x1024xf32, #tpu.memory_space<vmem>>)
      %dma_wait3A_2182 = arith.constant 0 : i32
      %dma_wait3A_2183 = arith.constant 0 : i32
      %dma_wait3A_2184 = tpu.memref_slice %arg7[%dma_wait3A_2182, %dma_wait3A_2183] : memref<56x1024xf32, #tpu.memory_space<vmem>> -> memref<8x1024xf32, #tpu.memory_space<vmem>>
      %dma_wait3A_2185 = arith.constant 0 : i32
      %dma_wait3A_2186 = arith.constant 0 : i32
      %dma_wait3A_2187 = tpu.memref_slice %arg4[%mul3A_2, %dma_wait3A_2185, %dma_wait3A_2186] : memref<4096x50x1024xf32, #tpu.memory_space<hbm>> -> memref<1x8x1024xf32, #tpu.memory_space<hbm>>
      %dma_wait3A_2188 = tpu.memref_squeeze %dma_wait3A_2187 : memref<1x8x1024xf32, #tpu.memory_space<hbm>> -> memref<8x1024xf32, #tpu.memory_space<hbm>>
      %dma_wait3A_2189 = arith.constant 0 : i32
      %dma_wait3A_2190 = arith.constant 0 : i32
      %dma_wait3A_2191 = tpu.memref_slice %arg7[%dma_wait3A_2189, %dma_wait3A_2190] : memref<56x1024xf32, #tpu.memory_space<vmem>> -> memref<8x1024xf32, #tpu.memory_space<vmem>>
      %dma_wait3A_2192 = arith.constant 0 : i32
      %dma_wait3A_2193 = arith.constant 0 : i32
      %dma_wait3A_2194 = tpu.memref_slice %arg4[%mul3A_2, %dma_wait3A_2192, %dma_wait3A_2193] : memref<4096x50x1024xf32, #tpu.memory_space<hbm>> -> memref<1x8x1024xf32, #tpu.memory_space<hbm>>
      %dma_wait3A_2195 = tpu.memref_squeeze %dma_wait3A_2194 : memref<1x8x1024xf32, #tpu.memory_space<hbm>> -> memref<8x1024xf32, #tpu.memory_space<hbm>>
      tpu.wait_dma2 semaphore(%arg11 : memref<!tpu.dma_semaphore, #tpu.memory_space<semaphore_mem>>) src(%dma_wait3A_2195 : memref<8x1024xf32, #tpu.memory_space<hbm>>) dst(%dma_wait3A_2191 : memref<8x1024xf32, #tpu.memory_space<vmem>>)
      %add3A_2196 = arith.addi %mul3A_2, %add3A_1546 : i32
      %dma_start3A_2197 = arith.constant 0 : i32
      %dma_start3A_2198 = arith.constant 0 : i32
      %dma_start3A_2199 = tpu.memref_slice %arg7[%dma_start3A_2197, %dma_start3A_2198] : memref<56x1024xf32, #tpu.memory_space<vmem>> -> memref<8x1024xf32, #tpu.memory_space<vmem>>
      %dma_start3A_2200 = arith.constant 0 : i32
      %dma_start3A_2201 = arith.constant 0 : i32
      %dma_start3A_2202 = tpu.memref_slice %arg4[%add3A_2196, %dma_start3A_2200, %dma_start3A_2201] : memref<4096x50x1024xf32, #tpu.memory_space<hbm>> -> memref<1x8x1024xf32, #tpu.memory_space<hbm>>
      %dma_start3A_2203 = tpu.memref_squeeze %dma_start3A_2202 : memref<1x8x1024xf32, #tpu.memory_space<hbm>> -> memref<8x1024xf32, #tpu.memory_space<hbm>>
      %dma_start3A_2204 = arith.constant 0 : i32
      %dma_start3A_2205 = arith.constant 0 : i32
      %dma_start3A_2206 = tpu.memref_slice %arg4[%add3A_2196, %dma_start3A_2204, %dma_start3A_2205] : memref<4096x50x1024xf32, #tpu.memory_space<hbm>> -> memref<1x8x1024xf32, #tpu.memory_space<hbm>>
      %dma_start3A_2207 = tpu.memref_squeeze %dma_start3A_2206 : memref<1x8x1024xf32, #tpu.memory_space<hbm>> -> memref<8x1024xf32, #tpu.memory_space<hbm>>
      %dma_start3A_2208 = arith.constant 0 : i32
      %dma_start3A_2209 = arith.constant 0 : i32
      %dma_start3A_2210 = tpu.memref_slice %arg7[%dma_start3A_2208, %dma_start3A_2209] : memref<56x1024xf32, #tpu.memory_space<vmem>> -> memref<8x1024xf32, #tpu.memory_space<vmem>>
      tpu.enqueue_dma source(%dma_start3A_2210 : memref<8x1024xf32, #tpu.memory_space<vmem>>) target(%dma_start3A_2207 : memref<8x1024xf32, #tpu.memory_space<hbm>>) target_semaphore(%arg13 : memref<!tpu.dma_semaphore, #tpu.memory_space<semaphore_mem>>)
      %dma_start3A_2211 = arith.constant 8 : i32
      %dma_start3A_2212 = arith.constant 0 : i32
      %dma_start3A_2213 = tpu.memref_slice %arg7[%dma_start3A_2211, %dma_start3A_2212] : memref<56x1024xf32, #tpu.memory_space<vmem>> -> memref<8x1024xf32, #tpu.memory_space<vmem>>
      %dma_start3A_2214 = arith.constant 8 : i32
      %dma_start3A_2215 = arith.constant 0 : i32
      %dma_start3A_2216 = tpu.memref_slice %arg4[%add3A_2196, %dma_start3A_2214, %dma_start3A_2215] : memref<4096x50x1024xf32, #tpu.memory_space<hbm>> -> memref<1x8x1024xf32, #tpu.memory_space<hbm>>
      %dma_start3A_2217 = tpu.memref_squeeze %dma_start3A_2216 : memref<1x8x1024xf32, #tpu.memory_space<hbm>> -> memref<8x1024xf32, #tpu.memory_space<hbm>>
      %dma_start3A_2218 = arith.constant 8 : i32
      %dma_start3A_2219 = arith.constant 0 : i32
      %dma_start3A_2220 = tpu.memref_slice %arg4[%add3A_2196, %dma_start3A_2218, %dma_start3A_2219] : memref<4096x50x1024xf32, #tpu.memory_space<hbm>> -> memref<1x8x1024xf32, #tpu.memory_space<hbm>>
      %dma_start3A_2221 = tpu.memref_squeeze %dma_start3A_2220 : memref<1x8x1024xf32, #tpu.memory_space<hbm>> -> memref<8x1024xf32, #tpu.memory_space<hbm>>
      %dma_start3A_2222 = arith.constant 8 : i32
      %dma_start3A_2223 = arith.constant 0 : i32
      %dma_start3A_2224 = tpu.memref_slice %arg7[%dma_start3A_2222, %dma_start3A_2223] : memref<56x1024xf32, #tpu.memory_space<vmem>> -> memref<8x1024xf32, #tpu.memory_space<vmem>>
      tpu.enqueue_dma source(%dma_start3A_2224 : memref<8x1024xf32, #tpu.memory_space<vmem>>) target(%dma_start3A_2221 : memref<8x1024xf32, #tpu.memory_space<hbm>>) target_semaphore(%arg13 : memref<!tpu.dma_semaphore, #tpu.memory_space<semaphore_mem>>)
      %dma_start3A_2225 = arith.constant 16 : i32
      %dma_start3A_2226 = arith.constant 0 : i32
      %dma_start3A_2227 = tpu.memref_slice %arg7[%dma_start3A_2225, %dma_start3A_2226] : memref<56x1024xf32, #tpu.memory_space<vmem>> -> memref<8x1024xf32, #tpu.memory_space<vmem>>
      %dma_start3A_2228 = arith.constant 16 : i32
      %dma_start3A_2229 = arith.constant 0 : i32
      %dma_start3A_2230 = tpu.memref_slice %arg4[%add3A_2196, %dma_start3A_2228, %dma_start3A_2229] : memref<4096x50x1024xf32, #tpu.memory_space<hbm>> -> memref<1x8x1024xf32, #tpu.memory_space<hbm>>
      %dma_start3A_2231 = tpu.memref_squeeze %dma_start3A_2230 : memref<1x8x1024xf32, #tpu.memory_space<hbm>> -> memref<8x1024xf32, #tpu.memory_space<hbm>>
      %dma_start3A_2232 = arith.constant 16 : i32
      %dma_start3A_2233 = arith.constant 0 : i32
      %dma_start3A_2234 = tpu.memref_slice %arg4[%add3A_2196, %dma_start3A_2232, %dma_start3A_2233] : memref<4096x50x1024xf32, #tpu.memory_space<hbm>> -> memref<1x8x1024xf32, #tpu.memory_space<hbm>>
      %dma_start3A_2235 = tpu.memref_squeeze %dma_start3A_2234 : memref<1x8x1024xf32, #tpu.memory_space<hbm>> -> memref<8x1024xf32, #tpu.memory_space<hbm>>
      %dma_start3A_2236 = arith.constant 16 : i32
      %dma_start3A_2237 = arith.constant 0 : i32
      %dma_start3A_2238 = tpu.memref_slice %arg7[%dma_start3A_2236, %dma_start3A_2237] : memref<56x1024xf32, #tpu.memory_space<vmem>> -> memref<8x1024xf32, #tpu.memory_space<vmem>>
      tpu.enqueue_dma source(%dma_start3A_2238 : memref<8x1024xf32, #tpu.memory_space<vmem>>) target(%dma_start3A_2235 : memref<8x1024xf32, #tpu.memory_space<hbm>>) target_semaphore(%arg13 : memref<!tpu.dma_semaphore, #tpu.memory_space<semaphore_mem>>)
      %dma_start3A_2239 = arith.constant 24 : i32
      %dma_start3A_2240 = arith.constant 0 : i32
      %dma_start3A_2241 = tpu.memref_slice %arg7[%dma_start3A_2239, %dma_start3A_2240] : memref<56x1024xf32, #tpu.memory_space<vmem>> -> memref<8x1024xf32, #tpu.memory_space<vmem>>
      %dma_start3A_2242 = arith.constant 24 : i32
      %dma_start3A_2243 = arith.constant 0 : i32
      %dma_start3A_2244 = tpu.memref_slice %arg4[%add3A_2196, %dma_start3A_2242, %dma_start3A_2243] : memref<4096x50x1024xf32, #tpu.memory_space<hbm>> -> memref<1x8x1024xf32, #tpu.memory_space<hbm>>
      %dma_start3A_2245 = tpu.memref_squeeze %dma_start3A_2244 : memref<1x8x1024xf32, #tpu.memory_space<hbm>> -> memref<8x1024xf32, #tpu.memory_space<hbm>>
      %dma_start3A_2246 = arith.constant 24 : i32
      %dma_start3A_2247 = arith.constant 0 : i32
      %dma_start3A_2248 = tpu.memref_slice %arg4[%add3A_2196, %dma_start3A_2246, %dma_start3A_2247] : memref<4096x50x1024xf32, #tpu.memory_space<hbm>> -> memref<1x8x1024xf32, #tpu.memory_space<hbm>>
      %dma_start3A_2249 = tpu.memref_squeeze %dma_start3A_2248 : memref<1x8x1024xf32, #tpu.memory_space<hbm>> -> memref<8x1024xf32, #tpu.memory_space<hbm>>
      %dma_start3A_2250 = arith.constant 24 : i32
      %dma_start3A_2251 = arith.constant 0 : i32
      %dma_start3A_2252 = tpu.memref_slice %arg7[%dma_start3A_2250, %dma_start3A_2251] : memref<56x1024xf32, #tpu.memory_space<vmem>> -> memref<8x1024xf32, #tpu.memory_space<vmem>>
      tpu.enqueue_dma source(%dma_start3A_2252 : memref<8x1024xf32, #tpu.memory_space<vmem>>) target(%dma_start3A_2249 : memref<8x1024xf32, #tpu.memory_space<hbm>>) target_semaphore(%arg13 : memref<!tpu.dma_semaphore, #tpu.memory_space<semaphore_mem>>)
      %dma_start3A_2253 = arith.constant 32 : i32
      %dma_start3A_2254 = arith.constant 0 : i32
      %dma_start3A_2255 = tpu.memref_slice %arg7[%dma_start3A_2253, %dma_start3A_2254] : memref<56x1024xf32, #tpu.memory_space<vmem>> -> memref<8x1024xf32, #tpu.memory_space<vmem>>
      %dma_start3A_2256 = arith.constant 32 : i32
      %dma_start3A_2257 = arith.constant 0 : i32
      %dma_start3A_2258 = tpu.memref_slice %arg4[%add3A_2196, %dma_start3A_2256, %dma_start3A_2257] : memref<4096x50x1024xf32, #tpu.memory_space<hbm>> -> memref<1x8x1024xf32, #tpu.memory_space<hbm>>
      %dma_start3A_2259 = tpu.memref_squeeze %dma_start3A_2258 : memref<1x8x1024xf32, #tpu.memory_space<hbm>> -> memref<8x1024xf32, #tpu.memory_space<hbm>>
      %dma_start3A_2260 = arith.constant 32 : i32
      %dma_start3A_2261 = arith.constant 0 : i32
      %dma_start3A_2262 = tpu.memref_slice %arg4[%add3A_2196, %dma_start3A_2260, %dma_start3A_2261] : memref<4096x50x1024xf32, #tpu.memory_space<hbm>> -> memref<1x8x1024xf32, #tpu.memory_space<hbm>>
      %dma_start3A_2263 = tpu.memref_squeeze %dma_start3A_2262 : memref<1x8x1024xf32, #tpu.memory_space<hbm>> -> memref<8x1024xf32, #tpu.memory_space<hbm>>
      %dma_start3A_2264 = arith.constant 32 : i32
      %dma_start3A_2265 = arith.constant 0 : i32
      %dma_start3A_2266 = tpu.memref_slice %arg7[%dma_start3A_2264, %dma_start3A_2265] : memref<56x1024xf32, #tpu.memory_space<vmem>> -> memref<8x1024xf32, #tpu.memory_space<vmem>>
      tpu.enqueue_dma source(%dma_start3A_2266 : memref<8x1024xf32, #tpu.memory_space<vmem>>) target(%dma_start3A_2263 : memref<8x1024xf32, #tpu.memory_space<hbm>>) target_semaphore(%arg13 : memref<!tpu.dma_semaphore, #tpu.memory_space<semaphore_mem>>)
      %dma_start3A_2267 = arith.constant 40 : i32
      %dma_start3A_2268 = arith.constant 0 : i32
      %dma_start3A_2269 = tpu.memref_slice %arg7[%dma_start3A_2267, %dma_start3A_2268] : memref<56x1024xf32, #tpu.memory_space<vmem>> -> memref<8x1024xf32, #tpu.memory_space<vmem>>
      %dma_start3A_2270 = arith.constant 40 : i32
      %dma_start3A_2271 = arith.constant 0 : i32
      %dma_start3A_2272 = tpu.memref_slice %arg4[%add3A_2196, %dma_start3A_2270, %dma_start3A_2271] : memref<4096x50x1024xf32, #tpu.memory_space<hbm>> -> memref<1x8x1024xf32, #tpu.memory_space<hbm>>
      %dma_start3A_2273 = tpu.memref_squeeze %dma_start3A_2272 : memref<1x8x1024xf32, #tpu.memory_space<hbm>> -> memref<8x1024xf32, #tpu.memory_space<hbm>>
      %dma_start3A_2274 = arith.constant 40 : i32
      %dma_start3A_2275 = arith.constant 0 : i32
      %dma_start3A_2276 = tpu.memref_slice %arg4[%add3A_2196, %dma_start3A_2274, %dma_start3A_2275] : memref<4096x50x1024xf32, #tpu.memory_space<hbm>> -> memref<1x8x1024xf32, #tpu.memory_space<hbm>>
      %dma_start3A_2277 = tpu.memref_squeeze %dma_start3A_2276 : memref<1x8x1024xf32, #tpu.memory_space<hbm>> -> memref<8x1024xf32, #tpu.memory_space<hbm>>
      %dma_start3A_2278 = arith.constant 40 : i32
      %dma_start3A_2279 = arith.constant 0 : i32
      %dma_start3A_2280 = tpu.memref_slice %arg7[%dma_start3A_2278, %dma_start3A_2279] : memref<56x1024xf32, #tpu.memory_space<vmem>> -> memref<8x1024xf32, #tpu.memory_space<vmem>>
      tpu.enqueue_dma source(%dma_start3A_2280 : memref<8x1024xf32, #tpu.memory_space<vmem>>) target(%dma_start3A_2277 : memref<8x1024xf32, #tpu.memory_space<hbm>>) target_semaphore(%arg13 : memref<!tpu.dma_semaphore, #tpu.memory_space<semaphore_mem>>)
      %dma_start3A_2281 = arith.constant 48 : i32
      %dma_start3A_2282 = arith.constant 0 : i32
      %dma_start3A_2283 = tpu.memref_slice %arg7[%dma_start3A_2281, %dma_start3A_2282] : memref<56x1024xf32, #tpu.memory_space<vmem>> -> memref<2x1024xf32, #tpu.memory_space<vmem>>
      %dma_start3A_2284 = arith.constant 48 : i32
      %dma_start3A_2285 = arith.constant 0 : i32
      %dma_start3A_2286 = tpu.memref_slice %arg4[%add3A_2196, %dma_start3A_2284, %dma_start3A_2285] : memref<4096x50x1024xf32, #tpu.memory_space<hbm>> -> memref<1x2x1024xf32, #tpu.memory_space<hbm>>
      %dma_start3A_2287 = tpu.memref_squeeze %dma_start3A_2286 : memref<1x2x1024xf32, #tpu.memory_space<hbm>> -> memref<2x1024xf32, #tpu.memory_space<hbm>>
      %dma_start3A_2288 = arith.constant 48 : i32
      %dma_start3A_2289 = arith.constant 0 : i32
      %dma_start3A_2290 = tpu.memref_slice %arg4[%add3A_2196, %dma_start3A_2288, %dma_start3A_2289] : memref<4096x50x1024xf32, #tpu.memory_space<hbm>> -> memref<1x2x1024xf32, #tpu.memory_space<hbm>>
      %dma_start3A_2291 = tpu.memref_squeeze %dma_start3A_2290 : memref<1x2x1024xf32, #tpu.memory_space<hbm>> -> memref<2x1024xf32, #tpu.memory_space<hbm>>
      %dma_start3A_2292 = arith.constant 48 : i32
      %dma_start3A_2293 = arith.constant 0 : i32
      %dma_start3A_2294 = tpu.memref_slice %arg7[%dma_start3A_2292, %dma_start3A_2293] : memref<56x1024xf32, #tpu.memory_space<vmem>> -> memref<2x1024xf32, #tpu.memory_space<vmem>>
      tpu.enqueue_dma source(%dma_start3A_2294 : memref<2x1024xf32, #tpu.memory_space<vmem>>) target(%dma_start3A_2291 : memref<2x1024xf32, #tpu.memory_space<hbm>>) target_semaphore(%arg13 : memref<!tpu.dma_semaphore, #tpu.memory_space<semaphore_mem>>)
      %add3A_2295 = arith.constant 2 : i32
      %add3A_2296 = arith.addi %add3A_1546, %add3A_2295 : i32
      %add3A_2297 = arith.addi %mul3A_2, %add3A_2296 : i32
      %mul3A_2298 = arith.constant 448 : i32
      %mul3A_2299 = arith.muli %add3A_2297, %mul3A_2298 : i32
      %dma_start3A_2300 = tpu.memref_slice %arg2[%mul3A_2299] : memref<1835904xi32, #tpu.memory_space<hbm>> -> memref<448xi32, #tpu.memory_space<hbm>>
      %dma_start3A_2301 = tpu.memref_slice %arg2[%mul3A_2299] : memref<1835904xi32, #tpu.memory_space<hbm>> -> memref<448xi32, #tpu.memory_space<hbm>>
      tpu.enqueue_dma source(%dma_start3A_2301 : memref<448xi32, #tpu.memory_space<hbm>>) target(%arg5 : memref<448xi32, #tpu.memory_space<vmem>>) target_semaphore(%arg9 : memref<!tpu.dma_semaphore, #tpu.memory_space<semaphore_mem>>)
      %mul3A_2302 = arith.constant 2 : i32
      %mul3A_2303 = arith.muli %mul3A_2302, %scan3A_1542 : i32
      %add3A_2304 = arith.constant 1 : i32
      %add3A_2305 = arith.addi %mul3A_2303, %add3A_2304 : i32
      %dma_wait3A_2306 = arith.constant 0 : i32
      %dma_wait3A_2307 = arith.constant 0 : i32
      %dma_wait3A_2308 = tpu.memref_slice %arg8[%dma_wait3A_2306, %dma_wait3A_2307] : memref<56x1024xf32, #tpu.memory_space<vmem>> -> memref<8x1024xf32, #tpu.memory_space<vmem>>
      %dma_wait3A_2309 = arith.constant 0 : i32
      %dma_wait3A_2310 = arith.constant 0 : i32
      %dma_wait3A_2311 = tpu.memref_slice %arg4[%mul3A_2, %dma_wait3A_2309, %dma_wait3A_2310] : memref<4096x50x1024xf32, #tpu.memory_space<hbm>> -> memref<1x8x1024xf32, #tpu.memory_space<hbm>>
      %dma_wait3A_2312 = tpu.memref_squeeze %dma_wait3A_2311 : memref<1x8x1024xf32, #tpu.memory_space<hbm>> -> memref<8x1024xf32, #tpu.memory_space<hbm>>
      %dma_wait3A_2313 = arith.constant 0 : i32
      %dma_wait3A_2314 = arith.constant 0 : i32
      %dma_wait3A_2315 = tpu.memref_slice %arg4[%mul3A_2, %dma_wait3A_2313, %dma_wait3A_2314] : memref<4096x50x1024xf32, #tpu.memory_space<hbm>> -> memref<1x8x1024xf32, #tpu.memory_space<hbm>>
      %dma_wait3A_2316 = tpu.memref_squeeze %dma_wait3A_2315 : memref<1x8x1024xf32, #tpu.memory_space<hbm>> -> memref<8x1024xf32, #tpu.memory_space<hbm>>
      %dma_wait3A_2317 = arith.constant 0 : i32
      %dma_wait3A_2318 = arith.constant 0 : i32
      %dma_wait3A_2319 = tpu.memref_slice %arg8[%dma_wait3A_2317, %dma_wait3A_2318] : memref<56x1024xf32, #tpu.memory_space<vmem>> -> memref<8x1024xf32, #tpu.memory_space<vmem>>
      tpu.wait_dma2 semaphore(%arg14 : memref<!tpu.dma_semaphore, #tpu.memory_space<semaphore_mem>>) src(%dma_wait3A_2319 : memref<8x1024xf32, #tpu.memory_space<vmem>>) dst(%dma_wait3A_2316 : memref<8x1024xf32, #tpu.memory_space<hbm>>)
      %dma_wait3A_2320 = arith.constant 0 : i32
      %dma_wait3A_2321 = arith.constant 0 : i32
      %dma_wait3A_2322 = tpu.memref_slice %arg8[%dma_wait3A_2320, %dma_wait3A_2321] : memref<56x1024xf32, #tpu.memory_space<vmem>> -> memref<8x1024xf32, #tpu.memory_space<vmem>>
      %dma_wait3A_2323 = arith.constant 0 : i32
      %dma_wait3A_2324 = arith.constant 0 : i32
      %dma_wait3A_2325 = tpu.memref_slice %arg4[%mul3A_2, %dma_wait3A_2323, %dma_wait3A_2324] : memref<4096x50x1024xf32, #tpu.memory_space<hbm>> -> memref<1x8x1024xf32, #tpu.memory_space<hbm>>
      %dma_wait3A_2326 = tpu.memref_squeeze %dma_wait3A_2325 : memref<1x8x1024xf32, #tpu.memory_space<hbm>> -> memref<8x1024xf32, #tpu.memory_space<hbm>>
      %dma_wait3A_2327 = arith.constant 0 : i32
      %dma_wait3A_2328 = arith.constant 0 : i32
      %dma_wait3A_2329 = tpu.memref_slice %arg4[%mul3A_2, %dma_wait3A_2327, %dma_wait3A_2328] : memref<4096x50x1024xf32, #tpu.memory_space<hbm>> -> memref<1x8x1024xf32, #tpu.memory_space<hbm>>
      %dma_wait3A_2330 = tpu.memref_squeeze %dma_wait3A_2329 : memref<1x8x1024xf32, #tpu.memory_space<hbm>> -> memref<8x1024xf32, #tpu.memory_space<hbm>>
      %dma_wait3A_2331 = arith.constant 0 : i32
      %dma_wait3A_2332 = arith.constant 0 : i32
      %dma_wait3A_2333 = tpu.memref_slice %arg8[%dma_wait3A_2331, %dma_wait3A_2332] : memref<56x1024xf32, #tpu.memory_space<vmem>> -> memref<8x1024xf32, #tpu.memory_space<vmem>>
      tpu.wait_dma2 semaphore(%arg14 : memref<!tpu.dma_semaphore, #tpu.memory_space<semaphore_mem>>) src(%dma_wait3A_2333 : memref<8x1024xf32, #tpu.memory_space<vmem>>) dst(%dma_wait3A_2330 : memref<8x1024xf32, #tpu.memory_space<hbm>>)
      %dma_wait3A_2334 = arith.constant 0 : i32
      %dma_wait3A_2335 = arith.constant 0 : i32
      %dma_wait3A_2336 = tpu.memref_slice %arg8[%dma_wait3A_2334, %dma_wait3A_2335] : memref<56x1024xf32, #tpu.memory_space<vmem>> -> memref<8x1024xf32, #tpu.memory_space<vmem>>
      %dma_wait3A_2337 = arith.constant 0 : i32
      %dma_wait3A_2338 = arith.constant 0 : i32
      %dma_wait3A_2339 = tpu.memref_slice %arg4[%mul3A_2, %dma_wait3A_2337, %dma_wait3A_2338] : memref<4096x50x1024xf32, #tpu.memory_space<hbm>> -> memref<1x8x1024xf32, #tpu.memory_space<hbm>>
      %dma_wait3A_2340 = tpu.memref_squeeze %dma_wait3A_2339 : memref<1x8x1024xf32, #tpu.memory_space<hbm>> -> memref<8x1024xf32, #tpu.memory_space<hbm>>
      %dma_wait3A_2341 = arith.constant 0 : i32
      %dma_wait3A_2342 = arith.constant 0 : i32
      %dma_wait3A_2343 = tpu.memref_slice %arg4[%mul3A_2, %dma_wait3A_2341, %dma_wait3A_2342] : memref<4096x50x1024xf32, #tpu.memory_space<hbm>> -> memref<1x8x1024xf32, #tpu.memory_space<hbm>>
      %dma_wait3A_2344 = tpu.memref_squeeze %dma_wait3A_2343 : memref<1x8x1024xf32, #tpu.memory_space<hbm>> -> memref<8x1024xf32, #tpu.memory_space<hbm>>
      %dma_wait3A_2345 = arith.constant 0 : i32
      %dma_wait3A_2346 = arith.constant 0 : i32
      %dma_wait3A_2347 = tpu.memref_slice %arg8[%dma_wait3A_2345, %dma_wait3A_2346] : memref<56x1024xf32, #tpu.memory_space<vmem>> -> memref<8x1024xf32, #tpu.memory_space<vmem>>
      tpu.wait_dma2 semaphore(%arg14 : memref<!tpu.dma_semaphore, #tpu.memory_space<semaphore_mem>>) src(%dma_wait3A_2347 : memref<8x1024xf32, #tpu.memory_space<vmem>>) dst(%dma_wait3A_2344 : memref<8x1024xf32, #tpu.memory_space<hbm>>)
      %dma_wait3A_2348 = arith.constant 0 : i32
      %dma_wait3A_2349 = arith.constant 0 : i32
      %dma_wait3A_2350 = tpu.memref_slice %arg8[%dma_wait3A_2348, %dma_wait3A_2349] : memref<56x1024xf32, #tpu.memory_space<vmem>> -> memref<8x1024xf32, #tpu.memory_space<vmem>>
      %dma_wait3A_2351 = arith.constant 0 : i32
      %dma_wait3A_2352 = arith.constant 0 : i32
      %dma_wait3A_2353 = tpu.memref_slice %arg4[%mul3A_2, %dma_wait3A_2351, %dma_wait3A_2352] : memref<4096x50x1024xf32, #tpu.memory_space<hbm>> -> memref<1x8x1024xf32, #tpu.memory_space<hbm>>
      %dma_wait3A_2354 = tpu.memref_squeeze %dma_wait3A_2353 : memref<1x8x1024xf32, #tpu.memory_space<hbm>> -> memref<8x1024xf32, #tpu.memory_space<hbm>>
      %dma_wait3A_2355 = arith.constant 0 : i32
      %dma_wait3A_2356 = arith.constant 0 : i32
      %dma_wait3A_2357 = tpu.memref_slice %arg4[%mul3A_2, %dma_wait3A_2355, %dma_wait3A_2356] : memref<4096x50x1024xf32, #tpu.memory_space<hbm>> -> memref<1x8x1024xf32, #tpu.memory_space<hbm>>
      %dma_wait3A_2358 = tpu.memref_squeeze %dma_wait3A_2357 : memref<1x8x1024xf32, #tpu.memory_space<hbm>> -> memref<8x1024xf32, #tpu.memory_space<hbm>>
      %dma_wait3A_2359 = arith.constant 0 : i32
      %dma_wait3A_2360 = arith.constant 0 : i32
      %dma_wait3A_2361 = tpu.memref_slice %arg8[%dma_wait3A_2359, %dma_wait3A_2360] : memref<56x1024xf32, #tpu.memory_space<vmem>> -> memref<8x1024xf32, #tpu.memory_space<vmem>>
      tpu.wait_dma2 semaphore(%arg14 : memref<!tpu.dma_semaphore, #tpu.memory_space<semaphore_mem>>) src(%dma_wait3A_2361 : memref<8x1024xf32, #tpu.memory_space<vmem>>) dst(%dma_wait3A_2358 : memref<8x1024xf32, #tpu.memory_space<hbm>>)
      %dma_wait3A_2362 = arith.constant 0 : i32
      %dma_wait3A_2363 = arith.constant 0 : i32
      %dma_wait3A_2364 = tpu.memref_slice %arg8[%dma_wait3A_2362, %dma_wait3A_2363] : memref<56x1024xf32, #tpu.memory_space<vmem>> -> memref<8x1024xf32, #tpu.memory_space<vmem>>
      %dma_wait3A_2365 = arith.constant 0 : i32
      %dma_wait3A_2366 = arith.constant 0 : i32
      %dma_wait3A_2367 = tpu.memref_slice %arg4[%mul3A_2, %dma_wait3A_2365, %dma_wait3A_2366] : memref<4096x50x1024xf32, #tpu.memory_space<hbm>> -> memref<1x8x1024xf32, #tpu.memory_space<hbm>>
      %dma_wait3A_2368 = tpu.memref_squeeze %dma_wait3A_2367 : memref<1x8x1024xf32, #tpu.memory_space<hbm>> -> memref<8x1024xf32, #tpu.memory_space<hbm>>
      %dma_wait3A_2369 = arith.constant 0 : i32
      %dma_wait3A_2370 = arith.constant 0 : i32
      %dma_wait3A_2371 = tpu.memref_slice %arg4[%mul3A_2, %dma_wait3A_2369, %dma_wait3A_2370] : memref<4096x50x1024xf32, #tpu.memory_space<hbm>> -> memref<1x8x1024xf32, #tpu.memory_space<hbm>>
      %dma_wait3A_2372 = tpu.memref_squeeze %dma_wait3A_2371 : memref<1x8x1024xf32, #tpu.memory_space<hbm>> -> memref<8x1024xf32, #tpu.memory_space<hbm>>
      %dma_wait3A_2373 = arith.constant 0 : i32
      %dma_wait3A_2374 = arith.constant 0 : i32
      %dma_wait3A_2375 = tpu.memref_slice %arg8[%dma_wait3A_2373, %dma_wait3A_2374] : memref<56x1024xf32, #tpu.memory_space<vmem>> -> memref<8x1024xf32, #tpu.memory_space<vmem>>
      tpu.wait_dma2 semaphore(%arg14 : memref<!tpu.dma_semaphore, #tpu.memory_space<semaphore_mem>>) src(%dma_wait3A_2375 : memref<8x1024xf32, #tpu.memory_space<vmem>>) dst(%dma_wait3A_2372 : memref<8x1024xf32, #tpu.memory_space<hbm>>)
      %dma_wait3A_2376 = arith.constant 0 : i32
      %dma_wait3A_2377 = arith.constant 0 : i32
      %dma_wait3A_2378 = tpu.memref_slice %arg8[%dma_wait3A_2376, %dma_wait3A_2377] : memref<56x1024xf32, #tpu.memory_space<vmem>> -> memref<8x1024xf32, #tpu.memory_space<vmem>>
      %dma_wait3A_2379 = arith.constant 0 : i32
      %dma_wait3A_2380 = arith.constant 0 : i32
      %dma_wait3A_2381 = tpu.memref_slice %arg4[%mul3A_2, %dma_wait3A_2379, %dma_wait3A_2380] : memref<4096x50x1024xf32, #tpu.memory_space<hbm>> -> memref<1x8x1024xf32, #tpu.memory_space<hbm>>
      %dma_wait3A_2382 = tpu.memref_squeeze %dma_wait3A_2381 : memref<1x8x1024xf32, #tpu.memory_space<hbm>> -> memref<8x1024xf32, #tpu.memory_space<hbm>>
      %dma_wait3A_2383 = arith.constant 0 : i32
      %dma_wait3A_2384 = arith.constant 0 : i32
      %dma_wait3A_2385 = tpu.memref_slice %arg4[%mul3A_2, %dma_wait3A_2383, %dma_wait3A_2384] : memref<4096x50x1024xf32, #tpu.memory_space<hbm>> -> memref<1x8x1024xf32, #tpu.memory_space<hbm>>
      %dma_wait3A_2386 = tpu.memref_squeeze %dma_wait3A_2385 : memref<1x8x1024xf32, #tpu.memory_space<hbm>> -> memref<8x1024xf32, #tpu.memory_space<hbm>>
      %dma_wait3A_2387 = arith.constant 0 : i32
      %dma_wait3A_2388 = arith.constant 0 : i32
      %dma_wait3A_2389 = tpu.memref_slice %arg8[%dma_wait3A_2387, %dma_wait3A_2388] : memref<56x1024xf32, #tpu.memory_space<vmem>> -> memref<8x1024xf32, #tpu.memory_space<vmem>>
      tpu.wait_dma2 semaphore(%arg14 : memref<!tpu.dma_semaphore, #tpu.memory_space<semaphore_mem>>) src(%dma_wait3A_2389 : memref<8x1024xf32, #tpu.memory_space<vmem>>) dst(%dma_wait3A_2386 : memref<8x1024xf32, #tpu.memory_space<hbm>>)
      %dma_wait3A_2390 = arith.constant 48 : i32
      %dma_wait3A_2391 = arith.constant 0 : i32
      %dma_wait3A_2392 = tpu.memref_slice %arg8[%dma_wait3A_2390, %dma_wait3A_2391] : memref<56x1024xf32, #tpu.memory_space<vmem>> -> memref<2x1024xf32, #tpu.memory_space<vmem>>
      %dma_wait3A_2393 = arith.constant 48 : i32
      %dma_wait3A_2394 = arith.constant 0 : i32
      %dma_wait3A_2395 = tpu.memref_slice %arg4[%mul3A_2, %dma_wait3A_2393, %dma_wait3A_2394] : memref<4096x50x1024xf32, #tpu.memory_space<hbm>> -> memref<1x2x1024xf32, #tpu.memory_space<hbm>>
      %dma_wait3A_2396 = tpu.memref_squeeze %dma_wait3A_2395 : memref<1x2x1024xf32, #tpu.memory_space<hbm>> -> memref<2x1024xf32, #tpu.memory_space<hbm>>
      %dma_wait3A_2397 = arith.constant 48 : i32
      %dma_wait3A_2398 = arith.constant 0 : i32
      %dma_wait3A_2399 = tpu.memref_slice %arg4[%mul3A_2, %dma_wait3A_2397, %dma_wait3A_2398] : memref<4096x50x1024xf32, #tpu.memory_space<hbm>> -> memref<1x2x1024xf32, #tpu.memory_space<hbm>>
      %dma_wait3A_2400 = tpu.memref_squeeze %dma_wait3A_2399 : memref<1x2x1024xf32, #tpu.memory_space<hbm>> -> memref<2x1024xf32, #tpu.memory_space<hbm>>
      %dma_wait3A_2401 = arith.constant 48 : i32
      %dma_wait3A_2402 = arith.constant 0 : i32
      %dma_wait3A_2403 = tpu.memref_slice %arg8[%dma_wait3A_2401, %dma_wait3A_2402] : memref<56x1024xf32, #tpu.memory_space<vmem>> -> memref<2x1024xf32, #tpu.memory_space<vmem>>
      tpu.wait_dma2 semaphore(%arg14 : memref<!tpu.dma_semaphore, #tpu.memory_space<semaphore_mem>>) src(%dma_wait3A_2403 : memref<2x1024xf32, #tpu.memory_space<vmem>>) dst(%dma_wait3A_2400 : memref<2x1024xf32, #tpu.memory_space<hbm>>)
      %add3A_2404 = arith.addi %mul3A_2, %add3A_2305 : i32
      %mul3A_2405 = arith.constant 448 : i32
      %mul3A_2406 = arith.muli %add3A_2404, %mul3A_2405 : i32
      %dma_wait3A_2407 = tpu.memref_slice %arg2[%mul3A_2406] : memref<1835904xi32, #tpu.memory_space<hbm>> -> memref<448xi32, #tpu.memory_space<hbm>>
      %dma_wait3A_2408 = tpu.memref_slice %arg2[%mul3A_2406] : memref<1835904xi32, #tpu.memory_space<hbm>> -> memref<448xi32, #tpu.memory_space<hbm>>
      tpu.wait_dma2 semaphore(%arg10 : memref<!tpu.dma_semaphore, #tpu.memory_space<semaphore_mem>>) src(%dma_wait3A_2408 : memref<448xi32, #tpu.memory_space<hbm>>) dst(%arg6 : memref<448xi32, #tpu.memory_space<vmem>>)
      %dma_start3A_2409 = arith.constant 0 : i32
      %dma_start3A_2410 = arith.constant 0 : i32
      %dma_start3A_2411 = tpu.memref_slice %arg8[%dma_start3A_2409, %dma_start3A_2410] : memref<56x1024xf32, #tpu.memory_space<vmem>> -> memref<8x128xf32, #tpu.memory_space<vmem>>
      %dma_start3A_2412 = arith.constant 0 : i32
      %dma_start3A_2413 = tpu.memref_slice %arg6[%dma_start3A_2412] : memref<448xi32, #tpu.memory_space<vmem>> -> memref<8xi32, #tpu.memory_space<vmem>>
      %dma_start3A_2414 = arith.constant 0 : i32
      %dma_start3A_2415 = arith.constant 0 : i32
      %dma_start3A_2416 = tpu.memref_slice %arg3[%dma_start3A_2414, %dma_start3A_2415] : memref<8000x128xf32, #tpu.memory_space<hbm>> -> memref<8000x128xf32, #tpu.memory_space<hbm>>
      tpu.enqueue_indirect_dma source(%dma_start3A_2416 : memref<8000x128xf32, #tpu.memory_space<hbm>>) target(%dma_start3A_2411 : memref<8x128xf32, #tpu.memory_space<vmem>>) offsets(%dma_start3A_2413 : memref<8xi32, #tpu.memory_space<vmem>>) semaphore(%arg12 : memref<!tpu.dma_semaphore, #tpu.memory_space<semaphore_mem>>)
      %dma_start3A_2417 = arith.constant 0 : i32
      %dma_start3A_2418 = arith.constant 128 : i32
      %dma_start3A_2419 = tpu.memref_slice %arg8[%dma_start3A_2417, %dma_start3A_2418] : memref<56x1024xf32, #tpu.memory_space<vmem>> -> memref<8x128xf32, #tpu.memory_space<vmem>>
      %dma_start3A_2420 = arith.constant 8 : i32
      %dma_start3A_2421 = tpu.memref_slice %arg6[%dma_start3A_2420] : memref<448xi32, #tpu.memory_space<vmem>> -> memref<8xi32, #tpu.memory_space<vmem>>
      %dma_start3A_2422 = arith.constant 0 : i32
      %dma_start3A_2423 = arith.constant 0 : i32
      %dma_start3A_2424 = tpu.memref_slice %arg3[%dma_start3A_2422, %dma_start3A_2423] : memref<8000x128xf32, #tpu.memory_space<hbm>> -> memref<8000x128xf32, #tpu.memory_space<hbm>>
      tpu.enqueue_indirect_dma source(%dma_start3A_2424 : memref<8000x128xf32, #tpu.memory_space<hbm>>) target(%dma_start3A_2419 : memref<8x128xf32, #tpu.memory_space<vmem>>) offsets(%dma_start3A_2421 : memref<8xi32, #tpu.memory_space<vmem>>) semaphore(%arg12 : memref<!tpu.dma_semaphore, #tpu.memory_space<semaphore_mem>>)
      %dma_start3A_2425 = arith.constant 0 : i32
      %dma_start3A_2426 = arith.constant 256 : i32
      %dma_start3A_2427 = tpu.memref_slice %arg8[%dma_start3A_2425, %dma_start3A_2426] : memref<56x1024xf32, #tpu.memory_space<vmem>> -> memref<8x128xf32, #tpu.memory_space<vmem>>
      %dma_start3A_2428 = arith.constant 16 : i32
      %dma_start3A_2429 = tpu.memref_slice %arg6[%dma_start3A_2428] : memref<448xi32, #tpu.memory_space<vmem>> -> memref<8xi32, #tpu.memory_space<vmem>>
      %dma_start3A_2430 = arith.constant 0 : i32
      %dma_start3A_2431 = arith.constant 0 : i32
      %dma_start3A_2432 = tpu.memref_slice %arg3[%dma_start3A_2430, %dma_start3A_2431] : memref<8000x128xf32, #tpu.memory_space<hbm>> -> memref<8000x128xf32, #tpu.memory_space<hbm>>
      tpu.enqueue_indirect_dma source(%dma_start3A_2432 : memref<8000x128xf32, #tpu.memory_space<hbm>>) target(%dma_start3A_2427 : memref<8x128xf32, #tpu.memory_space<vmem>>) offsets(%dma_start3A_2429 : memref<8xi32, #tpu.memory_space<vmem>>) semaphore(%arg12 : memref<!tpu.dma_semaphore, #tpu.memory_space<semaphore_mem>>)
      %dma_start3A_2433 = arith.constant 0 : i32
      %dma_start3A_2434 = arith.constant 384 : i32
      %dma_start3A_2435 = tpu.memref_slice %arg8[%dma_start3A_2433, %dma_start3A_2434] : memref<56x1024xf32, #tpu.memory_space<vmem>> -> memref<8x128xf32, #tpu.memory_space<vmem>>
      %dma_start3A_2436 = arith.constant 24 : i32
      %dma_start3A_2437 = tpu.memref_slice %arg6[%dma_start3A_2436] : memref<448xi32, #tpu.memory_space<vmem>> -> memref<8xi32, #tpu.memory_space<vmem>>
      %dma_start3A_2438 = arith.constant 0 : i32
      %dma_start3A_2439 = arith.constant 0 : i32
      %dma_start3A_2440 = tpu.memref_slice %arg3[%dma_start3A_2438, %dma_start3A_2439] : memref<8000x128xf32, #tpu.memory_space<hbm>> -> memref<8000x128xf32, #tpu.memory_space<hbm>>
      tpu.enqueue_indirect_dma source(%dma_start3A_2440 : memref<8000x128xf32, #tpu.memory_space<hbm>>) target(%dma_start3A_2435 : memref<8x128xf32, #tpu.memory_space<vmem>>) offsets(%dma_start3A_2437 : memref<8xi32, #tpu.memory_space<vmem>>) semaphore(%arg12 : memref<!tpu.dma_semaphore, #tpu.memory_space<semaphore_mem>>)
      %dma_start3A_2441 = arith.constant 0 : i32
      %dma_start3A_2442 = arith.constant 512 : i32
      %dma_start3A_2443 = tpu.memref_slice %arg8[%dma_start3A_2441, %dma_start3A_2442] : memref<56x1024xf32, #tpu.memory_space<vmem>> -> memref<8x128xf32, #tpu.memory_space<vmem>>
      %dma_start3A_2444 = arith.constant 32 : i32
      %dma_start3A_2445 = tpu.memref_slice %arg6[%dma_start3A_2444] : memref<448xi32, #tpu.memory_space<vmem>> -> memref<8xi32, #tpu.memory_space<vmem>>
      %dma_start3A_2446 = arith.constant 0 : i32
      %dma_start3A_2447 = arith.constant 0 : i32
      %dma_start3A_2448 = tpu.memref_slice %arg3[%dma_start3A_2446, %dma_start3A_2447] : memref<8000x128xf32, #tpu.memory_space<hbm>> -> memref<8000x128xf32, #tpu.memory_space<hbm>>
      tpu.enqueue_indirect_dma source(%dma_start3A_2448 : memref<8000x128xf32, #tpu.memory_space<hbm>>) target(%dma_start3A_2443 : memref<8x128xf32, #tpu.memory_space<vmem>>) offsets(%dma_start3A_2445 : memref<8xi32, #tpu.memory_space<vmem>>) semaphore(%arg12 : memref<!tpu.dma_semaphore, #tpu.memory_space<semaphore_mem>>)
      %dma_start3A_2449 = arith.constant 0 : i32
      %dma_start3A_2450 = arith.constant 640 : i32
      %dma_start3A_2451 = tpu.memref_slice %arg8[%dma_start3A_2449, %dma_start3A_2450] : memref<56x1024xf32, #tpu.memory_space<vmem>> -> memref<8x128xf32, #tpu.memory_space<vmem>>
      %dma_start3A_2452 = arith.constant 40 : i32
      %dma_start3A_2453 = tpu.memref_slice %arg6[%dma_start3A_2452] : memref<448xi32, #tpu.memory_space<vmem>> -> memref<8xi32, #tpu.memory_space<vmem>>
      %dma_start3A_2454 = arith.constant 0 : i32
      %dma_start3A_2455 = arith.constant 0 : i32
      %dma_start3A_2456 = tpu.memref_slice %arg3[%dma_start3A_2454, %dma_start3A_2455] : memref<8000x128xf32, #tpu.memory_space<hbm>> -> memref<8000x128xf32, #tpu.memory_space<hbm>>
      tpu.enqueue_indirect_dma source(%dma_start3A_2456 : memref<8000x128xf32, #tpu.memory_space<hbm>>) target(%dma_start3A_2451 : memref<8x128xf32, #tpu.memory_space<vmem>>) offsets(%dma_start3A_2453 : memref<8xi32, #tpu.memory_space<vmem>>) semaphore(%arg12 : memref<!tpu.dma_semaphore, #tpu.memory_space<semaphore_mem>>)
      %dma_start3A_2457 = arith.constant 0 : i32
      %dma_start3A_2458 = arith.constant 768 : i32
      %dma_start3A_2459 = tpu.memref_slice %arg8[%dma_start3A_2457, %dma_start3A_2458] : memref<56x1024xf32, #tpu.memory_space<vmem>> -> memref<8x128xf32, #tpu.memory_space<vmem>>
      %dma_start3A_2460 = arith.constant 48 : i32
      %dma_start3A_2461 = tpu.memref_slice %arg6[%dma_start3A_2460] : memref<448xi32, #tpu.memory_space<vmem>> -> memref<8xi32, #tpu.memory_space<vmem>>
      %dma_start3A_2462 = arith.constant 0 : i32
      %dma_start3A_2463 = arith.constant 0 : i32
      %dma_start3A_2464 = tpu.memref_slice %arg3[%dma_start3A_2462, %dma_start3A_2463] : memref<8000x128xf32, #tpu.memory_space<hbm>> -> memref<8000x128xf32, #tpu.memory_space<hbm>>
      tpu.enqueue_indirect_dma source(%dma_start3A_2464 : memref<8000x128xf32, #tpu.memory_space<hbm>>) target(%dma_start3A_2459 : memref<8x128xf32, #tpu.memory_space<vmem>>) offsets(%dma_start3A_2461 : memref<8xi32, #tpu.memory_space<vmem>>) semaphore(%arg12 : memref<!tpu.dma_semaphore, #tpu.memory_space<semaphore_mem>>)
      %dma_start3A_2465 = arith.constant 0 : i32
      %dma_start3A_2466 = arith.constant 896 : i32
      %dma_start3A_2467 = tpu.memref_slice %arg8[%dma_start3A_2465, %dma_start3A_2466] : memref<56x1024xf32, #tpu.memory_space<vmem>> -> memref<8x128xf32, #tpu.memory_space<vmem>>
      %dma_start3A_2468 = arith.constant 56 : i32
      %dma_start3A_2469 = tpu.memref_slice %arg6[%dma_start3A_2468] : memref<448xi32, #tpu.memory_space<vmem>> -> memref<8xi32, #tpu.memory_space<vmem>>
      %dma_start3A_2470 = arith.constant 0 : i32
      %dma_start3A_2471 = arith.constant 0 : i32
      %dma_start3A_2472 = tpu.memref_slice %arg3[%dma_start3A_2470, %dma_start3A_2471] : memref<8000x128xf32, #tpu.memory_space<hbm>> -> memref<8000x128xf32, #tpu.memory_space<hbm>>
      tpu.enqueue_indirect_dma source(%dma_start3A_2472 : memref<8000x128xf32, #tpu.memory_space<hbm>>) target(%dma_start3A_2467 : memref<8x128xf32, #tpu.memory_space<vmem>>) offsets(%dma_start3A_2469 : memref<8xi32, #tpu.memory_space<vmem>>) semaphore(%arg12 : memref<!tpu.dma_semaphore, #tpu.memory_space<semaphore_mem>>)
      %dma_start3A_2473 = arith.constant 8 : i32
      %dma_start3A_2474 = arith.constant 0 : i32
      %dma_start3A_2475 = tpu.memref_slice %arg8[%dma_start3A_2473, %dma_start3A_2474] : memref<56x1024xf32, #tpu.memory_space<vmem>> -> memref<8x128xf32, #tpu.memory_space<vmem>>
      %dma_start3A_2476 = arith.constant 64 : i32
      %dma_start3A_2477 = tpu.memref_slice %arg6[%dma_start3A_2476] : memref<448xi32, #tpu.memory_space<vmem>> -> memref<8xi32, #tpu.memory_space<vmem>>
      %dma_start3A_2478 = arith.constant 0 : i32
      %dma_start3A_2479 = arith.constant 0 : i32
      %dma_start3A_2480 = tpu.memref_slice %arg3[%dma_start3A_2478, %dma_start3A_2479] : memref<8000x128xf32, #tpu.memory_space<hbm>> -> memref<8000x128xf32, #tpu.memory_space<hbm>>
      tpu.enqueue_indirect_dma source(%dma_start3A_2480 : memref<8000x128xf32, #tpu.memory_space<hbm>>) target(%dma_start3A_2475 : memref<8x128xf32, #tpu.memory_space<vmem>>) offsets(%dma_start3A_2477 : memref<8xi32, #tpu.memory_space<vmem>>) semaphore(%arg12 : memref<!tpu.dma_semaphore, #tpu.memory_space<semaphore_mem>>)
      %dma_start3A_2481 = arith.constant 8 : i32
      %dma_start3A_2482 = arith.constant 128 : i32
      %dma_start3A_2483 = tpu.memref_slice %arg8[%dma_start3A_2481, %dma_start3A_2482] : memref<56x1024xf32, #tpu.memory_space<vmem>> -> memref<8x128xf32, #tpu.memory_space<vmem>>
      %dma_start3A_2484 = arith.constant 72 : i32
      %dma_start3A_2485 = tpu.memref_slice %arg6[%dma_start3A_2484] : memref<448xi32, #tpu.memory_space<vmem>> -> memref<8xi32, #tpu.memory_space<vmem>>
      %dma_start3A_2486 = arith.constant 0 : i32
      %dma_start3A_2487 = arith.constant 0 : i32
      %dma_start3A_2488 = tpu.memref_slice %arg3[%dma_start3A_2486, %dma_start3A_2487] : memref<8000x128xf32, #tpu.memory_space<hbm>> -> memref<8000x128xf32, #tpu.memory_space<hbm>>
      tpu.enqueue_indirect_dma source(%dma_start3A_2488 : memref<8000x128xf32, #tpu.memory_space<hbm>>) target(%dma_start3A_2483 : memref<8x128xf32, #tpu.memory_space<vmem>>) offsets(%dma_start3A_2485 : memref<8xi32, #tpu.memory_space<vmem>>) semaphore(%arg12 : memref<!tpu.dma_semaphore, #tpu.memory_space<semaphore_mem>>)
      %dma_start3A_2489 = arith.constant 8 : i32
      %dma_start3A_2490 = arith.constant 256 : i32
      %dma_start3A_2491 = tpu.memref_slice %arg8[%dma_start3A_2489, %dma_start3A_2490] : memref<56x1024xf32, #tpu.memory_space<vmem>> -> memref<8x128xf32, #tpu.memory_space<vmem>>
      %dma_start3A_2492 = arith.constant 80 : i32
      %dma_start3A_2493 = tpu.memref_slice %arg6[%dma_start3A_2492] : memref<448xi32, #tpu.memory_space<vmem>> -> memref<8xi32, #tpu.memory_space<vmem>>
      %dma_start3A_2494 = arith.constant 0 : i32
      %dma_start3A_2495 = arith.constant 0 : i32
      %dma_start3A_2496 = tpu.memref_slice %arg3[%dma_start3A_2494, %dma_start3A_2495] : memref<8000x128xf32, #tpu.memory_space<hbm>> -> memref<8000x128xf32, #tpu.memory_space<hbm>>
      tpu.enqueue_indirect_dma source(%dma_start3A_2496 : memref<8000x128xf32, #tpu.memory_space<hbm>>) target(%dma_start3A_2491 : memref<8x128xf32, #tpu.memory_space<vmem>>) offsets(%dma_start3A_2493 : memref<8xi32, #tpu.memory_space<vmem>>) semaphore(%arg12 : memref<!tpu.dma_semaphore, #tpu.memory_space<semaphore_mem>>)
      %dma_start3A_2497 = arith.constant 8 : i32
      %dma_start3A_2498 = arith.constant 384 : i32
      %dma_start3A_2499 = tpu.memref_slice %arg8[%dma_start3A_2497, %dma_start3A_2498] : memref<56x1024xf32, #tpu.memory_space<vmem>> -> memref<8x128xf32, #tpu.memory_space<vmem>>
      %dma_start3A_2500 = arith.constant 88 : i32
      %dma_start3A_2501 = tpu.memref_slice %arg6[%dma_start3A_2500] : memref<448xi32, #tpu.memory_space<vmem>> -> memref<8xi32, #tpu.memory_space<vmem>>
      %dma_start3A_2502 = arith.constant 0 : i32
      %dma_start3A_2503 = arith.constant 0 : i32
      %dma_start3A_2504 = tpu.memref_slice %arg3[%dma_start3A_2502, %dma_start3A_2503] : memref<8000x128xf32, #tpu.memory_space<hbm>> -> memref<8000x128xf32, #tpu.memory_space<hbm>>
      tpu.enqueue_indirect_dma source(%dma_start3A_2504 : memref<8000x128xf32, #tpu.memory_space<hbm>>) target(%dma_start3A_2499 : memref<8x128xf32, #tpu.memory_space<vmem>>) offsets(%dma_start3A_2501 : memref<8xi32, #tpu.memory_space<vmem>>) semaphore(%arg12 : memref<!tpu.dma_semaphore, #tpu.memory_space<semaphore_mem>>)
      %dma_start3A_2505 = arith.constant 8 : i32
      %dma_start3A_2506 = arith.constant 512 : i32
      %dma_start3A_2507 = tpu.memref_slice %arg8[%dma_start3A_2505, %dma_start3A_2506] : memref<56x1024xf32, #tpu.memory_space<vmem>> -> memref<8x128xf32, #tpu.memory_space<vmem>>
      %dma_start3A_2508 = arith.constant 96 : i32
      %dma_start3A_2509 = tpu.memref_slice %arg6[%dma_start3A_2508] : memref<448xi32, #tpu.memory_space<vmem>> -> memref<8xi32, #tpu.memory_space<vmem>>
      %dma_start3A_2510 = arith.constant 0 : i32
      %dma_start3A_2511 = arith.constant 0 : i32
      %dma_start3A_2512 = tpu.memref_slice %arg3[%dma_start3A_2510, %dma_start3A_2511] : memref<8000x128xf32, #tpu.memory_space<hbm>> -> memref<8000x128xf32, #tpu.memory_space<hbm>>
      tpu.enqueue_indirect_dma source(%dma_start3A_2512 : memref<8000x128xf32, #tpu.memory_space<hbm>>) target(%dma_start3A_2507 : memref<8x128xf32, #tpu.memory_space<vmem>>) offsets(%dma_start3A_2509 : memref<8xi32, #tpu.memory_space<vmem>>) semaphore(%arg12 : memref<!tpu.dma_semaphore, #tpu.memory_space<semaphore_mem>>)
      %dma_start3A_2513 = arith.constant 8 : i32
      %dma_start3A_2514 = arith.constant 640 : i32
      %dma_start3A_2515 = tpu.memref_slice %arg8[%dma_start3A_2513, %dma_start3A_2514] : memref<56x1024xf32, #tpu.memory_space<vmem>> -> memref<8x128xf32, #tpu.memory_space<vmem>>
      %dma_start3A_2516 = arith.constant 104 : i32
      %dma_start3A_2517 = tpu.memref_slice %arg6[%dma_start3A_2516] : memref<448xi32, #tpu.memory_space<vmem>> -> memref<8xi32, #tpu.memory_space<vmem>>
      %dma_start3A_2518 = arith.constant 0 : i32
      %dma_start3A_2519 = arith.constant 0 : i32
      %dma_start3A_2520 = tpu.memref_slice %arg3[%dma_start3A_2518, %dma_start3A_2519] : memref<8000x128xf32, #tpu.memory_space<hbm>> -> memref<8000x128xf32, #tpu.memory_space<hbm>>
      tpu.enqueue_indirect_dma source(%dma_start3A_2520 : memref<8000x128xf32, #tpu.memory_space<hbm>>) target(%dma_start3A_2515 : memref<8x128xf32, #tpu.memory_space<vmem>>) offsets(%dma_start3A_2517 : memref<8xi32, #tpu.memory_space<vmem>>) semaphore(%arg12 : memref<!tpu.dma_semaphore, #tpu.memory_space<semaphore_mem>>)
      %dma_start3A_2521 = arith.constant 8 : i32
      %dma_start3A_2522 = arith.constant 768 : i32
      %dma_start3A_2523 = tpu.memref_slice %arg8[%dma_start3A_2521, %dma_start3A_2522] : memref<56x1024xf32, #tpu.memory_space<vmem>> -> memref<8x128xf32, #tpu.memory_space<vmem>>
      %dma_start3A_2524 = arith.constant 112 : i32
      %dma_start3A_2525 = tpu.memref_slice %arg6[%dma_start3A_2524] : memref<448xi32, #tpu.memory_space<vmem>> -> memref<8xi32, #tpu.memory_space<vmem>>
      %dma_start3A_2526 = arith.constant 0 : i32
      %dma_start3A_2527 = arith.constant 0 : i32
      %dma_start3A_2528 = tpu.memref_slice %arg3[%dma_start3A_2526, %dma_start3A_2527] : memref<8000x128xf32, #tpu.memory_space<hbm>> -> memref<8000x128xf32, #tpu.memory_space<hbm>>
      tpu.enqueue_indirect_dma source(%dma_start3A_2528 : memref<8000x128xf32, #tpu.memory_space<hbm>>) target(%dma_start3A_2523 : memref<8x128xf32, #tpu.memory_space<vmem>>) offsets(%dma_start3A_2525 : memref<8xi32, #tpu.memory_space<vmem>>) semaphore(%arg12 : memref<!tpu.dma_semaphore, #tpu.memory_space<semaphore_mem>>)
      %dma_start3A_2529 = arith.constant 8 : i32
      %dma_start3A_2530 = arith.constant 896 : i32
      %dma_start3A_2531 = tpu.memref_slice %arg8[%dma_start3A_2529, %dma_start3A_2530] : memref<56x1024xf32, #tpu.memory_space<vmem>> -> memref<8x128xf32, #tpu.memory_space<vmem>>
      %dma_start3A_2532 = arith.constant 120 : i32
      %dma_start3A_2533 = tpu.memref_slice %arg6[%dma_start3A_2532] : memref<448xi32, #tpu.memory_space<vmem>> -> memref<8xi32, #tpu.memory_space<vmem>>
      %dma_start3A_2534 = arith.constant 0 : i32
      %dma_start3A_2535 = arith.constant 0 : i32
      %dma_start3A_2536 = tpu.memref_slice %arg3[%dma_start3A_2534, %dma_start3A_2535] : memref<8000x128xf32, #tpu.memory_space<hbm>> -> memref<8000x128xf32, #tpu.memory_space<hbm>>
      tpu.enqueue_indirect_dma source(%dma_start3A_2536 : memref<8000x128xf32, #tpu.memory_space<hbm>>) target(%dma_start3A_2531 : memref<8x128xf32, #tpu.memory_space<vmem>>) offsets(%dma_start3A_2533 : memref<8xi32, #tpu.memory_space<vmem>>) semaphore(%arg12 : memref<!tpu.dma_semaphore, #tpu.memory_space<semaphore_mem>>)
      %dma_start3A_2537 = arith.constant 16 : i32
      %dma_start3A_2538 = arith.constant 0 : i32
      %dma_start3A_2539 = tpu.memref_slice %arg8[%dma_start3A_2537, %dma_start3A_2538] : memref<56x1024xf32, #tpu.memory_space<vmem>> -> memref<8x128xf32, #tpu.memory_space<vmem>>
      %dma_start3A_2540 = arith.constant 128 : i32
      %dma_start3A_2541 = tpu.memref_slice %arg6[%dma_start3A_2540] : memref<448xi32, #tpu.memory_space<vmem>> -> memref<8xi32, #tpu.memory_space<vmem>>
      %dma_start3A_2542 = arith.constant 0 : i32
      %dma_start3A_2543 = arith.constant 0 : i32
      %dma_start3A_2544 = tpu.memref_slice %arg3[%dma_start3A_2542, %dma_start3A_2543] : memref<8000x128xf32, #tpu.memory_space<hbm>> -> memref<8000x128xf32, #tpu.memory_space<hbm>>
      tpu.enqueue_indirect_dma source(%dma_start3A_2544 : memref<8000x128xf32, #tpu.memory_space<hbm>>) target(%dma_start3A_2539 : memref<8x128xf32, #tpu.memory_space<vmem>>) offsets(%dma_start3A_2541 : memref<8xi32, #tpu.memory_space<vmem>>) semaphore(%arg12 : memref<!tpu.dma_semaphore, #tpu.memory_space<semaphore_mem>>)
      %dma_start3A_2545 = arith.constant 16 : i32
      %dma_start3A_2546 = arith.constant 128 : i32
      %dma_start3A_2547 = tpu.memref_slice %arg8[%dma_start3A_2545, %dma_start3A_2546] : memref<56x1024xf32, #tpu.memory_space<vmem>> -> memref<8x128xf32, #tpu.memory_space<vmem>>
      %dma_start3A_2548 = arith.constant 136 : i32
      %dma_start3A_2549 = tpu.memref_slice %arg6[%dma_start3A_2548] : memref<448xi32, #tpu.memory_space<vmem>> -> memref<8xi32, #tpu.memory_space<vmem>>
      %dma_start3A_2550 = arith.constant 0 : i32
      %dma_start3A_2551 = arith.constant 0 : i32
      %dma_start3A_2552 = tpu.memref_slice %arg3[%dma_start3A_2550, %dma_start3A_2551] : memref<8000x128xf32, #tpu.memory_space<hbm>> -> memref<8000x128xf32, #tpu.memory_space<hbm>>
      tpu.enqueue_indirect_dma source(%dma_start3A_2552 : memref<8000x128xf32, #tpu.memory_space<hbm>>) target(%dma_start3A_2547 : memref<8x128xf32, #tpu.memory_space<vmem>>) offsets(%dma_start3A_2549 : memref<8xi32, #tpu.memory_space<vmem>>) semaphore(%arg12 : memref<!tpu.dma_semaphore, #tpu.memory_space<semaphore_mem>>)
      %dma_start3A_2553 = arith.constant 16 : i32
      %dma_start3A_2554 = arith.constant 256 : i32
      %dma_start3A_2555 = tpu.memref_slice %arg8[%dma_start3A_2553, %dma_start3A_2554] : memref<56x1024xf32, #tpu.memory_space<vmem>> -> memref<8x128xf32, #tpu.memory_space<vmem>>
      %dma_start3A_2556 = arith.constant 144 : i32
      %dma_start3A_2557 = tpu.memref_slice %arg6[%dma_start3A_2556] : memref<448xi32, #tpu.memory_space<vmem>> -> memref<8xi32, #tpu.memory_space<vmem>>
      %dma_start3A_2558 = arith.constant 0 : i32
      %dma_start3A_2559 = arith.constant 0 : i32
      %dma_start3A_2560 = tpu.memref_slice %arg3[%dma_start3A_2558, %dma_start3A_2559] : memref<8000x128xf32, #tpu.memory_space<hbm>> -> memref<8000x128xf32, #tpu.memory_space<hbm>>
      tpu.enqueue_indirect_dma source(%dma_start3A_2560 : memref<8000x128xf32, #tpu.memory_space<hbm>>) target(%dma_start3A_2555 : memref<8x128xf32, #tpu.memory_space<vmem>>) offsets(%dma_start3A_2557 : memref<8xi32, #tpu.memory_space<vmem>>) semaphore(%arg12 : memref<!tpu.dma_semaphore, #tpu.memory_space<semaphore_mem>>)
      %dma_start3A_2561 = arith.constant 16 : i32
      %dma_start3A_2562 = arith.constant 384 : i32
      %dma_start3A_2563 = tpu.memref_slice %arg8[%dma_start3A_2561, %dma_start3A_2562] : memref<56x1024xf32, #tpu.memory_space<vmem>> -> memref<8x128xf32, #tpu.memory_space<vmem>>
      %dma_start3A_2564 = arith.constant 152 : i32
      %dma_start3A_2565 = tpu.memref_slice %arg6[%dma_start3A_2564] : memref<448xi32, #tpu.memory_space<vmem>> -> memref<8xi32, #tpu.memory_space<vmem>>
      %dma_start3A_2566 = arith.constant 0 : i32
      %dma_start3A_2567 = arith.constant 0 : i32
      %dma_start3A_2568 = tpu.memref_slice %arg3[%dma_start3A_2566, %dma_start3A_2567] : memref<8000x128xf32, #tpu.memory_space<hbm>> -> memref<8000x128xf32, #tpu.memory_space<hbm>>
      tpu.enqueue_indirect_dma source(%dma_start3A_2568 : memref<8000x128xf32, #tpu.memory_space<hbm>>) target(%dma_start3A_2563 : memref<8x128xf32, #tpu.memory_space<vmem>>) offsets(%dma_start3A_2565 : memref<8xi32, #tpu.memory_space<vmem>>) semaphore(%arg12 : memref<!tpu.dma_semaphore, #tpu.memory_space<semaphore_mem>>)
      %dma_start3A_2569 = arith.constant 16 : i32
      %dma_start3A_2570 = arith.constant 512 : i32
      %dma_start3A_2571 = tpu.memref_slice %arg8[%dma_start3A_2569, %dma_start3A_2570] : memref<56x1024xf32, #tpu.memory_space<vmem>> -> memref<8x128xf32, #tpu.memory_space<vmem>>
      %dma_start3A_2572 = arith.constant 160 : i32
      %dma_start3A_2573 = tpu.memref_slice %arg6[%dma_start3A_2572] : memref<448xi32, #tpu.memory_space<vmem>> -> memref<8xi32, #tpu.memory_space<vmem>>
      %dma_start3A_2574 = arith.constant 0 : i32
      %dma_start3A_2575 = arith.constant 0 : i32
      %dma_start3A_2576 = tpu.memref_slice %arg3[%dma_start3A_2574, %dma_start3A_2575] : memref<8000x128xf32, #tpu.memory_space<hbm>> -> memref<8000x128xf32, #tpu.memory_space<hbm>>
      tpu.enqueue_indirect_dma source(%dma_start3A_2576 : memref<8000x128xf32, #tpu.memory_space<hbm>>) target(%dma_start3A_2571 : memref<8x128xf32, #tpu.memory_space<vmem>>) offsets(%dma_start3A_2573 : memref<8xi32, #tpu.memory_space<vmem>>) semaphore(%arg12 : memref<!tpu.dma_semaphore, #tpu.memory_space<semaphore_mem>>)
      %dma_start3A_2577 = arith.constant 16 : i32
      %dma_start3A_2578 = arith.constant 640 : i32
      %dma_start3A_2579 = tpu.memref_slice %arg8[%dma_start3A_2577, %dma_start3A_2578] : memref<56x1024xf32, #tpu.memory_space<vmem>> -> memref<8x128xf32, #tpu.memory_space<vmem>>
      %dma_start3A_2580 = arith.constant 168 : i32
      %dma_start3A_2581 = tpu.memref_slice %arg6[%dma_start3A_2580] : memref<448xi32, #tpu.memory_space<vmem>> -> memref<8xi32, #tpu.memory_space<vmem>>
      %dma_start3A_2582 = arith.constant 0 : i32
      %dma_start3A_2583 = arith.constant 0 : i32
      %dma_start3A_2584 = tpu.memref_slice %arg3[%dma_start3A_2582, %dma_start3A_2583] : memref<8000x128xf32, #tpu.memory_space<hbm>> -> memref<8000x128xf32, #tpu.memory_space<hbm>>
      tpu.enqueue_indirect_dma source(%dma_start3A_2584 : memref<8000x128xf32, #tpu.memory_space<hbm>>) target(%dma_start3A_2579 : memref<8x128xf32, #tpu.memory_space<vmem>>) offsets(%dma_start3A_2581 : memref<8xi32, #tpu.memory_space<vmem>>) semaphore(%arg12 : memref<!tpu.dma_semaphore, #tpu.memory_space<semaphore_mem>>)
      %dma_start3A_2585 = arith.constant 16 : i32
      %dma_start3A_2586 = arith.constant 768 : i32
      %dma_start3A_2587 = tpu.memref_slice %arg8[%dma_start3A_2585, %dma_start3A_2586] : memref<56x1024xf32, #tpu.memory_space<vmem>> -> memref<8x128xf32, #tpu.memory_space<vmem>>
      %dma_start3A_2588 = arith.constant 176 : i32
      %dma_start3A_2589 = tpu.memref_slice %arg6[%dma_start3A_2588] : memref<448xi32, #tpu.memory_space<vmem>> -> memref<8xi32, #tpu.memory_space<vmem>>
      %dma_start3A_2590 = arith.constant 0 : i32
      %dma_start3A_2591 = arith.constant 0 : i32
      %dma_start3A_2592 = tpu.memref_slice %arg3[%dma_start3A_2590, %dma_start3A_2591] : memref<8000x128xf32, #tpu.memory_space<hbm>> -> memref<8000x128xf32, #tpu.memory_space<hbm>>
      tpu.enqueue_indirect_dma source(%dma_start3A_2592 : memref<8000x128xf32, #tpu.memory_space<hbm>>) target(%dma_start3A_2587 : memref<8x128xf32, #tpu.memory_space<vmem>>) offsets(%dma_start3A_2589 : memref<8xi32, #tpu.memory_space<vmem>>) semaphore(%arg12 : memref<!tpu.dma_semaphore, #tpu.memory_space<semaphore_mem>>)
      %dma_start3A_2593 = arith.constant 16 : i32
      %dma_start3A_2594 = arith.constant 896 : i32
      %dma_start3A_2595 = tpu.memref_slice %arg8[%dma_start3A_2593, %dma_start3A_2594] : memref<56x1024xf32, #tpu.memory_space<vmem>> -> memref<8x128xf32, #tpu.memory_space<vmem>>
      %dma_start3A_2596 = arith.constant 184 : i32
      %dma_start3A_2597 = tpu.memref_slice %arg6[%dma_start3A_2596] : memref<448xi32, #tpu.memory_space<vmem>> -> memref<8xi32, #tpu.memory_space<vmem>>
      %dma_start3A_2598 = arith.constant 0 : i32
      %dma_start3A_2599 = arith.constant 0 : i32
      %dma_start3A_2600 = tpu.memref_slice %arg3[%dma_start3A_2598, %dma_start3A_2599] : memref<8000x128xf32, #tpu.memory_space<hbm>> -> memref<8000x128xf32, #tpu.memory_space<hbm>>
      tpu.enqueue_indirect_dma source(%dma_start3A_2600 : memref<8000x128xf32, #tpu.memory_space<hbm>>) target(%dma_start3A_2595 : memref<8x128xf32, #tpu.memory_space<vmem>>) offsets(%dma_start3A_2597 : memref<8xi32, #tpu.memory_space<vmem>>) semaphore(%arg12 : memref<!tpu.dma_semaphore, #tpu.memory_space<semaphore_mem>>)
      %dma_start3A_2601 = arith.constant 24 : i32
      %dma_start3A_2602 = arith.constant 0 : i32
      %dma_start3A_2603 = tpu.memref_slice %arg8[%dma_start3A_2601, %dma_start3A_2602] : memref<56x1024xf32, #tpu.memory_space<vmem>> -> memref<8x128xf32, #tpu.memory_space<vmem>>
      %dma_start3A_2604 = arith.constant 192 : i32
      %dma_start3A_2605 = tpu.memref_slice %arg6[%dma_start3A_2604] : memref<448xi32, #tpu.memory_space<vmem>> -> memref<8xi32, #tpu.memory_space<vmem>>
      %dma_start3A_2606 = arith.constant 0 : i32
      %dma_start3A_2607 = arith.constant 0 : i32
      %dma_start3A_2608 = tpu.memref_slice %arg3[%dma_start3A_2606, %dma_start3A_2607] : memref<8000x128xf32, #tpu.memory_space<hbm>> -> memref<8000x128xf32, #tpu.memory_space<hbm>>
      tpu.enqueue_indirect_dma source(%dma_start3A_2608 : memref<8000x128xf32, #tpu.memory_space<hbm>>) target(%dma_start3A_2603 : memref<8x128xf32, #tpu.memory_space<vmem>>) offsets(%dma_start3A_2605 : memref<8xi32, #tpu.memory_space<vmem>>) semaphore(%arg12 : memref<!tpu.dma_semaphore, #tpu.memory_space<semaphore_mem>>)
      %dma_start3A_2609 = arith.constant 24 : i32
      %dma_start3A_2610 = arith.constant 128 : i32
      %dma_start3A_2611 = tpu.memref_slice %arg8[%dma_start3A_2609, %dma_start3A_2610] : memref<56x1024xf32, #tpu.memory_space<vmem>> -> memref<8x128xf32, #tpu.memory_space<vmem>>
      %dma_start3A_2612 = arith.constant 200 : i32
      %dma_start3A_2613 = tpu.memref_slice %arg6[%dma_start3A_2612] : memref<448xi32, #tpu.memory_space<vmem>> -> memref<8xi32, #tpu.memory_space<vmem>>
      %dma_start3A_2614 = arith.constant 0 : i32
      %dma_start3A_2615 = arith.constant 0 : i32
      %dma_start3A_2616 = tpu.memref_slice %arg3[%dma_start3A_2614, %dma_start3A_2615] : memref<8000x128xf32, #tpu.memory_space<hbm>> -> memref<8000x128xf32, #tpu.memory_space<hbm>>
      tpu.enqueue_indirect_dma source(%dma_start3A_2616 : memref<8000x128xf32, #tpu.memory_space<hbm>>) target(%dma_start3A_2611 : memref<8x128xf32, #tpu.memory_space<vmem>>) offsets(%dma_start3A_2613 : memref<8xi32, #tpu.memory_space<vmem>>) semaphore(%arg12 : memref<!tpu.dma_semaphore, #tpu.memory_space<semaphore_mem>>)
      %dma_start3A_2617 = arith.constant 24 : i32
      %dma_start3A_2618 = arith.constant 256 : i32
      %dma_start3A_2619 = tpu.memref_slice %arg8[%dma_start3A_2617, %dma_start3A_2618] : memref<56x1024xf32, #tpu.memory_space<vmem>> -> memref<8x128xf32, #tpu.memory_space<vmem>>
      %dma_start3A_2620 = arith.constant 208 : i32
      %dma_start3A_2621 = tpu.memref_slice %arg6[%dma_start3A_2620] : memref<448xi32, #tpu.memory_space<vmem>> -> memref<8xi32, #tpu.memory_space<vmem>>
      %dma_start3A_2622 = arith.constant 0 : i32
      %dma_start3A_2623 = arith.constant 0 : i32
      %dma_start3A_2624 = tpu.memref_slice %arg3[%dma_start3A_2622, %dma_start3A_2623] : memref<8000x128xf32, #tpu.memory_space<hbm>> -> memref<8000x128xf32, #tpu.memory_space<hbm>>
      tpu.enqueue_indirect_dma source(%dma_start3A_2624 : memref<8000x128xf32, #tpu.memory_space<hbm>>) target(%dma_start3A_2619 : memref<8x128xf32, #tpu.memory_space<vmem>>) offsets(%dma_start3A_2621 : memref<8xi32, #tpu.memory_space<vmem>>) semaphore(%arg12 : memref<!tpu.dma_semaphore, #tpu.memory_space<semaphore_mem>>)
      %dma_start3A_2625 = arith.constant 24 : i32
      %dma_start3A_2626 = arith.constant 384 : i32
      %dma_start3A_2627 = tpu.memref_slice %arg8[%dma_start3A_2625, %dma_start3A_2626] : memref<56x1024xf32, #tpu.memory_space<vmem>> -> memref<8x128xf32, #tpu.memory_space<vmem>>
      %dma_start3A_2628 = arith.constant 216 : i32
      %dma_start3A_2629 = tpu.memref_slice %arg6[%dma_start3A_2628] : memref<448xi32, #tpu.memory_space<vmem>> -> memref<8xi32, #tpu.memory_space<vmem>>
      %dma_start3A_2630 = arith.constant 0 : i32
      %dma_start3A_2631 = arith.constant 0 : i32
      %dma_start3A_2632 = tpu.memref_slice %arg3[%dma_start3A_2630, %dma_start3A_2631] : memref<8000x128xf32, #tpu.memory_space<hbm>> -> memref<8000x128xf32, #tpu.memory_space<hbm>>
      tpu.enqueue_indirect_dma source(%dma_start3A_2632 : memref<8000x128xf32, #tpu.memory_space<hbm>>) target(%dma_start3A_2627 : memref<8x128xf32, #tpu.memory_space<vmem>>) offsets(%dma_start3A_2629 : memref<8xi32, #tpu.memory_space<vmem>>) semaphore(%arg12 : memref<!tpu.dma_semaphore, #tpu.memory_space<semaphore_mem>>)
      %dma_start3A_2633 = arith.constant 24 : i32
      %dma_start3A_2634 = arith.constant 512 : i32
      %dma_start3A_2635 = tpu.memref_slice %arg8[%dma_start3A_2633, %dma_start3A_2634] : memref<56x1024xf32, #tpu.memory_space<vmem>> -> memref<8x128xf32, #tpu.memory_space<vmem>>
      %dma_start3A_2636 = arith.constant 224 : i32
      %dma_start3A_2637 = tpu.memref_slice %arg6[%dma_start3A_2636] : memref<448xi32, #tpu.memory_space<vmem>> -> memref<8xi32, #tpu.memory_space<vmem>>
      %dma_start3A_2638 = arith.constant 0 : i32
      %dma_start3A_2639 = arith.constant 0 : i32
      %dma_start3A_2640 = tpu.memref_slice %arg3[%dma_start3A_2638, %dma_start3A_2639] : memref<8000x128xf32, #tpu.memory_space<hbm>> -> memref<8000x128xf32, #tpu.memory_space<hbm>>
      tpu.enqueue_indirect_dma source(%dma_start3A_2640 : memref<8000x128xf32, #tpu.memory_space<hbm>>) target(%dma_start3A_2635 : memref<8x128xf32, #tpu.memory_space<vmem>>) offsets(%dma_start3A_2637 : memref<8xi32, #tpu.memory_space<vmem>>) semaphore(%arg12 : memref<!tpu.dma_semaphore, #tpu.memory_space<semaphore_mem>>)
      %dma_start3A_2641 = arith.constant 24 : i32
      %dma_start3A_2642 = arith.constant 640 : i32
      %dma_start3A_2643 = tpu.memref_slice %arg8[%dma_start3A_2641, %dma_start3A_2642] : memref<56x1024xf32, #tpu.memory_space<vmem>> -> memref<8x128xf32, #tpu.memory_space<vmem>>
      %dma_start3A_2644 = arith.constant 232 : i32
      %dma_start3A_2645 = tpu.memref_slice %arg6[%dma_start3A_2644] : memref<448xi32, #tpu.memory_space<vmem>> -> memref<8xi32, #tpu.memory_space<vmem>>
      %dma_start3A_2646 = arith.constant 0 : i32
      %dma_start3A_2647 = arith.constant 0 : i32
      %dma_start3A_2648 = tpu.memref_slice %arg3[%dma_start3A_2646, %dma_start3A_2647] : memref<8000x128xf32, #tpu.memory_space<hbm>> -> memref<8000x128xf32, #tpu.memory_space<hbm>>
      tpu.enqueue_indirect_dma source(%dma_start3A_2648 : memref<8000x128xf32, #tpu.memory_space<hbm>>) target(%dma_start3A_2643 : memref<8x128xf32, #tpu.memory_space<vmem>>) offsets(%dma_start3A_2645 : memref<8xi32, #tpu.memory_space<vmem>>) semaphore(%arg12 : memref<!tpu.dma_semaphore, #tpu.memory_space<semaphore_mem>>)
      %dma_start3A_2649 = arith.constant 24 : i32
      %dma_start3A_2650 = arith.constant 768 : i32
      %dma_start3A_2651 = tpu.memref_slice %arg8[%dma_start3A_2649, %dma_start3A_2650] : memref<56x1024xf32, #tpu.memory_space<vmem>> -> memref<8x128xf32, #tpu.memory_space<vmem>>
      %dma_start3A_2652 = arith.constant 240 : i32
      %dma_start3A_2653 = tpu.memref_slice %arg6[%dma_start3A_2652] : memref<448xi32, #tpu.memory_space<vmem>> -> memref<8xi32, #tpu.memory_space<vmem>>
      %dma_start3A_2654 = arith.constant 0 : i32
      %dma_start3A_2655 = arith.constant 0 : i32
      %dma_start3A_2656 = tpu.memref_slice %arg3[%dma_start3A_2654, %dma_start3A_2655] : memref<8000x128xf32, #tpu.memory_space<hbm>> -> memref<8000x128xf32, #tpu.memory_space<hbm>>
      tpu.enqueue_indirect_dma source(%dma_start3A_2656 : memref<8000x128xf32, #tpu.memory_space<hbm>>) target(%dma_start3A_2651 : memref<8x128xf32, #tpu.memory_space<vmem>>) offsets(%dma_start3A_2653 : memref<8xi32, #tpu.memory_space<vmem>>) semaphore(%arg12 : memref<!tpu.dma_semaphore, #tpu.memory_space<semaphore_mem>>)
      %dma_start3A_2657 = arith.constant 24 : i32
      %dma_start3A_2658 = arith.constant 896 : i32
      %dma_start3A_2659 = tpu.memref_slice %arg8[%dma_start3A_2657, %dma_start3A_2658] : memref<56x1024xf32, #tpu.memory_space<vmem>> -> memref<8x128xf32, #tpu.memory_space<vmem>>
      %dma_start3A_2660 = arith.constant 248 : i32
      %dma_start3A_2661 = tpu.memref_slice %arg6[%dma_start3A_2660] : memref<448xi32, #tpu.memory_space<vmem>> -> memref<8xi32, #tpu.memory_space<vmem>>
      %dma_start3A_2662 = arith.constant 0 : i32
      %dma_start3A_2663 = arith.constant 0 : i32
      %dma_start3A_2664 = tpu.memref_slice %arg3[%dma_start3A_2662, %dma_start3A_2663] : memref<8000x128xf32, #tpu.memory_space<hbm>> -> memref<8000x128xf32, #tpu.memory_space<hbm>>
      tpu.enqueue_indirect_dma source(%dma_start3A_2664 : memref<8000x128xf32, #tpu.memory_space<hbm>>) target(%dma_start3A_2659 : memref<8x128xf32, #tpu.memory_space<vmem>>) offsets(%dma_start3A_2661 : memref<8xi32, #tpu.memory_space<vmem>>) semaphore(%arg12 : memref<!tpu.dma_semaphore, #tpu.memory_space<semaphore_mem>>)
      %dma_start3A_2665 = arith.constant 32 : i32
      %dma_start3A_2666 = arith.constant 0 : i32
      %dma_start3A_2667 = tpu.memref_slice %arg8[%dma_start3A_2665, %dma_start3A_2666] : memref<56x1024xf32, #tpu.memory_space<vmem>> -> memref<8x128xf32, #tpu.memory_space<vmem>>
      %dma_start3A_2668 = arith.constant 256 : i32
      %dma_start3A_2669 = tpu.memref_slice %arg6[%dma_start3A_2668] : memref<448xi32, #tpu.memory_space<vmem>> -> memref<8xi32, #tpu.memory_space<vmem>>
      %dma_start3A_2670 = arith.constant 0 : i32
      %dma_start3A_2671 = arith.constant 0 : i32
      %dma_start3A_2672 = tpu.memref_slice %arg3[%dma_start3A_2670, %dma_start3A_2671] : memref<8000x128xf32, #tpu.memory_space<hbm>> -> memref<8000x128xf32, #tpu.memory_space<hbm>>
      tpu.enqueue_indirect_dma source(%dma_start3A_2672 : memref<8000x128xf32, #tpu.memory_space<hbm>>) target(%dma_start3A_2667 : memref<8x128xf32, #tpu.memory_space<vmem>>) offsets(%dma_start3A_2669 : memref<8xi32, #tpu.memory_space<vmem>>) semaphore(%arg12 : memref<!tpu.dma_semaphore, #tpu.memory_space<semaphore_mem>>)
      %dma_start3A_2673 = arith.constant 32 : i32
      %dma_start3A_2674 = arith.constant 128 : i32
      %dma_start3A_2675 = tpu.memref_slice %arg8[%dma_start3A_2673, %dma_start3A_2674] : memref<56x1024xf32, #tpu.memory_space<vmem>> -> memref<8x128xf32, #tpu.memory_space<vmem>>
      %dma_start3A_2676 = arith.constant 264 : i32
      %dma_start3A_2677 = tpu.memref_slice %arg6[%dma_start3A_2676] : memref<448xi32, #tpu.memory_space<vmem>> -> memref<8xi32, #tpu.memory_space<vmem>>
      %dma_start3A_2678 = arith.constant 0 : i32
      %dma_start3A_2679 = arith.constant 0 : i32
      %dma_start3A_2680 = tpu.memref_slice %arg3[%dma_start3A_2678, %dma_start3A_2679] : memref<8000x128xf32, #tpu.memory_space<hbm>> -> memref<8000x128xf32, #tpu.memory_space<hbm>>
      tpu.enqueue_indirect_dma source(%dma_start3A_2680 : memref<8000x128xf32, #tpu.memory_space<hbm>>) target(%dma_start3A_2675 : memref<8x128xf32, #tpu.memory_space<vmem>>) offsets(%dma_start3A_2677 : memref<8xi32, #tpu.memory_space<vmem>>) semaphore(%arg12 : memref<!tpu.dma_semaphore, #tpu.memory_space<semaphore_mem>>)
      %dma_start3A_2681 = arith.constant 32 : i32
      %dma_start3A_2682 = arith.constant 256 : i32
      %dma_start3A_2683 = tpu.memref_slice %arg8[%dma_start3A_2681, %dma_start3A_2682] : memref<56x1024xf32, #tpu.memory_space<vmem>> -> memref<8x128xf32, #tpu.memory_space<vmem>>
      %dma_start3A_2684 = arith.constant 272 : i32
      %dma_start3A_2685 = tpu.memref_slice %arg6[%dma_start3A_2684] : memref<448xi32, #tpu.memory_space<vmem>> -> memref<8xi32, #tpu.memory_space<vmem>>
      %dma_start3A_2686 = arith.constant 0 : i32
      %dma_start3A_2687 = arith.constant 0 : i32
      %dma_start3A_2688 = tpu.memref_slice %arg3[%dma_start3A_2686, %dma_start3A_2687] : memref<8000x128xf32, #tpu.memory_space<hbm>> -> memref<8000x128xf32, #tpu.memory_space<hbm>>
      tpu.enqueue_indirect_dma source(%dma_start3A_2688 : memref<8000x128xf32, #tpu.memory_space<hbm>>) target(%dma_start3A_2683 : memref<8x128xf32, #tpu.memory_space<vmem>>) offsets(%dma_start3A_2685 : memref<8xi32, #tpu.memory_space<vmem>>) semaphore(%arg12 : memref<!tpu.dma_semaphore, #tpu.memory_space<semaphore_mem>>)
      %dma_start3A_2689 = arith.constant 32 : i32
      %dma_start3A_2690 = arith.constant 384 : i32
      %dma_start3A_2691 = tpu.memref_slice %arg8[%dma_start3A_2689, %dma_start3A_2690] : memref<56x1024xf32, #tpu.memory_space<vmem>> -> memref<8x128xf32, #tpu.memory_space<vmem>>
      %dma_start3A_2692 = arith.constant 280 : i32
      %dma_start3A_2693 = tpu.memref_slice %arg6[%dma_start3A_2692] : memref<448xi32, #tpu.memory_space<vmem>> -> memref<8xi32, #tpu.memory_space<vmem>>
      %dma_start3A_2694 = arith.constant 0 : i32
      %dma_start3A_2695 = arith.constant 0 : i32
      %dma_start3A_2696 = tpu.memref_slice %arg3[%dma_start3A_2694, %dma_start3A_2695] : memref<8000x128xf32, #tpu.memory_space<hbm>> -> memref<8000x128xf32, #tpu.memory_space<hbm>>
      tpu.enqueue_indirect_dma source(%dma_start3A_2696 : memref<8000x128xf32, #tpu.memory_space<hbm>>) target(%dma_start3A_2691 : memref<8x128xf32, #tpu.memory_space<vmem>>) offsets(%dma_start3A_2693 : memref<8xi32, #tpu.memory_space<vmem>>) semaphore(%arg12 : memref<!tpu.dma_semaphore, #tpu.memory_space<semaphore_mem>>)
      %dma_start3A_2697 = arith.constant 32 : i32
      %dma_start3A_2698 = arith.constant 512 : i32
      %dma_start3A_2699 = tpu.memref_slice %arg8[%dma_start3A_2697, %dma_start3A_2698] : memref<56x1024xf32, #tpu.memory_space<vmem>> -> memref<8x128xf32, #tpu.memory_space<vmem>>
      %dma_start3A_2700 = arith.constant 288 : i32
      %dma_start3A_2701 = tpu.memref_slice %arg6[%dma_start3A_2700] : memref<448xi32, #tpu.memory_space<vmem>> -> memref<8xi32, #tpu.memory_space<vmem>>
      %dma_start3A_2702 = arith.constant 0 : i32
      %dma_start3A_2703 = arith.constant 0 : i32
      %dma_start3A_2704 = tpu.memref_slice %arg3[%dma_start3A_2702, %dma_start3A_2703] : memref<8000x128xf32, #tpu.memory_space<hbm>> -> memref<8000x128xf32, #tpu.memory_space<hbm>>
      tpu.enqueue_indirect_dma source(%dma_start3A_2704 : memref<8000x128xf32, #tpu.memory_space<hbm>>) target(%dma_start3A_2699 : memref<8x128xf32, #tpu.memory_space<vmem>>) offsets(%dma_start3A_2701 : memref<8xi32, #tpu.memory_space<vmem>>) semaphore(%arg12 : memref<!tpu.dma_semaphore, #tpu.memory_space<semaphore_mem>>)
      %dma_start3A_2705 = arith.constant 32 : i32
      %dma_start3A_2706 = arith.constant 640 : i32
      %dma_start3A_2707 = tpu.memref_slice %arg8[%dma_start3A_2705, %dma_start3A_2706] : memref<56x1024xf32, #tpu.memory_space<vmem>> -> memref<8x128xf32, #tpu.memory_space<vmem>>
      %dma_start3A_2708 = arith.constant 296 : i32
      %dma_start3A_2709 = tpu.memref_slice %arg6[%dma_start3A_2708] : memref<448xi32, #tpu.memory_space<vmem>> -> memref<8xi32, #tpu.memory_space<vmem>>
      %dma_start3A_2710 = arith.constant 0 : i32
      %dma_start3A_2711 = arith.constant 0 : i32
      %dma_start3A_2712 = tpu.memref_slice %arg3[%dma_start3A_2710, %dma_start3A_2711] : memref<8000x128xf32, #tpu.memory_space<hbm>> -> memref<8000x128xf32, #tpu.memory_space<hbm>>
      tpu.enqueue_indirect_dma source(%dma_start3A_2712 : memref<8000x128xf32, #tpu.memory_space<hbm>>) target(%dma_start3A_2707 : memref<8x128xf32, #tpu.memory_space<vmem>>) offsets(%dma_start3A_2709 : memref<8xi32, #tpu.memory_space<vmem>>) semaphore(%arg12 : memref<!tpu.dma_semaphore, #tpu.memory_space<semaphore_mem>>)
      %dma_start3A_2713 = arith.constant 32 : i32
      %dma_start3A_2714 = arith.constant 768 : i32
      %dma_start3A_2715 = tpu.memref_slice %arg8[%dma_start3A_2713, %dma_start3A_2714] : memref<56x1024xf32, #tpu.memory_space<vmem>> -> memref<8x128xf32, #tpu.memory_space<vmem>>
      %dma_start3A_2716 = arith.constant 304 : i32
      %dma_start3A_2717 = tpu.memref_slice %arg6[%dma_start3A_2716] : memref<448xi32, #tpu.memory_space<vmem>> -> memref<8xi32, #tpu.memory_space<vmem>>
      %dma_start3A_2718 = arith.constant 0 : i32
      %dma_start3A_2719 = arith.constant 0 : i32
      %dma_start3A_2720 = tpu.memref_slice %arg3[%dma_start3A_2718, %dma_start3A_2719] : memref<8000x128xf32, #tpu.memory_space<hbm>> -> memref<8000x128xf32, #tpu.memory_space<hbm>>
      tpu.enqueue_indirect_dma source(%dma_start3A_2720 : memref<8000x128xf32, #tpu.memory_space<hbm>>) target(%dma_start3A_2715 : memref<8x128xf32, #tpu.memory_space<vmem>>) offsets(%dma_start3A_2717 : memref<8xi32, #tpu.memory_space<vmem>>) semaphore(%arg12 : memref<!tpu.dma_semaphore, #tpu.memory_space<semaphore_mem>>)
      %dma_start3A_2721 = arith.constant 32 : i32
      %dma_start3A_2722 = arith.constant 896 : i32
      %dma_start3A_2723 = tpu.memref_slice %arg8[%dma_start3A_2721, %dma_start3A_2722] : memref<56x1024xf32, #tpu.memory_space<vmem>> -> memref<8x128xf32, #tpu.memory_space<vmem>>
      %dma_start3A_2724 = arith.constant 312 : i32
      %dma_start3A_2725 = tpu.memref_slice %arg6[%dma_start3A_2724] : memref<448xi32, #tpu.memory_space<vmem>> -> memref<8xi32, #tpu.memory_space<vmem>>
      %dma_start3A_2726 = arith.constant 0 : i32
      %dma_start3A_2727 = arith.constant 0 : i32
      %dma_start3A_2728 = tpu.memref_slice %arg3[%dma_start3A_2726, %dma_start3A_2727] : memref<8000x128xf32, #tpu.memory_space<hbm>> -> memref<8000x128xf32, #tpu.memory_space<hbm>>
      tpu.enqueue_indirect_dma source(%dma_start3A_2728 : memref<8000x128xf32, #tpu.memory_space<hbm>>) target(%dma_start3A_2723 : memref<8x128xf32, #tpu.memory_space<vmem>>) offsets(%dma_start3A_2725 : memref<8xi32, #tpu.memory_space<vmem>>) semaphore(%arg12 : memref<!tpu.dma_semaphore, #tpu.memory_space<semaphore_mem>>)
      %dma_start3A_2729 = arith.constant 40 : i32
      %dma_start3A_2730 = arith.constant 0 : i32
      %dma_start3A_2731 = tpu.memref_slice %arg8[%dma_start3A_2729, %dma_start3A_2730] : memref<56x1024xf32, #tpu.memory_space<vmem>> -> memref<8x128xf32, #tpu.memory_space<vmem>>
      %dma_start3A_2732 = arith.constant 320 : i32
      %dma_start3A_2733 = tpu.memref_slice %arg6[%dma_start3A_2732] : memref<448xi32, #tpu.memory_space<vmem>> -> memref<8xi32, #tpu.memory_space<vmem>>
      %dma_start3A_2734 = arith.constant 0 : i32
      %dma_start3A_2735 = arith.constant 0 : i32
      %dma_start3A_2736 = tpu.memref_slice %arg3[%dma_start3A_2734, %dma_start3A_2735] : memref<8000x128xf32, #tpu.memory_space<hbm>> -> memref<8000x128xf32, #tpu.memory_space<hbm>>
      tpu.enqueue_indirect_dma source(%dma_start3A_2736 : memref<8000x128xf32, #tpu.memory_space<hbm>>) target(%dma_start3A_2731 : memref<8x128xf32, #tpu.memory_space<vmem>>) offsets(%dma_start3A_2733 : memref<8xi32, #tpu.memory_space<vmem>>) semaphore(%arg12 : memref<!tpu.dma_semaphore, #tpu.memory_space<semaphore_mem>>)
      %dma_start3A_2737 = arith.constant 40 : i32
      %dma_start3A_2738 = arith.constant 128 : i32
      %dma_start3A_2739 = tpu.memref_slice %arg8[%dma_start3A_2737, %dma_start3A_2738] : memref<56x1024xf32, #tpu.memory_space<vmem>> -> memref<8x128xf32, #tpu.memory_space<vmem>>
      %dma_start3A_2740 = arith.constant 328 : i32
      %dma_start3A_2741 = tpu.memref_slice %arg6[%dma_start3A_2740] : memref<448xi32, #tpu.memory_space<vmem>> -> memref<8xi32, #tpu.memory_space<vmem>>
      %dma_start3A_2742 = arith.constant 0 : i32
      %dma_start3A_2743 = arith.constant 0 : i32
      %dma_start3A_2744 = tpu.memref_slice %arg3[%dma_start3A_2742, %dma_start3A_2743] : memref<8000x128xf32, #tpu.memory_space<hbm>> -> memref<8000x128xf32, #tpu.memory_space<hbm>>
      tpu.enqueue_indirect_dma source(%dma_start3A_2744 : memref<8000x128xf32, #tpu.memory_space<hbm>>) target(%dma_start3A_2739 : memref<8x128xf32, #tpu.memory_space<vmem>>) offsets(%dma_start3A_2741 : memref<8xi32, #tpu.memory_space<vmem>>) semaphore(%arg12 : memref<!tpu.dma_semaphore, #tpu.memory_space<semaphore_mem>>)
      %dma_start3A_2745 = arith.constant 40 : i32
      %dma_start3A_2746 = arith.constant 256 : i32
      %dma_start3A_2747 = tpu.memref_slice %arg8[%dma_start3A_2745, %dma_start3A_2746] : memref<56x1024xf32, #tpu.memory_space<vmem>> -> memref<8x128xf32, #tpu.memory_space<vmem>>
      %dma_start3A_2748 = arith.constant 336 : i32
      %dma_start3A_2749 = tpu.memref_slice %arg6[%dma_start3A_2748] : memref<448xi32, #tpu.memory_space<vmem>> -> memref<8xi32, #tpu.memory_space<vmem>>
      %dma_start3A_2750 = arith.constant 0 : i32
      %dma_start3A_2751 = arith.constant 0 : i32
      %dma_start3A_2752 = tpu.memref_slice %arg3[%dma_start3A_2750, %dma_start3A_2751] : memref<8000x128xf32, #tpu.memory_space<hbm>> -> memref<8000x128xf32, #tpu.memory_space<hbm>>
      tpu.enqueue_indirect_dma source(%dma_start3A_2752 : memref<8000x128xf32, #tpu.memory_space<hbm>>) target(%dma_start3A_2747 : memref<8x128xf32, #tpu.memory_space<vmem>>) offsets(%dma_start3A_2749 : memref<8xi32, #tpu.memory_space<vmem>>) semaphore(%arg12 : memref<!tpu.dma_semaphore, #tpu.memory_space<semaphore_mem>>)
      %dma_start3A_2753 = arith.constant 40 : i32
      %dma_start3A_2754 = arith.constant 384 : i32
      %dma_start3A_2755 = tpu.memref_slice %arg8[%dma_start3A_2753, %dma_start3A_2754] : memref<56x1024xf32, #tpu.memory_space<vmem>> -> memref<8x128xf32, #tpu.memory_space<vmem>>
      %dma_start3A_2756 = arith.constant 344 : i32
      %dma_start3A_2757 = tpu.memref_slice %arg6[%dma_start3A_2756] : memref<448xi32, #tpu.memory_space<vmem>> -> memref<8xi32, #tpu.memory_space<vmem>>
      %dma_start3A_2758 = arith.constant 0 : i32
      %dma_start3A_2759 = arith.constant 0 : i32
      %dma_start3A_2760 = tpu.memref_slice %arg3[%dma_start3A_2758, %dma_start3A_2759] : memref<8000x128xf32, #tpu.memory_space<hbm>> -> memref<8000x128xf32, #tpu.memory_space<hbm>>
      tpu.enqueue_indirect_dma source(%dma_start3A_2760 : memref<8000x128xf32, #tpu.memory_space<hbm>>) target(%dma_start3A_2755 : memref<8x128xf32, #tpu.memory_space<vmem>>) offsets(%dma_start3A_2757 : memref<8xi32, #tpu.memory_space<vmem>>) semaphore(%arg12 : memref<!tpu.dma_semaphore, #tpu.memory_space<semaphore_mem>>)
      %dma_start3A_2761 = arith.constant 40 : i32
      %dma_start3A_2762 = arith.constant 512 : i32
      %dma_start3A_2763 = tpu.memref_slice %arg8[%dma_start3A_2761, %dma_start3A_2762] : memref<56x1024xf32, #tpu.memory_space<vmem>> -> memref<8x128xf32, #tpu.memory_space<vmem>>
      %dma_start3A_2764 = arith.constant 352 : i32
      %dma_start3A_2765 = tpu.memref_slice %arg6[%dma_start3A_2764] : memref<448xi32, #tpu.memory_space<vmem>> -> memref<8xi32, #tpu.memory_space<vmem>>
      %dma_start3A_2766 = arith.constant 0 : i32
      %dma_start3A_2767 = arith.constant 0 : i32
      %dma_start3A_2768 = tpu.memref_slice %arg3[%dma_start3A_2766, %dma_start3A_2767] : memref<8000x128xf32, #tpu.memory_space<hbm>> -> memref<8000x128xf32, #tpu.memory_space<hbm>>
      tpu.enqueue_indirect_dma source(%dma_start3A_2768 : memref<8000x128xf32, #tpu.memory_space<hbm>>) target(%dma_start3A_2763 : memref<8x128xf32, #tpu.memory_space<vmem>>) offsets(%dma_start3A_2765 : memref<8xi32, #tpu.memory_space<vmem>>) semaphore(%arg12 : memref<!tpu.dma_semaphore, #tpu.memory_space<semaphore_mem>>)
      %dma_start3A_2769 = arith.constant 40 : i32
      %dma_start3A_2770 = arith.constant 640 : i32
      %dma_start3A_2771 = tpu.memref_slice %arg8[%dma_start3A_2769, %dma_start3A_2770] : memref<56x1024xf32, #tpu.memory_space<vmem>> -> memref<8x128xf32, #tpu.memory_space<vmem>>
      %dma_start3A_2772 = arith.constant 360 : i32
      %dma_start3A_2773 = tpu.memref_slice %arg6[%dma_start3A_2772] : memref<448xi32, #tpu.memory_space<vmem>> -> memref<8xi32, #tpu.memory_space<vmem>>
      %dma_start3A_2774 = arith.constant 0 : i32
      %dma_start3A_2775 = arith.constant 0 : i32
      %dma_start3A_2776 = tpu.memref_slice %arg3[%dma_start3A_2774, %dma_start3A_2775] : memref<8000x128xf32, #tpu.memory_space<hbm>> -> memref<8000x128xf32, #tpu.memory_space<hbm>>
      tpu.enqueue_indirect_dma source(%dma_start3A_2776 : memref<8000x128xf32, #tpu.memory_space<hbm>>) target(%dma_start3A_2771 : memref<8x128xf32, #tpu.memory_space<vmem>>) offsets(%dma_start3A_2773 : memref<8xi32, #tpu.memory_space<vmem>>) semaphore(%arg12 : memref<!tpu.dma_semaphore, #tpu.memory_space<semaphore_mem>>)
      %dma_start3A_2777 = arith.constant 40 : i32
      %dma_start3A_2778 = arith.constant 768 : i32
      %dma_start3A_2779 = tpu.memref_slice %arg8[%dma_start3A_2777, %dma_start3A_2778] : memref<56x1024xf32, #tpu.memory_space<vmem>> -> memref<8x128xf32, #tpu.memory_space<vmem>>
      %dma_start3A_2780 = arith.constant 368 : i32
      %dma_start3A_2781 = tpu.memref_slice %arg6[%dma_start3A_2780] : memref<448xi32, #tpu.memory_space<vmem>> -> memref<8xi32, #tpu.memory_space<vmem>>
      %dma_start3A_2782 = arith.constant 0 : i32
      %dma_start3A_2783 = arith.constant 0 : i32
      %dma_start3A_2784 = tpu.memref_slice %arg3[%dma_start3A_2782, %dma_start3A_2783] : memref<8000x128xf32, #tpu.memory_space<hbm>> -> memref<8000x128xf32, #tpu.memory_space<hbm>>
      tpu.enqueue_indirect_dma source(%dma_start3A_2784 : memref<8000x128xf32, #tpu.memory_space<hbm>>) target(%dma_start3A_2779 : memref<8x128xf32, #tpu.memory_space<vmem>>) offsets(%dma_start3A_2781 : memref<8xi32, #tpu.memory_space<vmem>>) semaphore(%arg12 : memref<!tpu.dma_semaphore, #tpu.memory_space<semaphore_mem>>)
      %dma_start3A_2785 = arith.constant 40 : i32
      %dma_start3A_2786 = arith.constant 896 : i32
      %dma_start3A_2787 = tpu.memref_slice %arg8[%dma_start3A_2785, %dma_start3A_2786] : memref<56x1024xf32, #tpu.memory_space<vmem>> -> memref<8x128xf32, #tpu.memory_space<vmem>>
      %dma_start3A_2788 = arith.constant 376 : i32
      %dma_start3A_2789 = tpu.memref_slice %arg6[%dma_start3A_2788] : memref<448xi32, #tpu.memory_space<vmem>> -> memref<8xi32, #tpu.memory_space<vmem>>
      %dma_start3A_2790 = arith.constant 0 : i32
      %dma_start3A_2791 = arith.constant 0 : i32
      %dma_start3A_2792 = tpu.memref_slice %arg3[%dma_start3A_2790, %dma_start3A_2791] : memref<8000x128xf32, #tpu.memory_space<hbm>> -> memref<8000x128xf32, #tpu.memory_space<hbm>>
      tpu.enqueue_indirect_dma source(%dma_start3A_2792 : memref<8000x128xf32, #tpu.memory_space<hbm>>) target(%dma_start3A_2787 : memref<8x128xf32, #tpu.memory_space<vmem>>) offsets(%dma_start3A_2789 : memref<8xi32, #tpu.memory_space<vmem>>) semaphore(%arg12 : memref<!tpu.dma_semaphore, #tpu.memory_space<semaphore_mem>>)
      %dma_start3A_2793 = arith.constant 48 : i32
      %dma_start3A_2794 = arith.constant 0 : i32
      %dma_start3A_2795 = tpu.memref_slice %arg8[%dma_start3A_2793, %dma_start3A_2794] : memref<56x1024xf32, #tpu.memory_space<vmem>> -> memref<8x128xf32, #tpu.memory_space<vmem>>
      %dma_start3A_2796 = arith.constant 384 : i32
      %dma_start3A_2797 = tpu.memref_slice %arg6[%dma_start3A_2796] : memref<448xi32, #tpu.memory_space<vmem>> -> memref<8xi32, #tpu.memory_space<vmem>>
      %dma_start3A_2798 = arith.constant 0 : i32
      %dma_start3A_2799 = arith.constant 0 : i32
      %dma_start3A_2800 = tpu.memref_slice %arg3[%dma_start3A_2798, %dma_start3A_2799] : memref<8000x128xf32, #tpu.memory_space<hbm>> -> memref<8000x128xf32, #tpu.memory_space<hbm>>
      tpu.enqueue_indirect_dma source(%dma_start3A_2800 : memref<8000x128xf32, #tpu.memory_space<hbm>>) target(%dma_start3A_2795 : memref<8x128xf32, #tpu.memory_space<vmem>>) offsets(%dma_start3A_2797 : memref<8xi32, #tpu.memory_space<vmem>>) semaphore(%arg12 : memref<!tpu.dma_semaphore, #tpu.memory_space<semaphore_mem>>)
      %dma_start3A_2801 = arith.constant 48 : i32
      %dma_start3A_2802 = arith.constant 128 : i32
      %dma_start3A_2803 = tpu.memref_slice %arg8[%dma_start3A_2801, %dma_start3A_2802] : memref<56x1024xf32, #tpu.memory_space<vmem>> -> memref<8x128xf32, #tpu.memory_space<vmem>>
      %dma_start3A_2804 = arith.constant 392 : i32
      %dma_start3A_2805 = tpu.memref_slice %arg6[%dma_start3A_2804] : memref<448xi32, #tpu.memory_space<vmem>> -> memref<8xi32, #tpu.memory_space<vmem>>
      %dma_start3A_2806 = arith.constant 0 : i32
      %dma_start3A_2807 = arith.constant 0 : i32
      %dma_start3A_2808 = tpu.memref_slice %arg3[%dma_start3A_2806, %dma_start3A_2807] : memref<8000x128xf32, #tpu.memory_space<hbm>> -> memref<8000x128xf32, #tpu.memory_space<hbm>>
      tpu.enqueue_indirect_dma source(%dma_start3A_2808 : memref<8000x128xf32, #tpu.memory_space<hbm>>) target(%dma_start3A_2803 : memref<8x128xf32, #tpu.memory_space<vmem>>) offsets(%dma_start3A_2805 : memref<8xi32, #tpu.memory_space<vmem>>) semaphore(%arg12 : memref<!tpu.dma_semaphore, #tpu.memory_space<semaphore_mem>>)
      %dma_start3A_2809 = arith.constant 48 : i32
      %dma_start3A_2810 = arith.constant 256 : i32
      %dma_start3A_2811 = tpu.memref_slice %arg8[%dma_start3A_2809, %dma_start3A_2810] : memref<56x1024xf32, #tpu.memory_space<vmem>> -> memref<8x128xf32, #tpu.memory_space<vmem>>
      %dma_start3A_2812 = arith.constant 400 : i32
      %dma_start3A_2813 = tpu.memref_slice %arg6[%dma_start3A_2812] : memref<448xi32, #tpu.memory_space<vmem>> -> memref<8xi32, #tpu.memory_space<vmem>>
      %dma_start3A_2814 = arith.constant 0 : i32
      %dma_start3A_2815 = arith.constant 0 : i32
      %dma_start3A_2816 = tpu.memref_slice %arg3[%dma_start3A_2814, %dma_start3A_2815] : memref<8000x128xf32, #tpu.memory_space<hbm>> -> memref<8000x128xf32, #tpu.memory_space<hbm>>
      tpu.enqueue_indirect_dma source(%dma_start3A_2816 : memref<8000x128xf32, #tpu.memory_space<hbm>>) target(%dma_start3A_2811 : memref<8x128xf32, #tpu.memory_space<vmem>>) offsets(%dma_start3A_2813 : memref<8xi32, #tpu.memory_space<vmem>>) semaphore(%arg12 : memref<!tpu.dma_semaphore, #tpu.memory_space<semaphore_mem>>)
      %dma_start3A_2817 = arith.constant 48 : i32
      %dma_start3A_2818 = arith.constant 384 : i32
      %dma_start3A_2819 = tpu.memref_slice %arg8[%dma_start3A_2817, %dma_start3A_2818] : memref<56x1024xf32, #tpu.memory_space<vmem>> -> memref<8x128xf32, #tpu.memory_space<vmem>>
      %dma_start3A_2820 = arith.constant 408 : i32
      %dma_start3A_2821 = tpu.memref_slice %arg6[%dma_start3A_2820] : memref<448xi32, #tpu.memory_space<vmem>> -> memref<8xi32, #tpu.memory_space<vmem>>
      %dma_start3A_2822 = arith.constant 0 : i32
      %dma_start3A_2823 = arith.constant 0 : i32
      %dma_start3A_2824 = tpu.memref_slice %arg3[%dma_start3A_2822, %dma_start3A_2823] : memref<8000x128xf32, #tpu.memory_space<hbm>> -> memref<8000x128xf32, #tpu.memory_space<hbm>>
      tpu.enqueue_indirect_dma source(%dma_start3A_2824 : memref<8000x128xf32, #tpu.memory_space<hbm>>) target(%dma_start3A_2819 : memref<8x128xf32, #tpu.memory_space<vmem>>) offsets(%dma_start3A_2821 : memref<8xi32, #tpu.memory_space<vmem>>) semaphore(%arg12 : memref<!tpu.dma_semaphore, #tpu.memory_space<semaphore_mem>>)
      %dma_start3A_2825 = arith.constant 48 : i32
      %dma_start3A_2826 = arith.constant 512 : i32
      %dma_start3A_2827 = tpu.memref_slice %arg8[%dma_start3A_2825, %dma_start3A_2826] : memref<56x1024xf32, #tpu.memory_space<vmem>> -> memref<8x128xf32, #tpu.memory_space<vmem>>
      %dma_start3A_2828 = arith.constant 416 : i32
      %dma_start3A_2829 = tpu.memref_slice %arg6[%dma_start3A_2828] : memref<448xi32, #tpu.memory_space<vmem>> -> memref<8xi32, #tpu.memory_space<vmem>>
      %dma_start3A_2830 = arith.constant 0 : i32
      %dma_start3A_2831 = arith.constant 0 : i32
      %dma_start3A_2832 = tpu.memref_slice %arg3[%dma_start3A_2830, %dma_start3A_2831] : memref<8000x128xf32, #tpu.memory_space<hbm>> -> memref<8000x128xf32, #tpu.memory_space<hbm>>
      tpu.enqueue_indirect_dma source(%dma_start3A_2832 : memref<8000x128xf32, #tpu.memory_space<hbm>>) target(%dma_start3A_2827 : memref<8x128xf32, #tpu.memory_space<vmem>>) offsets(%dma_start3A_2829 : memref<8xi32, #tpu.memory_space<vmem>>) semaphore(%arg12 : memref<!tpu.dma_semaphore, #tpu.memory_space<semaphore_mem>>)
      %dma_start3A_2833 = arith.constant 48 : i32
      %dma_start3A_2834 = arith.constant 640 : i32
      %dma_start3A_2835 = tpu.memref_slice %arg8[%dma_start3A_2833, %dma_start3A_2834] : memref<56x1024xf32, #tpu.memory_space<vmem>> -> memref<8x128xf32, #tpu.memory_space<vmem>>
      %dma_start3A_2836 = arith.constant 424 : i32
      %dma_start3A_2837 = tpu.memref_slice %arg6[%dma_start3A_2836] : memref<448xi32, #tpu.memory_space<vmem>> -> memref<8xi32, #tpu.memory_space<vmem>>
      %dma_start3A_2838 = arith.constant 0 : i32
      %dma_start3A_2839 = arith.constant 0 : i32
      %dma_start3A_2840 = tpu.memref_slice %arg3[%dma_start3A_2838, %dma_start3A_2839] : memref<8000x128xf32, #tpu.memory_space<hbm>> -> memref<8000x128xf32, #tpu.memory_space<hbm>>
      tpu.enqueue_indirect_dma source(%dma_start3A_2840 : memref<8000x128xf32, #tpu.memory_space<hbm>>) target(%dma_start3A_2835 : memref<8x128xf32, #tpu.memory_space<vmem>>) offsets(%dma_start3A_2837 : memref<8xi32, #tpu.memory_space<vmem>>) semaphore(%arg12 : memref<!tpu.dma_semaphore, #tpu.memory_space<semaphore_mem>>)
      %dma_start3A_2841 = arith.constant 48 : i32
      %dma_start3A_2842 = arith.constant 768 : i32
      %dma_start3A_2843 = tpu.memref_slice %arg8[%dma_start3A_2841, %dma_start3A_2842] : memref<56x1024xf32, #tpu.memory_space<vmem>> -> memref<8x128xf32, #tpu.memory_space<vmem>>
      %dma_start3A_2844 = arith.constant 432 : i32
      %dma_start3A_2845 = tpu.memref_slice %arg6[%dma_start3A_2844] : memref<448xi32, #tpu.memory_space<vmem>> -> memref<8xi32, #tpu.memory_space<vmem>>
      %dma_start3A_2846 = arith.constant 0 : i32
      %dma_start3A_2847 = arith.constant 0 : i32
      %dma_start3A_2848 = tpu.memref_slice %arg3[%dma_start3A_2846, %dma_start3A_2847] : memref<8000x128xf32, #tpu.memory_space<hbm>> -> memref<8000x128xf32, #tpu.memory_space<hbm>>
      tpu.enqueue_indirect_dma source(%dma_start3A_2848 : memref<8000x128xf32, #tpu.memory_space<hbm>>) target(%dma_start3A_2843 : memref<8x128xf32, #tpu.memory_space<vmem>>) offsets(%dma_start3A_2845 : memref<8xi32, #tpu.memory_space<vmem>>) semaphore(%arg12 : memref<!tpu.dma_semaphore, #tpu.memory_space<semaphore_mem>>)
      %dma_start3A_2849 = arith.constant 48 : i32
      %dma_start3A_2850 = arith.constant 896 : i32
      %dma_start3A_2851 = tpu.memref_slice %arg8[%dma_start3A_2849, %dma_start3A_2850] : memref<56x1024xf32, #tpu.memory_space<vmem>> -> memref<8x128xf32, #tpu.memory_space<vmem>>
      %dma_start3A_2852 = arith.constant 440 : i32
      %dma_start3A_2853 = tpu.memref_slice %arg6[%dma_start3A_2852] : memref<448xi32, #tpu.memory_space<vmem>> -> memref<8xi32, #tpu.memory_space<vmem>>
      %dma_start3A_2854 = arith.constant 0 : i32
      %dma_start3A_2855 = arith.constant 0 : i32
      %dma_start3A_2856 = tpu.memref_slice %arg3[%dma_start3A_2854, %dma_start3A_2855] : memref<8000x128xf32, #tpu.memory_space<hbm>> -> memref<8000x128xf32, #tpu.memory_space<hbm>>
      tpu.enqueue_indirect_dma source(%dma_start3A_2856 : memref<8000x128xf32, #tpu.memory_space<hbm>>) target(%dma_start3A_2851 : memref<8x128xf32, #tpu.memory_space<vmem>>) offsets(%dma_start3A_2853 : memref<8xi32, #tpu.memory_space<vmem>>) semaphore(%arg12 : memref<!tpu.dma_semaphore, #tpu.memory_space<semaphore_mem>>)
      %dma_wait3A_2857 = arith.constant 0 : i32
      %dma_wait3A_2858 = arith.constant 0 : i32
      %dma_wait3A_2859 = tpu.memref_slice %arg8[%dma_wait3A_2857, %dma_wait3A_2858] : memref<56x1024xf32, #tpu.memory_space<vmem>> -> memref<8x1024xf32, #tpu.memory_space<vmem>>
      %dma_wait3A_2860 = arith.constant 0 : i32
      %dma_wait3A_2861 = arith.constant 0 : i32
      %dma_wait3A_2862 = tpu.memref_slice %arg4[%mul3A_2, %dma_wait3A_2860, %dma_wait3A_2861] : memref<4096x50x1024xf32, #tpu.memory_space<hbm>> -> memref<1x8x1024xf32, #tpu.memory_space<hbm>>
      %dma_wait3A_2863 = tpu.memref_squeeze %dma_wait3A_2862 : memref<1x8x1024xf32, #tpu.memory_space<hbm>> -> memref<8x1024xf32, #tpu.memory_space<hbm>>
      %dma_wait3A_2864 = arith.constant 0 : i32
      %dma_wait3A_2865 = arith.constant 0 : i32
      %dma_wait3A_2866 = tpu.memref_slice %arg8[%dma_wait3A_2864, %dma_wait3A_2865] : memref<56x1024xf32, #tpu.memory_space<vmem>> -> memref<8x1024xf32, #tpu.memory_space<vmem>>
      %dma_wait3A_2867 = arith.constant 0 : i32
      %dma_wait3A_2868 = arith.constant 0 : i32
      %dma_wait3A_2869 = tpu.memref_slice %arg4[%mul3A_2, %dma_wait3A_2867, %dma_wait3A_2868] : memref<4096x50x1024xf32, #tpu.memory_space<hbm>> -> memref<1x8x1024xf32, #tpu.memory_space<hbm>>
      %dma_wait3A_2870 = tpu.memref_squeeze %dma_wait3A_2869 : memref<1x8x1024xf32, #tpu.memory_space<hbm>> -> memref<8x1024xf32, #tpu.memory_space<hbm>>
      tpu.wait_dma2 semaphore(%arg12 : memref<!tpu.dma_semaphore, #tpu.memory_space<semaphore_mem>>) src(%dma_wait3A_2870 : memref<8x1024xf32, #tpu.memory_space<hbm>>) dst(%dma_wait3A_2866 : memref<8x1024xf32, #tpu.memory_space<vmem>>)
      %dma_wait3A_2871 = arith.constant 0 : i32
      %dma_wait3A_2872 = arith.constant 0 : i32
      %dma_wait3A_2873 = tpu.memref_slice %arg8[%dma_wait3A_2871, %dma_wait3A_2872] : memref<56x1024xf32, #tpu.memory_space<vmem>> -> memref<8x1024xf32, #tpu.memory_space<vmem>>
      %dma_wait3A_2874 = arith.constant 0 : i32
      %dma_wait3A_2875 = arith.constant 0 : i32
      %dma_wait3A_2876 = tpu.memref_slice %arg4[%mul3A_2, %dma_wait3A_2874, %dma_wait3A_2875] : memref<4096x50x1024xf32, #tpu.memory_space<hbm>> -> memref<1x8x1024xf32, #tpu.memory_space<hbm>>
      %dma_wait3A_2877 = tpu.memref_squeeze %dma_wait3A_2876 : memref<1x8x1024xf32, #tpu.memory_space<hbm>> -> memref<8x1024xf32, #tpu.memory_space<hbm>>
      %dma_wait3A_2878 = arith.constant 0 : i32
      %dma_wait3A_2879 = arith.constant 0 : i32
      %dma_wait3A_2880 = tpu.memref_slice %arg8[%dma_wait3A_2878, %dma_wait3A_2879] : memref<56x1024xf32, #tpu.memory_space<vmem>> -> memref<8x1024xf32, #tpu.memory_space<vmem>>
      %dma_wait3A_2881 = arith.constant 0 : i32
      %dma_wait3A_2882 = arith.constant 0 : i32
      %dma_wait3A_2883 = tpu.memref_slice %arg4[%mul3A_2, %dma_wait3A_2881, %dma_wait3A_2882] : memref<4096x50x1024xf32, #tpu.memory_space<hbm>> -> memref<1x8x1024xf32, #tpu.memory_space<hbm>>
      %dma_wait3A_2884 = tpu.memref_squeeze %dma_wait3A_2883 : memref<1x8x1024xf32, #tpu.memory_space<hbm>> -> memref<8x1024xf32, #tpu.memory_space<hbm>>
      tpu.wait_dma2 semaphore(%arg12 : memref<!tpu.dma_semaphore, #tpu.memory_space<semaphore_mem>>) src(%dma_wait3A_2884 : memref<8x1024xf32, #tpu.memory_space<hbm>>) dst(%dma_wait3A_2880 : memref<8x1024xf32, #tpu.memory_space<vmem>>)
      %dma_wait3A_2885 = arith.constant 0 : i32
      %dma_wait3A_2886 = arith.constant 0 : i32
      %dma_wait3A_2887 = tpu.memref_slice %arg8[%dma_wait3A_2885, %dma_wait3A_2886] : memref<56x1024xf32, #tpu.memory_space<vmem>> -> memref<8x1024xf32, #tpu.memory_space<vmem>>
      %dma_wait3A_2888 = arith.constant 0 : i32
      %dma_wait3A_2889 = arith.constant 0 : i32
      %dma_wait3A_2890 = tpu.memref_slice %arg4[%mul3A_2, %dma_wait3A_2888, %dma_wait3A_2889] : memref<4096x50x1024xf32, #tpu.memory_space<hbm>> -> memref<1x8x1024xf32, #tpu.memory_space<hbm>>
      %dma_wait3A_2891 = tpu.memref_squeeze %dma_wait3A_2890 : memref<1x8x1024xf32, #tpu.memory_space<hbm>> -> memref<8x1024xf32, #tpu.memory_space<hbm>>
      %dma_wait3A_2892 = arith.constant 0 : i32
      %dma_wait3A_2893 = arith.constant 0 : i32
      %dma_wait3A_2894 = tpu.memref_slice %arg8[%dma_wait3A_2892, %dma_wait3A_2893] : memref<56x1024xf32, #tpu.memory_space<vmem>> -> memref<8x1024xf32, #tpu.memory_space<vmem>>
      %dma_wait3A_2895 = arith.constant 0 : i32
      %dma_wait3A_2896 = arith.constant 0 : i32
      %dma_wait3A_2897 = tpu.memref_slice %arg4[%mul3A_2, %dma_wait3A_2895, %dma_wait3A_2896] : memref<4096x50x1024xf32, #tpu.memory_space<hbm>> -> memref<1x8x1024xf32, #tpu.memory_space<hbm>>
      %dma_wait3A_2898 = tpu.memref_squeeze %dma_wait3A_2897 : memref<1x8x1024xf32, #tpu.memory_space<hbm>> -> memref<8x1024xf32, #tpu.memory_space<hbm>>
      tpu.wait_dma2 semaphore(%arg12 : memref<!tpu.dma_semaphore, #tpu.memory_space<semaphore_mem>>) src(%dma_wait3A_2898 : memref<8x1024xf32, #tpu.memory_space<hbm>>) dst(%dma_wait3A_2894 : memref<8x1024xf32, #tpu.memory_space<vmem>>)
      %dma_wait3A_2899 = arith.constant 0 : i32
      %dma_wait3A_2900 = arith.constant 0 : i32
      %dma_wait3A_2901 = tpu.memref_slice %arg8[%dma_wait3A_2899, %dma_wait3A_2900] : memref<56x1024xf32, #tpu.memory_space<vmem>> -> memref<8x1024xf32, #tpu.memory_space<vmem>>
      %dma_wait3A_2902 = arith.constant 0 : i32
      %dma_wait3A_2903 = arith.constant 0 : i32
      %dma_wait3A_2904 = tpu.memref_slice %arg4[%mul3A_2, %dma_wait3A_2902, %dma_wait3A_2903] : memref<4096x50x1024xf32, #tpu.memory_space<hbm>> -> memref<1x8x1024xf32, #tpu.memory_space<hbm>>
      %dma_wait3A_2905 = tpu.memref_squeeze %dma_wait3A_2904 : memref<1x8x1024xf32, #tpu.memory_space<hbm>> -> memref<8x1024xf32, #tpu.memory_space<hbm>>
      %dma_wait3A_2906 = arith.constant 0 : i32
      %dma_wait3A_2907 = arith.constant 0 : i32
      %dma_wait3A_2908 = tpu.memref_slice %arg8[%dma_wait3A_2906, %dma_wait3A_2907] : memref<56x1024xf32, #tpu.memory_space<vmem>> -> memref<8x1024xf32, #tpu.memory_space<vmem>>
      %dma_wait3A_2909 = arith.constant 0 : i32
      %dma_wait3A_2910 = arith.constant 0 : i32
      %dma_wait3A_2911 = tpu.memref_slice %arg4[%mul3A_2, %dma_wait3A_2909, %dma_wait3A_2910] : memref<4096x50x1024xf32, #tpu.memory_space<hbm>> -> memref<1x8x1024xf32, #tpu.memory_space<hbm>>
      %dma_wait3A_2912 = tpu.memref_squeeze %dma_wait3A_2911 : memref<1x8x1024xf32, #tpu.memory_space<hbm>> -> memref<8x1024xf32, #tpu.memory_space<hbm>>
      tpu.wait_dma2 semaphore(%arg12 : memref<!tpu.dma_semaphore, #tpu.memory_space<semaphore_mem>>) src(%dma_wait3A_2912 : memref<8x1024xf32, #tpu.memory_space<hbm>>) dst(%dma_wait3A_2908 : memref<8x1024xf32, #tpu.memory_space<vmem>>)
      %dma_wait3A_2913 = arith.constant 0 : i32
      %dma_wait3A_2914 = arith.constant 0 : i32
      %dma_wait3A_2915 = tpu.memref_slice %arg8[%dma_wait3A_2913, %dma_wait3A_2914] : memref<56x1024xf32, #tpu.memory_space<vmem>> -> memref<8x1024xf32, #tpu.memory_space<vmem>>
      %dma_wait3A_2916 = arith.constant 0 : i32
      %dma_wait3A_2917 = arith.constant 0 : i32
      %dma_wait3A_2918 = tpu.memref_slice %arg4[%mul3A_2, %dma_wait3A_2916, %dma_wait3A_2917] : memref<4096x50x1024xf32, #tpu.memory_space<hbm>> -> memref<1x8x1024xf32, #tpu.memory_space<hbm>>
      %dma_wait3A_2919 = tpu.memref_squeeze %dma_wait3A_2918 : memref<1x8x1024xf32, #tpu.memory_space<hbm>> -> memref<8x1024xf32, #tpu.memory_space<hbm>>
      %dma_wait3A_2920 = arith.constant 0 : i32
      %dma_wait3A_2921 = arith.constant 0 : i32
      %dma_wait3A_2922 = tpu.memref_slice %arg8[%dma_wait3A_2920, %dma_wait3A_2921] : memref<56x1024xf32, #tpu.memory_space<vmem>> -> memref<8x1024xf32, #tpu.memory_space<vmem>>
      %dma_wait3A_2923 = arith.constant 0 : i32
      %dma_wait3A_2924 = arith.constant 0 : i32
      %dma_wait3A_2925 = tpu.memref_slice %arg4[%mul3A_2, %dma_wait3A_2923, %dma_wait3A_2924] : memref<4096x50x1024xf32, #tpu.memory_space<hbm>> -> memref<1x8x1024xf32, #tpu.memory_space<hbm>>
      %dma_wait3A_2926 = tpu.memref_squeeze %dma_wait3A_2925 : memref<1x8x1024xf32, #tpu.memory_space<hbm>> -> memref<8x1024xf32, #tpu.memory_space<hbm>>
      tpu.wait_dma2 semaphore(%arg12 : memref<!tpu.dma_semaphore, #tpu.memory_space<semaphore_mem>>) src(%dma_wait3A_2926 : memref<8x1024xf32, #tpu.memory_space<hbm>>) dst(%dma_wait3A_2922 : memref<8x1024xf32, #tpu.memory_space<vmem>>)
      %dma_wait3A_2927 = arith.constant 0 : i32
      %dma_wait3A_2928 = arith.constant 0 : i32
      %dma_wait3A_2929 = tpu.memref_slice %arg8[%dma_wait3A_2927, %dma_wait3A_2928] : memref<56x1024xf32, #tpu.memory_space<vmem>> -> memref<8x1024xf32, #tpu.memory_space<vmem>>
      %dma_wait3A_2930 = arith.constant 0 : i32
      %dma_wait3A_2931 = arith.constant 0 : i32
      %dma_wait3A_2932 = tpu.memref_slice %arg4[%mul3A_2, %dma_wait3A_2930, %dma_wait3A_2931] : memref<4096x50x1024xf32, #tpu.memory_space<hbm>> -> memref<1x8x1024xf32, #tpu.memory_space<hbm>>
      %dma_wait3A_2933 = tpu.memref_squeeze %dma_wait3A_2932 : memref<1x8x1024xf32, #tpu.memory_space<hbm>> -> memref<8x1024xf32, #tpu.memory_space<hbm>>
      %dma_wait3A_2934 = arith.constant 0 : i32
      %dma_wait3A_2935 = arith.constant 0 : i32
      %dma_wait3A_2936 = tpu.memref_slice %arg8[%dma_wait3A_2934, %dma_wait3A_2935] : memref<56x1024xf32, #tpu.memory_space<vmem>> -> memref<8x1024xf32, #tpu.memory_space<vmem>>
      %dma_wait3A_2937 = arith.constant 0 : i32
      %dma_wait3A_2938 = arith.constant 0 : i32
      %dma_wait3A_2939 = tpu.memref_slice %arg4[%mul3A_2, %dma_wait3A_2937, %dma_wait3A_2938] : memref<4096x50x1024xf32, #tpu.memory_space<hbm>> -> memref<1x8x1024xf32, #tpu.memory_space<hbm>>
      %dma_wait3A_2940 = tpu.memref_squeeze %dma_wait3A_2939 : memref<1x8x1024xf32, #tpu.memory_space<hbm>> -> memref<8x1024xf32, #tpu.memory_space<hbm>>
      tpu.wait_dma2 semaphore(%arg12 : memref<!tpu.dma_semaphore, #tpu.memory_space<semaphore_mem>>) src(%dma_wait3A_2940 : memref<8x1024xf32, #tpu.memory_space<hbm>>) dst(%dma_wait3A_2936 : memref<8x1024xf32, #tpu.memory_space<vmem>>)
      %dma_wait3A_2941 = arith.constant 0 : i32
      %dma_wait3A_2942 = arith.constant 0 : i32
      %dma_wait3A_2943 = tpu.memref_slice %arg8[%dma_wait3A_2941, %dma_wait3A_2942] : memref<56x1024xf32, #tpu.memory_space<vmem>> -> memref<8x1024xf32, #tpu.memory_space<vmem>>
      %dma_wait3A_2944 = arith.constant 0 : i32
      %dma_wait3A_2945 = arith.constant 0 : i32
      %dma_wait3A_2946 = tpu.memref_slice %arg4[%mul3A_2, %dma_wait3A_2944, %dma_wait3A_2945] : memref<4096x50x1024xf32, #tpu.memory_space<hbm>> -> memref<1x8x1024xf32, #tpu.memory_space<hbm>>
      %dma_wait3A_2947 = tpu.memref_squeeze %dma_wait3A_2946 : memref<1x8x1024xf32, #tpu.memory_space<hbm>> -> memref<8x1024xf32, #tpu.memory_space<hbm>>
      %dma_wait3A_2948 = arith.constant 0 : i32
      %dma_wait3A_2949 = arith.constant 0 : i32
      %dma_wait3A_2950 = tpu.memref_slice %arg8[%dma_wait3A_2948, %dma_wait3A_2949] : memref<56x1024xf32, #tpu.memory_space<vmem>> -> memref<8x1024xf32, #tpu.memory_space<vmem>>
      %dma_wait3A_2951 = arith.constant 0 : i32
      %dma_wait3A_2952 = arith.constant 0 : i32
      %dma_wait3A_2953 = tpu.memref_slice %arg4[%mul3A_2, %dma_wait3A_2951, %dma_wait3A_2952] : memref<4096x50x1024xf32, #tpu.memory_space<hbm>> -> memref<1x8x1024xf32, #tpu.memory_space<hbm>>
      %dma_wait3A_2954 = tpu.memref_squeeze %dma_wait3A_2953 : memref<1x8x1024xf32, #tpu.memory_space<hbm>> -> memref<8x1024xf32, #tpu.memory_space<hbm>>
      tpu.wait_dma2 semaphore(%arg12 : memref<!tpu.dma_semaphore, #tpu.memory_space<semaphore_mem>>) src(%dma_wait3A_2954 : memref<8x1024xf32, #tpu.memory_space<hbm>>) dst(%dma_wait3A_2950 : memref<8x1024xf32, #tpu.memory_space<vmem>>)
      %add3A_2955 = arith.addi %mul3A_2, %add3A_2305 : i32
      %dma_start3A_2956 = arith.constant 0 : i32
      %dma_start3A_2957 = arith.constant 0 : i32
      %dma_start3A_2958 = tpu.memref_slice %arg8[%dma_start3A_2956, %dma_start3A_2957] : memref<56x1024xf32, #tpu.memory_space<vmem>> -> memref<8x1024xf32, #tpu.memory_space<vmem>>
      %dma_start3A_2959 = arith.constant 0 : i32
      %dma_start3A_2960 = arith.constant 0 : i32
      %dma_start3A_2961 = tpu.memref_slice %arg4[%add3A_2955, %dma_start3A_2959, %dma_start3A_2960] : memref<4096x50x1024xf32, #tpu.memory_space<hbm>> -> memref<1x8x1024xf32, #tpu.memory_space<hbm>>
      %dma_start3A_2962 = tpu.memref_squeeze %dma_start3A_2961 : memref<1x8x1024xf32, #tpu.memory_space<hbm>> -> memref<8x1024xf32, #tpu.memory_space<hbm>>
      %dma_start3A_2963 = arith.constant 0 : i32
      %dma_start3A_2964 = arith.constant 0 : i32
      %dma_start3A_2965 = tpu.memref_slice %arg4[%add3A_2955, %dma_start3A_2963, %dma_start3A_2964] : memref<4096x50x1024xf32, #tpu.memory_space<hbm>> -> memref<1x8x1024xf32, #tpu.memory_space<hbm>>
      %dma_start3A_2966 = tpu.memref_squeeze %dma_start3A_2965 : memref<1x8x1024xf32, #tpu.memory_space<hbm>> -> memref<8x1024xf32, #tpu.memory_space<hbm>>
      %dma_start3A_2967 = arith.constant 0 : i32
      %dma_start3A_2968 = arith.constant 0 : i32
      %dma_start3A_2969 = tpu.memref_slice %arg8[%dma_start3A_2967, %dma_start3A_2968] : memref<56x1024xf32, #tpu.memory_space<vmem>> -> memref<8x1024xf32, #tpu.memory_space<vmem>>
      tpu.enqueue_dma source(%dma_start3A_2969 : memref<8x1024xf32, #tpu.memory_space<vmem>>) target(%dma_start3A_2966 : memref<8x1024xf32, #tpu.memory_space<hbm>>) target_semaphore(%arg14 : memref<!tpu.dma_semaphore, #tpu.memory_space<semaphore_mem>>)
      %dma_start3A_2970 = arith.constant 8 : i32
      %dma_start3A_2971 = arith.constant 0 : i32
      %dma_start3A_2972 = tpu.memref_slice %arg8[%dma_start3A_2970, %dma_start3A_2971] : memref<56x1024xf32, #tpu.memory_space<vmem>> -> memref<8x1024xf32, #tpu.memory_space<vmem>>
      %dma_start3A_2973 = arith.constant 8 : i32
      %dma_start3A_2974 = arith.constant 0 : i32
      %dma_start3A_2975 = tpu.memref_slice %arg4[%add3A_2955, %dma_start3A_2973, %dma_start3A_2974] : memref<4096x50x1024xf32, #tpu.memory_space<hbm>> -> memref<1x8x1024xf32, #tpu.memory_space<hbm>>
      %dma_start3A_2976 = tpu.memref_squeeze %dma_start3A_2975 : memref<1x8x1024xf32, #tpu.memory_space<hbm>> -> memref<8x1024xf32, #tpu.memory_space<hbm>>
      %dma_start3A_2977 = arith.constant 8 : i32
      %dma_start3A_2978 = arith.constant 0 : i32
      %dma_start3A_2979 = tpu.memref_slice %arg4[%add3A_2955, %dma_start3A_2977, %dma_start3A_2978] : memref<4096x50x1024xf32, #tpu.memory_space<hbm>> -> memref<1x8x1024xf32, #tpu.memory_space<hbm>>
      %dma_start3A_2980 = tpu.memref_squeeze %dma_start3A_2979 : memref<1x8x1024xf32, #tpu.memory_space<hbm>> -> memref<8x1024xf32, #tpu.memory_space<hbm>>
      %dma_start3A_2981 = arith.constant 8 : i32
      %dma_start3A_2982 = arith.constant 0 : i32
      %dma_start3A_2983 = tpu.memref_slice %arg8[%dma_start3A_2981, %dma_start3A_2982] : memref<56x1024xf32, #tpu.memory_space<vmem>> -> memref<8x1024xf32, #tpu.memory_space<vmem>>
      tpu.enqueue_dma source(%dma_start3A_2983 : memref<8x1024xf32, #tpu.memory_space<vmem>>) target(%dma_start3A_2980 : memref<8x1024xf32, #tpu.memory_space<hbm>>) target_semaphore(%arg14 : memref<!tpu.dma_semaphore, #tpu.memory_space<semaphore_mem>>)
      %dma_start3A_2984 = arith.constant 16 : i32
      %dma_start3A_2985 = arith.constant 0 : i32
      %dma_start3A_2986 = tpu.memref_slice %arg8[%dma_start3A_2984, %dma_start3A_2985] : memref<56x1024xf32, #tpu.memory_space<vmem>> -> memref<8x1024xf32, #tpu.memory_space<vmem>>
      %dma_start3A_2987 = arith.constant 16 : i32
      %dma_start3A_2988 = arith.constant 0 : i32
      %dma_start3A_2989 = tpu.memref_slice %arg4[%add3A_2955, %dma_start3A_2987, %dma_start3A_2988] : memref<4096x50x1024xf32, #tpu.memory_space<hbm>> -> memref<1x8x1024xf32, #tpu.memory_space<hbm>>
      %dma_start3A_2990 = tpu.memref_squeeze %dma_start3A_2989 : memref<1x8x1024xf32, #tpu.memory_space<hbm>> -> memref<8x1024xf32, #tpu.memory_space<hbm>>
      %dma_start3A_2991 = arith.constant 16 : i32
      %dma_start3A_2992 = arith.constant 0 : i32
      %dma_start3A_2993 = tpu.memref_slice %arg4[%add3A_2955, %dma_start3A_2991, %dma_start3A_2992] : memref<4096x50x1024xf32, #tpu.memory_space<hbm>> -> memref<1x8x1024xf32, #tpu.memory_space<hbm>>
      %dma_start3A_2994 = tpu.memref_squeeze %dma_start3A_2993 : memref<1x8x1024xf32, #tpu.memory_space<hbm>> -> memref<8x1024xf32, #tpu.memory_space<hbm>>
      %dma_start3A_2995 = arith.constant 16 : i32
      %dma_start3A_2996 = arith.constant 0 : i32
      %dma_start3A_2997 = tpu.memref_slice %arg8[%dma_start3A_2995, %dma_start3A_2996] : memref<56x1024xf32, #tpu.memory_space<vmem>> -> memref<8x1024xf32, #tpu.memory_space<vmem>>
      tpu.enqueue_dma source(%dma_start3A_2997 : memref<8x1024xf32, #tpu.memory_space<vmem>>) target(%dma_start3A_2994 : memref<8x1024xf32, #tpu.memory_space<hbm>>) target_semaphore(%arg14 : memref<!tpu.dma_semaphore, #tpu.memory_space<semaphore_mem>>)
      %dma_start3A_2998 = arith.constant 24 : i32
      %dma_start3A_2999 = arith.constant 0 : i32
      %dma_start3A_3000 = tpu.memref_slice %arg8[%dma_start3A_2998, %dma_start3A_2999] : memref<56x1024xf32, #tpu.memory_space<vmem>> -> memref<8x1024xf32, #tpu.memory_space<vmem>>
      %dma_start3A_3001 = arith.constant 24 : i32
      %dma_start3A_3002 = arith.constant 0 : i32
      %dma_start3A_3003 = tpu.memref_slice %arg4[%add3A_2955, %dma_start3A_3001, %dma_start3A_3002] : memref<4096x50x1024xf32, #tpu.memory_space<hbm>> -> memref<1x8x1024xf32, #tpu.memory_space<hbm>>
      %dma_start3A_3004 = tpu.memref_squeeze %dma_start3A_3003 : memref<1x8x1024xf32, #tpu.memory_space<hbm>> -> memref<8x1024xf32, #tpu.memory_space<hbm>>
      %dma_start3A_3005 = arith.constant 24 : i32
      %dma_start3A_3006 = arith.constant 0 : i32
      %dma_start3A_3007 = tpu.memref_slice %arg4[%add3A_2955, %dma_start3A_3005, %dma_start3A_3006] : memref<4096x50x1024xf32, #tpu.memory_space<hbm>> -> memref<1x8x1024xf32, #tpu.memory_space<hbm>>
      %dma_start3A_3008 = tpu.memref_squeeze %dma_start3A_3007 : memref<1x8x1024xf32, #tpu.memory_space<hbm>> -> memref<8x1024xf32, #tpu.memory_space<hbm>>
      %dma_start3A_3009 = arith.constant 24 : i32
      %dma_start3A_3010 = arith.constant 0 : i32
      %dma_start3A_3011 = tpu.memref_slice %arg8[%dma_start3A_3009, %dma_start3A_3010] : memref<56x1024xf32, #tpu.memory_space<vmem>> -> memref<8x1024xf32, #tpu.memory_space<vmem>>
      tpu.enqueue_dma source(%dma_start3A_3011 : memref<8x1024xf32, #tpu.memory_space<vmem>>) target(%dma_start3A_3008 : memref<8x1024xf32, #tpu.memory_space<hbm>>) target_semaphore(%arg14 : memref<!tpu.dma_semaphore, #tpu.memory_space<semaphore_mem>>)
      %dma_start3A_3012 = arith.constant 32 : i32
      %dma_start3A_3013 = arith.constant 0 : i32
      %dma_start3A_3014 = tpu.memref_slice %arg8[%dma_start3A_3012, %dma_start3A_3013] : memref<56x1024xf32, #tpu.memory_space<vmem>> -> memref<8x1024xf32, #tpu.memory_space<vmem>>
      %dma_start3A_3015 = arith.constant 32 : i32
      %dma_start3A_3016 = arith.constant 0 : i32
      %dma_start3A_3017 = tpu.memref_slice %arg4[%add3A_2955, %dma_start3A_3015, %dma_start3A_3016] : memref<4096x50x1024xf32, #tpu.memory_space<hbm>> -> memref<1x8x1024xf32, #tpu.memory_space<hbm>>
      %dma_start3A_3018 = tpu.memref_squeeze %dma_start3A_3017 : memref<1x8x1024xf32, #tpu.memory_space<hbm>> -> memref<8x1024xf32, #tpu.memory_space<hbm>>
      %dma_start3A_3019 = arith.constant 32 : i32
      %dma_start3A_3020 = arith.constant 0 : i32
      %dma_start3A_3021 = tpu.memref_slice %arg4[%add3A_2955, %dma_start3A_3019, %dma_start3A_3020] : memref<4096x50x1024xf32, #tpu.memory_space<hbm>> -> memref<1x8x1024xf32, #tpu.memory_space<hbm>>
      %dma_start3A_3022 = tpu.memref_squeeze %dma_start3A_3021 : memref<1x8x1024xf32, #tpu.memory_space<hbm>> -> memref<8x1024xf32, #tpu.memory_space<hbm>>
      %dma_start3A_3023 = arith.constant 32 : i32
      %dma_start3A_3024 = arith.constant 0 : i32
      %dma_start3A_3025 = tpu.memref_slice %arg8[%dma_start3A_3023, %dma_start3A_3024] : memref<56x1024xf32, #tpu.memory_space<vmem>> -> memref<8x1024xf32, #tpu.memory_space<vmem>>
      tpu.enqueue_dma source(%dma_start3A_3025 : memref<8x1024xf32, #tpu.memory_space<vmem>>) target(%dma_start3A_3022 : memref<8x1024xf32, #tpu.memory_space<hbm>>) target_semaphore(%arg14 : memref<!tpu.dma_semaphore, #tpu.memory_space<semaphore_mem>>)
      %dma_start3A_3026 = arith.constant 40 : i32
      %dma_start3A_3027 = arith.constant 0 : i32
      %dma_start3A_3028 = tpu.memref_slice %arg8[%dma_start3A_3026, %dma_start3A_3027] : memref<56x1024xf32, #tpu.memory_space<vmem>> -> memref<8x1024xf32, #tpu.memory_space<vmem>>
      %dma_start3A_3029 = arith.constant 40 : i32
      %dma_start3A_3030 = arith.constant 0 : i32
      %dma_start3A_3031 = tpu.memref_slice %arg4[%add3A_2955, %dma_start3A_3029, %dma_start3A_3030] : memref<4096x50x1024xf32, #tpu.memory_space<hbm>> -> memref<1x8x1024xf32, #tpu.memory_space<hbm>>
      %dma_start3A_3032 = tpu.memref_squeeze %dma_start3A_3031 : memref<1x8x1024xf32, #tpu.memory_space<hbm>> -> memref<8x1024xf32, #tpu.memory_space<hbm>>
      %dma_start3A_3033 = arith.constant 40 : i32
      %dma_start3A_3034 = arith.constant 0 : i32
      %dma_start3A_3035 = tpu.memref_slice %arg4[%add3A_2955, %dma_start3A_3033, %dma_start3A_3034] : memref<4096x50x1024xf32, #tpu.memory_space<hbm>> -> memref<1x8x1024xf32, #tpu.memory_space<hbm>>
      %dma_start3A_3036 = tpu.memref_squeeze %dma_start3A_3035 : memref<1x8x1024xf32, #tpu.memory_space<hbm>> -> memref<8x1024xf32, #tpu.memory_space<hbm>>
      %dma_start3A_3037 = arith.constant 40 : i32
      %dma_start3A_3038 = arith.constant 0 : i32
      %dma_start3A_3039 = tpu.memref_slice %arg8[%dma_start3A_3037, %dma_start3A_3038] : memref<56x1024xf32, #tpu.memory_space<vmem>> -> memref<8x1024xf32, #tpu.memory_space<vmem>>
      tpu.enqueue_dma source(%dma_start3A_3039 : memref<8x1024xf32, #tpu.memory_space<vmem>>) target(%dma_start3A_3036 : memref<8x1024xf32, #tpu.memory_space<hbm>>) target_semaphore(%arg14 : memref<!tpu.dma_semaphore, #tpu.memory_space<semaphore_mem>>)
      %dma_start3A_3040 = arith.constant 48 : i32
      %dma_start3A_3041 = arith.constant 0 : i32
      %dma_start3A_3042 = tpu.memref_slice %arg8[%dma_start3A_3040, %dma_start3A_3041] : memref<56x1024xf32, #tpu.memory_space<vmem>> -> memref<2x1024xf32, #tpu.memory_space<vmem>>
      %dma_start3A_3043 = arith.constant 48 : i32
      %dma_start3A_3044 = arith.constant 0 : i32
      %dma_start3A_3045 = tpu.memref_slice %arg4[%add3A_2955, %dma_start3A_3043, %dma_start3A_3044] : memref<4096x50x1024xf32, #tpu.memory_space<hbm>> -> memref<1x2x1024xf32, #tpu.memory_space<hbm>>
      %dma_start3A_3046 = tpu.memref_squeeze %dma_start3A_3045 : memref<1x2x1024xf32, #tpu.memory_space<hbm>> -> memref<2x1024xf32, #tpu.memory_space<hbm>>
      %dma_start3A_3047 = arith.constant 48 : i32
      %dma_start3A_3048 = arith.constant 0 : i32
      %dma_start3A_3049 = tpu.memref_slice %arg4[%add3A_2955, %dma_start3A_3047, %dma_start3A_3048] : memref<4096x50x1024xf32, #tpu.memory_space<hbm>> -> memref<1x2x1024xf32, #tpu.memory_space<hbm>>
      %dma_start3A_3050 = tpu.memref_squeeze %dma_start3A_3049 : memref<1x2x1024xf32, #tpu.memory_space<hbm>> -> memref<2x1024xf32, #tpu.memory_space<hbm>>
      %dma_start3A_3051 = arith.constant 48 : i32
      %dma_start3A_3052 = arith.constant 0 : i32
      %dma_start3A_3053 = tpu.memref_slice %arg8[%dma_start3A_3051, %dma_start3A_3052] : memref<56x1024xf32, #tpu.memory_space<vmem>> -> memref<2x1024xf32, #tpu.memory_space<vmem>>
      tpu.enqueue_dma source(%dma_start3A_3053 : memref<2x1024xf32, #tpu.memory_space<vmem>>) target(%dma_start3A_3050 : memref<2x1024xf32, #tpu.memory_space<hbm>>) target_semaphore(%arg14 : memref<!tpu.dma_semaphore, #tpu.memory_space<semaphore_mem>>)
      %add3A_3054 = arith.constant 2 : i32
      %add3A_3055 = arith.addi %add3A_2305, %add3A_3054 : i32
      %add3A_3056 = arith.addi %mul3A_2, %add3A_3055 : i32
      %mul3A_3057 = arith.constant 448 : i32
      %mul3A_3058 = arith.muli %add3A_3056, %mul3A_3057 : i32
      %dma_start3A_3059 = tpu.memref_slice %arg2[%mul3A_3058] : memref<1835904xi32, #tpu.memory_space<hbm>> -> memref<448xi32, #tpu.memory_space<hbm>>
      %dma_start3A_3060 = tpu.memref_slice %arg2[%mul3A_3058] : memref<1835904xi32, #tpu.memory_space<hbm>> -> memref<448xi32, #tpu.memory_space<hbm>>
      tpu.enqueue_dma source(%dma_start3A_3060 : memref<448xi32, #tpu.memory_space<hbm>>) target(%arg6 : memref<448xi32, #tpu.memory_space<vmem>>) target_semaphore(%arg10 : memref<!tpu.dma_semaphore, #tpu.memory_space<semaphore_mem>>)
    }
    %scan3A_1333 = arith.constant 63 : i32
    %dma_wait3A_1334 = arith.constant 0 : i32
    %dma_wait3A_1335 = arith.constant 0 : i32
    %dma_wait3A_1336 = tpu.memref_slice %arg7[%dma_wait3A_1334, %dma_wait3A_1335] : memref<56x1024xf32, #tpu.memory_space<vmem>> -> memref<8x1024xf32, #tpu.memory_space<vmem>>
    %dma_wait3A_1337 = arith.constant 0 : i32
    %dma_wait3A_1338 = arith.constant 0 : i32
    %dma_wait3A_1339 = tpu.memref_slice %arg4[%mul3A_2, %dma_wait3A_1337, %dma_wait3A_1338] : memref<4096x50x1024xf32, #tpu.memory_space<hbm>> -> memref<1x8x1024xf32, #tpu.memory_space<hbm>>
    %dma_wait3A_1340 = tpu.memref_squeeze %dma_wait3A_1339 : memref<1x8x1024xf32, #tpu.memory_space<hbm>> -> memref<8x1024xf32, #tpu.memory_space<hbm>>
    %dma_wait3A_1341 = arith.constant 0 : i32
    %dma_wait3A_1342 = arith.constant 0 : i32
    %dma_wait3A_1343 = tpu.memref_slice %arg4[%mul3A_2, %dma_wait3A_1341, %dma_wait3A_1342] : memref<4096x50x1024xf32, #tpu.memory_space<hbm>> -> memref<1x8x1024xf32, #tpu.memory_space<hbm>>
    %dma_wait3A_1344 = tpu.memref_squeeze %dma_wait3A_1343 : memref<1x8x1024xf32, #tpu.memory_space<hbm>> -> memref<8x1024xf32, #tpu.memory_space<hbm>>
    %dma_wait3A_1345 = arith.constant 0 : i32
    %dma_wait3A_1346 = arith.constant 0 : i32
    %dma_wait3A_1347 = tpu.memref_slice %arg7[%dma_wait3A_1345, %dma_wait3A_1346] : memref<56x1024xf32, #tpu.memory_space<vmem>> -> memref<8x1024xf32, #tpu.memory_space<vmem>>
    tpu.wait_dma2 semaphore(%arg13 : memref<!tpu.dma_semaphore, #tpu.memory_space<semaphore_mem>>) src(%dma_wait3A_1347 : memref<8x1024xf32, #tpu.memory_space<vmem>>) dst(%dma_wait3A_1344 : memref<8x1024xf32, #tpu.memory_space<hbm>>)
    %dma_wait3A_1348 = arith.constant 0 : i32
    %dma_wait3A_1349 = arith.constant 0 : i32
    %dma_wait3A_1350 = tpu.memref_slice %arg7[%dma_wait3A_1348, %dma_wait3A_1349] : memref<56x1024xf32, #tpu.memory_space<vmem>> -> memref<8x1024xf32, #tpu.memory_space<vmem>>
    %dma_wait3A_1351 = arith.constant 0 : i32
    %dma_wait3A_1352 = arith.constant 0 : i32
    %dma_wait3A_1353 = tpu.memref_slice %arg4[%mul3A_2, %dma_wait3A_1351, %dma_wait3A_1352] : memref<4096x50x1024xf32, #tpu.memory_space<hbm>> -> memref<1x8x1024xf32, #tpu.memory_space<hbm>>
    %dma_wait3A_1354 = tpu.memref_squeeze %dma_wait3A_1353 : memref<1x8x1024xf32, #tpu.memory_space<hbm>> -> memref<8x1024xf32, #tpu.memory_space<hbm>>
    %dma_wait3A_1355 = arith.constant 0 : i32
    %dma_wait3A_1356 = arith.constant 0 : i32
    %dma_wait3A_1357 = tpu.memref_slice %arg4[%mul3A_2, %dma_wait3A_1355, %dma_wait3A_1356] : memref<4096x50x1024xf32, #tpu.memory_space<hbm>> -> memref<1x8x1024xf32, #tpu.memory_space<hbm>>
    %dma_wait3A_1358 = tpu.memref_squeeze %dma_wait3A_1357 : memref<1x8x1024xf32, #tpu.memory_space<hbm>> -> memref<8x1024xf32, #tpu.memory_space<hbm>>
    %dma_wait3A_1359 = arith.constant 0 : i32
    %dma_wait3A_1360 = arith.constant 0 : i32
    %dma_wait3A_1361 = tpu.memref_slice %arg7[%dma_wait3A_1359, %dma_wait3A_1360] : memref<56x1024xf32, #tpu.memory_space<vmem>> -> memref<8x1024xf32, #tpu.memory_space<vmem>>
    tpu.wait_dma2 semaphore(%arg13 : memref<!tpu.dma_semaphore, #tpu.memory_space<semaphore_mem>>) src(%dma_wait3A_1361 : memref<8x1024xf32, #tpu.memory_space<vmem>>) dst(%dma_wait3A_1358 : memref<8x1024xf32, #tpu.memory_space<hbm>>)
    %dma_wait3A_1362 = arith.constant 0 : i32
    %dma_wait3A_1363 = arith.constant 0 : i32
    %dma_wait3A_1364 = tpu.memref_slice %arg7[%dma_wait3A_1362, %dma_wait3A_1363] : memref<56x1024xf32, #tpu.memory_space<vmem>> -> memref<8x1024xf32, #tpu.memory_space<vmem>>
    %dma_wait3A_1365 = arith.constant 0 : i32
    %dma_wait3A_1366 = arith.constant 0 : i32
    %dma_wait3A_1367 = tpu.memref_slice %arg4[%mul3A_2, %dma_wait3A_1365, %dma_wait3A_1366] : memref<4096x50x1024xf32, #tpu.memory_space<hbm>> -> memref<1x8x1024xf32, #tpu.memory_space<hbm>>
    %dma_wait3A_1368 = tpu.memref_squeeze %dma_wait3A_1367 : memref<1x8x1024xf32, #tpu.memory_space<hbm>> -> memref<8x1024xf32, #tpu.memory_space<hbm>>
    %dma_wait3A_1369 = arith.constant 0 : i32
    %dma_wait3A_1370 = arith.constant 0 : i32
    %dma_wait3A_1371 = tpu.memref_slice %arg4[%mul3A_2, %dma_wait3A_1369, %dma_wait3A_1370] : memref<4096x50x1024xf32, #tpu.memory_space<hbm>> -> memref<1x8x1024xf32, #tpu.memory_space<hbm>>
    %dma_wait3A_1372 = tpu.memref_squeeze %dma_wait3A_1371 : memref<1x8x1024xf32, #tpu.memory_space<hbm>> -> memref<8x1024xf32, #tpu.memory_space<hbm>>
    %dma_wait3A_1373 = arith.constant 0 : i32
    %dma_wait3A_1374 = arith.constant 0 : i32
    %dma_wait3A_1375 = tpu.memref_slice %arg7[%dma_wait3A_1373, %dma_wait3A_1374] : memref<56x1024xf32, #tpu.memory_space<vmem>> -> memref<8x1024xf32, #tpu.memory_space<vmem>>
    tpu.wait_dma2 semaphore(%arg13 : memref<!tpu.dma_semaphore, #tpu.memory_space<semaphore_mem>>) src(%dma_wait3A_1375 : memref<8x1024xf32, #tpu.memory_space<vmem>>) dst(%dma_wait3A_1372 : memref<8x1024xf32, #tpu.memory_space<hbm>>)
    %dma_wait3A_1376 = arith.constant 0 : i32
    %dma_wait3A_1377 = arith.constant 0 : i32
    %dma_wait3A_1378 = tpu.memref_slice %arg7[%dma_wait3A_1376, %dma_wait3A_1377] : memref<56x1024xf32, #tpu.memory_space<vmem>> -> memref<8x1024xf32, #tpu.memory_space<vmem>>
    %dma_wait3A_1379 = arith.constant 0 : i32
    %dma_wait3A_1380 = arith.constant 0 : i32
    %dma_wait3A_1381 = tpu.memref_slice %arg4[%mul3A_2, %dma_wait3A_1379, %dma_wait3A_1380] : memref<4096x50x1024xf32, #tpu.memory_space<hbm>> -> memref<1x8x1024xf32, #tpu.memory_space<hbm>>
    %dma_wait3A_1382 = tpu.memref_squeeze %dma_wait3A_1381 : memref<1x8x1024xf32, #tpu.memory_space<hbm>> -> memref<8x1024xf32, #tpu.memory_space<hbm>>
    %dma_wait3A_1383 = arith.constant 0 : i32
    %dma_wait3A_1384 = arith.constant 0 : i32
    %dma_wait3A_1385 = tpu.memref_slice %arg4[%mul3A_2, %dma_wait3A_1383, %dma_wait3A_1384] : memref<4096x50x1024xf32, #tpu.memory_space<hbm>> -> memref<1x8x1024xf32, #tpu.memory_space<hbm>>
    %dma_wait3A_1386 = tpu.memref_squeeze %dma_wait3A_1385 : memref<1x8x1024xf32, #tpu.memory_space<hbm>> -> memref<8x1024xf32, #tpu.memory_space<hbm>>
    %dma_wait3A_1387 = arith.constant 0 : i32
    %dma_wait3A_1388 = arith.constant 0 : i32
    %dma_wait3A_1389 = tpu.memref_slice %arg7[%dma_wait3A_1387, %dma_wait3A_1388] : memref<56x1024xf32, #tpu.memory_space<vmem>> -> memref<8x1024xf32, #tpu.memory_space<vmem>>
    tpu.wait_dma2 semaphore(%arg13 : memref<!tpu.dma_semaphore, #tpu.memory_space<semaphore_mem>>) src(%dma_wait3A_1389 : memref<8x1024xf32, #tpu.memory_space<vmem>>) dst(%dma_wait3A_1386 : memref<8x1024xf32, #tpu.memory_space<hbm>>)
    %dma_wait3A_1390 = arith.constant 0 : i32
    %dma_wait3A_1391 = arith.constant 0 : i32
    %dma_wait3A_1392 = tpu.memref_slice %arg7[%dma_wait3A_1390, %dma_wait3A_1391] : memref<56x1024xf32, #tpu.memory_space<vmem>> -> memref<8x1024xf32, #tpu.memory_space<vmem>>
    %dma_wait3A_1393 = arith.constant 0 : i32
    %dma_wait3A_1394 = arith.constant 0 : i32
    %dma_wait3A_1395 = tpu.memref_slice %arg4[%mul3A_2, %dma_wait3A_1393, %dma_wait3A_1394] : memref<4096x50x1024xf32, #tpu.memory_space<hbm>> -> memref<1x8x1024xf32, #tpu.memory_space<hbm>>
    %dma_wait3A_1396 = tpu.memref_squeeze %dma_wait3A_1395 : memref<1x8x1024xf32, #tpu.memory_space<hbm>> -> memref<8x1024xf32, #tpu.memory_space<hbm>>
    %dma_wait3A_1397 = arith.constant 0 : i32
    %dma_wait3A_1398 = arith.constant 0 : i32
    %dma_wait3A_1399 = tpu.memref_slice %arg4[%mul3A_2, %dma_wait3A_1397, %dma_wait3A_1398] : memref<4096x50x1024xf32, #tpu.memory_space<hbm>> -> memref<1x8x1024xf32, #tpu.memory_space<hbm>>
    %dma_wait3A_1400 = tpu.memref_squeeze %dma_wait3A_1399 : memref<1x8x1024xf32, #tpu.memory_space<hbm>> -> memref<8x1024xf32, #tpu.memory_space<hbm>>
    %dma_wait3A_1401 = arith.constant 0 : i32
    %dma_wait3A_1402 = arith.constant 0 : i32
    %dma_wait3A_1403 = tpu.memref_slice %arg7[%dma_wait3A_1401, %dma_wait3A_1402] : memref<56x1024xf32, #tpu.memory_space<vmem>> -> memref<8x1024xf32, #tpu.memory_space<vmem>>
    tpu.wait_dma2 semaphore(%arg13 : memref<!tpu.dma_semaphore, #tpu.memory_space<semaphore_mem>>) src(%dma_wait3A_1403 : memref<8x1024xf32, #tpu.memory_space<vmem>>) dst(%dma_wait3A_1400 : memref<8x1024xf32, #tpu.memory_space<hbm>>)
    %dma_wait3A_1404 = arith.constant 0 : i32
    %dma_wait3A_1405 = arith.constant 0 : i32
    %dma_wait3A_1406 = tpu.memref_slice %arg7[%dma_wait3A_1404, %dma_wait3A_1405] : memref<56x1024xf32, #tpu.memory_space<vmem>> -> memref<8x1024xf32, #tpu.memory_space<vmem>>
    %dma_wait3A_1407 = arith.constant 0 : i32
    %dma_wait3A_1408 = arith.constant 0 : i32
    %dma_wait3A_1409 = tpu.memref_slice %arg4[%mul3A_2, %dma_wait3A_1407, %dma_wait3A_1408] : memref<4096x50x1024xf32, #tpu.memory_space<hbm>> -> memref<1x8x1024xf32, #tpu.memory_space<hbm>>
    %dma_wait3A_1410 = tpu.memref_squeeze %dma_wait3A_1409 : memref<1x8x1024xf32, #tpu.memory_space<hbm>> -> memref<8x1024xf32, #tpu.memory_space<hbm>>
    %dma_wait3A_1411 = arith.constant 0 : i32
    %dma_wait3A_1412 = arith.constant 0 : i32
    %dma_wait3A_1413 = tpu.memref_slice %arg4[%mul3A_2, %dma_wait3A_1411, %dma_wait3A_1412] : memref<4096x50x1024xf32, #tpu.memory_space<hbm>> -> memref<1x8x1024xf32, #tpu.memory_space<hbm>>
    %dma_wait3A_1414 = tpu.memref_squeeze %dma_wait3A_1413 : memref<1x8x1024xf32, #tpu.memory_space<hbm>> -> memref<8x1024xf32, #tpu.memory_space<hbm>>
    %dma_wait3A_1415 = arith.constant 0 : i32
    %dma_wait3A_1416 = arith.constant 0 : i32
    %dma_wait3A_1417 = tpu.memref_slice %arg7[%dma_wait3A_1415, %dma_wait3A_1416] : memref<56x1024xf32, #tpu.memory_space<vmem>> -> memref<8x1024xf32, #tpu.memory_space<vmem>>
    tpu.wait_dma2 semaphore(%arg13 : memref<!tpu.dma_semaphore, #tpu.memory_space<semaphore_mem>>) src(%dma_wait3A_1417 : memref<8x1024xf32, #tpu.memory_space<vmem>>) dst(%dma_wait3A_1414 : memref<8x1024xf32, #tpu.memory_space<hbm>>)
    %dma_wait3A_1418 = arith.constant 48 : i32
    %dma_wait3A_1419 = arith.constant 0 : i32
    %dma_wait3A_1420 = tpu.memref_slice %arg7[%dma_wait3A_1418, %dma_wait3A_1419] : memref<56x1024xf32, #tpu.memory_space<vmem>> -> memref<2x1024xf32, #tpu.memory_space<vmem>>
    %dma_wait3A_1421 = arith.constant 48 : i32
    %dma_wait3A_1422 = arith.constant 0 : i32
    %dma_wait3A_1423 = tpu.memref_slice %arg4[%mul3A_2, %dma_wait3A_1421, %dma_wait3A_1422] : memref<4096x50x1024xf32, #tpu.memory_space<hbm>> -> memref<1x2x1024xf32, #tpu.memory_space<hbm>>
    %dma_wait3A_1424 = tpu.memref_squeeze %dma_wait3A_1423 : memref<1x2x1024xf32, #tpu.memory_space<hbm>> -> memref<2x1024xf32, #tpu.memory_space<hbm>>
    %dma_wait3A_1425 = arith.constant 48 : i32
    %dma_wait3A_1426 = arith.constant 0 : i32
    %dma_wait3A_1427 = tpu.memref_slice %arg4[%mul3A_2, %dma_wait3A_1425, %dma_wait3A_1426] : memref<4096x50x1024xf32, #tpu.memory_space<hbm>> -> memref<1x2x1024xf32, #tpu.memory_space<hbm>>
    %dma_wait3A_1428 = tpu.memref_squeeze %dma_wait3A_1427 : memref<1x2x1024xf32, #tpu.memory_space<hbm>> -> memref<2x1024xf32, #tpu.memory_space<hbm>>
    %dma_wait3A_1429 = arith.constant 48 : i32
    %dma_wait3A_1430 = arith.constant 0 : i32
    %dma_wait3A_1431 = tpu.memref_slice %arg7[%dma_wait3A_1429, %dma_wait3A_1430] : memref<56x1024xf32, #tpu.memory_space<vmem>> -> memref<2x1024xf32, #tpu.memory_space<vmem>>
    tpu.wait_dma2 semaphore(%arg13 : memref<!tpu.dma_semaphore, #tpu.memory_space<semaphore_mem>>) src(%dma_wait3A_1431 : memref<2x1024xf32, #tpu.memory_space<vmem>>) dst(%dma_wait3A_1428 : memref<2x1024xf32, #tpu.memory_space<hbm>>)
    %add3A_1432 = arith.constant 0 : i32
    %add3A_1433 = arith.addi %mul3A_2, %add3A_1432 : i32
    %mul3A_1434 = arith.constant 448 : i32
    %mul3A_1435 = arith.muli %add3A_1433, %mul3A_1434 : i32
    %dma_wait3A_1436 = tpu.memref_slice %arg2[%mul3A_1435] : memref<1835904xi32, #tpu.memory_space<hbm>> -> memref<448xi32, #tpu.memory_space<hbm>>
    %dma_wait3A_1437 = tpu.memref_slice %arg2[%mul3A_1435] : memref<1835904xi32, #tpu.memory_space<hbm>> -> memref<448xi32, #tpu.memory_space<hbm>>
    tpu.wait_dma2 semaphore(%arg9 : memref<!tpu.dma_semaphore, #tpu.memory_space<semaphore_mem>>) src(%dma_wait3A_1437 : memref<448xi32, #tpu.memory_space<hbm>>) dst(%arg5 : memref<448xi32, #tpu.memory_space<vmem>>)
    %dma_wait3A_1438 = arith.constant 0 : i32
    %dma_wait3A_1439 = arith.constant 0 : i32
    %dma_wait3A_1440 = tpu.memref_slice %arg8[%dma_wait3A_1438, %dma_wait3A_1439] : memref<56x1024xf32, #tpu.memory_space<vmem>> -> memref<8x1024xf32, #tpu.memory_space<vmem>>
    %dma_wait3A_1441 = arith.constant 0 : i32
    %dma_wait3A_1442 = arith.constant 0 : i32
    %dma_wait3A_1443 = tpu.memref_slice %arg4[%mul3A_2, %dma_wait3A_1441, %dma_wait3A_1442] : memref<4096x50x1024xf32, #tpu.memory_space<hbm>> -> memref<1x8x1024xf32, #tpu.memory_space<hbm>>
    %dma_wait3A_1444 = tpu.memref_squeeze %dma_wait3A_1443 : memref<1x8x1024xf32, #tpu.memory_space<hbm>> -> memref<8x1024xf32, #tpu.memory_space<hbm>>
    %dma_wait3A_1445 = arith.constant 0 : i32
    %dma_wait3A_1446 = arith.constant 0 : i32
    %dma_wait3A_1447 = tpu.memref_slice %arg4[%mul3A_2, %dma_wait3A_1445, %dma_wait3A_1446] : memref<4096x50x1024xf32, #tpu.memory_space<hbm>> -> memref<1x8x1024xf32, #tpu.memory_space<hbm>>
    %dma_wait3A_1448 = tpu.memref_squeeze %dma_wait3A_1447 : memref<1x8x1024xf32, #tpu.memory_space<hbm>> -> memref<8x1024xf32, #tpu.memory_space<hbm>>
    %dma_wait3A_1449 = arith.constant 0 : i32
    %dma_wait3A_1450 = arith.constant 0 : i32
    %dma_wait3A_1451 = tpu.memref_slice %arg8[%dma_wait3A_1449, %dma_wait3A_1450] : memref<56x1024xf32, #tpu.memory_space<vmem>> -> memref<8x1024xf32, #tpu.memory_space<vmem>>
    tpu.wait_dma2 semaphore(%arg14 : memref<!tpu.dma_semaphore, #tpu.memory_space<semaphore_mem>>) src(%dma_wait3A_1451 : memref<8x1024xf32, #tpu.memory_space<vmem>>) dst(%dma_wait3A_1448 : memref<8x1024xf32, #tpu.memory_space<hbm>>)
    %dma_wait3A_1452 = arith.constant 0 : i32
    %dma_wait3A_1453 = arith.constant 0 : i32
    %dma_wait3A_1454 = tpu.memref_slice %arg8[%dma_wait3A_1452, %dma_wait3A_1453] : memref<56x1024xf32, #tpu.memory_space<vmem>> -> memref<8x1024xf32, #tpu.memory_space<vmem>>
    %dma_wait3A_1455 = arith.constant 0 : i32
    %dma_wait3A_1456 = arith.constant 0 : i32
    %dma_wait3A_1457 = tpu.memref_slice %arg4[%mul3A_2, %dma_wait3A_1455, %dma_wait3A_1456] : memref<4096x50x1024xf32, #tpu.memory_space<hbm>> -> memref<1x8x1024xf32, #tpu.memory_space<hbm>>
    %dma_wait3A_1458 = tpu.memref_squeeze %dma_wait3A_1457 : memref<1x8x1024xf32, #tpu.memory_space<hbm>> -> memref<8x1024xf32, #tpu.memory_space<hbm>>
    %dma_wait3A_1459 = arith.constant 0 : i32
    %dma_wait3A_1460 = arith.constant 0 : i32
    %dma_wait3A_1461 = tpu.memref_slice %arg4[%mul3A_2, %dma_wait3A_1459, %dma_wait3A_1460] : memref<4096x50x1024xf32, #tpu.memory_space<hbm>> -> memref<1x8x1024xf32, #tpu.memory_space<hbm>>
    %dma_wait3A_1462 = tpu.memref_squeeze %dma_wait3A_1461 : memref<1x8x1024xf32, #tpu.memory_space<hbm>> -> memref<8x1024xf32, #tpu.memory_space<hbm>>
    %dma_wait3A_1463 = arith.constant 0 : i32
    %dma_wait3A_1464 = arith.constant 0 : i32
    %dma_wait3A_1465 = tpu.memref_slice %arg8[%dma_wait3A_1463, %dma_wait3A_1464] : memref<56x1024xf32, #tpu.memory_space<vmem>> -> memref<8x1024xf32, #tpu.memory_space<vmem>>
    tpu.wait_dma2 semaphore(%arg14 : memref<!tpu.dma_semaphore, #tpu.memory_space<semaphore_mem>>) src(%dma_wait3A_1465 : memref<8x1024xf32, #tpu.memory_space<vmem>>) dst(%dma_wait3A_1462 : memref<8x1024xf32, #tpu.memory_space<hbm>>)
    %dma_wait3A_1466 = arith.constant 0 : i32
    %dma_wait3A_1467 = arith.constant 0 : i32
    %dma_wait3A_1468 = tpu.memref_slice %arg8[%dma_wait3A_1466, %dma_wait3A_1467] : memref<56x1024xf32, #tpu.memory_space<vmem>> -> memref<8x1024xf32, #tpu.memory_space<vmem>>
    %dma_wait3A_1469 = arith.constant 0 : i32
    %dma_wait3A_1470 = arith.constant 0 : i32
    %dma_wait3A_1471 = tpu.memref_slice %arg4[%mul3A_2, %dma_wait3A_1469, %dma_wait3A_1470] : memref<4096x50x1024xf32, #tpu.memory_space<hbm>> -> memref<1x8x1024xf32, #tpu.memory_space<hbm>>
    %dma_wait3A_1472 = tpu.memref_squeeze %dma_wait3A_1471 : memref<1x8x1024xf32, #tpu.memory_space<hbm>> -> memref<8x1024xf32, #tpu.memory_space<hbm>>
    %dma_wait3A_1473 = arith.constant 0 : i32
    %dma_wait3A_1474 = arith.constant 0 : i32
    %dma_wait3A_1475 = tpu.memref_slice %arg4[%mul3A_2, %dma_wait3A_1473, %dma_wait3A_1474] : memref<4096x50x1024xf32, #tpu.memory_space<hbm>> -> memref<1x8x1024xf32, #tpu.memory_space<hbm>>
    %dma_wait3A_1476 = tpu.memref_squeeze %dma_wait3A_1475 : memref<1x8x1024xf32, #tpu.memory_space<hbm>> -> memref<8x1024xf32, #tpu.memory_space<hbm>>
    %dma_wait3A_1477 = arith.constant 0 : i32
    %dma_wait3A_1478 = arith.constant 0 : i32
    %dma_wait3A_1479 = tpu.memref_slice %arg8[%dma_wait3A_1477, %dma_wait3A_1478] : memref<56x1024xf32, #tpu.memory_space<vmem>> -> memref<8x1024xf32, #tpu.memory_space<vmem>>
    tpu.wait_dma2 semaphore(%arg14 : memref<!tpu.dma_semaphore, #tpu.memory_space<semaphore_mem>>) src(%dma_wait3A_1479 : memref<8x1024xf32, #tpu.memory_space<vmem>>) dst(%dma_wait3A_1476 : memref<8x1024xf32, #tpu.memory_space<hbm>>)
    %dma_wait3A_1480 = arith.constant 0 : i32
    %dma_wait3A_1481 = arith.constant 0 : i32
    %dma_wait3A_1482 = tpu.memref_slice %arg8[%dma_wait3A_1480, %dma_wait3A_1481] : memref<56x1024xf32, #tpu.memory_space<vmem>> -> memref<8x1024xf32, #tpu.memory_space<vmem>>
    %dma_wait3A_1483 = arith.constant 0 : i32
    %dma_wait3A_1484 = arith.constant 0 : i32
    %dma_wait3A_1485 = tpu.memref_slice %arg4[%mul3A_2, %dma_wait3A_1483, %dma_wait3A_1484] : memref<4096x50x1024xf32, #tpu.memory_space<hbm>> -> memref<1x8x1024xf32, #tpu.memory_space<hbm>>
    %dma_wait3A_1486 = tpu.memref_squeeze %dma_wait3A_1485 : memref<1x8x1024xf32, #tpu.memory_space<hbm>> -> memref<8x1024xf32, #tpu.memory_space<hbm>>
    %dma_wait3A_1487 = arith.constant 0 : i32
    %dma_wait3A_1488 = arith.constant 0 : i32
    %dma_wait3A_1489 = tpu.memref_slice %arg4[%mul3A_2, %dma_wait3A_1487, %dma_wait3A_1488] : memref<4096x50x1024xf32, #tpu.memory_space<hbm>> -> memref<1x8x1024xf32, #tpu.memory_space<hbm>>
    %dma_wait3A_1490 = tpu.memref_squeeze %dma_wait3A_1489 : memref<1x8x1024xf32, #tpu.memory_space<hbm>> -> memref<8x1024xf32, #tpu.memory_space<hbm>>
    %dma_wait3A_1491 = arith.constant 0 : i32
    %dma_wait3A_1492 = arith.constant 0 : i32
    %dma_wait3A_1493 = tpu.memref_slice %arg8[%dma_wait3A_1491, %dma_wait3A_1492] : memref<56x1024xf32, #tpu.memory_space<vmem>> -> memref<8x1024xf32, #tpu.memory_space<vmem>>
    tpu.wait_dma2 semaphore(%arg14 : memref<!tpu.dma_semaphore, #tpu.memory_space<semaphore_mem>>) src(%dma_wait3A_1493 : memref<8x1024xf32, #tpu.memory_space<vmem>>) dst(%dma_wait3A_1490 : memref<8x1024xf32, #tpu.memory_space<hbm>>)
    %dma_wait3A_1494 = arith.constant 0 : i32
    %dma_wait3A_1495 = arith.constant 0 : i32
    %dma_wait3A_1496 = tpu.memref_slice %arg8[%dma_wait3A_1494, %dma_wait3A_1495] : memref<56x1024xf32, #tpu.memory_space<vmem>> -> memref<8x1024xf32, #tpu.memory_space<vmem>>
    %dma_wait3A_1497 = arith.constant 0 : i32
    %dma_wait3A_1498 = arith.constant 0 : i32
    %dma_wait3A_1499 = tpu.memref_slice %arg4[%mul3A_2, %dma_wait3A_1497, %dma_wait3A_1498] : memref<4096x50x1024xf32, #tpu.memory_space<hbm>> -> memref<1x8x1024xf32, #tpu.memory_space<hbm>>
    %dma_wait3A_1500 = tpu.memref_squeeze %dma_wait3A_1499 : memref<1x8x1024xf32, #tpu.memory_space<hbm>> -> memref<8x1024xf32, #tpu.memory_space<hbm>>
    %dma_wait3A_1501 = arith.constant 0 : i32
    %dma_wait3A_1502 = arith.constant 0 : i32
    %dma_wait3A_1503 = tpu.memref_slice %arg4[%mul3A_2, %dma_wait3A_1501, %dma_wait3A_1502] : memref<4096x50x1024xf32, #tpu.memory_space<hbm>> -> memref<1x8x1024xf32, #tpu.memory_space<hbm>>
    %dma_wait3A_1504 = tpu.memref_squeeze %dma_wait3A_1503 : memref<1x8x1024xf32, #tpu.memory_space<hbm>> -> memref<8x1024xf32, #tpu.memory_space<hbm>>
    %dma_wait3A_1505 = arith.constant 0 : i32
    %dma_wait3A_1506 = arith.constant 0 : i32
    %dma_wait3A_1507 = tpu.memref_slice %arg8[%dma_wait3A_1505, %dma_wait3A_1506] : memref<56x1024xf32, #tpu.memory_space<vmem>> -> memref<8x1024xf32, #tpu.memory_space<vmem>>
    tpu.wait_dma2 semaphore(%arg14 : memref<!tpu.dma_semaphore, #tpu.memory_space<semaphore_mem>>) src(%dma_wait3A_1507 : memref<8x1024xf32, #tpu.memory_space<vmem>>) dst(%dma_wait3A_1504 : memref<8x1024xf32, #tpu.memory_space<hbm>>)
    %dma_wait3A_1508 = arith.constant 0 : i32
    %dma_wait3A_1509 = arith.constant 0 : i32
    %dma_wait3A_1510 = tpu.memref_slice %arg8[%dma_wait3A_1508, %dma_wait3A_1509] : memref<56x1024xf32, #tpu.memory_space<vmem>> -> memref<8x1024xf32, #tpu.memory_space<vmem>>
    %dma_wait3A_1511 = arith.constant 0 : i32
    %dma_wait3A_1512 = arith.constant 0 : i32
    %dma_wait3A_1513 = tpu.memref_slice %arg4[%mul3A_2, %dma_wait3A_1511, %dma_wait3A_1512] : memref<4096x50x1024xf32, #tpu.memory_space<hbm>> -> memref<1x8x1024xf32, #tpu.memory_space<hbm>>
    %dma_wait3A_1514 = tpu.memref_squeeze %dma_wait3A_1513 : memref<1x8x1024xf32, #tpu.memory_space<hbm>> -> memref<8x1024xf32, #tpu.memory_space<hbm>>
    %dma_wait3A_1515 = arith.constant 0 : i32
    %dma_wait3A_1516 = arith.constant 0 : i32
    %dma_wait3A_1517 = tpu.memref_slice %arg4[%mul3A_2, %dma_wait3A_1515, %dma_wait3A_1516] : memref<4096x50x1024xf32, #tpu.memory_space<hbm>> -> memref<1x8x1024xf32, #tpu.memory_space<hbm>>
    %dma_wait3A_1518 = tpu.memref_squeeze %dma_wait3A_1517 : memref<1x8x1024xf32, #tpu.memory_space<hbm>> -> memref<8x1024xf32, #tpu.memory_space<hbm>>
    %dma_wait3A_1519 = arith.constant 0 : i32
    %dma_wait3A_1520 = arith.constant 0 : i32
    %dma_wait3A_1521 = tpu.memref_slice %arg8[%dma_wait3A_1519, %dma_wait3A_1520] : memref<56x1024xf32, #tpu.memory_space<vmem>> -> memref<8x1024xf32, #tpu.memory_space<vmem>>
    tpu.wait_dma2 semaphore(%arg14 : memref<!tpu.dma_semaphore, #tpu.memory_space<semaphore_mem>>) src(%dma_wait3A_1521 : memref<8x1024xf32, #tpu.memory_space<vmem>>) dst(%dma_wait3A_1518 : memref<8x1024xf32, #tpu.memory_space<hbm>>)
    %dma_wait3A_1522 = arith.constant 48 : i32
    %dma_wait3A_1523 = arith.constant 0 : i32
    %dma_wait3A_1524 = tpu.memref_slice %arg8[%dma_wait3A_1522, %dma_wait3A_1523] : memref<56x1024xf32, #tpu.memory_space<vmem>> -> memref<2x1024xf32, #tpu.memory_space<vmem>>
    %dma_wait3A_1525 = arith.constant 48 : i32
    %dma_wait3A_1526 = arith.constant 0 : i32
    %dma_wait3A_1527 = tpu.memref_slice %arg4[%mul3A_2, %dma_wait3A_1525, %dma_wait3A_1526] : memref<4096x50x1024xf32, #tpu.memory_space<hbm>> -> memref<1x2x1024xf32, #tpu.memory_space<hbm>>
    %dma_wait3A_1528 = tpu.memref_squeeze %dma_wait3A_1527 : memref<1x2x1024xf32, #tpu.memory_space<hbm>> -> memref<2x1024xf32, #tpu.memory_space<hbm>>
    %dma_wait3A_1529 = arith.constant 48 : i32
    %dma_wait3A_1530 = arith.constant 0 : i32
    %dma_wait3A_1531 = tpu.memref_slice %arg4[%mul3A_2, %dma_wait3A_1529, %dma_wait3A_1530] : memref<4096x50x1024xf32, #tpu.memory_space<hbm>> -> memref<1x2x1024xf32, #tpu.memory_space<hbm>>
    %dma_wait3A_1532 = tpu.memref_squeeze %dma_wait3A_1531 : memref<1x2x1024xf32, #tpu.memory_space<hbm>> -> memref<2x1024xf32, #tpu.memory_space<hbm>>
    %dma_wait3A_1533 = arith.constant 48 : i32
    %dma_wait3A_1534 = arith.constant 0 : i32
    %dma_wait3A_1535 = tpu.memref_slice %arg8[%dma_wait3A_1533, %dma_wait3A_1534] : memref<56x1024xf32, #tpu.memory_space<vmem>> -> memref<2x1024xf32, #tpu.memory_space<vmem>>
    tpu.wait_dma2 semaphore(%arg14 : memref<!tpu.dma_semaphore, #tpu.memory_space<semaphore_mem>>) src(%dma_wait3A_1535 : memref<2x1024xf32, #tpu.memory_space<vmem>>) dst(%dma_wait3A_1532 : memref<2x1024xf32, #tpu.memory_space<hbm>>)
    %add3A_1536 = arith.constant 0 : i32
    %add3A_1537 = arith.addi %mul3A_2, %add3A_1536 : i32
    %mul3A_1538 = arith.constant 448 : i32
    %mul3A_1539 = arith.muli %add3A_1537, %mul3A_1538 : i32
    %dma_wait3A_1540 = tpu.memref_slice %arg2[%mul3A_1539] : memref<1835904xi32, #tpu.memory_space<hbm>> -> memref<448xi32, #tpu.memory_space<hbm>>
    %dma_wait3A_1541 = tpu.memref_slice %arg2[%mul3A_1539] : memref<1835904xi32, #tpu.memory_space<hbm>> -> memref<448xi32, #tpu.memory_space<hbm>>
    tpu.wait_dma2 semaphore(%arg10 : memref<!tpu.dma_semaphore, #tpu.memory_space<semaphore_mem>>) src(%dma_wait3A_1541 : memref<448xi32, #tpu.memory_space<hbm>>) dst(%arg6 : memref<448xi32, #tpu.memory_space<vmem>>)
    return
  }
}

</mosaic_0001>

<sc_bundles>
// kernel: kernel.3.cloned.1.call-start
scs
__scs_entry_jumppad:
0x0: {  	(pc) =	sbr.rel $0x88, $3  }
0x1: {  	(tag) =	ssettag $0x0;
	lr =	simm.s32 $0x1  }
0x2: {  	[smem:$0x3F9F] =	sst lr;
	_ =	strace $0xD0000000  }
0x3: {  	_ = 	snop  }
0x4: {  	_ = 	snop  }
0x5: {  	_ = 	snop  }
0x6: {  	_ = 	snop  }
0x7: {  	_ = 	snop  }
__scs_overlays_trampoline_lowered:
0x8: {  	[smem:$0x3FAE] =	sst s0  }
0x9: {  	[smem:$0x3FAF] =	sst s1  }
0xa: {  	[smem:$0x3FB0] =	sst s2  }
0xb: {  	[smem:$0x3FB1] =	sst s3  }
0xc: {  	[smem:$0x3FB2] =	sst s4  }
0xd: {  	[smem:$0x3FB3] =	sst s5  }
0xe: {  	[smem:$0x3FB4] =	sst s6  }
0xf: {  	[smem:$0x3FB5] =	sst s7  }
0x10: {  	[smem:$0x3FB6] =	sst s8  }
0x11: {  	[smem:$0x3FB7] =	sst s9;
	s0 =	simm.s32 @!p0 $0x0  }
0x12: {  	s1 =	sld [smem:$0x3F9D];
	s0 =	simm.s32 @p0 $0x1  }
0x13: {  	[smem:$0x3FB8] =	sst s0;
	s0 =	simm.s32 @!p1 $0x0  }
0x14: {  	s2 =	sld [smem:$0x3F9C];
	s0 =	simm.s32 @p1 $0x1  }
0x15: {  	[smem:$0x3FB9] =	sst s0;
	s0 =	simm.s32 @!p2 $0x0  }
0x16: {  	s3 =	sld [smem:$0x3FDB];
	s0 =	simm.s32 @p2 $0x1  }
0x17: {  	s4 =	simm.s32 $0x1BF5;
	[smem:$0x3FBB] =	sst s0  }
0x18: {  	s0 =	sld [smem:$0x3F9E];
	_ =	swait.ge [sflag:s4], $0x0  }
0x19: {  	s7 =	sld [smem:$0x3F9F]  }
0x1a: {  	s8 =	sadd.s32 $0xFFFFE003, lr  }
0x1b: {  	s9 =	sadd.s32 $0xFFFFFEF7, lr;
	s5 =	simm.s32 $0xFFFFFFFF;
	p2 =	slt.u32 s8, $0xFFFFF086  }
0x1c: {  	p1 =	slt.u32 s9, $0xF7A;
	s5 =	simm.s32 @!p2 $0x0  }
0x1d: {  	s5 =	simm.s32 @p1 $0x1;
	p0 =	seq.s32 s7, s2  }
0x1e: {  	s7 =	smul.u32 @!p0 $0xF7A, s2;
	p2 =	seq.s32 @!p0 s5, $0x0  }
0x1f: {  	s9 =	smul.u32 $0xF7A, s1;
	s8 =	simm.s32 @!p0 $0x1BF5;
	p2 =	por !p2, p0  }
0x20: {  	[sflag:s8] =	ssyncset.s32 @!p0 $0xFFFFF086;
	s6 =	sadd.s32 @!p0 s3, s7;
	s7 =	simm.s32 @!p0 $0x108  }
0x21: {  	s3 =	sadd.s32 s3, s9;
	s6 =	sadd.s32 @!p0 $0x88, s6;
	s7 =	simm.s32 @p2 $0x1082  }
0x22: {  	[simem:s7], [sflag:s8] =	dma.local @!p0 [hbm:s6], $0xF7A  }
0x23: {  	s9 =	sor.u32 $0xD0000000, s2;
	s6 =	simm.s32 $0x108;
	_ =	swait.ge @!p0 [sflag:s8], $0x0  }
0x24: {  	s3 =	sadd.s32 $0x88, s3;
	s6 =	simm.s32 @!p1 $0x1082;
	[sflag:s4] =	ssyncset.s32 $0xFFFFF086  }
0x25: {  	[simem:s6], [sflag:s4] =	dma.local [hbm:s3], $0xF7A  }
0x26: {  	[smem:$0x3F9F] =	sst s1;
	(tag) =	ssettag s2;
	_ =	strace s9  }
0x27: {  	s1 =	sld [smem:$0x3FAF]  }
0x28: {  	s2 =	sld [smem:$0x3FB0]  }
0x29: {  	s4 =	sld [smem:$0x3FB2]  }
0x2a: {  	p0 =	seq.s32 s5, $0x0;
	s5 =	sld [smem:$0x3FB3]  }
0x2b: {  	s6 =	sld [smem:$0x3FB4]  }
0x2c: {  	s7 =	sld [smem:$0x3FB5]  }
0x2d: {  	s3 =	simm.s32 $0x108;
	s8 =	sld [smem:$0x3FB6]  }
0x2e: {  	s3 =	simm.s32 @!p0 $0x1082;
	s9 =	sld [smem:$0x3FB7]  }
0x2f: {  	lr =	sadd.s32 s0, s3;
	s0 =	sld [smem:$0x3FAE]  }
0x30: {  	s3 =	sld [smem:$0x3FB1]  }
0x31: {  	[smem:$0x3FBA] =	sst s10  }
0x32: {  	s10 =	sld [smem:$0x3FB8];
	_ =	sdelay $0x3  }
0x33: {  	p0 =	seq.s32 s10, $0x1;
	s10 =	sld [smem:$0x3FBA];
	_ =	sdelay $0x3  }
0x34: {  	[smem:$0x3FBA] =	sst s10  }
0x35: {  	s10 =	sld [smem:$0x3FB9];
	_ =	sdelay $0x3  }
0x36: {  	p1 =	seq.s32 s10, $0x1;
	s10 =	sld [smem:$0x3FBA];
	_ =	sdelay $0x3  }
0x37: {  	[smem:$0x3FBA] =	sst s10  }
0x38: {  	s10 =	sld [smem:$0x3FBB]  }
0x39: {  	_ = 	snop;
	(pc) =	sbr.ind lr, $3  }
0x3a: {  	_ = 	snop  }
0x3b: {  	_ = 	snop  }
0x3c: {  	p2 =	seq.s32 s10, $0x1;
	s10 =	sld [smem:$0x3FBA]  }
0x3d: {  	_ =	shalt  }
0x3e: {  	_ =	shalt  }
0x3f: {  	_ =	shalt  }
0x40: {  	_ =	shalt  }
0x41: {  	_ =	shalt  }
0x42: {  	_ =	shalt  }
0x43: {  	_ =	shalt  }
0x44: {  	_ =	shalt  }
0x45: {  	_ =	shalt  }
0x46: {  	_ =	shalt  }
0x47: {  	_ =	shalt  }
0x48: {  	_ =	shalt  }
0x49: {  	_ =	shalt  }
0x4a: {  	_ =	shalt  }
0x4b: {  	_ =	shalt  }
0x4c: {  	_ =	shalt  }
0x4d: {  	_ =	shalt  }
0x4e: {  	_ =	shalt  }
0x4f: {  	_ =	shalt  }
0x50: {  	_ =	shalt  }
0x51: {  	_ =	shalt  }
0x52: {  	_ =	shalt  }
0x53: {  	_ =	shalt  }
0x54: {  	_ =	shalt  }
0x55: {  	_ =	shalt  }
0x56: {  	_ =	shalt  }
0x57: {  	_ =	shalt  }
0x58: {  	_ =	shalt  }
0x59: {  	_ =	shalt  }
0x5a: {  	_ =	shalt  }
0x5b: {  	_ =	shalt  }
0x5c: {  	_ =	shalt  }
0x5d: {  	_ =	shalt  }
0x5e: {  	_ =	shalt  }
0x5f: {  	_ =	shalt  }
0x60: {  	_ =	shalt  }
0x61: {  	_ =	shalt  }
0x62: {  	_ =	shalt  }
0x63: {  	_ =	shalt  }
0x64: {  	_ =	shalt  }
0x65: {  	_ =	shalt  }
0x66: {  	_ =	shalt  }
0x67: {  	_ =	shalt  }
0x68: {  	_ =	shalt  }
0x69: {  	_ =	shalt  }
0x6a: {  	_ =	shalt  }
0x6b: {  	_ =	shalt  }
0x6c: {  	_ =	shalt  }
0x6d: {  	_ =	shalt  }
0x6e: {  	_ =	shalt  }
0x6f: {  	_ =	shalt  }
0x70: {  	_ =	shalt  }
0x71: {  	_ =	shalt  }
0x72: {  	_ =	shalt  }
0x73: {  	_ =	shalt  }
0x74: {  	_ =	shalt  }
0x75: {  	_ =	shalt  }
0x76: {  	_ =	shalt  }
0x77: {  	_ =	shalt  }
0x78: {  	_ =	shalt  }
0x79: {  	_ =	shalt  }
0x7a: {  	_ =	shalt  }
0x7b: {  	_ =	shalt  }
0x7c: {  	_ =	shalt  }
0x7d: {  	_ =	shalt  }
0x7e: {  	_ =	shalt  }
0x7f: {  	_ =	shalt  }
0x80: {  	_ =	shalt  }
0x81: {  	_ =	shalt  }
0x82: {  	_ =	shalt  }
0x83: {  	_ =	shalt  }
0x84: {  	_ =	shalt  }
0x85: {  	_ =	shalt  }
0x86: {  	_ =	shalt  }
0x87: {  	_ =	shalt  }
.Lfunc_end0:
.L_simem_size_0:
called_computation_lowered:
.L_overlay_start_0:
0x88: {  	s2 =	sld [smem:$0x3FD9]  }
0x89: {  	s3 =	sld [smem:$0x3FFE];
	_ =	sdelay $0x1  }
0x8a: {  	s1 =	srdreg.scid  }
0x8b: {  	s0 =	sand.u32 $0x1, s1  }
0x8c: {  	s17 =	sshll.u32 s0, $0xA;
	s2 =	sadd.s32 s3, s2  }
0x8d: {  	s2 =	sadd.s32 s2, s17  }
0x8e: {  	[smem:$0x3FC6] =	sst s2  }
0x8f: {  	_ = 	snop  }
0x90: {  	s2 =	sld [smem:$0x3FD0];
	(tm) =	ssettm $0x1  }
0x91: {  	s18 =	sld [smem:$0x3FFB];
	_ =	sdelay $0x3  }
0x92: {  	_ =	strace s18  }
0x93: {  	s3 =	sld [smem:$0x3FFC];
	_ =	sdelay $0x3  }
0x94: {  	_ =	strace s3  }
0x95: {  	s3 =	sld [smem:$0x3FFD];
	_ =	sdelay $0x3  }
0x96: {  	_ =	strace s3  }
0x97: {  	_ =	strace $0x8FFFFFFF  }
0x98: {  	s19 =	sld [smem:$0x3FDB];
	_ =	sdelay $0x1  }
0x99: {  	s4 =	simm.s32 $_scs_section_size  }
0x9a: {  	s5 =	simm.s32 $_size__tile_overlayer_lowered;
	s6 =	simm.s32 $_tile_overlayer_lowered  }
0x9b: {  	s22 =	simm.s32 $0x1BFF;
	s21 =	sshll.u32 s6, $0x1;
	s3 =	sadd.s32 s4, s19  }
0x9c: {  	s7 =	simm.s32 $0x0;
	s20 =	sshll.u32 s5, $0x1;
	s5 =	sadd.s32 s21, s3  }
0x9d: {  	[timem:s7], [sflag:s22] =	dma.local [hbm:s5], s20  }
0x9e: {  	_ =	swait.ge [sflag:s22], s20  }
0x9f: {  	s4 =	ssub.s32 $0x0, s20;
	[sflag:s22] =	ssyncset.done $0x0  }
0xa0: {  	[sflag:s22] =	ssyncadd.s32 s4;
	_ =	sdelay $0x1  }
0xa1: {  	s23 =	simm.s32 $0x1B8B  }
0xa2: {  	_ =	swait.ge [sflag:s23], $0x1  }
0xa3: {  	[sflag:s23] =	ssyncset.done $0x0  }
0xa4: {  	s25 =	simm.s32 $0x1B8E;
	s24 =	sld [smem:$0x3FFE];
	[sflag:s23] =	ssyncadd.s32 $0xFFFFFFFF  }
0xa5: {  	s26 =	simm.s32 $execute0_lowered;
	[smem:$0x3FD2] =	sst s25  }
0xa6: {  	s5 =	sshll.u32 s26, $0x1;
	_ =	strace $0x80000046;
	[dreg:$0x1] =	wrdreg $0xFFFFFFFF  }
0xa7: {  	s28 =	simm.s32 $_size_execute0_lowered;
	s3 =	sadd.s32 s3, s5;
	[dreg:$0x0] =	wrdreg $0x0  }
0xa8: {  	s5 =	sshll.u32 s28, $0x1;
	[dreg:$0x2] =	wrdreg s3  }
0xa9: {  	[dreg:$0x3] =	wrdreg s5  }
0xaa: {  	[dreg:$0x4] =	wrdreg $0xC0  }
0xab: {  	_ =	task [dreg:s7], $0x5FFFF  }
0xac: {  	[dreg:$0x1] =	wrdreg $0xFFFFFFFF  }
0xad: {  	[dreg:$0x0] =	wrdreg $0x60  }
0xae: {  	[dreg:$0x2] =	wrdreg s2  }
0xaf: {  	[dreg:$0x3] =	wrdreg s24  }
0xb0: {  	[dreg:$0x4] =	wrdreg $0x9  }
0xb1: {  	_ =	task.clear_ibuf [dreg:s7], $0x5FFFF;
	_ =	strace $0x90000046  }
0xb2: {  	s29 =	simm.s32 $0x9;
	_ =	strace $0x80000048  }
0xb3: {  	_ =	swait.ge [sflag:s29], $0x1  }
0xb4: {  	[sflag:s29] =	ssyncadd.s32 $0xFFFFFFFF  }
0xb5: {  	_ =	strace $0x90000048  }
0xb6: {  	_ =	sfence  }
0xb7: {  	s30 =	sld [smem:$0x0];
	_ =	sdelay $0x2  }
0xb8: {  	s31 =	sshll.u32 s1, $0xD;
	s1 =	sshrl.u32 s1, $0x2  }
0xb9: {  	s3 =	sand.u32 $0x4000, s31;
	s1 =	sadd.s32 s1, s30  }
0xba: {  	s0 =	sor.u32 s3, s0;
	s1 =	sshll.u32 s1, $0x11  }
0xbb: {  	s0 =	sor.u32 s1, s0  }
0xbc: {  	s0 =	sadd.s32 $0x8F2B, s0  }
0xbd: {  	[sflag:s0] =	ssyncadd.remote.s32 $0x1  }
0xbe: {  	_ =	sfence.sel $0xFFFF  }
0xbf: {  	[dreg:$0x0] =	wrdreg $0xFFFFFFFF;
	(pc) =	sbr.abs _section_cstart, $3  }
0xc0: {  	[dreg:$0x1] =	wrdreg $0xFFFFFFFF  }
0xc1: {  	_ =	task.clear_ibuf [dreg:s7], $0x2FFFF;
	_ =	strace $0x9FFFFFFF  }
0xc2: {  	(tm) =	ssettm $0x7FFFFFFF  }
0xc3: {  	_ =	shalt  }
tec
execute0_lowered:
.L_overlay_start_1:
0x0: {  	(tag) =	ssettag $0x1  }
0x1: {  	s0 =	srdreg.scid;
	s5 =	rddreg [dreg:$0x0]  }
0x2: {  	s12 =	stileid.u32;
	s4 =	rddreg [dreg:$0x1]  }
0x3: {  	s2 =	simm.s32 $0x0;
	s0 =	sand.u32 $0x1, s0;
	s25 =	smul.u32 $0xE00000, s12  }
0x4: {  	s30 =	simm.s32 $0x340;
	s28 =	simm.s32 $0x19000;
	s29 =	smul.u32 $0x700000, s0  }
0x5: {  	s1 =	sshll.u32 s12, $0x1;
	[smem:$0x7FF] =	sst s2;
	s15 =	smul.u32 $0x1C00, s0  }
0x6: {  	s1 =	sor.u32 s0, s1;
	s8 =	ssub.s32 $0x2, s0;
	s0 =	smul.u32 $0xE0000, s0  }
0x7: {  	_ =	strace $0x80000047;
	s3 =	sshll.u32 s1, $0x7;
	s6 =	smul.u32 $0x1C00, s1  }
0x8: {  	s10 =	sshrl.u32 s8, $0x1;
	s11 =	smul.u32 $0xE0000, s1;
	s7 =	sor.u32 $0x1, s3  }
0x9: {  	s3 =	sadd.s32 $0x400, s4;
	s4 =	sadd.s32 $0x1F800, s4;
	s1 =	ssub.s32 s8, s10  }
0xa: {  	s9 =	smul.u32 $0x38, s7;
	s10 =	sadd.s32 s5, s6;
	s19 =	sadd.s32 s4, s11  }
0xb: {  	s22 =	smul.u32 $0xE000, s7;
	s7 =	sadd.s32 s29, s25;
	[dreg:$0x12] =	wrdreg s19  }
0xc: {  	s1 =	smax.u32 s1, $0x1;
	s20 =	sadd.s32 $0x400, s19;
	[dreg:$0x10] =	wrdreg s10  }
0xd: {  	s21 =	sadd.s32 $0x800, s19;
	s23 =	sadd.s32 $0xC00, s19;
	[smem:$0x7FC] =	sst s1  }
0xe: {  	s24 =	sadd.s32 $0x1000, s19;
	s26 =	sadd.s32 $0x1400, s19;
	[dreg:$0x13] =	wrdreg s20  }
0xf: {  	s31 =	sadd.s32 $0x70, s10;
	s16 =	sor.u32 $0x2A000, s7;
	[dreg:$0x14] =	wrdreg s21  }
0x10: {  	s25 =	sor.u32 $0x32000, s7;
	s29 =	sor.u32 $0x34000, s7;
	[dreg:$0x15] =	wrdreg s23  }
0x11: {  	s1 =	simm.s32 $0x0;
	s18 =	sadd.s32 s5, s9;
	[dreg:$0x16] =	wrdreg s24  }
0x12: {  	[dreg:$0x17] =	wrdreg s26;
	s6 =	sshrl.u32 s22, $0x3;
	s9 =	sadd.s32 $0x1800, s19  }
0x13: {  	[dreg:$0x19] =	wrdreg s31;
	s17 =	sshrl.u32 s16, $0x3;
	s20 =	sor.u32 $0x2E000, s7  }
0x14: {  	s21 =	sor.u32 $0x30000, s7;
	s26 =	sshrl.u32 s25, $0x3;
	[dreg:$0x11] =	wrdreg s18  }
0x15: {  	s31 =	sor.u32 $0x36000, s7;
	s16 =	sor.u32 $0x26000, s7;
	[dreg:$0x18] =	wrdreg s9  }
0x16: {  	s11 =	sadd.s32 s4, s6;
	s9 =	smul.u32 $0x3800, s12;
	s18 =	sor.u32 $0x2C000, s7  }
0x17: {  	s8 =	sshrl.u32 s20, $0x3;
	s23 =	sshrl.u32 s21, $0x3;
	s21 =	sor.u32 $0x22000, s7  }
0x18: {  	s6 =	sadd.s32 $0x400, s11;
	s14 =	sadd.s32 $0x800, s11;
	[dreg:$0x1a] =	wrdreg s11  }
0x19: {  	s13 =	sadd.s32 $0xC00, s11;
	s19 =	sshrl.u32 s18, $0x3;
	[dreg:$0x1b] =	wrdreg s6  }
0x1a: {  	s22 =	sadd.s32 s8, s4;
	s24 =	sadd.s32 s23, s4;
	[dreg:$0x1c] =	wrdreg s14  }
0x1b: {  	s8 =	sshrl.u32 s29, $0x3;
	s25 =	sadd.s32 $0x1400, s11;
	[dreg:$0x1d] =	wrdreg s13  }
0x1c: {  	s29 =	sadd.s32 $0xA8, s10;
	s10 =	simm.s32 $0x18;
	[dreg:$0x5] =	wrdreg s22  }
0x1d: {  	s5 =	sadd.s32 s9, s5;
	s6 =	sadd.s32 s17, s4;
	[dreg:$0x6] =	wrdreg s24  }
0x1e: {  	s8 =	sadd.s32 s8, s4;
	s9 =	sshrl.u32 s31, $0x3;
	[dreg:$0x1f] =	wrdreg s25  }
0x1f: {  	s14 =	sor.u32 $0x28000, s7;
	s17 =	sadd.s32 $0x1000, s11;
	[smem:$0x7FB] =	sst s29  }
0x20: {  	s24 =	smul.u32 $0x1C0000, s12;
	s12 =	simm.s32 $0x20;
	[dreg:$0x3] =	wrdreg s6  }
0x21: {  	s5 =	sadd.s32 s15, s5;
	s6 =	sadd.s32 s19, s4;
	[dreg:$0x8] =	wrdreg s8  }
0x22: {  	s13 =	sadd.s32 s9, s4;
	s15 =	sshrl.u32 s14, $0x3;
	[dreg:$0x1e] =	wrdreg s17  }
0x23: {  	s8 =	sshrl.u32 s16, $0x3;
	s19 =	sor.u32 $0x24000, s7;
	s7 =	sor.u32 $0x20000, s7  }
0x24: {  	s16 =	simm.s32 $0x400;
	s14 =	simm.s32 $0x3;
	s17 =	simm.s32 $0x18800  }
0x25: {  	s9 =	simm.s32 $0x6;
	[dreg:$0x4] =	wrdreg s6;
	s6 =	sadd.s32 s26, s4  }
0x26: {  	[dreg:$0x9] =	wrdreg s13;
	s18 =	sadd.s32 s8, s4;
	s20 =	sshrl.u32 s19, $0x3  }
0x27: {  	s8 =	sshrl.u32 s21, $0x3;
	s7 =	sshrl.u32 s7, $0x3;
	s26 =	sadd.s32 $0x1800, s11  }
0x28: {  	s31 =	sadd.s32 $0x118, s5;
	s19 =	simm.s32 $0x800;
	[dreg:$0x7] =	wrdreg s6  }
0x29: {  	s11 =	simm.s32 $0x1000;
	s21 =	simm.s32 $0x338;
	[dreg:$0xb] =	wrdreg s18  }
0x2a: {  	s5 =	simm.s32 $0x350;
	s13 =	simm.s32 $0x18C00;
	[smem:$0x7FA] =	sst s26  }
0x2b: {  	s6 =	sadd.s32 s15, s4;
	s22 =	sadd.s32 s8, s4;
	[smem:$0x7FD] =	sst s31  }
0x2c: {  	s23 =	sadd.s32 s7, s4;
	s26 =	simm.s32 $0x8;
	[dreg:$0xa] =	wrdreg s6  }
0x2d: {  	s8 =	simm.s32 $0xC00;
	s7 =	simm.s32 $0x358;
	[dreg:$0xd] =	wrdreg s22  }
0x2e: {  	s18 =	simm.s32 $0x5;
	s6 =	sadd.s32 s20, s4;
	[dreg:$0xe] =	wrdreg s23  }
0x2f: {  	s4 =	sadd.s32 s24, s4;
	s22 =	simm.s32 $0x10;
	s24 =	simm.s32 $0x348  }
0x30: {  	s23 =	simm.s32 $0x4;
	[dreg:$0xc] =	wrdreg s6;
	s0 =	sadd.s32 s0, s4  }
0x31: {  	s6 =	simm.s32 $0x1400;
	s4 =	simm.s32 $0x1A400;
	[dreg:$0xf] =	wrdreg s0  }
.LBB2_1:
0x32: {  	[smem:$0x7F9] =	sst s1  }
0x33: {  	s0 =	rddreg [dreg:$0x10]  }
0x34: {  	[tilespmem:s2], [sflag:$0x1] =	stream.linear.gather [hbm4b:s0+s2], $0x1C0, $0x38;
	[tilespmem:$0x1C400] =	vst v63  }
0x35: {  	s1 =	rddreg [dreg:$0x11];
	s15 =	simm.s32 $0x200;
	s25 =	simm.s32 $0x1  }
0x36: {  	[tilespmem:s15], [sflag:$0x2] =	stream.linear.gather [hbm4b:s1+s2], $0x1C0, $0x38;
	[tilespmem:$0x1C400] =	vst v63  }
0x37: {  	_ =	swait.ge [sflag:s25], $0x1C0  }
0x38: {  	[sflag:s25] =	ssyncset.done $0x0  }
0x39: {  	[sflag:s25] =	ssyncadd.s32 $0xFFFFFE40  }
0x3a: {  	[tilespmem:s16], [sflag:$0x3] =	stream.indirect.gather [hbm4b:s3+s26], $0x80, s2, s26, $0xb8;
	[tilespmem:$0x1C400] =	vst v63  }
0x3b: {  	_ = 	snop  }
0x3c: {  	[tilespmem:s19], [sflag:$0x3] =	stream.indirect.gather [hbm4b:s3+s26], $0x80, s26, s26, $0xb8;
	[tilespmem:$0x1C400] =	vst v63  }
0x3d: {  	_ = 	snop  }
0x3e: {  	[tilespmem:s8], [sflag:$0x3] =	stream.indirect.gather [hbm4b:s3+s26], $0x80, s22, s26, $0xb8;
	[tilespmem:$0x1C400] =	vst v63  }
0x3f: {  	_ = 	snop  }
0x40: {  	[tilespmem:s11], [sflag:$0x3] =	stream.indirect.gather [hbm4b:s3+s26], $0x80, s10, s26, $0xb8;
	[tilespmem:$0x1C400] =	vst v63  }
0x41: {  	_ = 	snop  }
0x42: {  	[tilespmem:s6], [sflag:$0x3] =	stream.indirect.gather [hbm4b:s3+s26], $0x80, s12, s26, $0xb8;
	[tilespmem:$0x1C400] =	vst v63  }
0x43: {  	s20 =	simm.s32 $0x28;
	s29 =	simm.s32 $0x1800  }
0x44: {  	[tilespmem:s29], [sflag:$0x3] =	stream.indirect.gather [hbm4b:s3+s26], $0x80, s20, s26, $0xb8;
	[tilespmem:$0x1C400] =	vst v63  }
0x45: {  	s8 =	simm.s32 $0x1C00;
	s6 =	simm.s32 $0x30  }
0x46: {  	[tilespmem:s8], [sflag:$0x3] =	stream.indirect.gather [hbm4b:s3+s26], $0x80, s6, s26, $0xb8;
	[tilespmem:$0x1C400] =	vst v63  }
0x47: {  	s10 =	simm.s32 $0x38;
	s11 =	simm.s32 $0x2000  }
0x48: {  	[tilespmem:s11], [sflag:$0x3] =	stream.indirect.gather [hbm4b:s3+s26], $0x80, s10, s26, $0xb8;
	[tilespmem:$0x1C400] =	vst v63  }
0x49: {  	s15 =	simm.s32 $0x2400;
	s12 =	simm.s32 $0x40  }
0x4a: {  	[tilespmem:s15], [sflag:$0x3] =	stream.indirect.gather [hbm4b:s3+s26], $0x80, s12, s26, $0xb8;
	[tilespmem:$0x1C400] =	vst v63  }
0x4b: {  	s20 =	simm.s32 $0x48;
	s29 =	simm.s32 $0x2800  }
0x4c: {  	[tilespmem:s29], [sflag:$0x3] =	stream.indirect.gather [hbm4b:s3+s26], $0x80, s20, s26, $0xb8;
	[tilespmem:$0x1C400] =	vst v63  }
0x4d: {  	s6 =	simm.s32 $0x50;
	s8 =	simm.s32 $0x2C00  }
0x4e: {  	[tilespmem:s8], [sflag:$0x3] =	stream.indirect.gather [hbm4b:s3+s26], $0x80, s6, s26, $0xb8;
	[tilespmem:$0x1C400] =	vst v63  }
0x4f: {  	s10 =	simm.s32 $0x58;
	s11 =	simm.s32 $0x3000  }
0x50: {  	[tilespmem:s11], [sflag:$0x3] =	stream.indirect.gather [hbm4b:s3+s26], $0x80, s10, s26, $0xb8;
	[tilespmem:$0x1C400] =	vst v63  }
0x51: {  	s12 =	simm.s32 $0x60;
	s15 =	simm.s32 $0x3400  }
0x52: {  	[tilespmem:s15], [sflag:$0x3] =	stream.indirect.gather [hbm4b:s3+s26], $0x80, s12, s26, $0xb8;
	[tilespmem:$0x1C400] =	vst v63  }
0x53: {  	s20 =	simm.s32 $0x68;
	s29 =	simm.s32 $0x3800  }
0x54: {  	[tilespmem:s29], [sflag:$0x3] =	stream.indirect.gather [hbm4b:s3+s26], $0x80, s20, s26, $0xb8;
	[tilespmem:$0x1C400] =	vst v63  }
0x55: {  	s6 =	simm.s32 $0x70;
	s8 =	simm.s32 $0x3C00  }
0x56: {  	[tilespmem:s8], [sflag:$0x3] =	stream.indirect.gather [hbm4b:s3+s26], $0x80, s6, s26, $0xb8;
	[tilespmem:$0x1C400] =	vst v63  }
0x57: {  	s10 =	simm.s32 $0x78;
	s11 =	simm.s32 $0x4000  }
0x58: {  	[tilespmem:s11], [sflag:$0x3] =	stream.indirect.gather [hbm4b:s3+s26], $0x80, s10, s26, $0xb8;
	[tilespmem:$0x1C400] =	vst v63  }
0x59: {  	s12 =	simm.s32 $0x80;
	s15 =	simm.s32 $0x4400  }
0x5a: {  	[tilespmem:s15], [sflag:$0x3] =	stream.indirect.gather [hbm4b:s3+s26], $0x80, s12, s26, $0xb8;
	[tilespmem:$0x1C400] =	vst v63  }
0x5b: {  	s20 =	simm.s32 $0x88;
	s29 =	simm.s32 $0x4800  }
0x5c: {  	[tilespmem:s29], [sflag:$0x3] =	stream.indirect.gather [hbm4b:s3+s26], $0x80, s20, s26, $0xb8;
	[tilespmem:$0x1C400] =	vst v63  }
0x5d: {  	s6 =	simm.s32 $0x90;
	s8 =	simm.s32 $0x4C00  }
0x5e: {  	[tilespmem:s8], [sflag:$0x3] =	stream.indirect.gather [hbm4b:s3+s26], $0x80, s6, s26, $0xb8;
	[tilespmem:$0x1C400] =	vst v63  }
0x5f: {  	s10 =	simm.s32 $0x98;
	s11 =	simm.s32 $0x5000  }
0x60: {  	[tilespmem:s11], [sflag:$0x3] =	stream.indirect.gather [hbm4b:s3+s26], $0x80, s10, s26, $0xb8;
	[tilespmem:$0x1C400] =	vst v63  }
0x61: {  	s12 =	simm.s32 $0xA0;
	s15 =	simm.s32 $0x5400  }
0x62: {  	[tilespmem:s15], [sflag:$0x3] =	stream.indirect.gather [hbm4b:s3+s26], $0x80, s12, s26, $0xb8;
	[tilespmem:$0x1C400] =	vst v63  }
0x63: {  	s20 =	simm.s32 $0xA8;
	s29 =	simm.s32 $0x5800  }
0x64: {  	[tilespmem:s29], [sflag:$0x3] =	stream.indirect.gather [hbm4b:s3+s26], $0x80, s20, s26, $0xb8;
	[tilespmem:$0x1C400] =	vst v63  }
0x65: {  	s6 =	simm.s32 $0xB0;
	s8 =	simm.s32 $0x5C00  }
0x66: {  	[tilespmem:s8], [sflag:$0x3] =	stream.indirect.gather [hbm4b:s3+s26], $0x80, s6, s26, $0xb8;
	[tilespmem:$0x1C400] =	vst v63  }
0x67: {  	s10 =	simm.s32 $0xB8;
	s11 =	simm.s32 $0x6000  }
0x68: {  	[tilespmem:s11], [sflag:$0x3] =	stream.indirect.gather [hbm4b:s3+s26], $0x80, s10, s26, $0xb8;
	[tilespmem:$0x1C400] =	vst v63  }
0x69: {  	s12 =	simm.s32 $0xC0;
	s15 =	simm.s32 $0x6400  }
0x6a: {  	[tilespmem:s15], [sflag:$0x3] =	stream.indirect.gather [hbm4b:s3+s26], $0x80, s12, s26, $0xb8;
	[tilespmem:$0x1C400] =	vst v63  }
0x6b: {  	s20 =	simm.s32 $0xC8;
	s29 =	simm.s32 $0x6800  }
0x6c: {  	[tilespmem:s29], [sflag:$0x3] =	stream.indirect.gather [hbm4b:s3+s26], $0x80, s20, s26, $0xb8;
	[tilespmem:$0x1C400] =	vst v63  }
0x6d: {  	s1 =	simm.s32 $0xD0;
	s6 =	simm.s32 $0x6C00  }
0x6e: {  	[tilespmem:s6], [sflag:$0x3] =	stream.indirect.gather [hbm4b:s3+s26], $0x80, s1, s26, $0xb8;
	[tilespmem:$0x1C400] =	vst v63  }
0x6f: {  	s10 =	simm.s32 $0xD8;
	s11 =	simm.s32 $0x7000  }
0x70: {  	[tilespmem:s11], [sflag:$0x3] =	stream.indirect.gather [hbm4b:s3+s26], $0x80, s10, s26, $0xb8;
	[tilespmem:$0x1C400] =	vst v63  }
0x71: {  	s12 =	simm.s32 $0xE0;
	s15 =	simm.s32 $0x7400  }
0x72: {  	[tilespmem:s15], [sflag:$0x3] =	stream.indirect.gather [hbm4b:s3+s26], $0x80, s12, s26, $0xb8;
	[tilespmem:$0x1C400] =	vst v63  }
0x73: {  	s20 =	simm.s32 $0xE8;
	s29 =	simm.s32 $0x7800  }
0x74: {  	[tilespmem:s29], [sflag:$0x3] =	stream.indirect.gather [hbm4b:s3+s26], $0x80, s20, s26, $0xb8;
	[tilespmem:$0x1C400] =	vst v63  }
0x75: {  	s1 =	simm.s32 $0xF0;
	s6 =	simm.s32 $0x7C00  }
0x76: {  	[tilespmem:s6], [sflag:$0x3] =	stream.indirect.gather [hbm4b:s3+s26], $0x80, s1, s26, $0xb8;
	[tilespmem:$0x1C400] =	vst v63  }
0x77: {  	s10 =	simm.s32 $0xF8;
	s11 =	simm.s32 $0x8000  }
0x78: {  	[tilespmem:s11], [sflag:$0x3] =	stream.indirect.gather [hbm4b:s3+s26], $0x80, s10, s26, $0xb8;
	[tilespmem:$0x1C400] =	vst v63  }
0x79: {  	s12 =	simm.s32 $0x100;
	s15 =	simm.s32 $0x8400  }
0x7a: {  	[tilespmem:s15], [sflag:$0x3] =	stream.indirect.gather [hbm4b:s3+s26], $0x80, s12, s26, $0xb8;
	[tilespmem:$0x1C400] =	vst v63  }
0x7b: {  	s20 =	simm.s32 $0x108;
	s29 =	simm.s32 $0x8800  }
0x7c: {  	[tilespmem:s29], [sflag:$0x3] =	stream.indirect.gather [hbm4b:s3+s26], $0x80, s20, s26, $0xb8;
	[tilespmem:$0x1C400] =	vst v63  }
0x7d: {  	s6 =	simm.s32 $0x110;
	s11 =	simm.s32 $0x8C00  }
0x7e: {  	[tilespmem:s11], [sflag:$0x3] =	stream.indirect.gather [hbm4b:s3+s26], $0x80, s6, s26, $0xb8;
	[tilespmem:$0x1C400] =	vst v63  }
0x7f: {  	s12 =	simm.s32 $0x118;
	s15 =	simm.s32 $0x9000  }
0x80: {  	[tilespmem:s15], [sflag:$0x3] =	stream.indirect.gather [hbm4b:s3+s26], $0x80, s12, s26, $0xb8;
	[tilespmem:$0x1C400] =	vst v63  }
0x81: {  	s20 =	simm.s32 $0x120;
	s29 =	simm.s32 $0x9400  }
0x82: {  	[tilespmem:s29], [sflag:$0x3] =	stream.indirect.gather [hbm4b:s3+s26], $0x80, s20, s26, $0xb8;
	[tilespmem:$0x1C400] =	vst v63  }
0x83: {  	s6 =	simm.s32 $0x128;
	s11 =	simm.s32 $0x9800  }
0x84: {  	[tilespmem:s11], [sflag:$0x3] =	stream.indirect.gather [hbm4b:s3+s26], $0x80, s6, s26, $0xb8;
	[tilespmem:$0x1C400] =	vst v63  }
0x85: {  	s12 =	simm.s32 $0x130;
	s15 =	simm.s32 $0x9C00  }
0x86: {  	[tilespmem:s15], [sflag:$0x3] =	stream.indirect.gather [hbm4b:s3+s26], $0x80, s12, s26, $0xb8;
	[tilespmem:$0x1C400] =	vst v63  }
0x87: {  	s20 =	simm.s32 $0x138;
	s29 =	simm.s32 $0xA000  }
0x88: {  	[tilespmem:s29], [sflag:$0x3] =	stream.indirect.gather [hbm4b:s3+s26], $0x80, s20, s26, $0xb8;
	[tilespmem:$0x1C400] =	vst v63  }
0x89: {  	s0 =	simm.s32 $0x140;
	s6 =	simm.s32 $0xA400  }
0x8a: {  	[tilespmem:s6], [sflag:$0x3] =	stream.indirect.gather [hbm4b:s3+s26], $0x80, s0, s26, $0xb8;
	[tilespmem:$0x1C400] =	vst v63  }
0x8b: {  	s11 =	simm.s32 $0x148;
	s12 =	simm.s32 $0xA800  }
0x8c: {  	[tilespmem:s12], [sflag:$0x3] =	stream.indirect.gather [hbm4b:s3+s26], $0x80, s11, s26, $0xb8;
	[tilespmem:$0x1C400] =	vst v63  }
0x8d: {  	s20 =	simm.s32 $0x150;
	s29 =	simm.s32 $0xAC00  }
0x8e: {  	[tilespmem:s29], [sflag:$0x3] =	stream.indirect.gather [hbm4b:s3+s26], $0x80, s20, s26, $0xb8;
	[tilespmem:$0x1C400] =	vst v63  }
0x8f: {  	s1 =	simm.s32 $0x158;
	s6 =	simm.s32 $0xB000  }
0x90: {  	[tilespmem:s6], [sflag:$0x3] =	stream.indirect.gather [hbm4b:s3+s26], $0x80, s1, s26, $0xb8;
	[tilespmem:$0x1C400] =	vst v63  }
0x91: {  	s11 =	simm.s32 $0x160;
	s12 =	simm.s32 $0xB400  }
0x92: {  	[tilespmem:s12], [sflag:$0x3] =	stream.indirect.gather [hbm4b:s3+s26], $0x80, s11, s26, $0xb8;
	[tilespmem:$0x1C400] =	vst v63  }
0x93: {  	s20 =	simm.s32 $0x168;
	s29 =	simm.s32 $0xB800  }
0x94: {  	[tilespmem:s29], [sflag:$0x3] =	stream.indirect.gather [hbm4b:s3+s26], $0x80, s20, s26, $0xb8;
	[tilespmem:$0x1C400] =	vst v63  }
0x95: {  	s1 =	simm.s32 $0x170;
	s6 =	simm.s32 $0xBC00  }
0x96: {  	[tilespmem:s6], [sflag:$0x3] =	stream.indirect.gather [hbm4b:s3+s26], $0x80, s1, s26, $0xb8;
	[tilespmem:$0x1C400] =	vst v63  }
0x97: {  	s11 =	simm.s32 $0x178;
	s12 =	simm.s32 $0xC000  }
0x98: {  	[tilespmem:s12], [sflag:$0x3] =	stream.indirect.gather [hbm4b:s3+s26], $0x80, s11, s26, $0xb8;
	[tilespmem:$0x1C400] =	vst v63  }
0x99: {  	s20 =	simm.s32 $0x180;
	s29 =	simm.s32 $0xC400  }
0x9a: {  	[tilespmem:s29], [sflag:$0x3] =	stream.indirect.gather [hbm4b:s3+s26], $0x80, s20, s26, $0xb8;
	[tilespmem:$0x1C400] =	vst v63  }
0x9b: {  	s0 =	simm.s32 $0x188;
	s6 =	simm.s32 $0xC800  }
0x9c: {  	[tilespmem:s6], [sflag:$0x3] =	stream.indirect.gather [hbm4b:s3+s26], $0x80, s0, s26, $0xb8;
	[tilespmem:$0x1C400] =	vst v63  }
0x9d: {  	s11 =	simm.s32 $0x190;
	s12 =	simm.s32 $0xCC00  }
0x9e: {  	[tilespmem:s12], [sflag:$0x3] =	stream.indirect.gather [hbm4b:s3+s26], $0x80, s11, s26, $0xb8;
	[tilespmem:$0x1C400] =	vst v63  }
0x9f: {  	s20 =	simm.s32 $0x198;
	s29 =	simm.s32 $0xD000  }
0xa0: {  	[tilespmem:s29], [sflag:$0x3] =	stream.indirect.gather [hbm4b:s3+s26], $0x80, s20, s26, $0xb8;
	[tilespmem:$0x1C400] =	vst v63  }
0xa1: {  	s0 =	simm.s32 $0x1A0;
	s6 =	simm.s32 $0xD400  }
0xa2: {  	[tilespmem:s6], [sflag:$0x3] =	stream.indirect.gather [hbm4b:s3+s26], $0x80, s0, s26, $0xb8;
	[tilespmem:$0x1C400] =	vst v63  }
0xa3: {  	s12 =	simm.s32 $0x1A8;
	s29 =	simm.s32 $0xD800  }
0xa4: {  	[tilespmem:s29], [sflag:$0x3] =	stream.indirect.gather [hbm4b:s3+s26], $0x80, s12, s26, $0xb8;
	[tilespmem:$0x1C400] =	vst v63  }
0xa5: {  	s6 =	simm.s32 $0x1B0;
	s29 =	simm.s32 $0xDC00  }
0xa6: {  	[tilespmem:s29], [sflag:$0x3] =	stream.indirect.gather [hbm4b:s3+s26], $0x80, s6, s26, $0xb8;
	[tilespmem:$0x1C400] =	vst v63  }
0xa7: {  	s0 =	simm.s32 $0x1B8;
	s6 =	simm.s32 $0xE000  }
0xa8: {  	[tilespmem:s6], [sflag:$0x3] =	stream.indirect.gather [hbm4b:s3+s26], $0x80, s0, s26, $0xb8;
	[tilespmem:$0x1C400] =	vst v63  }
0xa9: {  	_ =	swait.ge [sflag:s14], $0x2000  }
0xaa: {  	[sflag:s14] =	ssyncset.done $0x0  }
0xab: {  	[sflag:s14] =	ssyncadd.s32 $0xFFFFE000  }
0xac: {  	_ =	swait.ge [sflag:s14], $0x2000  }
0xad: {  	[sflag:s14] =	ssyncset.done $0x0  }
0xae: {  	[sflag:s14] =	ssyncadd.s32 $0xFFFFE000  }
0xaf: {  	_ =	swait.ge [sflag:s14], $0x2000  }
0xb0: {  	[sflag:s14] =	ssyncset.done $0x0  }
0xb1: {  	[sflag:s14] =	ssyncadd.s32 $0xFFFFE000  }
0xb2: {  	_ =	swait.ge [sflag:s14], $0x2000  }
0xb3: {  	[sflag:s14] =	ssyncset.done $0x0  }
0xb4: {  	[sflag:s14] =	ssyncadd.s32 $0xFFFFE000  }
0xb5: {  	_ =	swait.ge [sflag:s14], $0x2000  }
0xb6: {  	[sflag:s14] =	ssyncset.done $0x0  }
0xb7: {  	[sflag:s14] =	ssyncadd.s32 $0xFFFFE000  }
0xb8: {  	_ =	swait.ge [sflag:s14], $0x2000  }
0xb9: {  	[sflag:s14] =	ssyncset.done $0x0  }
0xba: {  	[sflag:s14] =	ssyncadd.s32 $0xFFFFE000  }
0xbb: {  	_ =	swait.ge [sflag:s14], $0x2000  }
0xbc: {  	[sflag:s14] =	ssyncset.done $0x0  }
0xbd: {  	s6 =	rddreg [dreg:$0x12];
	[sflag:s14] =	ssyncadd.s32 $0xFFFFE000  }
0xbe: {  	[hbm4b:s6+s2] =	stream.linear.scatter [tilespmem:s16], [sflag:$0x5], $0x2000, $0x38;
	[tilespmem:$0x1C400] =	vst v63  }
0xbf: {  	s0 =	rddreg [dreg:$0x13];
	s6 =	simm.s32 $0x2400  }
0xc0: {  	[hbm4b:s0+s2] =	stream.linear.scatter [tilespmem:s6], [sflag:$0x5], $0x2000, $0x38;
	[tilespmem:$0x1C400] =	vst v63  }
0xc1: {  	s0 =	rddreg [dreg:$0x14];
	s6 =	simm.s32 $0x4400  }
0xc2: {  	[hbm4b:s0+s2] =	stream.linear.scatter [tilespmem:s6], [sflag:$0x5], $0x2000, $0x38;
	[tilespmem:$0x1C400] =	vst v63  }
0xc3: {  	s8 =	simm.s32 $0x6400;
	s6 =	rddreg [dreg:$0x15]  }
0xc4: {  	[hbm4b:s6+s2] =	stream.linear.scatter [tilespmem:s8], [sflag:$0x5], $0x2000, $0x38;
	[tilespmem:$0x1C400] =	vst v63  }
0xc5: {  	s10 =	simm.s32 $0x8400;
	s8 =	rddreg [dreg:$0x16]  }
0xc6: {  	[hbm4b:s8+s2] =	stream.linear.scatter [tilespmem:s10], [sflag:$0x5], $0x2000, $0x38;
	[tilespmem:$0x1C400] =	vst v63  }
0xc7: {  	s15 =	simm.s32 $0xA400;
	s6 =	rddreg [dreg:$0x17]  }
0xc8: {  	[hbm4b:s6+s2] =	stream.linear.scatter [tilespmem:s15], [sflag:$0x5], $0x2000, $0x38;
	[tilespmem:$0x1C400] =	vst v63  }
0xc9: {  	s8 =	simm.s32 $0xC400;
	s6 =	rddreg [dreg:$0x18]  }
0xca: {  	[hbm4b:s6+s2] =	stream.linear.scatter [tilespmem:s8], [sflag:$0x5], $0x100, $0x38;
	[tilespmem:$0x1C400] =	vst v63  }
0xcb: {  	s15 =	simm.s32 $0xC800;
	s10 =	sadd.s32 $0x80, s6  }
0xcc: {  	[hbm4b:s10+s2] =	stream.linear.scatter [tilespmem:s15], [sflag:$0x5], $0x100, $0x38;
	[tilespmem:$0x1C400] =	vst v63  }
0xcd: {  	s1 =	simm.s32 $0xCC00;
	s10 =	sadd.s32 $0x100, s6  }
0xce: {  	[hbm4b:s10+s2] =	stream.linear.scatter [tilespmem:s1], [sflag:$0x5], $0x100, $0x38;
	[tilespmem:$0x1C400] =	vst v63  }
0xcf: {  	s31 =	simm.s32 $0xD000;
	s15 =	sadd.s32 $0x180, s6  }
0xd0: {  	[hbm4b:s15+s2] =	stream.linear.scatter [tilespmem:s31], [sflag:$0x5], $0x100, $0x38;
	[tilespmem:$0x1C400] =	vst v63  }
0xd1: {  	s20 =	simm.s32 $0xD400;
	s1 =	sadd.s32 $0x200, s6  }
0xd2: {  	[hbm4b:s1+s2] =	stream.linear.scatter [tilespmem:s20], [sflag:$0x5], $0x100, $0x38;
	[tilespmem:$0x1C400] =	vst v63  }
0xd3: {  	s11 =	simm.s32 $0xD800;
	s8 =	sadd.s32 $0x280, s6  }
0xd4: {  	[hbm4b:s8+s2] =	stream.linear.scatter [tilespmem:s11], [sflag:$0x5], $0x100, $0x38;
	[tilespmem:$0x1C400] =	vst v63  }
0xd5: {  	s29 =	simm.s32 $0xDC00;
	s10 =	sadd.s32 $0x300, s6  }
0xd6: {  	[hbm4b:s10+s2] =	stream.linear.scatter [tilespmem:s29], [sflag:$0x5], $0x100, $0x38;
	[tilespmem:$0x1C400] =	vst v63  }
0xd7: {  	s12 =	simm.s32 $0xE000;
	s11 =	sadd.s32 $0x380, s6  }
0xd8: {  	[hbm4b:s11+s2] =	stream.linear.scatter [tilespmem:s12], [sflag:$0x5], $0x100, $0x38;
	[tilespmem:$0x1C400] =	vst v63  }
0xd9: {  	s15 =	rddreg [dreg:$0x19];
	s12 =	simm.s32 $0x2  }
0xda: {  	[tilespmem:s2], [sflag:$0x1] =	stream.linear.gather [hbm4b:s15+s2], $0x1C0, $0x38;
	[tilespmem:$0x1C400] =	vst v63  }
0xdb: {  	_ =	swait.ge [sflag:s12], $0x1C0  }
0xdc: {  	[sflag:s12] =	ssyncset.done $0x0  }
0xdd: {  	s20 =	simm.s32 $0xE400;
	s29 =	simm.s32 $0x200;
	[sflag:s12] =	ssyncadd.s32 $0xFFFFFE40  }
0xde: {  	[tilespmem:s20], [sflag:$0x4] =	stream.indirect.gather [hbm4b:s3+s26], $0x80, s29, s26, $0xb8;
	[tilespmem:$0x1C400] =	vst v63  }
0xdf: {  	s1 =	simm.s32 $0x208;
	s6 =	simm.s32 $0xE800  }
0xe0: {  	[tilespmem:s6], [sflag:$0x4] =	stream.indirect.gather [hbm4b:s3+s26], $0x80, s1, s26, $0xb8;
	[tilespmem:$0x1C400] =	vst v63  }
0xe1: {  	s8 =	simm.s32 $0x210;
	s10 =	simm.s32 $0xEC00  }
0xe2: {  	[tilespmem:s10], [sflag:$0x4] =	stream.indirect.gather [hbm4b:s3+s26], $0x80, s8, s26, $0xb8;
	[tilespmem:$0x1C400] =	vst v63  }
0xe3: {  	s11 =	simm.s32 $0x218;
	s29 =	simm.s32 $0xF000  }
0xe4: {  	[tilespmem:s29], [sflag:$0x4] =	stream.indirect.gather [hbm4b:s3+s26], $0x80, s11, s26, $0xb8;
	[tilespmem:$0x1C400] =	vst v63  }
0xe5: {  	s1 =	simm.s32 $0x220;
	s6 =	simm.s32 $0xF400  }
0xe6: {  	[tilespmem:s6], [sflag:$0x4] =	stream.indirect.gather [hbm4b:s3+s26], $0x80, s1, s26, $0xb8;
	[tilespmem:$0x1C400] =	vst v63  }
0xe7: {  	s8 =	simm.s32 $0x228;
	s10 =	simm.s32 $0xF800  }
0xe8: {  	[tilespmem:s10], [sflag:$0x4] =	stream.indirect.gather [hbm4b:s3+s26], $0x80, s8, s26, $0xb8;
	[tilespmem:$0x1C400] =	vst v63  }
0xe9: {  	s11 =	simm.s32 $0x230;
	s29 =	simm.s32 $0xFC00  }
0xea: {  	[tilespmem:s29], [sflag:$0x4] =	stream.indirect.gather [hbm4b:s3+s26], $0x80, s11, s26, $0xb8;
	[tilespmem:$0x1C400] =	vst v63  }
0xeb: {  	s1 =	simm.s32 $0x238;
	s6 =	simm.s32 $0x10000  }
0xec: {  	[tilespmem:s6], [sflag:$0x4] =	stream.indirect.gather [hbm4b:s3+s26], $0x80, s1, s26, $0xb8;
	[tilespmem:$0x1C400] =	vst v63  }
0xed: {  	s8 =	simm.s32 $0x240;
	s10 =	simm.s32 $0x10400  }
0xee: {  	[tilespmem:s10], [sflag:$0x4] =	stream.indirect.gather [hbm4b:s3+s26], $0x80, s8, s26, $0xb8;
	[tilespmem:$0x1C400] =	vst v63  }
0xef: {  	s11 =	simm.s32 $0x248;
	s29 =	simm.s32 $0x10800  }
0xf0: {  	[tilespmem:s29], [sflag:$0x4] =	stream.indirect.gather [hbm4b:s3+s26], $0x80, s11, s26, $0xb8;
	[tilespmem:$0x1C400] =	vst v63  }
0xf1: {  	s6 =	simm.s32 $0x250;
	s8 =	simm.s32 $0x10C00  }
0xf2: {  	[tilespmem:s8], [sflag:$0x4] =	stream.indirect.gather [hbm4b:s3+s26], $0x80, s6, s26, $0xb8;
	[tilespmem:$0x1C400] =	vst v63  }
0xf3: {  	s11 =	simm.s32 $0x258;
	s29 =	simm.s32 $0x11000  }
0xf4: {  	[tilespmem:s29], [sflag:$0x4] =	stream.indirect.gather [hbm4b:s3+s26], $0x80, s11, s26, $0xb8;
	[tilespmem:$0x1C400] =	vst v63  }
0xf5: {  	s6 =	simm.s32 $0x260;
	s8 =	simm.s32 $0x11400  }
0xf6: {  	[tilespmem:s8], [sflag:$0x4] =	stream.indirect.gather [hbm4b:s3+s26], $0x80, s6, s26, $0xb8;
	[tilespmem:$0x1C400] =	vst v63  }
0xf7: {  	s11 =	simm.s32 $0x268;
	s29 =	simm.s32 $0x11800  }
0xf8: {  	[tilespmem:s29], [sflag:$0x4] =	stream.indirect.gather [hbm4b:s3+s26], $0x80, s11, s26, $0xb8;
	[tilespmem:$0x1C400] =	vst v63  }
0xf9: {  	s6 =	simm.s32 $0x270;
	s8 =	simm.s32 $0x11C00  }
0xfa: {  	[tilespmem:s8], [sflag:$0x4] =	stream.indirect.gather [hbm4b:s3+s26], $0x80, s6, s26, $0xb8;
	[tilespmem:$0x1C400] =	vst v63  }
0xfb: {  	s11 =	simm.s32 $0x278;
	s29 =	simm.s32 $0x12000  }
0xfc: {  	[tilespmem:s29], [sflag:$0x4] =	stream.indirect.gather [hbm4b:s3+s26], $0x80, s11, s26, $0xb8;
	[tilespmem:$0x1C400] =	vst v63  }
0xfd: {  	s6 =	simm.s32 $0x280;
	s8 =	simm.s32 $0x12400  }
0xfe: {  	[tilespmem:s8], [sflag:$0x4] =	stream.indirect.gather [hbm4b:s3+s26], $0x80, s6, s26, $0xb8;
	[tilespmem:$0x1C400] =	vst v63  }
0xff: {  	s11 =	simm.s32 $0x288;
	s29 =	simm.s32 $0x12800  }
0x100: {  	[tilespmem:s29], [sflag:$0x4] =	stream.indirect.gather [hbm4b:s3+s26], $0x80, s11, s26, $0xb8;
	[tilespmem:$0x1C400] =	vst v63  }
0x101: {  	s1 =	simm.s32 $0x290;
	s8 =	simm.s32 $0x12C00  }
0x102: {  	[tilespmem:s8], [sflag:$0x4] =	stream.indirect.gather [hbm4b:s3+s26], $0x80, s1, s26, $0xb8;
	[tilespmem:$0x1C400] =	vst v63  }
0x103: {  	s11 =	simm.s32 $0x298;
	s29 =	simm.s32 $0x13000  }
0x104: {  	[tilespmem:s29], [sflag:$0x4] =	stream.indirect.gather [hbm4b:s3+s26], $0x80, s11, s26, $0xb8;
	[tilespmem:$0x1C400] =	vst v63  }
0x105: {  	s1 =	simm.s32 $0x2A0;
	s8 =	simm.s32 $0x13400  }
0x106: {  	[tilespmem:s8], [sflag:$0x4] =	stream.indirect.gather [hbm4b:s3+s26], $0x80, s1, s26, $0xb8;
	[tilespmem:$0x1C400] =	vst v63  }
0x107: {  	s11 =	simm.s32 $0x2A8;
	s29 =	simm.s32 $0x13800  }
0x108: {  	[tilespmem:s29], [sflag:$0x4] =	stream.indirect.gather [hbm4b:s3+s26], $0x80, s11, s26, $0xb8;
	[tilespmem:$0x1C400] =	vst v63  }
0x109: {  	s1 =	simm.s32 $0x2B0;
	s8 =	simm.s32 $0x13C00  }
0x10a: {  	[tilespmem:s8], [sflag:$0x4] =	stream.indirect.gather [hbm4b:s3+s26], $0x80, s1, s26, $0xb8;
	[tilespmem:$0x1C400] =	vst v63  }
0x10b: {  	s11 =	simm.s32 $0x2B8;
	s29 =	simm.s32 $0x14000  }
0x10c: {  	[tilespmem:s29], [sflag:$0x4] =	stream.indirect.gather [hbm4b:s3+s26], $0x80, s11, s26, $0xb8;
	[tilespmem:$0x1C400] =	vst v63  }
0x10d: {  	s0 =	simm.s32 $0x2C0;
	s8 =	simm.s32 $0x14400  }
0x10e: {  	[tilespmem:s8], [sflag:$0x4] =	stream.indirect.gather [hbm4b:s3+s26], $0x80, s0, s26, $0xb8;
	[tilespmem:$0x1C400] =	vst v63  }
0x10f: {  	s11 =	simm.s32 $0x2C8;
	s29 =	simm.s32 $0x14800  }
0x110: {  	[tilespmem:s29], [sflag:$0x4] =	stream.indirect.gather [hbm4b:s3+s26], $0x80, s11, s26, $0xb8;
	[tilespmem:$0x1C400] =	vst v63  }
0x111: {  	s11 =	simm.s32 $0x2D0;
	s29 =	simm.s32 $0x14C00  }
0x112: {  	[tilespmem:s29], [sflag:$0x4] =	stream.indirect.gather [hbm4b:s3+s26], $0x80, s11, s26, $0xb8;
	[tilespmem:$0x1C400] =	vst v63  }
0x113: {  	s11 =	simm.s32 $0x2D8;
	s29 =	simm.s32 $0x15000  }
0x114: {  	[tilespmem:s29], [sflag:$0x4] =	stream.indirect.gather [hbm4b:s3+s26], $0x80, s11, s26, $0xb8;
	[tilespmem:$0x1C400] =	vst v63  }
0x115: {  	s11 =	simm.s32 $0x2E0;
	s29 =	simm.s32 $0x15400  }
0x116: {  	[tilespmem:s29], [sflag:$0x4] =	stream.indirect.gather [hbm4b:s3+s26], $0x80, s11, s26, $0xb8;
	[tilespmem:$0x1C400] =	vst v63  }
0x117: {  	s11 =	simm.s32 $0x2E8;
	s29 =	simm.s32 $0x15800  }
0x118: {  	[tilespmem:s29], [sflag:$0x4] =	stream.indirect.gather [hbm4b:s3+s26], $0x80, s11, s26, $0xb8;
	[tilespmem:$0x1C400] =	vst v63  }
0x119: {  	s11 =	simm.s32 $0x2F0;
	s29 =	simm.s32 $0x15C00  }
0x11a: {  	[tilespmem:s29], [sflag:$0x4] =	stream.indirect.gather [hbm4b:s3+s26], $0x80, s11, s26, $0xb8;
	[tilespmem:$0x1C400] =	vst v63  }
0x11b: {  	s11 =	simm.s32 $0x2F8;
	s29 =	simm.s32 $0x16000  }
0x11c: {  	[tilespmem:s29], [sflag:$0x4] =	stream.indirect.gather [hbm4b:s3+s26], $0x80, s11, s26, $0xb8;
	[tilespmem:$0x1C400] =	vst v63  }
0x11d: {  	s11 =	simm.s32 $0x300;
	s29 =	simm.s32 $0x16400  }
0x11e: {  	[tilespmem:s29], [sflag:$0x4] =	stream.indirect.gather [hbm4b:s3+s26], $0x80, s11, s26, $0xb8;
	[tilespmem:$0x1C400] =	vst v63  }
0x11f: {  	s11 =	simm.s32 $0x308;
	s29 =	simm.s32 $0x16800  }
0x120: {  	[tilespmem:s29], [sflag:$0x4] =	stream.indirect.gather [hbm4b:s3+s26], $0x80, s11, s26, $0xb8;
	[tilespmem:$0x1C400] =	vst v63  }
0x121: {  	s11 =	simm.s32 $0x310;
	s29 =	simm.s32 $0x16C00  }
0x122: {  	[tilespmem:s29], [sflag:$0x4] =	stream.indirect.gather [hbm4b:s3+s26], $0x80, s11, s26, $0xb8;
	[tilespmem:$0x1C400] =	vst v63  }
0x123: {  	s11 =	simm.s32 $0x318;
	s29 =	simm.s32 $0x17000  }
0x124: {  	[tilespmem:s29], [sflag:$0x4] =	stream.indirect.gather [hbm4b:s3+s26], $0x80, s11, s26, $0xb8;
	[tilespmem:$0x1C400] =	vst v63  }
0x125: {  	s11 =	simm.s32 $0x320;
	s29 =	simm.s32 $0x17400  }
0x126: {  	[tilespmem:s29], [sflag:$0x4] =	stream.indirect.gather [hbm4b:s3+s26], $0x80, s11, s26, $0xb8;
	[tilespmem:$0x1C400] =	vst v63  }
0x127: {  	s11 =	simm.s32 $0x328;
	s29 =	simm.s32 $0x17800  }
0x128: {  	[tilespmem:s29], [sflag:$0x4] =	stream.indirect.gather [hbm4b:s3+s26], $0x80, s11, s26, $0xb8;
	[tilespmem:$0x1C400] =	vst v63  }
0x129: {  	s11 =	simm.s32 $0x330;
	s29 =	simm.s32 $0x17C00  }
0x12a: {  	[tilespmem:s29], [sflag:$0x4] =	stream.indirect.gather [hbm4b:s3+s26], $0x80, s11, s26, $0xb8;
	[tilespmem:$0x1C400] =	vst v63  }
0x12b: {  	s11 =	simm.s32 $0x18000  }
0x12c: {  	[tilespmem:s11], [sflag:$0x4] =	stream.indirect.gather [hbm4b:s3+s26], $0x80, s21, s26, $0xb8;
	[tilespmem:$0x1C400] =	vst v63  }
0x12d: {  	s21 =	simm.s32 $0x18400  }
0x12e: {  	[tilespmem:s21], [sflag:$0x4] =	stream.indirect.gather [hbm4b:s3+s26], $0x80, s30, s26, $0xb8;
	[tilespmem:$0x1C400] =	vst v63  }
0x12f: {  	_ = 	snop  }
0x130: {  	[tilespmem:s17], [sflag:$0x4] =	stream.indirect.gather [hbm4b:s3+s26], $0x80, s24, s26, $0xb8;
	[tilespmem:$0x1C400] =	vst v63  }
0x131: {  	_ = 	snop  }
0x132: {  	[tilespmem:s13], [sflag:$0x4] =	stream.indirect.gather [hbm4b:s3+s26], $0x80, s5, s26, $0xb8;
	[tilespmem:$0x1C400] =	vst v63  }
0x133: {  	_ = 	snop  }
0x134: {  	[tilespmem:s28], [sflag:$0x4] =	stream.indirect.gather [hbm4b:s3+s26], $0x80, s7, s26, $0xb8;
	[tilespmem:$0x1C400] =	vst v63  }
0x135: {  	s24 =	simm.s32 $0x360;
	s28 =	simm.s32 $0x19400  }
0x136: {  	[tilespmem:s28], [sflag:$0x4] =	stream.indirect.gather [hbm4b:s3+s26], $0x80, s24, s26, $0xb8;
	[tilespmem:$0x1C400] =	vst v63  }
0x137: {  	s29 =	simm.s32 $0x368;
	s30 =	simm.s32 $0x19800  }
0x138: {  	[tilespmem:s30], [sflag:$0x4] =	stream.indirect.gather [hbm4b:s3+s26], $0x80, s29, s26, $0xb8;
	[tilespmem:$0x1C400] =	vst v63  }
0x139: {  	s13 =	simm.s32 $0x19C00;
	s7 =	simm.s32 $0x370  }
0x13a: {  	[tilespmem:s13], [sflag:$0x4] =	stream.indirect.gather [hbm4b:s3+s26], $0x80, s7, s26, $0xb8;
	[tilespmem:$0x1C400] =	vst v63  }
0x13b: {  	s21 =	simm.s32 $0x1A000;
	s17 =	simm.s32 $0x378  }
0x13c: {  	[tilespmem:s21], [sflag:$0x4] =	stream.indirect.gather [hbm4b:s3+s26], $0x80, s17, s26, $0xb8;
	[tilespmem:$0x1C400] =	vst v63  }
0x13d: {  	s24 =	simm.s32 $0x380  }
0x13e: {  	[tilespmem:s4], [sflag:$0x4] =	stream.indirect.gather [hbm4b:s3+s26], $0x80, s24, s26, $0xb8;
	[tilespmem:$0x1C400] =	vst v63  }
0x13f: {  	s28 =	simm.s32 $0x388;
	s21 =	simm.s32 $0x1A800  }
0x140: {  	[tilespmem:s21], [sflag:$0x4] =	stream.indirect.gather [hbm4b:s3+s26], $0x80, s28, s26, $0xb8;
	[tilespmem:$0x1C400] =	vst v63  }
0x141: {  	s29 =	simm.s32 $0x390;
	s24 =	simm.s32 $0x1AC00  }
0x142: {  	[tilespmem:s24], [sflag:$0x4] =	stream.indirect.gather [hbm4b:s3+s26], $0x80, s29, s26, $0xb8;
	[tilespmem:$0x1C400] =	vst v63  }
0x143: {  	s30 =	simm.s32 $0x398;
	s28 =	simm.s32 $0x1B000  }
0x144: {  	[tilespmem:s28], [sflag:$0x4] =	stream.indirect.gather [hbm4b:s3+s26], $0x80, s30, s26, $0xb8;
	[tilespmem:$0x1C400] =	vst v63  }
0x145: {  	s5 =	simm.s32 $0x3A0;
	s30 =	simm.s32 $0x1B400  }
0x146: {  	[tilespmem:s30], [sflag:$0x4] =	stream.indirect.gather [hbm4b:s3+s26], $0x80, s5, s26, $0xb8;
	[tilespmem:$0x1C400] =	vst v63  }
0x147: {  	s7 =	simm.s32 $0x1B800;
	s13 =	simm.s32 $0x3A8  }
0x148: {  	[tilespmem:s7], [sflag:$0x4] =	stream.indirect.gather [hbm4b:s3+s26], $0x80, s13, s26, $0xb8;
	[tilespmem:$0x1C400] =	vst v63  }
0x149: {  	s17 =	simm.s32 $0x1BC00;
	s29 =	simm.s32 $0x3B0  }
0x14a: {  	[tilespmem:s17], [sflag:$0x4] =	stream.indirect.gather [hbm4b:s3+s26], $0x80, s29, s26, $0xb8;
	[tilespmem:$0x1C400] =	vst v63  }
0x14b: {  	s5 =	simm.s32 $0x1C000;
	s17 =	simm.s32 $0x3B8  }
0x14c: {  	[tilespmem:s5], [sflag:$0x4] =	stream.indirect.gather [hbm4b:s3+s26], $0x80, s17, s26, $0xb8;
	[tilespmem:$0x1C400] =	vst v63  }
0x14d: {  	_ =	swait.ge [sflag:s23], $0x2000  }
0x14e: {  	[sflag:s23] =	ssyncset.done $0x0  }
0x14f: {  	[sflag:s23] =	ssyncadd.s32 $0xFFFFE000  }
0x150: {  	_ =	swait.ge [sflag:s23], $0x2000  }
0x151: {  	[sflag:s23] =	ssyncset.done $0x0  }
0x152: {  	[sflag:s23] =	ssyncadd.s32 $0xFFFFE000  }
0x153: {  	_ =	swait.ge [sflag:s23], $0x2000  }
0x154: {  	[sflag:s23] =	ssyncset.done $0x0  }
0x155: {  	[sflag:s23] =	ssyncadd.s32 $0xFFFFE000  }
0x156: {  	_ =	swait.ge [sflag:s23], $0x2000  }
0x157: {  	[sflag:s23] =	ssyncset.done $0x0  }
0x158: {  	[sflag:s23] =	ssyncadd.s32 $0xFFFFE000  }
0x159: {  	_ =	swait.ge [sflag:s23], $0x2000  }
0x15a: {  	[sflag:s23] =	ssyncset.done $0x0  }
0x15b: {  	[sflag:s23] =	ssyncadd.s32 $0xFFFFE000  }
0x15c: {  	_ =	swait.ge [sflag:s23], $0x2000  }
0x15d: {  	[sflag:s23] =	ssyncset.done $0x0  }
0x15e: {  	[sflag:s23] =	ssyncadd.s32 $0xFFFFE000  }
0x15f: {  	_ =	swait.ge [sflag:s23], $0x2000  }
0x160: {  	[sflag:s23] =	ssyncset.done $0x0;
	s29 =	rddreg [dreg:$0x1a]  }
0x161: {  	s15 =	simm.s32 $0xE400;
	s17 =	rddreg [dreg:$0x1b];
	[sflag:s23] =	ssyncadd.s32 $0xFFFFE000  }
0x162: {  	[hbm4b:s29+s2] =	stream.linear.scatter [tilespmem:s15], [sflag:$0x6], $0x2000, $0x38;
	[tilespmem:$0x1C400] =	vst v63  }
0x163: {  	s10 =	simm.s32 $0x10400;
	s29 =	rddreg [dreg:$0x1c]  }
0x164: {  	[hbm4b:s17+s2] =	stream.linear.scatter [tilespmem:s10], [sflag:$0x6], $0x2000, $0x38;
	[tilespmem:$0x1C400] =	vst v63  }
0x165: {  	s6 =	simm.s32 $0x12400;
	s15 =	rddreg [dreg:$0x1e]  }
0x166: {  	[hbm4b:s29+s2] =	stream.linear.scatter [tilespmem:s6], [sflag:$0x6], $0x2000, $0x38;
	[tilespmem:$0x1C400] =	vst v63  }
0x167: {  	s1 =	simm.s32 $0x14400;
	s10 =	rddreg [dreg:$0x1d]  }
0x168: {  	[hbm4b:s10+s2] =	stream.linear.scatter [tilespmem:s1], [sflag:$0x6], $0x2000, $0x38;
	[tilespmem:$0x1C400] =	vst v63  }
0x169: {  	s8 =	simm.s32 $0x16400;
	s17 =	rddreg [dreg:$0x1f]  }
0x16a: {  	[hbm4b:s15+s2] =	stream.linear.scatter [tilespmem:s8], [sflag:$0x6], $0x2000, $0x38;
	[tilespmem:$0x1C400] =	vst v63  }
0x16b: {  	s11 =	simm.s32 $0x18400;
	s29 =	sld [smem:$0x7FA]  }
0x16c: {  	[hbm4b:s17+s2] =	stream.linear.scatter [tilespmem:s11], [sflag:$0x6], $0x2000, $0x38;
	[tilespmem:$0x1C400] =	vst v63  }
0x16d: {  	s4 =	simm.s32 $0x1A400  }
0x16e: {  	[hbm4b:s29+s2] =	stream.linear.scatter [tilespmem:s4], [sflag:$0x6], $0x100, $0x38;
	[tilespmem:$0x1C400] =	vst v63  }
0x16f: {  	s1 =	sadd.s32 $0x80, s29  }
0x170: {  	[hbm4b:s1+s2] =	stream.linear.scatter [tilespmem:s21], [sflag:$0x6], $0x100, $0x38;
	[tilespmem:$0x1C400] =	vst v63  }
0x171: {  	s4 =	sadd.s32 $0x100, s29  }
0x172: {  	[hbm4b:s4+s2] =	stream.linear.scatter [tilespmem:s24], [sflag:$0x6], $0x100, $0x38;
	[tilespmem:$0x1C400] =	vst v63  }
0x173: {  	s8 =	sadd.s32 $0x180, s29  }
0x174: {  	[hbm4b:s8+s2] =	stream.linear.scatter [tilespmem:s28], [sflag:$0x6], $0x100, $0x38;
	[tilespmem:$0x1C400] =	vst v63  }
0x175: {  	s10 =	sadd.s32 $0x200, s29  }
0x176: {  	[hbm4b:s10+s2] =	stream.linear.scatter [tilespmem:s30], [sflag:$0x6], $0x100, $0x38;
	[tilespmem:$0x1C400] =	vst v63  }
0x177: {  	s13 =	simm.s32 $0x1B800;
	s11 =	sadd.s32 $0x280, s29  }
0x178: {  	[hbm4b:s11+s2] =	stream.linear.scatter [tilespmem:s13], [sflag:$0x6], $0x100, $0x38;
	[tilespmem:$0x1C400] =	vst v63  }
0x179: {  	s7 =	simm.s32 $0x1BC00;
	s15 =	sadd.s32 $0x300, s29  }
0x17a: {  	[hbm4b:s15+s2] =	stream.linear.scatter [tilespmem:s7], [sflag:$0x6], $0x100, $0x38;
	[tilespmem:$0x1C400] =	vst v63  }
0x17b: {  	s5 =	simm.s32 $0x1C000;
	s17 =	sadd.s32 $0x380, s29;
	s29 =	sld [smem:$0x7FB]  }
0x17c: {  	[hbm4b:s17+s2] =	stream.linear.scatter [tilespmem:s5], [sflag:$0x6], $0x100, $0x38;
	[tilespmem:$0x1C400] =	vst v63  }
0x17d: {  	s20 =	simm.s32 $0x200  }
0x17e: {  	[tilespmem:s20], [sflag:$0x2] =	stream.linear.gather [hbm4b:s29+s2], $0x1C0, $0x38;
	[tilespmem:$0x1C400] =	vst v63  }
0x17f: {  	_ =	swait.ge [sflag:s18], $0x2000  }
0x180: {  	[sflag:s18] =	ssyncset.done $0x0  }
0x181: {  	[sflag:s18] =	ssyncadd.s32 $0xFFFFE000  }
0x182: {  	_ =	swait.ge [sflag:s18], $0x2000  }
0x183: {  	[sflag:s18] =	ssyncset.done $0x0  }
0x184: {  	[sflag:s18] =	ssyncadd.s32 $0xFFFFE000  }
0x185: {  	_ =	swait.ge [sflag:s18], $0x2000  }
0x186: {  	[sflag:s18] =	ssyncset.done $0x0  }
0x187: {  	[sflag:s18] =	ssyncadd.s32 $0xFFFFE000  }
0x188: {  	_ =	swait.ge [sflag:s18], $0x2000  }
0x189: {  	[sflag:s18] =	ssyncset.done $0x0  }
0x18a: {  	[sflag:s18] =	ssyncadd.s32 $0xFFFFE000  }
0x18b: {  	_ =	swait.ge [sflag:s18], $0x2000  }
0x18c: {  	[sflag:s18] =	ssyncset.done $0x0  }
0x18d: {  	[sflag:s18] =	ssyncadd.s32 $0xFFFFE000  }
0x18e: {  	_ =	swait.ge [sflag:s18], $0x2000  }
0x18f: {  	[sflag:s18] =	ssyncset.done $0x0  }
0x190: {  	[sflag:s18] =	ssyncadd.s32 $0xFFFFE000  }
0x191: {  	_ =	swait.ge [sflag:s18], $0x800  }
0x192: {  	[sflag:s18] =	ssyncset.done $0x0  }
0x193: {  	[sflag:s18] =	ssyncadd.s32 $0xFFFFF800  }
0x194: {  	_ =	swait.ge [sflag:s25], $0x1C0  }
0x195: {  	[sflag:s25] =	ssyncset.done $0x0  }
0x196: {  	[sflag:s25] =	ssyncadd.s32 $0xFFFFFE40  }
0x197: {  	[tilespmem:s16], [sflag:$0x3] =	stream.indirect.gather [hbm4b:s3+s26], $0x80, s2, s26, $0xb8;
	[tilespmem:$0x1C400] =	vst v63  }
0x198: {  	_ = 	snop  }
0x199: {  	[tilespmem:s19], [sflag:$0x3] =	stream.indirect.gather [hbm4b:s3+s26], $0x80, s26, s26, $0xb8;
	[tilespmem:$0x1C400] =	vst v63  }
0x19a: {  	s1 =	simm.s32 $0xC00  }
0x19b: {  	[tilespmem:s1], [sflag:$0x3] =	stream.indirect.gather [hbm4b:s3+s26], $0x80, s22, s26, $0xb8;
	[tilespmem:$0x1C400] =	vst v63  }
0x19c: {  	s4 =	simm.s32 $0x18;
	s5 =	simm.s32 $0x1000  }
0x19d: {  	[tilespmem:s5], [sflag:$0x3] =	stream.indirect.gather [hbm4b:s3+s26], $0x80, s4, s26, $0xb8;
	[tilespmem:$0x1C400] =	vst v63  }
0x19e: {  	s6 =	simm.s32 $0x20;
	s7 =	simm.s32 $0x1400  }
0x19f: {  	[tilespmem:s7], [sflag:$0x3] =	stream.indirect.gather [hbm4b:s3+s26], $0x80, s6, s26, $0xb8;
	[tilespmem:$0x1C400] =	vst v63  }
0x1a0: {  	s8 =	simm.s32 $0x28;
	s10 =	simm.s32 $0x1800  }
0x1a1: {  	[tilespmem:s10], [sflag:$0x3] =	stream.indirect.gather [hbm4b:s3+s26], $0x80, s8, s26, $0xb8;
	[tilespmem:$0x1C400] =	vst v63  }
0x1a2: {  	s11 =	simm.s32 $0x30;
	s13 =	simm.s32 $0x1C00  }
0x1a3: {  	[tilespmem:s13], [sflag:$0x3] =	stream.indirect.gather [hbm4b:s3+s26], $0x80, s11, s26, $0xb8;
	[tilespmem:$0x1C400] =	vst v63  }
0x1a4: {  	s15 =	simm.s32 $0x38;
	s17 =	simm.s32 $0x2000  }
0x1a5: {  	[tilespmem:s17], [sflag:$0x3] =	stream.indirect.gather [hbm4b:s3+s26], $0x80, s15, s26, $0xb8;
	[tilespmem:$0x1C400] =	vst v63  }
0x1a6: {  	s20 =	simm.s32 $0x40;
	s17 =	simm.s32 $0x2400  }
0x1a7: {  	[tilespmem:s17], [sflag:$0x3] =	stream.indirect.gather [hbm4b:s3+s26], $0x80, s20, s26, $0xb8;
	[tilespmem:$0x1C400] =	vst v63  }
0x1a8: {  	s29 =	simm.s32 $0x2800;
	s25 =	simm.s32 $0x48  }
0x1a9: {  	[tilespmem:s29], [sflag:$0x3] =	stream.indirect.gather [hbm4b:s3+s26], $0x80, s25, s26, $0xb8;
	[tilespmem:$0x1C400] =	vst v63  }
0x1aa: {  	s4 =	simm.s32 $0x50;
	s5 =	simm.s32 $0x2C00  }
0x1ab: {  	[tilespmem:s5], [sflag:$0x3] =	stream.indirect.gather [hbm4b:s3+s26], $0x80, s4, s26, $0xb8;
	[tilespmem:$0x1C400] =	vst v63  }
0x1ac: {  	s6 =	simm.s32 $0x58;
	s7 =	simm.s32 $0x3000  }
0x1ad: {  	[tilespmem:s7], [sflag:$0x3] =	stream.indirect.gather [hbm4b:s3+s26], $0x80, s6, s26, $0xb8;
	[tilespmem:$0x1C400] =	vst v63  }
0x1ae: {  	s8 =	simm.s32 $0x60;
	s10 =	simm.s32 $0x3400  }
0x1af: {  	[tilespmem:s10], [sflag:$0x3] =	stream.indirect.gather [hbm4b:s3+s26], $0x80, s8, s26, $0xb8;
	[tilespmem:$0x1C400] =	vst v63  }
0x1b0: {  	s11 =	simm.s32 $0x68;
	s13 =	simm.s32 $0x3800  }
0x1b1: {  	[tilespmem:s13], [sflag:$0x3] =	stream.indirect.gather [hbm4b:s3+s26], $0x80, s11, s26, $0xb8;
	[tilespmem:$0x1C400] =	vst v63  }
0x1b2: {  	s15 =	simm.s32 $0x70;
	s20 =	simm.s32 $0x3C00  }
0x1b3: {  	[tilespmem:s20], [sflag:$0x3] =	stream.indirect.gather [hbm4b:s3+s26], $0x80, s15, s26, $0xb8;
	[tilespmem:$0x1C400] =	vst v63  }
0x1b4: {  	s25 =	simm.s32 $0x78;
	s29 =	simm.s32 $0x4000  }
0x1b5: {  	[tilespmem:s29], [sflag:$0x3] =	stream.indirect.gather [hbm4b:s3+s26], $0x80, s25, s26, $0xb8;
	[tilespmem:$0x1C400] =	vst v63  }
0x1b6: {  	s4 =	simm.s32 $0x80;
	s13 =	simm.s32 $0x4400  }
0x1b7: {  	[tilespmem:s13], [sflag:$0x3] =	stream.indirect.gather [hbm4b:s3+s26], $0x80, s4, s26, $0xb8;
	[tilespmem:$0x1C400] =	vst v63  }
0x1b8: {  	s5 =	simm.s32 $0x88;
	s6 =	simm.s32 $0x4800  }
0x1b9: {  	[tilespmem:s6], [sflag:$0x3] =	stream.indirect.gather [hbm4b:s3+s26], $0x80, s5, s26, $0xb8;
	[tilespmem:$0x1C400] =	vst v63  }
0x1ba: {  	s7 =	simm.s32 $0x90;
	s8 =	simm.s32 $0x4C00  }
0x1bb: {  	[tilespmem:s8], [sflag:$0x3] =	stream.indirect.gather [hbm4b:s3+s26], $0x80, s7, s26, $0xb8;
	[tilespmem:$0x1C400] =	vst v63  }
0x1bc: {  	s10 =	simm.s32 $0x98;
	s11 =	simm.s32 $0x5000  }
0x1bd: {  	[tilespmem:s11], [sflag:$0x3] =	stream.indirect.gather [hbm4b:s3+s26], $0x80, s10, s26, $0xb8;
	[tilespmem:$0x1C400] =	vst v63  }
0x1be: {  	s15 =	simm.s32 $0xA0;
	s20 =	simm.s32 $0x5400  }
0x1bf: {  	[tilespmem:s20], [sflag:$0x3] =	stream.indirect.gather [hbm4b:s3+s26], $0x80, s15, s26, $0xb8;
	[tilespmem:$0x1C400] =	vst v63  }
0x1c0: {  	s25 =	simm.s32 $0xA8;
	s29 =	simm.s32 $0x5800  }
0x1c1: {  	[tilespmem:s29], [sflag:$0x3] =	stream.indirect.gather [hbm4b:s3+s26], $0x80, s25, s26, $0xb8;
	[tilespmem:$0x1C400] =	vst v63  }
0x1c2: {  	s4 =	simm.s32 $0xB0;
	s5 =	simm.s32 $0x5C00  }
0x1c3: {  	[tilespmem:s5], [sflag:$0x3] =	stream.indirect.gather [hbm4b:s3+s26], $0x80, s4, s26, $0xb8;
	[tilespmem:$0x1C400] =	vst v63  }
0x1c4: {  	s6 =	simm.s32 $0xB8;
	s7 =	simm.s32 $0x6000  }
0x1c5: {  	[tilespmem:s7], [sflag:$0x3] =	stream.indirect.gather [hbm4b:s3+s26], $0x80, s6, s26, $0xb8;
	[tilespmem:$0x1C400] =	vst v63  }
0x1c6: {  	s8 =	simm.s32 $0xC0;
	s7 =	simm.s32 $0x6400  }
0x1c7: {  	[tilespmem:s7], [sflag:$0x3] =	stream.indirect.gather [hbm4b:s3+s26], $0x80, s8, s26, $0xb8;
	[tilespmem:$0x1C400] =	vst v63  }
0x1c8: {  	s10 =	simm.s32 $0xC8;
	s11 =	simm.s32 $0x6800  }
0x1c9: {  	[tilespmem:s11], [sflag:$0x3] =	stream.indirect.gather [hbm4b:s3+s26], $0x80, s10, s26, $0xb8;
	[tilespmem:$0x1C400] =	vst v63  }
0x1ca: {  	s15 =	simm.s32 $0xD0;
	s20 =	simm.s32 $0x6C00  }
0x1cb: {  	[tilespmem:s20], [sflag:$0x3] =	stream.indirect.gather [hbm4b:s3+s26], $0x80, s15, s26, $0xb8;
	[tilespmem:$0x1C400] =	vst v63  }
0x1cc: {  	s25 =	simm.s32 $0xD8;
	s29 =	simm.s32 $0x7000  }
0x1cd: {  	[tilespmem:s29], [sflag:$0x3] =	stream.indirect.gather [hbm4b:s3+s26], $0x80, s25, s26, $0xb8;
	[tilespmem:$0x1C400] =	vst v63  }
0x1ce: {  	s1 =	simm.s32 $0xE0;
	s4 =	simm.s32 $0x7400  }
0x1cf: {  	[tilespmem:s4], [sflag:$0x3] =	stream.indirect.gather [hbm4b:s3+s26], $0x80, s1, s26, $0xb8;
	[tilespmem:$0x1C400] =	vst v63  }
0x1d0: {  	s5 =	simm.s32 $0xE8;
	s6 =	simm.s32 $0x7800  }
0x1d1: {  	[tilespmem:s6], [sflag:$0x3] =	stream.indirect.gather [hbm4b:s3+s26], $0x80, s5, s26, $0xb8;
	[tilespmem:$0x1C400] =	vst v63  }
0x1d2: {  	s8 =	simm.s32 $0xF0;
	s10 =	simm.s32 $0x7C00  }
0x1d3: {  	[tilespmem:s10], [sflag:$0x3] =	stream.indirect.gather [hbm4b:s3+s26], $0x80, s8, s26, $0xb8;
	[tilespmem:$0x1C400] =	vst v63  }
0x1d4: {  	s11 =	simm.s32 $0xF8;
	s15 =	simm.s32 $0x8000  }
0x1d5: {  	[tilespmem:s15], [sflag:$0x3] =	stream.indirect.gather [hbm4b:s3+s26], $0x80, s11, s26, $0xb8;
	[tilespmem:$0x1C400] =	vst v63  }
0x1d6: {  	s20 =	simm.s32 $0x100;
	s5 =	simm.s32 $0x8400  }
0x1d7: {  	[tilespmem:s5], [sflag:$0x3] =	stream.indirect.gather [hbm4b:s3+s26], $0x80, s20, s26, $0xb8;
	[tilespmem:$0x1C400] =	vst v63  }
0x1d8: {  	s25 =	simm.s32 $0x108;
	s29 =	simm.s32 $0x8800  }
0x1d9: {  	[tilespmem:s29], [sflag:$0x3] =	stream.indirect.gather [hbm4b:s3+s26], $0x80, s25, s26, $0xb8;
	[tilespmem:$0x1C400] =	vst v63  }
0x1da: {  	s1 =	simm.s32 $0x110;
	s4 =	simm.s32 $0x8C00  }
0x1db: {  	[tilespmem:s4], [sflag:$0x3] =	stream.indirect.gather [hbm4b:s3+s26], $0x80, s1, s26, $0xb8;
	[tilespmem:$0x1C400] =	vst v63  }
0x1dc: {  	s6 =	simm.s32 $0x118;
	s8 =	simm.s32 $0x9000  }
0x1dd: {  	[tilespmem:s8], [sflag:$0x3] =	stream.indirect.gather [hbm4b:s3+s26], $0x80, s6, s26, $0xb8;
	[tilespmem:$0x1C400] =	vst v63  }
0x1de: {  	s10 =	simm.s32 $0x120;
	s11 =	simm.s32 $0x9400  }
0x1df: {  	[tilespmem:s11], [sflag:$0x3] =	stream.indirect.gather [hbm4b:s3+s26], $0x80, s10, s26, $0xb8;
	[tilespmem:$0x1C400] =	vst v63  }
0x1e0: {  	s15 =	simm.s32 $0x128;
	s20 =	simm.s32 $0x9800  }
0x1e1: {  	[tilespmem:s20], [sflag:$0x3] =	stream.indirect.gather [hbm4b:s3+s26], $0x80, s15, s26, $0xb8;
	[tilespmem:$0x1C400] =	vst v63  }
0x1e2: {  	s25 =	simm.s32 $0x130;
	s29 =	simm.s32 $0x9C00  }
0x1e3: {  	[tilespmem:s29], [sflag:$0x3] =	stream.indirect.gather [hbm4b:s3+s26], $0x80, s25, s26, $0xb8;
	[tilespmem:$0x1C400] =	vst v63  }
0x1e4: {  	s4 =	simm.s32 $0x138;
	s6 =	simm.s32 $0xA000  }
0x1e5: {  	[tilespmem:s6], [sflag:$0x3] =	stream.indirect.gather [hbm4b:s3+s26], $0x80, s4, s26, $0xb8;
	[tilespmem:$0x1C400] =	vst v63  }
0x1e6: {  	s8 =	simm.s32 $0x140;
	s4 =	simm.s32 $0xA400  }
0x1e7: {  	[tilespmem:s4], [sflag:$0x3] =	stream.indirect.gather [hbm4b:s3+s26], $0x80, s8, s26, $0xb8;
	[tilespmem:$0x1C400] =	vst v63  }
0x1e8: {  	s10 =	simm.s32 $0x148;
	s11 =	simm.s32 $0xA800  }
0x1e9: {  	[tilespmem:s11], [sflag:$0x3] =	stream.indirect.gather [hbm4b:s3+s26], $0x80, s10, s26, $0xb8;
	[tilespmem:$0x1C400] =	vst v63  }
0x1ea: {  	s15 =	simm.s32 $0x150;
	s20 =	simm.s32 $0xAC00  }
0x1eb: {  	[tilespmem:s20], [sflag:$0x3] =	stream.indirect.gather [hbm4b:s3+s26], $0x80, s15, s26, $0xb8;
	[tilespmem:$0x1C400] =	vst v63  }
0x1ec: {  	s25 =	simm.s32 $0x158;
	s29 =	simm.s32 $0xB000  }
0x1ed: {  	[tilespmem:s29], [sflag:$0x3] =	stream.indirect.gather [hbm4b:s3+s26], $0x80, s25, s26, $0xb8;
	[tilespmem:$0x1C400] =	vst v63  }
0x1ee: {  	s1 =	simm.s32 $0x160;
	s6 =	simm.s32 $0xB400  }
0x1ef: {  	[tilespmem:s6], [sflag:$0x3] =	stream.indirect.gather [hbm4b:s3+s26], $0x80, s1, s26, $0xb8;
	[tilespmem:$0x1C400] =	vst v63  }
0x1f0: {  	s8 =	simm.s32 $0x168;
	s10 =	simm.s32 $0xB800  }
0x1f1: {  	[tilespmem:s10], [sflag:$0x3] =	stream.indirect.gather [hbm4b:s3+s26], $0x80, s8, s26, $0xb8;
	[tilespmem:$0x1C400] =	vst v63  }
0x1f2: {  	s11 =	simm.s32 $0x170;
	s15 =	simm.s32 $0xBC00  }
0x1f3: {  	[tilespmem:s15], [sflag:$0x3] =	stream.indirect.gather [hbm4b:s3+s26], $0x80, s11, s26, $0xb8;
	[tilespmem:$0x1C400] =	vst v63  }
0x1f4: {  	s20 =	simm.s32 $0x178;
	s25 =	simm.s32 $0xC000  }
0x1f5: {  	[tilespmem:s25], [sflag:$0x3] =	stream.indirect.gather [hbm4b:s3+s26], $0x80, s20, s26, $0xb8;
	[tilespmem:$0x1C400] =	vst v63  }
0x1f6: {  	s31 =	simm.s32 $0xC400;
	s29 =	simm.s32 $0x180  }
0x1f7: {  	[tilespmem:s31], [sflag:$0x3] =	stream.indirect.gather [hbm4b:s3+s26], $0x80, s29, s26, $0xb8;
	[tilespmem:$0x1C400] =	vst v63  }
0x1f8: {  	s1 =	simm.s32 $0x188;
	s29 =	simm.s32 $0xC800  }
0x1f9: {  	[tilespmem:s29], [sflag:$0x3] =	stream.indirect.gather [hbm4b:s3+s26], $0x80, s1, s26, $0xb8;
	[tilespmem:$0x1C400] =	vst v63  }
0x1fa: {  	s6 =	simm.s32 $0x190;
	s25 =	simm.s32 $0xCC00  }
0x1fb: {  	[tilespmem:s25], [sflag:$0x3] =	stream.indirect.gather [hbm4b:s3+s26], $0x80, s6, s26, $0xb8;
	[tilespmem:$0x1C400] =	vst v63  }
0x1fc: {  	s8 =	simm.s32 $0x198;
	s20 =	simm.s32 $0xD000  }
0x1fd: {  	[tilespmem:s20], [sflag:$0x3] =	stream.indirect.gather [hbm4b:s3+s26], $0x80, s8, s26, $0xb8;
	[tilespmem:$0x1C400] =	vst v63  }
0x1fe: {  	s10 =	simm.s32 $0x1A0;
	s15 =	simm.s32 $0xD400  }
0x1ff: {  	[tilespmem:s15], [sflag:$0x3] =	stream.indirect.gather [hbm4b:s3+s26], $0x80, s10, s26, $0xb8;
	[tilespmem:$0x1C400] =	vst v63  }
0x200: {  	s11 =	simm.s32 $0x1A8;
	s10 =	simm.s32 $0xD800  }
0x201: {  	[tilespmem:s10], [sflag:$0x3] =	stream.indirect.gather [hbm4b:s3+s26], $0x80, s11, s26, $0xb8;
	[tilespmem:$0x1C400] =	vst v63  }
0x202: {  	s1 =	simm.s32 $0x1B0;
	s6 =	simm.s32 $0xDC00  }
0x203: {  	[tilespmem:s6], [sflag:$0x3] =	stream.indirect.gather [hbm4b:s3+s26], $0x80, s1, s26, $0xb8;
	[tilespmem:$0x1C400] =	vst v63  }
0x204: {  	s8 =	simm.s32 $0x1B8;
	s1 =	simm.s32 $0xE000  }
0x205: {  	[tilespmem:s1], [sflag:$0x3] =	stream.indirect.gather [hbm4b:s3+s26], $0x80, s8, s26, $0xb8;
	[tilespmem:$0x1C400] =	vst v63  }
0x206: {  	_ =	swait.ge [sflag:s14], $0x2000  }
0x207: {  	[sflag:s14] =	ssyncset.done $0x0  }
0x208: {  	[sflag:s14] =	ssyncadd.s32 $0xFFFFE000  }
0x209: {  	_ =	swait.ge [sflag:s14], $0x2000  }
0x20a: {  	[sflag:s14] =	ssyncset.done $0x0  }
0x20b: {  	[sflag:s14] =	ssyncadd.s32 $0xFFFFE000  }
0x20c: {  	_ =	swait.ge [sflag:s14], $0x2000  }
0x20d: {  	[sflag:s14] =	ssyncset.done $0x0  }
0x20e: {  	[sflag:s14] =	ssyncadd.s32 $0xFFFFE000  }
0x20f: {  	_ =	swait.ge [sflag:s14], $0x2000  }
0x210: {  	[sflag:s14] =	ssyncset.done $0x0  }
0x211: {  	[sflag:s14] =	ssyncadd.s32 $0xFFFFE000  }
0x212: {  	_ =	swait.ge [sflag:s14], $0x2000  }
0x213: {  	[sflag:s14] =	ssyncset.done $0x0  }
0x214: {  	[sflag:s14] =	ssyncadd.s32 $0xFFFFE000  }
0x215: {  	_ =	swait.ge [sflag:s14], $0x2000  }
0x216: {  	[sflag:s14] =	ssyncset.done $0x0  }
0x217: {  	[sflag:s14] =	ssyncadd.s32 $0xFFFFE000  }
0x218: {  	_ =	swait.ge [sflag:s14], $0x2000  }
0x219: {  	s11 =	rddreg [dreg:$0xf]  }
0x21a: {  	[sflag:s14] =	ssyncset.done $0x0;
	s0 =	sadd.s32 $0x0, s11  }
0x21b: {  	[sflag:s14] =	ssyncadd.s32 $0xFFFFE000;
	s8 =	sadd.s32 $0x3800, s0  }
0x21c: {  	[hbm4b:s8+s2] =	stream.linear.scatter [tilespmem:s16], [sflag:$0x5], $0x2000, $0x38;
	[tilespmem:$0x1C400] =	vst v63  }
0x21d: {  	s11 =	rddreg [dreg:$0xe];
	s0 =	sadd.s32 $0x3C00, s0  }
0x21e: {  	[hbm4b:s0+s2] =	stream.linear.scatter [tilespmem:s17], [sflag:$0x5], $0x2000, $0x38;
	[tilespmem:$0x1C400] =	vst v63  }
0x21f: {  	s16 =	rddreg [dreg:$0xd];
	s17 =	sadd.s32 $0x0, s11  }
0x220: {  	[hbm4b:s17+s2] =	stream.linear.scatter [tilespmem:s13], [sflag:$0x5], $0x2000, $0x38;
	[tilespmem:$0x1C400] =	vst v63  }
0x221: {  	s16 =	sadd.s32 $0x0, s16;
	s11 =	rddreg [dreg:$0xc]  }
0x222: {  	[hbm4b:s16+s2] =	stream.linear.scatter [tilespmem:s7], [sflag:$0x5], $0x2000, $0x38;
	[tilespmem:$0x1C400] =	vst v63  }
0x223: {  	s17 =	rddreg [dreg:$0xb];
	s13 =	sadd.s32 $0x0, s11  }
0x224: {  	[hbm4b:s13+s2] =	stream.linear.scatter [tilespmem:s5], [sflag:$0x5], $0x2000, $0x38;
	[tilespmem:$0x1C400] =	vst v63  }
0x225: {  	s17 =	sadd.s32 $0x0, s17;
	s16 =	rddreg [dreg:$0xa]  }
0x226: {  	[hbm4b:s17+s2] =	stream.linear.scatter [tilespmem:s4], [sflag:$0x5], $0x2000, $0x38;
	[tilespmem:$0x1C400] =	vst v63  }
0x227: {  	s5 =	sadd.s32 $0x0, s16  }
0x228: {  	[hbm4b:s5+s2] =	stream.linear.scatter [tilespmem:s31], [sflag:$0x5], $0x100, $0x38;
	[tilespmem:$0x1C400] =	vst v63  }
0x229: {  	s7 =	sadd.s32 $0x80, s5  }
0x22a: {  	[hbm4b:s7+s2] =	stream.linear.scatter [tilespmem:s29], [sflag:$0x5], $0x100, $0x38;
	[tilespmem:$0x1C400] =	vst v63  }
0x22b: {  	s11 =	sadd.s32 $0x100, s5  }
0x22c: {  	[hbm4b:s11+s2] =	stream.linear.scatter [tilespmem:s25], [sflag:$0x5], $0x100, $0x38;
	[tilespmem:$0x1C400] =	vst v63  }
0x22d: {  	s13 =	sadd.s32 $0x180, s5  }
0x22e: {  	[hbm4b:s13+s2] =	stream.linear.scatter [tilespmem:s20], [sflag:$0x5], $0x100, $0x38;
	[tilespmem:$0x1C400] =	vst v63  }
0x22f: {  	s16 =	sadd.s32 $0x200, s5  }
0x230: {  	[hbm4b:s16+s2] =	stream.linear.scatter [tilespmem:s15], [sflag:$0x5], $0x100, $0x38;
	[tilespmem:$0x1C400] =	vst v63  }
0x231: {  	s17 =	sadd.s32 $0x280, s5  }
0x232: {  	[hbm4b:s17+s2] =	stream.linear.scatter [tilespmem:s10], [sflag:$0x5], $0x100, $0x38;
	[tilespmem:$0x1C400] =	vst v63  }
0x233: {  	s20 =	sadd.s32 $0x300, s5  }
0x234: {  	[hbm4b:s20+s2] =	stream.linear.scatter [tilespmem:s6], [sflag:$0x5], $0x100, $0x38;
	[tilespmem:$0x1C400] =	vst v63  }
0x235: {  	s6 =	sld [smem:$0x7FD]  }
0x236: {  	s0 =	sadd.s32 $0x380, s5  }
0x237: {  	[hbm4b:s0+s2] =	stream.linear.scatter [tilespmem:s1], [sflag:$0x5], $0x100, $0x38;
	[tilespmem:$0x1C400] =	vst v63  }
0x238: {  	s25 =	sadd.s32 $0xFFFFFFC8, s6  }
0x239: {  	[tilespmem:s2], [sflag:$0x1] =	stream.linear.gather [hbm4b:s25+s2], $0x1C0, $0x38;
	[tilespmem:$0x1C400] =	vst v63  }
0x23a: {  	_ =	swait.ge [sflag:s9], $0x2000  }
0x23b: {  	[sflag:s9] =	ssyncset.done $0x0  }
0x23c: {  	[sflag:s9] =	ssyncadd.s32 $0xFFFFE000  }
0x23d: {  	_ =	swait.ge [sflag:s9], $0x2000  }
0x23e: {  	[sflag:s9] =	ssyncset.done $0x0  }
0x23f: {  	[sflag:s9] =	ssyncadd.s32 $0xFFFFE000  }
0x240: {  	_ =	swait.ge [sflag:s9], $0x2000  }
0x241: {  	[sflag:s9] =	ssyncset.done $0x0  }
0x242: {  	[sflag:s9] =	ssyncadd.s32 $0xFFFFE000  }
0x243: {  	_ =	swait.ge [sflag:s9], $0x2000  }
0x244: {  	[sflag:s9] =	ssyncset.done $0x0  }
0x245: {  	[sflag:s9] =	ssyncadd.s32 $0xFFFFE000  }
0x246: {  	_ =	swait.ge [sflag:s9], $0x2000  }
0x247: {  	[sflag:s9] =	ssyncset.done $0x0  }
0x248: {  	[sflag:s9] =	ssyncadd.s32 $0xFFFFE000  }
0x249: {  	_ =	swait.ge [sflag:s9], $0x2000  }
0x24a: {  	[sflag:s9] =	ssyncset.done $0x0  }
0x24b: {  	[sflag:s9] =	ssyncadd.s32 $0xFFFFE000  }
0x24c: {  	_ =	swait.ge [sflag:s9], $0x800  }
0x24d: {  	[sflag:s9] =	ssyncset.done $0x0  }
0x24e: {  	[sflag:s9] =	ssyncadd.s32 $0xFFFFF800  }
0x24f: {  	_ =	swait.ge [sflag:s12], $0x1C0  }
0x250: {  	[sflag:s12] =	ssyncset.done $0x0  }
0x251: {  	s29 =	simm.s32 $0x200;
	s16 =	simm.s32 $0xE400;
	[sflag:s12] =	ssyncadd.s32 $0xFFFFFE40  }
0x252: {  	[tilespmem:s16], [sflag:$0x4] =	stream.indirect.gather [hbm4b:s3+s26], $0x80, s29, s26, $0xb8;
	[tilespmem:$0x1C400] =	vst v63  }
0x253: {  	s4 =	simm.s32 $0xE800;
	s1 =	simm.s32 $0x208  }
0x254: {  	[tilespmem:s4], [sflag:$0x4] =	stream.indirect.gather [hbm4b:s3+s26], $0x80, s1, s26, $0xb8;
	[tilespmem:$0x1C400] =	vst v63  }
0x255: {  	s7 =	simm.s32 $0xEC00;
	s5 =	simm.s32 $0x210  }
0x256: {  	[tilespmem:s7], [sflag:$0x4] =	stream.indirect.gather [hbm4b:s3+s26], $0x80, s5, s26, $0xb8;
	[tilespmem:$0x1C400] =	vst v63  }
0x257: {  	s11 =	simm.s32 $0xF000;
	s10 =	simm.s32 $0x218  }
0x258: {  	[tilespmem:s11], [sflag:$0x4] =	stream.indirect.gather [hbm4b:s3+s26], $0x80, s10, s26, $0xb8;
	[tilespmem:$0x1C400] =	vst v63  }
0x259: {  	s13 =	simm.s32 $0xF400;
	s12 =	simm.s32 $0x220  }
0x25a: {  	[tilespmem:s13], [sflag:$0x4] =	stream.indirect.gather [hbm4b:s3+s26], $0x80, s12, s26, $0xb8;
	[tilespmem:$0x1C400] =	vst v63  }
0x25b: {  	s15 =	simm.s32 $0x228;
	s17 =	simm.s32 $0xF800  }
0x25c: {  	[tilespmem:s17], [sflag:$0x4] =	stream.indirect.gather [hbm4b:s3+s26], $0x80, s15, s26, $0xb8;
	[tilespmem:$0x1C400] =	vst v63  }
0x25d: {  	s20 =	simm.s32 $0x230;
	s25 =	simm.s32 $0xFC00  }
0x25e: {  	[tilespmem:s25], [sflag:$0x4] =	stream.indirect.gather [hbm4b:s3+s26], $0x80, s20, s26, $0xb8;
	[tilespmem:$0x1C400] =	vst v63  }
0x25f: {  	s29 =	simm.s32 $0x238;
	s1 =	simm.s32 $0x10000  }
0x260: {  	[tilespmem:s1], [sflag:$0x4] =	stream.indirect.gather [hbm4b:s3+s26], $0x80, s29, s26, $0xb8;
	[tilespmem:$0x1C400] =	vst v63  }
0x261: {  	s4 =	simm.s32 $0x240;
	s15 =	simm.s32 $0x10400  }
0x262: {  	[tilespmem:s15], [sflag:$0x4] =	stream.indirect.gather [hbm4b:s3+s26], $0x80, s4, s26, $0xb8;
	[tilespmem:$0x1C400] =	vst v63  }
0x263: {  	s5 =	simm.s32 $0x248;
	s7 =	simm.s32 $0x10800  }
0x264: {  	[tilespmem:s7], [sflag:$0x4] =	stream.indirect.gather [hbm4b:s3+s26], $0x80, s5, s26, $0xb8;
	[tilespmem:$0x1C400] =	vst v63  }
0x265: {  	s10 =	simm.s32 $0x250;
	s11 =	simm.s32 $0x10C00  }
0x266: {  	[tilespmem:s11], [sflag:$0x4] =	stream.indirect.gather [hbm4b:s3+s26], $0x80, s10, s26, $0xb8;
	[tilespmem:$0x1C400] =	vst v63  }
0x267: {  	s12 =	simm.s32 $0x258;
	s13 =	simm.s32 $0x11000  }
0x268: {  	[tilespmem:s13], [sflag:$0x4] =	stream.indirect.gather [hbm4b:s3+s26], $0x80, s12, s26, $0xb8;
	[tilespmem:$0x1C400] =	vst v63  }
0x269: {  	s17 =	simm.s32 $0x260;
	s20 =	simm.s32 $0x11400  }
0x26a: {  	[tilespmem:s20], [sflag:$0x4] =	stream.indirect.gather [hbm4b:s3+s26], $0x80, s17, s26, $0xb8;
	[tilespmem:$0x1C400] =	vst v63  }
0x26b: {  	s25 =	simm.s32 $0x268;
	s29 =	simm.s32 $0x11800  }
0x26c: {  	[tilespmem:s29], [sflag:$0x4] =	stream.indirect.gather [hbm4b:s3+s26], $0x80, s25, s26, $0xb8;
	[tilespmem:$0x1C400] =	vst v63  }
0x26d: {  	s1 =	simm.s32 $0x270;
	s4 =	simm.s32 $0x11C00  }
0x26e: {  	[tilespmem:s4], [sflag:$0x4] =	stream.indirect.gather [hbm4b:s3+s26], $0x80, s1, s26, $0xb8;
	[tilespmem:$0x1C400] =	vst v63  }
0x26f: {  	s5 =	simm.s32 $0x278;
	s7 =	simm.s32 $0x12000  }
0x270: {  	[tilespmem:s7], [sflag:$0x4] =	stream.indirect.gather [hbm4b:s3+s26], $0x80, s5, s26, $0xb8;
	[tilespmem:$0x1C400] =	vst v63  }
0x271: {  	s10 =	simm.s32 $0x280;
	s12 =	simm.s32 $0x12400  }
0x272: {  	[tilespmem:s12], [sflag:$0x4] =	stream.indirect.gather [hbm4b:s3+s26], $0x80, s10, s26, $0xb8;
	[tilespmem:$0x1C400] =	vst v63  }
0x273: {  	s11 =	simm.s32 $0x288;
	s13 =	simm.s32 $0x12800  }
0x274: {  	[tilespmem:s13], [sflag:$0x4] =	stream.indirect.gather [hbm4b:s3+s26], $0x80, s11, s26, $0xb8;
	[tilespmem:$0x1C400] =	vst v63  }
0x275: {  	s17 =	simm.s32 $0x290;
	s20 =	simm.s32 $0x12C00  }
0x276: {  	[tilespmem:s20], [sflag:$0x4] =	stream.indirect.gather [hbm4b:s3+s26], $0x80, s17, s26, $0xb8;
	[tilespmem:$0x1C400] =	vst v63  }
0x277: {  	s25 =	simm.s32 $0x298;
	s29 =	simm.s32 $0x13000  }
0x278: {  	[tilespmem:s29], [sflag:$0x4] =	stream.indirect.gather [hbm4b:s3+s26], $0x80, s25, s26, $0xb8;
	[tilespmem:$0x1C400] =	vst v63  }
0x279: {  	s1 =	simm.s32 $0x2A0;
	s4 =	simm.s32 $0x13400  }
0x27a: {  	[tilespmem:s4], [sflag:$0x4] =	stream.indirect.gather [hbm4b:s3+s26], $0x80, s1, s26, $0xb8;
	[tilespmem:$0x1C400] =	vst v63  }
0x27b: {  	s5 =	simm.s32 $0x2A8;
	s7 =	simm.s32 $0x13800  }
0x27c: {  	[tilespmem:s7], [sflag:$0x4] =	stream.indirect.gather [hbm4b:s3+s26], $0x80, s5, s26, $0xb8;
	[tilespmem:$0x1C400] =	vst v63  }
0x27d: {  	s10 =	simm.s32 $0x2B0;
	s11 =	simm.s32 $0x13C00  }
0x27e: {  	[tilespmem:s11], [sflag:$0x4] =	stream.indirect.gather [hbm4b:s3+s26], $0x80, s10, s26, $0xb8;
	[tilespmem:$0x1C400] =	vst v63  }
0x27f: {  	s13 =	simm.s32 $0x2B8;
	s17 =	simm.s32 $0x14000  }
0x280: {  	[tilespmem:s17], [sflag:$0x4] =	stream.indirect.gather [hbm4b:s3+s26], $0x80, s13, s26, $0xb8;
	[tilespmem:$0x1C400] =	vst v63  }
0x281: {  	s20 =	simm.s32 $0x2C0;
	s10 =	simm.s32 $0x14400  }
0x282: {  	[tilespmem:s10], [sflag:$0x4] =	stream.indirect.gather [hbm4b:s3+s26], $0x80, s20, s26, $0xb8;
	[tilespmem:$0x1C400] =	vst v63  }
0x283: {  	s25 =	simm.s32 $0x2C8;
	s29 =	simm.s32 $0x14800  }
0x284: {  	[tilespmem:s29], [sflag:$0x4] =	stream.indirect.gather [hbm4b:s3+s26], $0x80, s25, s26, $0xb8;
	[tilespmem:$0x1C400] =	vst v63  }
0x285: {  	s1 =	simm.s32 $0x2D0;
	s4 =	simm.s32 $0x14C00  }
0x286: {  	[tilespmem:s4], [sflag:$0x4] =	stream.indirect.gather [hbm4b:s3+s26], $0x80, s1, s26, $0xb8;
	[tilespmem:$0x1C400] =	vst v63  }
0x287: {  	s5 =	simm.s32 $0x2D8;
	s7 =	simm.s32 $0x15000  }
0x288: {  	[tilespmem:s7], [sflag:$0x4] =	stream.indirect.gather [hbm4b:s3+s26], $0x80, s5, s26, $0xb8;
	[tilespmem:$0x1C400] =	vst v63  }
0x289: {  	s8 =	simm.s32 $0x2E0;
	s11 =	simm.s32 $0x15400  }
0x28a: {  	[tilespmem:s11], [sflag:$0x4] =	stream.indirect.gather [hbm4b:s3+s26], $0x80, s8, s26, $0xb8;
	[tilespmem:$0x1C400] =	vst v63  }
0x28b: {  	s13 =	simm.s32 $0x2E8;
	s17 =	simm.s32 $0x15800  }
0x28c: {  	[tilespmem:s17], [sflag:$0x4] =	stream.indirect.gather [hbm4b:s3+s26], $0x80, s13, s26, $0xb8;
	[tilespmem:$0x1C400] =	vst v63  }
0x28d: {  	s20 =	simm.s32 $0x2F0;
	s25 =	simm.s32 $0x15C00  }
0x28e: {  	[tilespmem:s25], [sflag:$0x4] =	stream.indirect.gather [hbm4b:s3+s26], $0x80, s20, s26, $0xb8;
	[tilespmem:$0x1C400] =	vst v63  }
0x28f: {  	s29 =	simm.s32 $0x2F8;
	s1 =	simm.s32 $0x16000  }
0x290: {  	[tilespmem:s1], [sflag:$0x4] =	stream.indirect.gather [hbm4b:s3+s26], $0x80, s29, s26, $0xb8;
	[tilespmem:$0x1C400] =	vst v63  }
0x291: {  	s4 =	simm.s32 $0x300;
	s1 =	simm.s32 $0x16400  }
0x292: {  	[tilespmem:s1], [sflag:$0x4] =	stream.indirect.gather [hbm4b:s3+s26], $0x80, s4, s26, $0xb8;
	[tilespmem:$0x1C400] =	vst v63  }
0x293: {  	s5 =	simm.s32 $0x308;
	s7 =	simm.s32 $0x16800  }
0x294: {  	[tilespmem:s7], [sflag:$0x4] =	stream.indirect.gather [hbm4b:s3+s26], $0x80, s5, s26, $0xb8;
	[tilespmem:$0x1C400] =	vst v63  }
0x295: {  	s8 =	simm.s32 $0x310;
	s11 =	simm.s32 $0x16C00  }
0x296: {  	[tilespmem:s11], [sflag:$0x4] =	stream.indirect.gather [hbm4b:s3+s26], $0x80, s8, s26, $0xb8;
	[tilespmem:$0x1C400] =	vst v63  }
0x297: {  	s13 =	simm.s32 $0x318;
	s17 =	simm.s32 $0x17000  }
0x298: {  	[tilespmem:s17], [sflag:$0x4] =	stream.indirect.gather [hbm4b:s3+s26], $0x80, s13, s26, $0xb8;
	[tilespmem:$0x1C400] =	vst v63  }
0x299: {  	s20 =	simm.s32 $0x320;
	s25 =	simm.s32 $0x17400  }
0x29a: {  	[tilespmem:s25], [sflag:$0x4] =	stream.indirect.gather [hbm4b:s3+s26], $0x80, s20, s26, $0xb8;
	[tilespmem:$0x1C400] =	vst v63  }
0x29b: {  	s29 =	simm.s32 $0x328;
	s4 =	simm.s32 $0x17800  }
0x29c: {  	[tilespmem:s4], [sflag:$0x4] =	stream.indirect.gather [hbm4b:s3+s26], $0x80, s29, s26, $0xb8;
	[tilespmem:$0x1C400] =	vst v63  }
0x29d: {  	s5 =	simm.s32 $0x330;
	s7 =	simm.s32 $0x17C00  }
0x29e: {  	[tilespmem:s7], [sflag:$0x4] =	stream.indirect.gather [hbm4b:s3+s26], $0x80, s5, s26, $0xb8;
	[tilespmem:$0x1C400] =	vst v63  }
0x29f: {  	s8 =	simm.s32 $0x18000;
	s11 =	simm.s32 $0x338  }
0x2a0: {  	[tilespmem:s8], [sflag:$0x4] =	stream.indirect.gather [hbm4b:s3+s26], $0x80, s11, s26, $0xb8;
	[tilespmem:$0x1C400] =	vst v63  }
0x2a1: {  	s13 =	simm.s32 $0x340;
	s5 =	simm.s32 $0x18400  }
0x2a2: {  	[tilespmem:s5], [sflag:$0x4] =	stream.indirect.gather [hbm4b:s3+s26], $0x80, s13, s26, $0xb8;
	[tilespmem:$0x1C400] =	vst v63  }
0x2a3: {  	s17 =	simm.s32 $0x348;
	s20 =	simm.s32 $0x18800  }
0x2a4: {  	[tilespmem:s20], [sflag:$0x4] =	stream.indirect.gather [hbm4b:s3+s26], $0x80, s17, s26, $0xb8;
	[tilespmem:$0x1C400] =	vst v63  }
0x2a5: {  	s25 =	simm.s32 $0x350;
	s29 =	simm.s32 $0x18C00  }
0x2a6: {  	[tilespmem:s29], [sflag:$0x4] =	stream.indirect.gather [hbm4b:s3+s26], $0x80, s25, s26, $0xb8;
	[tilespmem:$0x1C400] =	vst v63  }
0x2a7: {  	s4 =	simm.s32 $0x19000;
	s7 =	simm.s32 $0x358  }
0x2a8: {  	[tilespmem:s4], [sflag:$0x4] =	stream.indirect.gather [hbm4b:s3+s26], $0x80, s7, s26, $0xb8;
	[tilespmem:$0x1C400] =	vst v63  }
0x2a9: {  	s8 =	simm.s32 $0x360;
	s11 =	simm.s32 $0x19400  }
0x2aa: {  	[tilespmem:s11], [sflag:$0x4] =	stream.indirect.gather [hbm4b:s3+s26], $0x80, s8, s26, $0xb8;
	[tilespmem:$0x1C400] =	vst v63  }
0x2ab: {  	s13 =	simm.s32 $0x368;
	s17 =	simm.s32 $0x19800  }
0x2ac: {  	[tilespmem:s17], [sflag:$0x4] =	stream.indirect.gather [hbm4b:s3+s26], $0x80, s13, s26, $0xb8;
	[tilespmem:$0x1C400] =	vst v63  }
0x2ad: {  	s20 =	simm.s32 $0x370;
	s25 =	simm.s32 $0x19C00  }
0x2ae: {  	[tilespmem:s25], [sflag:$0x4] =	stream.indirect.gather [hbm4b:s3+s26], $0x80, s20, s26, $0xb8;
	[tilespmem:$0x1C400] =	vst v63  }
0x2af: {  	s29 =	simm.s32 $0x378;
	s4 =	simm.s32 $0x1A000  }
0x2b0: {  	[tilespmem:s4], [sflag:$0x4] =	stream.indirect.gather [hbm4b:s3+s26], $0x80, s29, s26, $0xb8;
	[tilespmem:$0x1C400] =	vst v63  }
0x2b1: {  	s7 =	simm.s32 $0x380;
	s4 =	simm.s32 $0x1A400  }
0x2b2: {  	[tilespmem:s4], [sflag:$0x4] =	stream.indirect.gather [hbm4b:s3+s26], $0x80, s7, s26, $0xb8;
	[tilespmem:$0x1C400] =	vst v63  }
0x2b3: {  	s8 =	simm.s32 $0x388  }
0x2b4: {  	[tilespmem:s21], [sflag:$0x4] =	stream.indirect.gather [hbm4b:s3+s26], $0x80, s8, s26, $0xb8;
	[tilespmem:$0x1C400] =	vst v63  }
0x2b5: {  	s11 =	simm.s32 $0x390  }
0x2b6: {  	[tilespmem:s24], [sflag:$0x4] =	stream.indirect.gather [hbm4b:s3+s26], $0x80, s11, s26, $0xb8;
	[tilespmem:$0x1C400] =	vst v63  }
0x2b7: {  	s13 =	simm.s32 $0x398  }
0x2b8: {  	[tilespmem:s28], [sflag:$0x4] =	stream.indirect.gather [hbm4b:s3+s26], $0x80, s13, s26, $0xb8;
	[tilespmem:$0x1C400] =	vst v63  }
0x2b9: {  	s17 =	simm.s32 $0x3A0  }
0x2ba: {  	[tilespmem:s30], [sflag:$0x4] =	stream.indirect.gather [hbm4b:s3+s26], $0x80, s17, s26, $0xb8;
	[tilespmem:$0x1C400] =	vst v63  }
0x2bb: {  	s20 =	simm.s32 $0x3A8;
	s17 =	simm.s32 $0x1B800  }
0x2bc: {  	[tilespmem:s17], [sflag:$0x4] =	stream.indirect.gather [hbm4b:s3+s26], $0x80, s20, s26, $0xb8;
	[tilespmem:$0x1C400] =	vst v63  }
0x2bd: {  	s25 =	simm.s32 $0x3B0;
	s13 =	simm.s32 $0x1BC00  }
0x2be: {  	[tilespmem:s13], [sflag:$0x4] =	stream.indirect.gather [hbm4b:s3+s26], $0x80, s25, s26, $0xb8;
	[tilespmem:$0x1C400] =	vst v63  }
0x2bf: {  	s29 =	simm.s32 $0x3B8;
	s7 =	simm.s32 $0x1C000  }
0x2c0: {  	[tilespmem:s7], [sflag:$0x4] =	stream.indirect.gather [hbm4b:s3+s26], $0x80, s29, s26, $0xb8;
	[tilespmem:$0x1C400] =	vst v63  }
0x2c1: {  	_ =	swait.ge [sflag:s23], $0x2000  }
0x2c2: {  	[sflag:s23] =	ssyncset.done $0x0  }
0x2c3: {  	[sflag:s23] =	ssyncadd.s32 $0xFFFFE000  }
0x2c4: {  	_ =	swait.ge [sflag:s23], $0x2000  }
0x2c5: {  	[sflag:s23] =	ssyncset.done $0x0  }
0x2c6: {  	[sflag:s23] =	ssyncadd.s32 $0xFFFFE000  }
0x2c7: {  	_ =	swait.ge [sflag:s23], $0x2000  }
0x2c8: {  	[sflag:s23] =	ssyncset.done $0x0  }
0x2c9: {  	[sflag:s23] =	ssyncadd.s32 $0xFFFFE000  }
0x2ca: {  	_ =	swait.ge [sflag:s23], $0x2000  }
0x2cb: {  	[sflag:s23] =	ssyncset.done $0x0  }
0x2cc: {  	[sflag:s23] =	ssyncadd.s32 $0xFFFFE000  }
0x2cd: {  	_ =	swait.ge [sflag:s23], $0x2000  }
0x2ce: {  	[sflag:s23] =	ssyncset.done $0x0  }
0x2cf: {  	[sflag:s23] =	ssyncadd.s32 $0xFFFFE000  }
0x2d0: {  	_ =	swait.ge [sflag:s23], $0x2000  }
0x2d1: {  	[sflag:s23] =	ssyncset.done $0x0  }
0x2d2: {  	[sflag:s23] =	ssyncadd.s32 $0xFFFFE000  }
0x2d3: {  	_ =	swait.ge [sflag:s23], $0x2000  }
0x2d4: {  	s8 =	rddreg [dreg:$0x3];
	[sflag:s23] =	ssyncset.done $0x0  }
0x2d5: {  	s11 =	rddreg [dreg:$0x4];
	[sflag:s23] =	ssyncadd.s32 $0xFFFFE000;
	s0 =	sadd.s32 $0x0, s8  }
0x2d6: {  	[hbm4b:s0+s2] =	stream.linear.scatter [tilespmem:s16], [sflag:$0x6], $0x2000, $0x38;
	[tilespmem:$0x1C400] =	vst v63  }
0x2d7: {  	s20 =	rddreg [dreg:$0x5];
	s8 =	sadd.s32 $0x0, s11  }
0x2d8: {  	[hbm4b:s8+s2] =	stream.linear.scatter [tilespmem:s15], [sflag:$0x6], $0x2000, $0x38;
	[tilespmem:$0x1C400] =	vst v63  }
0x2d9: {  	s25 =	rddreg [dreg:$0x6];
	s11 =	sadd.s32 $0x0, s20  }
0x2da: {  	[hbm4b:s11+s2] =	stream.linear.scatter [tilespmem:s12], [sflag:$0x6], $0x2000, $0x38;
	[tilespmem:$0x1C400] =	vst v63  }
0x2db: {  	s29 =	rddreg [dreg:$0x7];
	s0 =	sadd.s32 $0x0, s25  }
0x2dc: {  	[hbm4b:s0+s2] =	stream.linear.scatter [tilespmem:s10], [sflag:$0x6], $0x2000, $0x38;
	[tilespmem:$0x1C400] =	vst v63  }
0x2dd: {  	s8 =	sadd.s32 $0x0, s29;
	s12 =	rddreg [dreg:$0x8]  }
0x2de: {  	[hbm4b:s8+s2] =	stream.linear.scatter [tilespmem:s1], [sflag:$0x6], $0x2000, $0x38;
	[tilespmem:$0x1C400] =	vst v63  }
0x2df: {  	s15 =	rddreg [dreg:$0x9];
	s16 =	sadd.s32 $0x0, s12  }
0x2e0: {  	[hbm4b:s16+s2] =	stream.linear.scatter [tilespmem:s5], [sflag:$0x6], $0x2000, $0x38;
	[tilespmem:$0x1C400] =	vst v63  }
0x2e1: {  	s0 =	sadd.s32 $0x0, s15  }
0x2e2: {  	[hbm4b:s0+s2] =	stream.linear.scatter [tilespmem:s4], [sflag:$0x6], $0x100, $0x38;
	[tilespmem:$0x1C400] =	vst v63  }
0x2e3: {  	s20 =	sadd.s32 $0x80, s0  }
0x2e4: {  	[hbm4b:s20+s2] =	stream.linear.scatter [tilespmem:s21], [sflag:$0x6], $0x100, $0x38;
	[tilespmem:$0x1C400] =	vst v63  }
0x2e5: {  	s21 =	sadd.s32 $0x100, s0  }
0x2e6: {  	[hbm4b:s21+s2] =	stream.linear.scatter [tilespmem:s24], [sflag:$0x6], $0x100, $0x38;
	[tilespmem:$0x1C400] =	vst v63  }
0x2e7: {  	s25 =	sadd.s32 $0x180, s0  }
0x2e8: {  	[hbm4b:s25+s2] =	stream.linear.scatter [tilespmem:s28], [sflag:$0x6], $0x100, $0x38;
	[tilespmem:$0x1C400] =	vst v63  }
0x2e9: {  	s28 =	sadd.s32 $0x200, s0  }
0x2ea: {  	[hbm4b:s28+s2] =	stream.linear.scatter [tilespmem:s30], [sflag:$0x6], $0x100, $0x38;
	[tilespmem:$0x1C400] =	vst v63  }
0x2eb: {  	s29 =	sadd.s32 $0x280, s0  }
0x2ec: {  	[hbm4b:s29+s2] =	stream.linear.scatter [tilespmem:s17], [sflag:$0x6], $0x100, $0x38;
	[tilespmem:$0x1C400] =	vst v63  }
0x2ed: {  	s30 =	sadd.s32 $0x300, s0  }
0x2ee: {  	[hbm4b:s30+s2] =	stream.linear.scatter [tilespmem:s13], [sflag:$0x6], $0x100, $0x38;
	[tilespmem:$0x1C400] =	vst v63  }
0x2ef: {  	s31 =	simm.s32 $0x3800;
	s0 =	sadd.s32 $0x380, s0  }
0x2f0: {  	[hbm4b:s0+s2] =	stream.linear.scatter [tilespmem:s7], [sflag:$0x6], $0x100, $0x38;
	[tilespmem:$0x1C400] =	vst v63  }
0x2f1: {  	s8 =	smov.u32 s6;
	s16 =	simm.s32 $0x400;
	s0 =	sadd.s32 $0x70, s6  }
.LBB2_2:
0x2f2: {  	s6 =	simm.s32 $0x200  }
0x2f3: {  	[tilespmem:s6], [sflag:$0x2] =	stream.linear.gather [hbm4b:s8+s2], $0x1C0, $0x38;
	[tilespmem:$0x1C400] =	vst v63  }
0x2f4: {  	_ =	swait.ge [sflag:s18], $0x2000  }
0x2f5: {  	[sflag:s18] =	ssyncset.done $0x0  }
0x2f6: {  	[sflag:s18] =	ssyncadd.s32 $0xFFFFE000  }
0x2f7: {  	_ =	swait.ge [sflag:s18], $0x2000  }
0x2f8: {  	[sflag:s18] =	ssyncset.done $0x0  }
0x2f9: {  	[sflag:s18] =	ssyncadd.s32 $0xFFFFE000  }
0x2fa: {  	_ =	swait.ge [sflag:s18], $0x2000  }
0x2fb: {  	[sflag:s18] =	ssyncset.done $0x0  }
0x2fc: {  	[sflag:s18] =	ssyncadd.s32 $0xFFFFE000  }
0x2fd: {  	_ =	swait.ge [sflag:s18], $0x2000  }
0x2fe: {  	[sflag:s18] =	ssyncset.done $0x0  }
0x2ff: {  	[sflag:s18] =	ssyncadd.s32 $0xFFFFE000  }
0x300: {  	_ =	swait.ge [sflag:s18], $0x2000  }
0x301: {  	[sflag:s18] =	ssyncset.done $0x0  }
0x302: {  	[sflag:s18] =	ssyncadd.s32 $0xFFFFE000  }
0x303: {  	_ =	swait.ge [sflag:s18], $0x2000  }
0x304: {  	[sflag:s18] =	ssyncset.done $0x0  }
0x305: {  	[sflag:s18] =	ssyncadd.s32 $0xFFFFE000  }
0x306: {  	_ =	swait.ge [sflag:s18], $0x800  }
0x307: {  	[sflag:s18] =	ssyncset.done $0x0  }
0x308: {  	s1 =	simm.s32 $0x1;
	[sflag:s18] =	ssyncadd.s32 $0xFFFFF800  }
0x309: {  	_ =	swait.ge [sflag:s1], $0x1C0  }
0x30a: {  	[sflag:s1] =	ssyncset.done $0x0  }
0x30b: {  	[sflag:s1] =	ssyncadd.s32 $0xFFFFFE40  }
0x30c: {  	[tilespmem:s16], [sflag:$0x3] =	stream.indirect.gather [hbm4b:s3+s26], $0x80, s2, s26, $0xb8;
	[tilespmem:$0x1C400] =	vst v63  }
0x30d: {  	_ = 	snop  }
0x30e: {  	[tilespmem:s19], [sflag:$0x3] =	stream.indirect.gather [hbm4b:s3+s26], $0x80, s26, s26, $0xb8;
	[tilespmem:$0x1C400] =	vst v63  }
0x30f: {  	s13 =	simm.s32 $0xC00  }
0x310: {  	[tilespmem:s13], [sflag:$0x3] =	stream.indirect.gather [hbm4b:s3+s26], $0x80, s22, s26, $0xb8;
	[tilespmem:$0x1C400] =	vst v63  }
0x311: {  	s15 =	simm.s32 $0x18;
	s4 =	simm.s32 $0x1000  }
0x312: {  	[tilespmem:s4], [sflag:$0x3] =	stream.indirect.gather [hbm4b:s3+s26], $0x80, s15, s26, $0xb8;
	[tilespmem:$0x1C400] =	vst v63  }
0x313: {  	s17 =	simm.s32 $0x1400;
	s19 =	simm.s32 $0x20  }
0x314: {  	[tilespmem:s17], [sflag:$0x3] =	stream.indirect.gather [hbm4b:s3+s26], $0x80, s19, s26, $0xb8;
	[tilespmem:$0x1C400] =	vst v63  }
0x315: {  	s20 =	simm.s32 $0x1800;
	s15 =	simm.s32 $0x28  }
0x316: {  	[tilespmem:s20], [sflag:$0x3] =	stream.indirect.gather [hbm4b:s3+s26], $0x80, s15, s26, $0xb8;
	[tilespmem:$0x1C400] =	vst v63  }
0x317: {  	s21 =	simm.s32 $0x30;
	s22 =	simm.s32 $0x1C00  }
0x318: {  	[tilespmem:s22], [sflag:$0x3] =	stream.indirect.gather [hbm4b:s3+s26], $0x80, s21, s26, $0xb8;
	[tilespmem:$0x1C400] =	vst v63  }
0x319: {  	s24 =	simm.s32 $0x38;
	s25 =	simm.s32 $0x2000  }
0x31a: {  	[tilespmem:s25], [sflag:$0x3] =	stream.indirect.gather [hbm4b:s3+s26], $0x80, s24, s26, $0xb8;
	[tilespmem:$0x1C400] =	vst v63  }
0x31b: {  	s28 =	simm.s32 $0x40;
	s20 =	simm.s32 $0x2400  }
0x31c: {  	[tilespmem:s20], [sflag:$0x3] =	stream.indirect.gather [hbm4b:s3+s26], $0x80, s28, s26, $0xb8;
	[tilespmem:$0x1C400] =	vst v63  }
0x31d: {  	s29 =	simm.s32 $0x48;
	s30 =	simm.s32 $0x2800  }
0x31e: {  	[tilespmem:s30], [sflag:$0x3] =	stream.indirect.gather [hbm4b:s3+s26], $0x80, s29, s26, $0xb8;
	[tilespmem:$0x1C400] =	vst v63  }
0x31f: {  	s1 =	simm.s32 $0x50;
	s4 =	simm.s32 $0x2C00  }
0x320: {  	[tilespmem:s4], [sflag:$0x3] =	stream.indirect.gather [hbm4b:s3+s26], $0x80, s1, s26, $0xb8;
	[tilespmem:$0x1C400] =	vst v63  }
0x321: {  	s5 =	simm.s32 $0x58;
	s7 =	simm.s32 $0x3000  }
0x322: {  	[tilespmem:s7], [sflag:$0x3] =	stream.indirect.gather [hbm4b:s3+s26], $0x80, s5, s26, $0xb8;
	[tilespmem:$0x1C400] =	vst v63  }
0x323: {  	s10 =	simm.s32 $0x60;
	s12 =	simm.s32 $0x3400  }
0x324: {  	[tilespmem:s12], [sflag:$0x3] =	stream.indirect.gather [hbm4b:s3+s26], $0x80, s10, s26, $0xb8;
	[tilespmem:$0x1C400] =	vst v63  }
0x325: {  	s13 =	simm.s32 $0x68;
	s17 =	simm.s32 $0x3800  }
0x326: {  	[tilespmem:s17], [sflag:$0x3] =	stream.indirect.gather [hbm4b:s3+s26], $0x80, s13, s26, $0xb8;
	[tilespmem:$0x1C400] =	vst v63  }
0x327: {  	s19 =	simm.s32 $0x70;
	s21 =	simm.s32 $0x3C00  }
0x328: {  	[tilespmem:s21], [sflag:$0x3] =	stream.indirect.gather [hbm4b:s3+s26], $0x80, s19, s26, $0xb8;
	[tilespmem:$0x1C400] =	vst v63  }
0x329: {  	s22 =	simm.s32 $0x78;
	s24 =	simm.s32 $0x4000  }
0x32a: {  	[tilespmem:s24], [sflag:$0x3] =	stream.indirect.gather [hbm4b:s3+s26], $0x80, s22, s26, $0xb8;
	[tilespmem:$0x1C400] =	vst v63  }
0x32b: {  	s25 =	simm.s32 $0x80;
	s10 =	simm.s32 $0x4400  }
0x32c: {  	[tilespmem:s10], [sflag:$0x3] =	stream.indirect.gather [hbm4b:s3+s26], $0x80, s25, s26, $0xb8;
	[tilespmem:$0x1C400] =	vst v63  }
0x32d: {  	s28 =	simm.s32 $0x88;
	s29 =	simm.s32 $0x4800  }
0x32e: {  	[tilespmem:s29], [sflag:$0x3] =	stream.indirect.gather [hbm4b:s3+s26], $0x80, s28, s26, $0xb8;
	[tilespmem:$0x1C400] =	vst v63  }
0x32f: {  	s30 =	simm.s32 $0x90;
	s1 =	simm.s32 $0x4C00  }
0x330: {  	[tilespmem:s1], [sflag:$0x3] =	stream.indirect.gather [hbm4b:s3+s26], $0x80, s30, s26, $0xb8;
	[tilespmem:$0x1C400] =	vst v63  }
0x331: {  	s4 =	simm.s32 $0x98;
	s5 =	simm.s32 $0x5000  }
0x332: {  	[tilespmem:s5], [sflag:$0x3] =	stream.indirect.gather [hbm4b:s3+s26], $0x80, s4, s26, $0xb8;
	[tilespmem:$0x1C400] =	vst v63  }
0x333: {  	s7 =	simm.s32 $0xA0;
	s12 =	simm.s32 $0x5400  }
0x334: {  	[tilespmem:s12], [sflag:$0x3] =	stream.indirect.gather [hbm4b:s3+s26], $0x80, s7, s26, $0xb8;
	[tilespmem:$0x1C400] =	vst v63  }
0x335: {  	s13 =	simm.s32 $0xA8;
	s17 =	simm.s32 $0x5800  }
0x336: {  	[tilespmem:s17], [sflag:$0x3] =	stream.indirect.gather [hbm4b:s3+s26], $0x80, s13, s26, $0xb8;
	[tilespmem:$0x1C400] =	vst v63  }
0x337: {  	s21 =	simm.s32 $0xB0;
	s22 =	simm.s32 $0x5C00  }
0x338: {  	[tilespmem:s22], [sflag:$0x3] =	stream.indirect.gather [hbm4b:s3+s26], $0x80, s21, s26, $0xb8;
	[tilespmem:$0x1C400] =	vst v63  }
0x339: {  	s24 =	simm.s32 $0xB8;
	s25 =	simm.s32 $0x6000  }
0x33a: {  	[tilespmem:s25], [sflag:$0x3] =	stream.indirect.gather [hbm4b:s3+s26], $0x80, s24, s26, $0xb8;
	[tilespmem:$0x1C400] =	vst v63  }
0x33b: {  	s28 =	simm.s32 $0xC0;
	s1 =	simm.s32 $0x6400  }
0x33c: {  	[tilespmem:s1], [sflag:$0x3] =	stream.indirect.gather [hbm4b:s3+s26], $0x80, s28, s26, $0xb8;
	[tilespmem:$0x1C400] =	vst v63  }
0x33d: {  	s29 =	simm.s32 $0xC8;
	s30 =	simm.s32 $0x6800  }
0x33e: {  	[tilespmem:s30], [sflag:$0x3] =	stream.indirect.gather [hbm4b:s3+s26], $0x80, s29, s26, $0xb8;
	[tilespmem:$0x1C400] =	vst v63  }
0x33f: {  	s4 =	simm.s32 $0xD0;
	s5 =	simm.s32 $0x6C00  }
0x340: {  	[tilespmem:s5], [sflag:$0x3] =	stream.indirect.gather [hbm4b:s3+s26], $0x80, s4, s26, $0xb8;
	[tilespmem:$0x1C400] =	vst v63  }
0x341: {  	s7 =	simm.s32 $0xD8;
	s12 =	simm.s32 $0x7000  }
0x342: {  	[tilespmem:s12], [sflag:$0x3] =	stream.indirect.gather [hbm4b:s3+s26], $0x80, s7, s26, $0xb8;
	[tilespmem:$0x1C400] =	vst v63  }
0x343: {  	s13 =	simm.s32 $0xE0;
	s17 =	simm.s32 $0x7400  }
0x344: {  	[tilespmem:s17], [sflag:$0x3] =	stream.indirect.gather [hbm4b:s3+s26], $0x80, s13, s26, $0xb8;
	[tilespmem:$0x1C400] =	vst v63  }
0x345: {  	s21 =	simm.s32 $0xE8;
	s22 =	simm.s32 $0x7800  }
0x346: {  	[tilespmem:s22], [sflag:$0x3] =	stream.indirect.gather [hbm4b:s3+s26], $0x80, s21, s26, $0xb8;
	[tilespmem:$0x1C400] =	vst v63  }
0x347: {  	s24 =	simm.s32 $0xF0;
	s25 =	simm.s32 $0x7C00  }
0x348: {  	[tilespmem:s25], [sflag:$0x3] =	stream.indirect.gather [hbm4b:s3+s26], $0x80, s24, s26, $0xb8;
	[tilespmem:$0x1C400] =	vst v63  }
0x349: {  	s28 =	simm.s32 $0xF8;
	s29 =	simm.s32 $0x8000  }
0x34a: {  	[tilespmem:s29], [sflag:$0x3] =	stream.indirect.gather [hbm4b:s3+s26], $0x80, s28, s26, $0xb8;
	[tilespmem:$0x1C400] =	vst v63  }
0x34b: {  	s30 =	simm.s32 $0x100;
	s29 =	simm.s32 $0x8400  }
0x34c: {  	[tilespmem:s29], [sflag:$0x3] =	stream.indirect.gather [hbm4b:s3+s26], $0x80, s30, s26, $0xb8;
	[tilespmem:$0x1C400] =	vst v63  }
0x34d: {  	s4 =	simm.s32 $0x108;
	s5 =	simm.s32 $0x8800  }
0x34e: {  	[tilespmem:s5], [sflag:$0x3] =	stream.indirect.gather [hbm4b:s3+s26], $0x80, s4, s26, $0xb8;
	[tilespmem:$0x1C400] =	vst v63  }
0x34f: {  	s7 =	simm.s32 $0x110;
	s12 =	simm.s32 $0x8C00  }
0x350: {  	[tilespmem:s12], [sflag:$0x3] =	stream.indirect.gather [hbm4b:s3+s26], $0x80, s7, s26, $0xb8;
	[tilespmem:$0x1C400] =	vst v63  }
0x351: {  	s13 =	simm.s32 $0x118;
	s17 =	simm.s32 $0x9000  }
0x352: {  	[tilespmem:s17], [sflag:$0x3] =	stream.indirect.gather [hbm4b:s3+s26], $0x80, s13, s26, $0xb8;
	[tilespmem:$0x1C400] =	vst v63  }
0x353: {  	s19 =	simm.s32 $0x120;
	s21 =	simm.s32 $0x9400  }
0x354: {  	[tilespmem:s21], [sflag:$0x3] =	stream.indirect.gather [hbm4b:s3+s26], $0x80, s19, s26, $0xb8;
	[tilespmem:$0x1C400] =	vst v63  }
0x355: {  	s22 =	simm.s32 $0x128;
	s24 =	simm.s32 $0x9800  }
0x356: {  	[tilespmem:s24], [sflag:$0x3] =	stream.indirect.gather [hbm4b:s3+s26], $0x80, s22, s26, $0xb8;
	[tilespmem:$0x1C400] =	vst v63  }
0x357: {  	s25 =	simm.s32 $0x130;
	s28 =	simm.s32 $0x9C00  }
0x358: {  	[tilespmem:s28], [sflag:$0x3] =	stream.indirect.gather [hbm4b:s3+s26], $0x80, s25, s26, $0xb8;
	[tilespmem:$0x1C400] =	vst v63  }
0x359: {  	s30 =	simm.s32 $0x138;
	s4 =	simm.s32 $0xA000  }
0x35a: {  	[tilespmem:s4], [sflag:$0x3] =	stream.indirect.gather [hbm4b:s3+s26], $0x80, s30, s26, $0xb8;
	[tilespmem:$0x1C400] =	vst v63  }
0x35b: {  	s5 =	simm.s32 $0x140;
	s21 =	simm.s32 $0xA400  }
0x35c: {  	[tilespmem:s21], [sflag:$0x3] =	stream.indirect.gather [hbm4b:s3+s26], $0x80, s5, s26, $0xb8;
	[tilespmem:$0x1C400] =	vst v63  }
0x35d: {  	s7 =	simm.s32 $0x148;
	s12 =	simm.s32 $0xA800  }
0x35e: {  	[tilespmem:s12], [sflag:$0x3] =	stream.indirect.gather [hbm4b:s3+s26], $0x80, s7, s26, $0xb8;
	[tilespmem:$0x1C400] =	vst v63  }
0x35f: {  	s13 =	simm.s32 $0x150;
	s17 =	simm.s32 $0xAC00  }
0x360: {  	[tilespmem:s17], [sflag:$0x3] =	stream.indirect.gather [hbm4b:s3+s26], $0x80, s13, s26, $0xb8;
	[tilespmem:$0x1C400] =	vst v63  }
0x361: {  	s22 =	simm.s32 $0x158;
	s24 =	simm.s32 $0xB000  }
0x362: {  	[tilespmem:s24], [sflag:$0x3] =	stream.indirect.gather [hbm4b:s3+s26], $0x80, s22, s26, $0xb8;
	[tilespmem:$0x1C400] =	vst v63  }
0x363: {  	s25 =	simm.s32 $0x160;
	s28 =	simm.s32 $0xB400  }
0x364: {  	[tilespmem:s28], [sflag:$0x3] =	stream.indirect.gather [hbm4b:s3+s26], $0x80, s25, s26, $0xb8;
	[tilespmem:$0x1C400] =	vst v63  }
0x365: {  	s30 =	simm.s32 $0x168;
	s4 =	simm.s32 $0xB800  }
0x366: {  	[tilespmem:s4], [sflag:$0x3] =	stream.indirect.gather [hbm4b:s3+s26], $0x80, s30, s26, $0xb8;
	[tilespmem:$0x1C400] =	vst v63  }
0x367: {  	s5 =	simm.s32 $0x170;
	s7 =	simm.s32 $0xBC00  }
0x368: {  	[tilespmem:s7], [sflag:$0x3] =	stream.indirect.gather [hbm4b:s3+s26], $0x80, s5, s26, $0xb8;
	[tilespmem:$0x1C400] =	vst v63  }
0x369: {  	s12 =	simm.s32 $0x178;
	s13 =	simm.s32 $0xC000  }
0x36a: {  	[tilespmem:s13], [sflag:$0x3] =	stream.indirect.gather [hbm4b:s3+s26], $0x80, s12, s26, $0xb8;
	[tilespmem:$0x1C400] =	vst v63  }
0x36b: {  	s17 =	simm.s32 $0x180;
	s30 =	simm.s32 $0xC400  }
0x36c: {  	[tilespmem:s30], [sflag:$0x3] =	stream.indirect.gather [hbm4b:s3+s26], $0x80, s17, s26, $0xb8;
	[tilespmem:$0x1C400] =	vst v63  }
0x36d: {  	s19 =	simm.s32 $0x188;
	s24 =	simm.s32 $0xC800  }
0x36e: {  	[tilespmem:s24], [sflag:$0x3] =	stream.indirect.gather [hbm4b:s3+s26], $0x80, s19, s26, $0xb8;
	[tilespmem:$0x1C400] =	vst v63  }
0x36f: {  	s22 =	simm.s32 $0x190;
	s4 =	simm.s32 $0xCC00  }
0x370: {  	[tilespmem:s4], [sflag:$0x3] =	stream.indirect.gather [hbm4b:s3+s26], $0x80, s22, s26, $0xb8;
	[tilespmem:$0x1C400] =	vst v63  }
0x371: {  	s25 =	simm.s32 $0x198;
	s28 =	simm.s32 $0xD000  }
0x372: {  	[tilespmem:s28], [sflag:$0x3] =	stream.indirect.gather [hbm4b:s3+s26], $0x80, s25, s26, $0xb8;
	[tilespmem:$0x1C400] =	vst v63  }
0x373: {  	s5 =	simm.s32 $0x1A0;
	s17 =	simm.s32 $0xD400  }
0x374: {  	[tilespmem:s17], [sflag:$0x3] =	stream.indirect.gather [hbm4b:s3+s26], $0x80, s5, s26, $0xb8;
	[tilespmem:$0x1C400] =	vst v63  }
0x375: {  	s7 =	simm.s32 $0x1A8;
	s5 =	simm.s32 $0xD800  }
0x376: {  	[tilespmem:s5], [sflag:$0x3] =	stream.indirect.gather [hbm4b:s3+s26], $0x80, s7, s26, $0xb8;
	[tilespmem:$0x1C400] =	vst v63  }
0x377: {  	s12 =	simm.s32 $0x1B0;
	s13 =	simm.s32 $0xDC00  }
0x378: {  	[tilespmem:s13], [sflag:$0x3] =	stream.indirect.gather [hbm4b:s3+s26], $0x80, s12, s26, $0xb8;
	[tilespmem:$0x1C400] =	vst v63  }
0x379: {  	s19 =	simm.s32 $0x1B8;
	s7 =	simm.s32 $0xE000  }
0x37a: {  	[tilespmem:s7], [sflag:$0x3] =	stream.indirect.gather [hbm4b:s3+s26], $0x80, s19, s26, $0xb8;
	[tilespmem:$0x1C400] =	vst v63  }
0x37b: {  	_ =	swait.ge [sflag:s14], $0x2000  }
0x37c: {  	[sflag:s14] =	ssyncset.done $0x0  }
0x37d: {  	[sflag:s14] =	ssyncadd.s32 $0xFFFFE000  }
0x37e: {  	_ =	swait.ge [sflag:s14], $0x2000  }
0x37f: {  	[sflag:s14] =	ssyncset.done $0x0  }
0x380: {  	[sflag:s14] =	ssyncadd.s32 $0xFFFFE000  }
0x381: {  	_ =	swait.ge [sflag:s14], $0x2000  }
0x382: {  	[sflag:s14] =	ssyncset.done $0x0  }
0x383: {  	[sflag:s14] =	ssyncadd.s32 $0xFFFFE000  }
0x384: {  	_ =	swait.ge [sflag:s14], $0x2000  }
0x385: {  	[sflag:s14] =	ssyncset.done $0x0  }
0x386: {  	[sflag:s14] =	ssyncadd.s32 $0xFFFFE000  }
0x387: {  	_ =	swait.ge [sflag:s14], $0x2000  }
0x388: {  	[sflag:s14] =	ssyncset.done $0x0  }
0x389: {  	[sflag:s14] =	ssyncadd.s32 $0xFFFFE000  }
0x38a: {  	_ =	swait.ge [sflag:s14], $0x2000  }
0x38b: {  	[sflag:s14] =	ssyncset.done $0x0  }
0x38c: {  	[sflag:s14] =	ssyncadd.s32 $0xFFFFE000  }
0x38d: {  	_ =	swait.ge [sflag:s14], $0x2000  }
0x38e: {  	s11 =	smov.u32 s31;
	s22 =	rddreg [dreg:$0xf]  }
0x38f: {  	[sflag:s14] =	ssyncset.done $0x0;
	s15 =	sadd.s32 s11, s22  }
0x390: {  	[sflag:s14] =	ssyncadd.s32 $0xFFFFE000;
	s25 =	sadd.s32 $0x3800, s15  }
0x391: {  	[hbm4b:s25+s2] =	stream.linear.scatter [tilespmem:s16], [sflag:$0x5], $0x2000, $0x38;
	[tilespmem:$0x1C400] =	vst v63  }
0x392: {  	s12 =	rddreg [dreg:$0xe];
	s15 =	sadd.s32 $0x3C00, s15  }
0x393: {  	[hbm4b:s15+s2] =	stream.linear.scatter [tilespmem:s20], [sflag:$0x5], $0x2000, $0x38;
	[tilespmem:$0x1C400] =	vst v63  }
0x394: {  	s12 =	sadd.s32 s11, s12;
	s25 =	rddreg [dreg:$0xd]  }
0x395: {  	[hbm4b:s12+s2] =	stream.linear.scatter [tilespmem:s10], [sflag:$0x5], $0x2000, $0x38;
	[tilespmem:$0x1C400] =	vst v63  }
0x396: {  	s25 =	sadd.s32 s11, s25;
	s20 =	rddreg [dreg:$0xc]  }
0x397: {  	[hbm4b:s25+s2] =	stream.linear.scatter [tilespmem:s1], [sflag:$0x5], $0x2000, $0x38;
	[tilespmem:$0x1C400] =	vst v63  }
0x398: {  	s10 =	rddreg [dreg:$0xb];
	s12 =	sadd.s32 s11, s20  }
0x399: {  	[hbm4b:s12+s2] =	stream.linear.scatter [tilespmem:s29], [sflag:$0x5], $0x2000, $0x38;
	[tilespmem:$0x1C400] =	vst v63  }
0x39a: {  	s20 =	rddreg [dreg:$0xa];
	s25 =	sadd.s32 s11, s10  }
0x39b: {  	[hbm4b:s25+s2] =	stream.linear.scatter [tilespmem:s21], [sflag:$0x5], $0x2000, $0x38;
	[tilespmem:$0x1C400] =	vst v63  }
0x39c: {  	s29 =	sadd.s32 s11, s20  }
0x39d: {  	[hbm4b:s29+s2] =	stream.linear.scatter [tilespmem:s30], [sflag:$0x5], $0x100, $0x38;
	[tilespmem:$0x1C400] =	vst v63  }
0x39e: {  	s30 =	sadd.s32 $0x80, s29  }
0x39f: {  	[hbm4b:s30+s2] =	stream.linear.scatter [tilespmem:s24], [sflag:$0x5], $0x100, $0x38;
	[tilespmem:$0x1C400] =	vst v63  }
0x3a0: {  	s1 =	sadd.s32 $0x100, s29  }
0x3a1: {  	[hbm4b:s1+s2] =	stream.linear.scatter [tilespmem:s4], [sflag:$0x5], $0x100, $0x38;
	[tilespmem:$0x1C400] =	vst v63  }
0x3a2: {  	s10 =	sadd.s32 $0x180, s29  }
0x3a3: {  	[hbm4b:s10+s2] =	stream.linear.scatter [tilespmem:s28], [sflag:$0x5], $0x100, $0x38;
	[tilespmem:$0x1C400] =	vst v63  }
0x3a4: {  	s12 =	sadd.s32 $0x200, s29  }
0x3a5: {  	[hbm4b:s12+s2] =	stream.linear.scatter [tilespmem:s17], [sflag:$0x5], $0x100, $0x38;
	[tilespmem:$0x1C400] =	vst v63  }
0x3a6: {  	s20 =	sadd.s32 $0x280, s29  }
0x3a7: {  	[hbm4b:s20+s2] =	stream.linear.scatter [tilespmem:s5], [sflag:$0x5], $0x100, $0x38;
	[tilespmem:$0x1C400] =	vst v63  }
0x3a8: {  	s21 =	sadd.s32 $0x300, s29  }
0x3a9: {  	[hbm4b:s21+s2] =	stream.linear.scatter [tilespmem:s13], [sflag:$0x5], $0x100, $0x38;
	[tilespmem:$0x1C400] =	vst v63  }
0x3aa: {  	s15 =	sadd.s32 $0x380, s29  }
0x3ab: {  	[hbm4b:s15+s2] =	stream.linear.scatter [tilespmem:s7], [sflag:$0x5], $0x100, $0x38;
	[tilespmem:$0x1C400] =	vst v63  }
0x3ac: {  	s22 =	sadd.s32 $0xFFFFFFC8, s0  }
0x3ad: {  	[tilespmem:s2], [sflag:$0x1] =	stream.linear.gather [hbm4b:s22+s2], $0x1C0, $0x38;
	[tilespmem:$0x1C400] =	vst v63  }
0x3ae: {  	_ =	swait.ge [sflag:s9], $0x2000  }
0x3af: {  	[sflag:s9] =	ssyncset.done $0x0  }
0x3b0: {  	[sflag:s9] =	ssyncadd.s32 $0xFFFFE000  }
0x3b1: {  	_ =	swait.ge [sflag:s9], $0x2000  }
0x3b2: {  	[sflag:s9] =	ssyncset.done $0x0  }
0x3b3: {  	[sflag:s9] =	ssyncadd.s32 $0xFFFFE000  }
0x3b4: {  	_ =	swait.ge [sflag:s9], $0x2000  }
0x3b5: {  	[sflag:s9] =	ssyncset.done $0x0  }
0x3b6: {  	[sflag:s9] =	ssyncadd.s32 $0xFFFFE000  }
0x3b7: {  	_ =	swait.ge [sflag:s9], $0x2000  }
0x3b8: {  	[sflag:s9] =	ssyncset.done $0x0  }
0x3b9: {  	[sflag:s9] =	ssyncadd.s32 $0xFFFFE000  }
0x3ba: {  	_ =	swait.ge [sflag:s9], $0x2000  }
0x3bb: {  	[sflag:s9] =	ssyncset.done $0x0  }
0x3bc: {  	[sflag:s9] =	ssyncadd.s32 $0xFFFFE000  }
0x3bd: {  	_ =	swait.ge [sflag:s9], $0x2000  }
0x3be: {  	[sflag:s9] =	ssyncset.done $0x0  }
0x3bf: {  	[sflag:s9] =	ssyncadd.s32 $0xFFFFE000  }
0x3c0: {  	_ =	swait.ge [sflag:s9], $0x800  }
0x3c1: {  	[sflag:s9] =	ssyncset.done $0x0  }
0x3c2: {  	s24 =	simm.s32 $0x2;
	[sflag:s9] =	ssyncadd.s32 $0xFFFFF800  }
0x3c3: {  	_ =	swait.ge [sflag:s24], $0x1C0  }
0x3c4: {  	[sflag:s24] =	ssyncset.done $0x0  }
0x3c5: {  	s1 =	simm.s32 $0xE400;
	[sflag:s24] =	ssyncadd.s32 $0xFFFFFE40  }
0x3c6: {  	[tilespmem:s1], [sflag:$0x4] =	stream.indirect.gather [hbm4b:s3+s26], $0x80, s6, s26, $0xb8;
	[tilespmem:$0x1C400] =	vst v63  }
0x3c7: {  	s25 =	simm.s32 $0x208;
	s28 =	simm.s32 $0xE800  }
0x3c8: {  	[tilespmem:s28], [sflag:$0x4] =	stream.indirect.gather [hbm4b:s3+s26], $0x80, s25, s26, $0xb8;
	[tilespmem:$0x1C400] =	vst v63  }
0x3c9: {  	s29 =	simm.s32 $0x210;
	s30 =	simm.s32 $0xEC00  }
0x3ca: {  	[tilespmem:s30], [sflag:$0x4] =	stream.indirect.gather [hbm4b:s3+s26], $0x80, s29, s26, $0xb8;
	[tilespmem:$0x1C400] =	vst v63  }
0x3cb: {  	s7 =	simm.s32 $0xF000;
	s6 =	simm.s32 $0x218  }
0x3cc: {  	[tilespmem:s7], [sflag:$0x4] =	stream.indirect.gather [hbm4b:s3+s26], $0x80, s6, s26, $0xb8;
	[tilespmem:$0x1C400] =	vst v63  }
0x3cd: {  	s10 =	simm.s32 $0x220;
	s12 =	simm.s32 $0xF400  }
0x3ce: {  	[tilespmem:s12], [sflag:$0x4] =	stream.indirect.gather [hbm4b:s3+s26], $0x80, s10, s26, $0xb8;
	[tilespmem:$0x1C400] =	vst v63  }
0x3cf: {  	s13 =	simm.s32 $0x228;
	s15 =	simm.s32 $0xF800  }
0x3d0: {  	[tilespmem:s15], [sflag:$0x4] =	stream.indirect.gather [hbm4b:s3+s26], $0x80, s13, s26, $0xb8;
	[tilespmem:$0x1C400] =	vst v63  }
0x3d1: {  	s19 =	simm.s32 $0xFC00;
	s17 =	simm.s32 $0x230  }
0x3d2: {  	[tilespmem:s19], [sflag:$0x4] =	stream.indirect.gather [hbm4b:s3+s26], $0x80, s17, s26, $0xb8;
	[tilespmem:$0x1C400] =	vst v63  }
0x3d3: {  	s21 =	simm.s32 $0x238;
	s22 =	simm.s32 $0x10000  }
0x3d4: {  	[tilespmem:s22], [sflag:$0x4] =	stream.indirect.gather [hbm4b:s3+s26], $0x80, s21, s26, $0xb8;
	[tilespmem:$0x1C400] =	vst v63  }
0x3d5: {  	s5 =	simm.s32 $0x10400;
	s24 =	simm.s32 $0x240  }
0x3d6: {  	[tilespmem:s5], [sflag:$0x4] =	stream.indirect.gather [hbm4b:s3+s26], $0x80, s24, s26, $0xb8;
	[tilespmem:$0x1C400] =	vst v63  }
0x3d7: {  	s25 =	simm.s32 $0x248;
	s28 =	simm.s32 $0x10800  }
0x3d8: {  	[tilespmem:s28], [sflag:$0x4] =	stream.indirect.gather [hbm4b:s3+s26], $0x80, s25, s26, $0xb8;
	[tilespmem:$0x1C400] =	vst v63  }
0x3d9: {  	s29 =	simm.s32 $0x250;
	s30 =	simm.s32 $0x10C00  }
0x3da: {  	[tilespmem:s30], [sflag:$0x4] =	stream.indirect.gather [hbm4b:s3+s26], $0x80, s29, s26, $0xb8;
	[tilespmem:$0x1C400] =	vst v63  }
0x3db: {  	s6 =	simm.s32 $0x258;
	s7 =	simm.s32 $0x11000  }
0x3dc: {  	[tilespmem:s7], [sflag:$0x4] =	stream.indirect.gather [hbm4b:s3+s26], $0x80, s6, s26, $0xb8;
	[tilespmem:$0x1C400] =	vst v63  }
0x3dd: {  	s10 =	simm.s32 $0x260;
	s12 =	simm.s32 $0x11400  }
0x3de: {  	[tilespmem:s12], [sflag:$0x4] =	stream.indirect.gather [hbm4b:s3+s26], $0x80, s10, s26, $0xb8;
	[tilespmem:$0x1C400] =	vst v63  }
0x3df: {  	s13 =	simm.s32 $0x268;
	s15 =	simm.s32 $0x11800  }
0x3e0: {  	[tilespmem:s15], [sflag:$0x4] =	stream.indirect.gather [hbm4b:s3+s26], $0x80, s13, s26, $0xb8;
	[tilespmem:$0x1C400] =	vst v63  }
0x3e1: {  	s17 =	simm.s32 $0x270;
	s19 =	simm.s32 $0x11C00  }
0x3e2: {  	[tilespmem:s19], [sflag:$0x4] =	stream.indirect.gather [hbm4b:s3+s26], $0x80, s17, s26, $0xb8;
	[tilespmem:$0x1C400] =	vst v63  }
0x3e3: {  	s21 =	simm.s32 $0x278;
	s22 =	simm.s32 $0x12000  }
0x3e4: {  	[tilespmem:s22], [sflag:$0x4] =	stream.indirect.gather [hbm4b:s3+s26], $0x80, s21, s26, $0xb8;
	[tilespmem:$0x1C400] =	vst v63  }
0x3e5: {  	s24 =	simm.s32 $0x280;
	s7 =	simm.s32 $0x12400  }
0x3e6: {  	[tilespmem:s7], [sflag:$0x4] =	stream.indirect.gather [hbm4b:s3+s26], $0x80, s24, s26, $0xb8;
	[tilespmem:$0x1C400] =	vst v63  }
0x3e7: {  	s25 =	simm.s32 $0x288;
	s28 =	simm.s32 $0x12800  }
0x3e8: {  	[tilespmem:s28], [sflag:$0x4] =	stream.indirect.gather [hbm4b:s3+s26], $0x80, s25, s26, $0xb8;
	[tilespmem:$0x1C400] =	vst v63  }
0x3e9: {  	s29 =	simm.s32 $0x290;
	s30 =	simm.s32 $0x12C00  }
0x3ea: {  	[tilespmem:s30], [sflag:$0x4] =	stream.indirect.gather [hbm4b:s3+s26], $0x80, s29, s26, $0xb8;
	[tilespmem:$0x1C400] =	vst v63  }
0x3eb: {  	s10 =	simm.s32 $0x298;
	s12 =	simm.s32 $0x13000  }
0x3ec: {  	[tilespmem:s12], [sflag:$0x4] =	stream.indirect.gather [hbm4b:s3+s26], $0x80, s10, s26, $0xb8;
	[tilespmem:$0x1C400] =	vst v63  }
0x3ed: {  	s13 =	simm.s32 $0x2A0;
	s15 =	simm.s32 $0x13400  }
0x3ee: {  	[tilespmem:s15], [sflag:$0x4] =	stream.indirect.gather [hbm4b:s3+s26], $0x80, s13, s26, $0xb8;
	[tilespmem:$0x1C400] =	vst v63  }
0x3ef: {  	s17 =	simm.s32 $0x2A8;
	s19 =	simm.s32 $0x13800  }
0x3f0: {  	[tilespmem:s19], [sflag:$0x4] =	stream.indirect.gather [hbm4b:s3+s26], $0x80, s17, s26, $0xb8;
	[tilespmem:$0x1C400] =	vst v63  }
0x3f1: {  	s21 =	simm.s32 $0x2B0;
	s22 =	simm.s32 $0x13C00  }
0x3f2: {  	[tilespmem:s22], [sflag:$0x4] =	stream.indirect.gather [hbm4b:s3+s26], $0x80, s21, s26, $0xb8;
	[tilespmem:$0x1C400] =	vst v63  }
0x3f3: {  	s24 =	simm.s32 $0x2B8;
	s25 =	simm.s32 $0x14000  }
0x3f4: {  	[tilespmem:s25], [sflag:$0x4] =	stream.indirect.gather [hbm4b:s3+s26], $0x80, s24, s26, $0xb8;
	[tilespmem:$0x1C400] =	vst v63  }
0x3f5: {  	s28 =	simm.s32 $0x2C0;
	s10 =	simm.s32 $0x14400  }
0x3f6: {  	[tilespmem:s10], [sflag:$0x4] =	stream.indirect.gather [hbm4b:s3+s26], $0x80, s28, s26, $0xb8;
	[tilespmem:$0x1C400] =	vst v63  }
0x3f7: {  	s29 =	simm.s32 $0x2C8;
	s30 =	simm.s32 $0x14800  }
0x3f8: {  	[tilespmem:s30], [sflag:$0x4] =	stream.indirect.gather [hbm4b:s3+s26], $0x80, s29, s26, $0xb8;
	[tilespmem:$0x1C400] =	vst v63  }
0x3f9: {  	s12 =	simm.s32 $0x2D0;
	s13 =	simm.s32 $0x14C00  }
0x3fa: {  	[tilespmem:s13], [sflag:$0x4] =	stream.indirect.gather [hbm4b:s3+s26], $0x80, s12, s26, $0xb8;
	[tilespmem:$0x1C400] =	vst v63  }
0x3fb: {  	s15 =	simm.s32 $0x2D8;
	s17 =	simm.s32 $0x15000  }
0x3fc: {  	[tilespmem:s17], [sflag:$0x4] =	stream.indirect.gather [hbm4b:s3+s26], $0x80, s15, s26, $0xb8;
	[tilespmem:$0x1C400] =	vst v63  }
0x3fd: {  	s19 =	simm.s32 $0x2E0;
	s21 =	simm.s32 $0x15400  }
0x3fe: {  	[tilespmem:s21], [sflag:$0x4] =	stream.indirect.gather [hbm4b:s3+s26], $0x80, s19, s26, $0xb8;
	[tilespmem:$0x1C400] =	vst v63  }
0x3ff: {  	s22 =	simm.s32 $0x2E8;
	s24 =	simm.s32 $0x15800  }
0x400: {  	[tilespmem:s24], [sflag:$0x4] =	stream.indirect.gather [hbm4b:s3+s26], $0x80, s22, s26, $0xb8;
	[tilespmem:$0x1C400] =	vst v63  }
0x401: {  	s25 =	simm.s32 $0x2F0;
	s28 =	simm.s32 $0x15C00  }
0x402: {  	[tilespmem:s28], [sflag:$0x4] =	stream.indirect.gather [hbm4b:s3+s26], $0x80, s25, s26, $0xb8;
	[tilespmem:$0x1C400] =	vst v63  }
0x403: {  	s29 =	simm.s32 $0x2F8;
	s30 =	simm.s32 $0x16000  }
0x404: {  	[tilespmem:s30], [sflag:$0x4] =	stream.indirect.gather [hbm4b:s3+s26], $0x80, s29, s26, $0xb8;
	[tilespmem:$0x1C400] =	vst v63  }
0x405: {  	s12 =	simm.s32 $0x300;
	s13 =	simm.s32 $0x16400  }
0x406: {  	[tilespmem:s13], [sflag:$0x4] =	stream.indirect.gather [hbm4b:s3+s26], $0x80, s12, s26, $0xb8;
	[tilespmem:$0x1C400] =	vst v63  }
0x407: {  	s15 =	simm.s32 $0x308;
	s17 =	simm.s32 $0x16800  }
0x408: {  	[tilespmem:s17], [sflag:$0x4] =	stream.indirect.gather [hbm4b:s3+s26], $0x80, s15, s26, $0xb8;
	[tilespmem:$0x1C400] =	vst v63  }
0x409: {  	s19 =	simm.s32 $0x310;
	s21 =	simm.s32 $0x16C00  }
0x40a: {  	[tilespmem:s21], [sflag:$0x4] =	stream.indirect.gather [hbm4b:s3+s26], $0x80, s19, s26, $0xb8;
	[tilespmem:$0x1C400] =	vst v63  }
0x40b: {  	s22 =	simm.s32 $0x318;
	s24 =	simm.s32 $0x17000  }
0x40c: {  	[tilespmem:s24], [sflag:$0x4] =	stream.indirect.gather [hbm4b:s3+s26], $0x80, s22, s26, $0xb8;
	[tilespmem:$0x1C400] =	vst v63  }
0x40d: {  	s25 =	simm.s32 $0x320;
	s28 =	simm.s32 $0x17400  }
0x40e: {  	[tilespmem:s28], [sflag:$0x4] =	stream.indirect.gather [hbm4b:s3+s26], $0x80, s25, s26, $0xb8;
	[tilespmem:$0x1C400] =	vst v63  }
0x40f: {  	s29 =	simm.s32 $0x328;
	s30 =	simm.s32 $0x17800  }
0x410: {  	[tilespmem:s30], [sflag:$0x4] =	stream.indirect.gather [hbm4b:s3+s26], $0x80, s29, s26, $0xb8;
	[tilespmem:$0x1C400] =	vst v63  }
0x411: {  	s6 =	simm.s32 $0x330;
	s12 =	simm.s32 $0x17C00  }
0x412: {  	[tilespmem:s12], [sflag:$0x4] =	stream.indirect.gather [hbm4b:s3+s26], $0x80, s6, s26, $0xb8;
	[tilespmem:$0x1C400] =	vst v63  }
0x413: {  	s15 =	simm.s32 $0x18000;
	s17 =	simm.s32 $0x338  }
0x414: {  	[tilespmem:s15], [sflag:$0x4] =	stream.indirect.gather [hbm4b:s3+s26], $0x80, s17, s26, $0xb8;
	[tilespmem:$0x1C400] =	vst v63  }
0x415: {  	s4 =	simm.s32 $0x18400;
	s19 =	simm.s32 $0x340  }
0x416: {  	[tilespmem:s4], [sflag:$0x4] =	stream.indirect.gather [hbm4b:s3+s26], $0x80, s19, s26, $0xb8;
	[tilespmem:$0x1C400] =	vst v63  }
0x417: {  	s21 =	simm.s32 $0x348;
	s22 =	simm.s32 $0x18800  }
0x418: {  	[tilespmem:s22], [sflag:$0x4] =	stream.indirect.gather [hbm4b:s3+s26], $0x80, s21, s26, $0xb8;
	[tilespmem:$0x1C400] =	vst v63  }
0x419: {  	s24 =	simm.s32 $0x350;
	s25 =	simm.s32 $0x18C00  }
0x41a: {  	[tilespmem:s25], [sflag:$0x4] =	stream.indirect.gather [hbm4b:s3+s26], $0x80, s24, s26, $0xb8;
	[tilespmem:$0x1C400] =	vst v63  }
0x41b: {  	s28 =	simm.s32 $0x19000;
	s29 =	simm.s32 $0x358  }
0x41c: {  	[tilespmem:s28], [sflag:$0x4] =	stream.indirect.gather [hbm4b:s3+s26], $0x80, s29, s26, $0xb8;
	[tilespmem:$0x1C400] =	vst v63  }
0x41d: {  	s30 =	simm.s32 $0x360;
	s12 =	simm.s32 $0x19400  }
0x41e: {  	[tilespmem:s12], [sflag:$0x4] =	stream.indirect.gather [hbm4b:s3+s26], $0x80, s30, s26, $0xb8;
	[tilespmem:$0x1C400] =	vst v63  }
0x41f: {  	s15 =	simm.s32 $0x368;
	s17 =	simm.s32 $0x19800  }
0x420: {  	[tilespmem:s17], [sflag:$0x4] =	stream.indirect.gather [hbm4b:s3+s26], $0x80, s15, s26, $0xb8;
	[tilespmem:$0x1C400] =	vst v63  }
0x421: {  	s19 =	simm.s32 $0x370;
	s21 =	simm.s32 $0x19C00  }
0x422: {  	[tilespmem:s21], [sflag:$0x4] =	stream.indirect.gather [hbm4b:s3+s26], $0x80, s19, s26, $0xb8;
	[tilespmem:$0x1C400] =	vst v63  }
0x423: {  	s22 =	simm.s32 $0x378;
	s24 =	simm.s32 $0x1A000  }
0x424: {  	[tilespmem:s24], [sflag:$0x4] =	stream.indirect.gather [hbm4b:s3+s26], $0x80, s22, s26, $0xb8;
	[tilespmem:$0x1C400] =	vst v63  }
0x425: {  	s25 =	simm.s32 $0x380;
	s24 =	simm.s32 $0x1A400  }
0x426: {  	[tilespmem:s24], [sflag:$0x4] =	stream.indirect.gather [hbm4b:s3+s26], $0x80, s25, s26, $0xb8;
	[tilespmem:$0x1C400] =	vst v63  }
0x427: {  	s28 =	simm.s32 $0x388;
	s17 =	simm.s32 $0x1A800  }
0x428: {  	[tilespmem:s17], [sflag:$0x4] =	stream.indirect.gather [hbm4b:s3+s26], $0x80, s28, s26, $0xb8;
	[tilespmem:$0x1C400] =	vst v63  }
0x429: {  	s29 =	simm.s32 $0x390;
	s21 =	simm.s32 $0x1AC00  }
0x42a: {  	[tilespmem:s21], [sflag:$0x4] =	stream.indirect.gather [hbm4b:s3+s26], $0x80, s29, s26, $0xb8;
	[tilespmem:$0x1C400] =	vst v63  }
0x42b: {  	s30 =	simm.s32 $0x398;
	s28 =	simm.s32 $0x1B000  }
0x42c: {  	[tilespmem:s28], [sflag:$0x4] =	stream.indirect.gather [hbm4b:s3+s26], $0x80, s30, s26, $0xb8;
	[tilespmem:$0x1C400] =	vst v63  }
0x42d: {  	s12 =	simm.s32 $0x3A0;
	s29 =	simm.s32 $0x1B400  }
0x42e: {  	[tilespmem:s29], [sflag:$0x4] =	stream.indirect.gather [hbm4b:s3+s26], $0x80, s12, s26, $0xb8;
	[tilespmem:$0x1C400] =	vst v63  }
0x42f: {  	s15 =	simm.s32 $0x3A8;
	s30 =	simm.s32 $0x1B800  }
0x430: {  	[tilespmem:s30], [sflag:$0x4] =	stream.indirect.gather [hbm4b:s3+s26], $0x80, s15, s26, $0xb8;
	[tilespmem:$0x1C400] =	vst v63  }
0x431: {  	s19 =	simm.s32 $0x3B0;
	s25 =	simm.s32 $0x1BC00  }
0x432: {  	[tilespmem:s25], [sflag:$0x4] =	stream.indirect.gather [hbm4b:s3+s26], $0x80, s19, s26, $0xb8;
	[tilespmem:$0x1C400] =	vst v63  }
0x433: {  	s22 =	simm.s32 $0x3B8;
	s12 =	simm.s32 $0x1C000  }
0x434: {  	[tilespmem:s12], [sflag:$0x4] =	stream.indirect.gather [hbm4b:s3+s26], $0x80, s22, s26, $0xb8;
	[tilespmem:$0x1C400] =	vst v63  }
0x435: {  	_ =	swait.ge [sflag:s23], $0x2000  }
0x436: {  	[sflag:s23] =	ssyncset.done $0x0  }
0x437: {  	[sflag:s23] =	ssyncadd.s32 $0xFFFFE000  }
0x438: {  	_ =	swait.ge [sflag:s23], $0x2000  }
0x439: {  	[sflag:s23] =	ssyncset.done $0x0  }
0x43a: {  	[sflag:s23] =	ssyncadd.s32 $0xFFFFE000  }
0x43b: {  	_ =	swait.ge [sflag:s23], $0x2000  }
0x43c: {  	[sflag:s23] =	ssyncset.done $0x0  }
0x43d: {  	[sflag:s23] =	ssyncadd.s32 $0xFFFFE000  }
0x43e: {  	_ =	swait.ge [sflag:s23], $0x2000  }
0x43f: {  	[sflag:s23] =	ssyncset.done $0x0  }
0x440: {  	[sflag:s23] =	ssyncadd.s32 $0xFFFFE000  }
0x441: {  	_ =	swait.ge [sflag:s23], $0x2000  }
0x442: {  	[sflag:s23] =	ssyncset.done $0x0  }
0x443: {  	[sflag:s23] =	ssyncadd.s32 $0xFFFFE000  }
0x444: {  	_ =	swait.ge [sflag:s23], $0x2000  }
0x445: {  	[sflag:s23] =	ssyncset.done $0x0  }
0x446: {  	[sflag:s23] =	ssyncadd.s32 $0xFFFFE000  }
0x447: {  	_ =	swait.ge [sflag:s23], $0x2000  }
0x448: {  	s6 =	rddreg [dreg:$0x3];
	[sflag:s23] =	ssyncset.done $0x0  }
0x449: {  	s19 =	rddreg [dreg:$0x4];
	[sflag:s23] =	ssyncadd.s32 $0xFFFFE000;
	s15 =	sadd.s32 s11, s6  }
0x44a: {  	[hbm4b:s15+s2] =	stream.linear.scatter [tilespmem:s1], [sflag:$0x6], $0x2000, $0x38;
	[tilespmem:$0x1C400] =	vst v63  }
0x44b: {  	s22 =	rddreg [dreg:$0x5];
	s1 =	sadd.s32 s11, s19  }
0x44c: {  	[hbm4b:s1+s2] =	stream.linear.scatter [tilespmem:s5], [sflag:$0x6], $0x2000, $0x38;
	[tilespmem:$0x1C400] =	vst v63  }
0x44d: {  	s6 =	rddreg [dreg:$0x6];
	s1 =	sadd.s32 s11, s22  }
0x44e: {  	[hbm4b:s1+s2] =	stream.linear.scatter [tilespmem:s7], [sflag:$0x6], $0x2000, $0x38;
	[tilespmem:$0x1C400] =	vst v63  }
0x44f: {  	s19 =	rddreg [dreg:$0x7];
	s6 =	sadd.s32 s11, s6  }
0x450: {  	[hbm4b:s6+s2] =	stream.linear.scatter [tilespmem:s10], [sflag:$0x6], $0x2000, $0x38;
	[tilespmem:$0x1C400] =	vst v63  }
0x451: {  	s5 =	rddreg [dreg:$0x8];
	s10 =	sadd.s32 s11, s19  }
0x452: {  	[hbm4b:s10+s2] =	stream.linear.scatter [tilespmem:s13], [sflag:$0x6], $0x2000, $0x38;
	[tilespmem:$0x1C400] =	vst v63  }
0x453: {  	s7 =	rddreg [dreg:$0x9];
	s13 =	sadd.s32 s11, s5  }
0x454: {  	[hbm4b:s13+s2] =	stream.linear.scatter [tilespmem:s4], [sflag:$0x6], $0x2000, $0x38;
	[tilespmem:$0x1C400] =	vst v63  }
0x455: {  	s15 =	sadd.s32 s11, s7  }
0x456: {  	[hbm4b:s15+s2] =	stream.linear.scatter [tilespmem:s24], [sflag:$0x6], $0x100, $0x38;
	[tilespmem:$0x1C400] =	vst v63  }
0x457: {  	s11 =	sadd.s32 $0x80, s15  }
0x458: {  	[hbm4b:s11+s2] =	stream.linear.scatter [tilespmem:s17], [sflag:$0x6], $0x100, $0x38;
	[tilespmem:$0x1C400] =	vst v63  }
0x459: {  	s17 =	sadd.s32 $0x100, s15  }
0x45a: {  	[hbm4b:s17+s2] =	stream.linear.scatter [tilespmem:s21], [sflag:$0x6], $0x100, $0x38;
	[tilespmem:$0x1C400] =	vst v63  }
0x45b: {  	s24 =	sadd.s32 $0x180, s15  }
0x45c: {  	[hbm4b:s24+s2] =	stream.linear.scatter [tilespmem:s28], [sflag:$0x6], $0x100, $0x38;
	[tilespmem:$0x1C400] =	vst v63  }
0x45d: {  	s28 =	sadd.s32 $0x200, s15  }
0x45e: {  	[hbm4b:s28+s2] =	stream.linear.scatter [tilespmem:s29], [sflag:$0x6], $0x100, $0x38;
	[tilespmem:$0x1C400] =	vst v63  }
0x45f: {  	p0 =	sne.s32 s31, $0xD9000;
	s29 =	sadd.s32 $0x280, s15  }
0x460: {  	[hbm4b:s29+s2] =	stream.linear.scatter [tilespmem:s30], [sflag:$0x6], $0x100, $0x38;
	[tilespmem:$0x1C400] =	vst v63  }
.Ltmp0:
0x461: {  	s31 =	sadd.s32 $0x3800, s31;
	s8 =	smov.u32 s0;
	(pc) =	sbr.rel @p0 .LBB2_2-.Ltmp0, $4  }
0x462: {  	s0 =	sadd.s32 $0x70, s0;
	s20 =	simm.s32 $0x200;
	s30 =	sadd.s32 $0x300, s15  }
0x463: {  	[hbm4b:s30+s2] =	stream.linear.scatter [tilespmem:s25], [sflag:$0x6], $0x100, $0x38;
	[tilespmem:$0x1C400] =	vst v63  }
0x464: {  	s22 =	simm.s32 $0x10;
	s19 =	simm.s32 $0x800;
	s6 =	sadd.s32 $0x380, s15  }
0x465: {  	[hbm4b:s6+s2] =	stream.linear.scatter [tilespmem:s12], [sflag:$0x6], $0x100, $0x38;
	[tilespmem:$0x1C400] =	vst v63  }
0x466: {  	[tilespmem:s20], [sflag:$0x2] =	stream.linear.gather [hbm4b:s8+s2], $0x1C0, $0x38;
	[tilespmem:$0x1C400] =	vst v63  }
0x467: {  	_ =	swait.ge [sflag:s18], $0x2000  }
0x468: {  	[sflag:s18] =	ssyncset.done $0x0  }
0x469: {  	[sflag:s18] =	ssyncadd.s32 $0xFFFFE000  }
0x46a: {  	_ =	swait.ge [sflag:s18], $0x2000  }
0x46b: {  	[sflag:s18] =	ssyncset.done $0x0  }
0x46c: {  	[sflag:s18] =	ssyncadd.s32 $0xFFFFE000  }
0x46d: {  	_ =	swait.ge [sflag:s18], $0x2000  }
0x46e: {  	[sflag:s18] =	ssyncset.done $0x0  }
0x46f: {  	[sflag:s18] =	ssyncadd.s32 $0xFFFFE000  }
0x470: {  	_ =	swait.ge [sflag:s18], $0x2000  }
0x471: {  	[sflag:s18] =	ssyncset.done $0x0  }
0x472: {  	[sflag:s18] =	ssyncadd.s32 $0xFFFFE000  }
0x473: {  	_ =	swait.ge [sflag:s18], $0x2000  }
0x474: {  	[sflag:s18] =	ssyncset.done $0x0  }
0x475: {  	[sflag:s18] =	ssyncadd.s32 $0xFFFFE000  }
0x476: {  	_ =	swait.ge [sflag:s18], $0x2000  }
0x477: {  	[sflag:s18] =	ssyncset.done $0x0  }
0x478: {  	[sflag:s18] =	ssyncadd.s32 $0xFFFFE000  }
0x479: {  	_ =	swait.ge [sflag:s18], $0x800  }
0x47a: {  	[sflag:s18] =	ssyncset.done $0x0  }
0x47b: {  	s0 =	simm.s32 $0x1;
	[sflag:s18] =	ssyncadd.s32 $0xFFFFF800  }
0x47c: {  	_ =	swait.ge [sflag:s0], $0x1C0  }
0x47d: {  	[sflag:s0] =	ssyncset.done $0x0  }
0x47e: {  	[sflag:s0] =	ssyncadd.s32 $0xFFFFFE40  }
0x47f: {  	_ =	swait.ge [sflag:s9], $0x2000  }
0x480: {  	[sflag:s9] =	ssyncset.done $0x0  }
0x481: {  	[sflag:s9] =	ssyncadd.s32 $0xFFFFE000  }
0x482: {  	_ =	swait.ge [sflag:s9], $0x2000  }
0x483: {  	[sflag:s9] =	ssyncset.done $0x0  }
0x484: {  	[sflag:s9] =	ssyncadd.s32 $0xFFFFE000  }
0x485: {  	_ =	swait.ge [sflag:s9], $0x2000  }
0x486: {  	[sflag:s9] =	ssyncset.done $0x0  }
0x487: {  	[sflag:s9] =	ssyncadd.s32 $0xFFFFE000  }
0x488: {  	_ =	swait.ge [sflag:s9], $0x2000  }
0x489: {  	[sflag:s9] =	ssyncset.done $0x0  }
0x48a: {  	[sflag:s9] =	ssyncadd.s32 $0xFFFFE000  }
0x48b: {  	_ =	swait.ge [sflag:s9], $0x2000  }
0x48c: {  	[sflag:s9] =	ssyncset.done $0x0  }
0x48d: {  	[sflag:s9] =	ssyncadd.s32 $0xFFFFE000  }
0x48e: {  	_ =	swait.ge [sflag:s9], $0x2000  }
0x48f: {  	[sflag:s9] =	ssyncset.done $0x0  }
0x490: {  	[sflag:s9] =	ssyncadd.s32 $0xFFFFE000  }
0x491: {  	_ =	swait.ge [sflag:s9], $0x800  }
0x492: {  	[sflag:s9] =	ssyncset.done $0x0  }
0x493: {  	s4 =	simm.s32 $0x2;
	[sflag:s9] =	ssyncadd.s32 $0xFFFFF800  }
0x494: {  	_ =	swait.ge [sflag:s4], $0x1C0  }
0x495: {  	s1 =	sld [smem:$0x7F9]  }
0x496: {  	s31 =	sld [smem:$0x7FC];
	_ =	sdelay $0x1  }
0x497: {  	s16 =	simm.s32 $0x400;
	s1 =	sadd.s32 $0x1, s1  }
0x498: {  	s8 =	simm.s32 $0xC00;
	s10 =	simm.s32 $0x18;
	p0 =	sne.s32 s1, s31  }
.Ltmp1:
0x499: {  	s11 =	simm.s32 $0x1000;
	s12 =	simm.s32 $0x20;
	(pc) =	sbr.rel @p0 .LBB2_1-.Ltmp1, $4  }
0x49a: {  	s6 =	simm.s32 $0x1400;
	s21 =	simm.s32 $0x338;
	s30 =	simm.s32 $0x340  }
0x49b: {  	s24 =	simm.s32 $0x348;
	s17 =	simm.s32 $0x18800;
	s5 =	simm.s32 $0x350  }
0x49c: {  	s13 =	simm.s32 $0x18C00;
	s7 =	simm.s32 $0x358;
	[sflag:s4] =	ssyncset.done $0x0  }
0x49d: {  	s28 =	simm.s32 $0x19000;
	[sflag:s4] =	ssyncadd.s32 $0xFFFFFE40;
	s4 =	simm.s32 $0x1A400  }
0x49e: {  	_ =	sfence.sel $0x180000  }
0x49f: {  	[bflag:$0x0] =	sbarrier.arrive $0xFFFF  }
0x4a0: {  	_ =	strace $0x90000047  }
0x4a1: {  	s0 =	stileid.u32;
	[bflag:$0x2] =	sbarrier.arrive $0xFFFF  }
0x4a2: {  	p0 =	sne.s32 s0, $0x0;
	s0 =	rddreg [dreg:$0x2]  }
0x4a3: {  	s0 =	sadd.s32 @!p0 $0x100000, s0  }
0x4a4: {  	[sflag:s0] =	ssyncadd.tile.s32 @!p0 $0x1;
	_ =	shalt  }
.Lfunc_end2:
_tile_overlayer_lowered:
.L_overlay_start_2:
0x4a5: {  	(tag) =	ssettag $0x2  }
0x4a6: {  	s0 =	rddreg [dreg:$0x0];
	s2 =	stileid.u32  }
0x4a7: {  	s1 =	rddreg [dreg:$0x1];
	p0 =	sne.s32 s2, $0x0  }
0x4a8: {  	s3 =	rddreg [dreg:$0x2];
	[bflag:$0x3] =	sbarrier.arrive $0xFFFF;
	s2 =	simm.s32 @!p0 $0x1C07  }
0x4a9: {  	[timem:s3], [sflag:s2] =	dma.local @!p0 [hbm:s0], s1  }
0x4aa: {  	s0 =	simm.s32 @!p0 $0x7  }
0x4ab: {  	_ =	swait.ge @!p0 [sflag:s0], s1  }
0x4ac: {  	s1 =	ssub.s32 @!p0 $0x0, s1;
	[sflag:s0] =	ssyncset.done @!p0 $0x0  }
0x4ad: {  	[sflag:s0] =	ssyncadd.s32 @!p0 s1  }
0x4ae: {  	[bflag:$0x3] =	sbarrier.arrive $0xFFFF  }
0x4af: {  	_ =	shalt  }

</sc_bundles>
